<compile_context>
chip_gen: v7x
topology: tpu7x:2x2x1
jax: 0.10.2.dev20260603
libtpu: 0.0.44.dev20260713+nightly
codegen_flags: <defaults>
</compile_context>

<pallas_src>
import functools

import jax
import jax.numpy as jnp
from jax import lax
from jax.experimental import pallas as pl
from jax.experimental.pallas import tpu as pltpu
from jax.experimental.pallas import tpu_sc as plsc

_LANES = 16


def _sc_bow(emb_table, words):
    B, L = words.shape
    V, EMB = emb_table.shape
    mesh = plsc.VectorSubcoreMesh(core_axis_name="c", subcore_axis_name="s")
    NC, NS = mesh.num_cores, mesh.num_subcores
    NW = NC * NS
    GE = 2
    NBUF = 4
    assert B % (NW * GE) == 0
    E = B // NW
    P = E // GE
    R = GE * L
    assert R <= 128
    NCH = EMB // _LANES

    words_g = words.reshape(B // GE, R)

    @functools.partial(
        pl.kernel,
        out_type=jax.ShapeDtypeStruct((B, EMB), jnp.float32),
        mesh=mesh,
        scratch_types=[
            pltpu.VMEM((P, R), jnp.int32),
            pltpu.VMEM((NBUF, R, EMB), jnp.float32),
            pltpu.VMEM((E, EMB), jnp.float32),
        ] + [pltpu.SemaphoreType.DMA] * NBUF,
    )
    def k(table_hbm, words_hbm, out_hbm, idx_v, rows_v, bow_v, *sems):
        wid = lax.axis_index("s") * NC + lax.axis_index("c")
        base = wid * E
        pltpu.sync_copy(words_hbm.at[pl.ds(wid * P, P)], idx_v)

        def start(p, b):
            pltpu.async_copy(table_hbm.at[idx_v.at[p]], rows_v.at[b], sems[b])

        def wait(b):
            pltpu.make_async_copy(
                table_hbm.at[idx_v.at[0]], rows_v.at[b], sems[b]).wait()

        UNROLL = 5
        assert L % UNROLL == 0

        def accum(p, b):
            for g in range(GE):
                def body(i, accs):
                    l0 = g * L + i * UNROLL
                    accs = list(accs)
                    for u in range(UNROLL):
                        for c in range(NCH):
                            accs[c] = accs[c] + rows_v[b, l0 + u,
                                                       pl.ds(c * _LANES, _LANES)]
                    return tuple(accs)
                accs = lax.fori_loop(
                    0, L // UNROLL, body,
                    tuple(jnp.zeros((_LANES,), jnp.float32) for _ in range(NCH)),
                )
                for c in range(NCH):
                    bow_v[p * GE + g, pl.ds(c * _LANES, _LANES)] = accs[c]

        for b in range(NBUF - 1):
            start(b, b)

        @pl.loop(0, P, step=NBUF)
        def _(g0):
            for b in range(NBUF):
                start(jnp.minimum(g0 + b + NBUF - 1, P - 1), (b + NBUF - 1) % NBUF)
                wait(b)
                accum(g0 + b, b)

        for b in range(NBUF - 1):
            wait(b)
        pltpu.sync_copy(bow_v, out_hbm.at[pl.ds(base, E)])

    return k(emb_table, words_g)


def _tc_image_part(image, W, b2d):
    B, FEAT = image.shape
    OUT = W.shape[0]
    BM = 512

    def body(img_ref, w_ref, b_ref, out_ref):
        x = img_ref[...].astype(jnp.bfloat16)
        w = w_ref[:, :FEAT].astype(jnp.bfloat16)
        acc = lax.dot_general(
            w, x, (((1,), (1,)), ((), ())),
            preferred_element_type=jnp.float32,
        )
        out_ref[...] = (acc + b_ref[...]).astype(jnp.bfloat16)

    return pl.pallas_call(
        body,
        grid=(B // BM,),
        in_specs=[
            pl.BlockSpec((BM, FEAT), lambda i: (i, 0)),
            pl.BlockSpec((OUT, W.shape[1]), lambda i: (0, 0)),
            pl.BlockSpec((OUT, 1), lambda i: (0, 0)),
        ],
        out_specs=pl.BlockSpec((OUT, BM), lambda i: (0, i)),
        out_shape=jax.ShapeDtypeStruct((OUT, B), jnp.bfloat16),
    )(image, W, b2d)


def _tc_bow_part(partial_t, bow, W):
    OUT, B = partial_t.shape
    EMB = bow.shape[1]
    FEAT = W.shape[1] - EMB
    BM = 512

    def body(part_ref, bow_ref, w_ref, out_ref):
        x = bow_ref[...].astype(jnp.bfloat16)
        w = w_ref[:, FEAT:].astype(jnp.bfloat16)
        acc = lax.dot_general(
            w, x, (((1,), (1,)), ((), ())),
            preferred_element_type=jnp.float32,
        )
        out_ref[...] = acc + part_ref[...].astype(jnp.float32)

    return pl.pallas_call(
        body,
        grid=(B // BM,),
        in_specs=[
            pl.BlockSpec((OUT, BM), lambda i: (0, i)),
            pl.BlockSpec((BM, EMB), lambda i: (i, 0)),
            pl.BlockSpec((OUT, W.shape[1]), lambda i: (0, 0)),
        ],
        out_specs=pl.BlockSpec((OUT, BM), lambda i: (0, i)),
        out_shape=jax.ShapeDtypeStruct((OUT, B), jnp.float32),
    )(partial_t, bow, W)


def kernel(words, image, emb_table, W, b):
    partial_t = _tc_image_part(image, W, b.reshape(-1, 1))
    bow = _sc_bow(emb_table, words)
    return _tc_bow_part(partial_t, bow, W).T

# --- scband reference (transcript-rebuilt; emitter-appended) ---
"""Pipeline reference for scband-cbow-59038620451110 (READ-ONLY COPY).

The authoritative reference and input builder live on the scoring server;
editing this copy changes nothing except your own understanding.
"""

import jax, jax.numpy as jnp
import numpy as np

VOCAB = 100000
EMB = 128
FEAT = 512
OUT = 1000
B = 4096
L = 50

def setup_inputs(seed: int = 0) -> dict:
    key = jax.random.key(seed)
    k1, k2, k3, k4 = jax.random.split(key, 4)
    words = jax.random.randint(k1, (B, L), 0, VOCAB, dtype=jnp.int64 if jax.config.jax_enable_x64 else jnp.int32).astype(jnp.int32)
    image = jax.random.normal(k2, (B, FEAT), dtype=jnp.float32)
    emb_table = jax.random.normal(k3, (VOCAB, EMB), dtype=jnp.float32) * 0.02
    W = jax.random.normal(k4, (OUT, FEAT + EMB), dtype=jnp.float32) * 0.02
    b = jnp.zeros((OUT,), dtype=jnp.float32)
    return {"words": words, "image": image, "emb_table": emb_table, "W": W, "b": b}

def reference(words, image, emb_table, W, b):
    # nn.Embedding lookup
    embeds = jnp.take(emb_table, words, axis=0)  # [B, L, EMB]
    # sum over context window
    bow = jnp.sum(embeds, axis=1)  # [B, EMB]
    # concat image features with bag-of-words embedding
    bow = jnp.concatenate([image, bow], axis=1)  # [B, FEAT+EMB]
    # nn.Linear
    logits = bow @ W.T + b  # [B, OUT]
    return logits

if __name__ == "__main__":
    import jax
    _d = setup_inputs()
    print(jax.jit(kernel)(*tuple(_d.values())))

</pallas_src>

<mosaic_0001>
#map = affine_map<(d0, d1) -> (0, 0)>
module attributes {stable_mosaic.version = 14 : i64} {
  func.func @k(%arg0: i32, %arg1: i32, %arg2: memref<100000x128xf32, #tpu.memory_space<hbm>>, %arg3: memref<2048x100xi32, #tpu.memory_space<hbm>>, %arg4: memref<4096x128xf32, #tpu.memory_space<hbm>>, %arg5: memref<64x100xi32, #tpu.memory_space<vmem>>, %arg6: memref<4x100x128xf32, #tpu.memory_space<vmem>>, %arg7: memref<128x128xf32, #tpu.memory_space<vmem>>, %arg8: memref<!tpu.dma_semaphore, #tpu.memory_space<semaphore_mem>>, %arg9: memref<!tpu.dma_semaphore, #tpu.memory_space<semaphore_mem>>, %arg10: memref<!tpu.dma_semaphore, #tpu.memory_space<semaphore_mem>>, %arg11: memref<!tpu.dma_semaphore, #tpu.memory_space<semaphore_mem>>) attributes {dimension_semantics = [#tpu.dimension_semantics<core_parallel>, #tpu.dimension_semantics<subcore_parallel>], iteration_bounds = array<i64: 2, 16>, scalar_prefetch = 0 : i64, scratch_operands = 7 : i64, tpu.core_type = #tpu.core_type<sc_vector_subcore>, window_params = [{transform_indices = #map}, {transform_indices = #map}, {transform_indices = #map}]} {
    %mul3A = arith.constant 2 : i32
    %mul3A_0 = arith.muli %arg1, %mul3A : i32
    %add3A = arith.addi %mul3A_0, %arg0 : i32
    %mul3A_1 = arith.constant 128 : i32
    %mul3A_2 = arith.muli %add3A, %mul3A_1 : i32
    %mul3A_3 = arith.constant 64 : i32
    %mul3A_4 = arith.muli %add3A, %mul3A_3 : i32
    "tpu.region"() ({
      %run_scoped3A = tpu.sem_alloc : memref<!tpu.dma_semaphore, #tpu.memory_space<semaphore_mem>>
      %dma_start3A_79 = arith.constant 0 : i32
      %dma_start3A_80 = tpu.memref_slice %arg3[%mul3A_4, %dma_start3A_79] : memref<2048x100xi32, #tpu.memory_space<hbm>> -> memref<64x100xi32, #tpu.memory_space<hbm>>
      %dma_start3A_81 = arith.constant 0 : i32
      %dma_start3A_82 = tpu.memref_slice %arg3[%mul3A_4, %dma_start3A_81] : memref<2048x100xi32, #tpu.memory_space<hbm>> -> memref<64x100xi32, #tpu.memory_space<hbm>>
      tpu.enqueue_dma source(%dma_start3A_82 : memref<64x100xi32, #tpu.memory_space<hbm>>) target(%arg5 : memref<64x100xi32, #tpu.memory_space<vmem>>) target_semaphore(%run_scoped3A : memref<!tpu.dma_semaphore, #tpu.memory_space<semaphore_mem>>)
      %dma_wait3A_83 = arith.constant 0 : i32
      %dma_wait3A_84 = tpu.memref_slice %arg3[%mul3A_4, %dma_wait3A_83] : memref<2048x100xi32, #tpu.memory_space<hbm>> -> memref<64x100xi32, #tpu.memory_space<hbm>>
      %dma_wait3A_85 = arith.constant 0 : i32
      %dma_wait3A_86 = tpu.memref_slice %arg3[%mul3A_4, %dma_wait3A_85] : memref<2048x100xi32, #tpu.memory_space<hbm>> -> memref<64x100xi32, #tpu.memory_space<hbm>>
      tpu.wait_dma2 semaphore(%run_scoped3A : memref<!tpu.dma_semaphore, #tpu.memory_space<semaphore_mem>>) src(%dma_wait3A_86 : memref<64x100xi32, #tpu.memory_space<hbm>>) dst(%arg5 : memref<64x100xi32, #tpu.memory_space<vmem>>)
      tpu.yield
    }) : () -> ()
    %dma_start3A = arith.constant 0 : i32
    %dma_start3A_5 = arith.constant 0 : i32
    %dma_start3A_6 = arith.constant 0 : i32
    %dma_start3A_7 = arith.constant 0 : i32
    %dma_start3A_8 = tpu.memref_slice %arg6[%dma_start3A_5, %dma_start3A_6, %dma_start3A_7] : memref<4x100x128xf32, #tpu.memory_space<vmem>> -> memref<1x100x128xf32, #tpu.memory_space<vmem>>
    %dma_start3A_9 = tpu.memref_squeeze %dma_start3A_8 : memref<1x100x128xf32, #tpu.memory_space<vmem>> -> memref<100x128xf32, #tpu.memory_space<vmem>>
    %dma_start3A_10 = arith.constant 0 : i32
    %dma_start3A_11 = tpu.memref_slice %arg5[%dma_start3A, %dma_start3A_10] : memref<64x100xi32, #tpu.memory_space<vmem>> -> memref<1x100xi32, #tpu.memory_space<vmem>>
    %dma_start3A_12 = tpu.memref_squeeze %dma_start3A_11 : memref<1x100xi32, #tpu.memory_space<vmem>> -> memref<100xi32, #tpu.memory_space<vmem>>
    %dma_start3A_13 = arith.constant 0 : i32
    %dma_start3A_14 = arith.constant 0 : i32
    %dma_start3A_15 = tpu.memref_slice %arg2[%dma_start3A_13, %dma_start3A_14] : memref<100000x128xf32, #tpu.memory_space<hbm>> -> memref<100000x128xf32, #tpu.memory_space<hbm>>
    tpu.enqueue_indirect_dma source(%dma_start3A_15 : memref<100000x128xf32, #tpu.memory_space<hbm>>) target(%dma_start3A_9 : memref<100x128xf32, #tpu.memory_space<vmem>>) offsets(%dma_start3A_12 : memref<100xi32, #tpu.memory_space<vmem>>) semaphore(%arg8 : memref<!tpu.dma_semaphore, #tpu.memory_space<semaphore_mem>>)
    %dma_start3A_16 = arith.constant 1 : i32
    %dma_start3A_17 = arith.constant 1 : i32
    %dma_start3A_18 = arith.constant 0 : i32
    %dma_start3A_19 = arith.constant 0 : i32
    %dma_start3A_20 = tpu.memref_slice %arg6[%dma_start3A_17, %dma_start3A_18, %dma_start3A_19] : memref<4x100x128xf32, #tpu.memory_space<vmem>> -> memref<1x100x128xf32, #tpu.memory_space<vmem>>
    %dma_start3A_21 = tpu.memref_squeeze %dma_start3A_20 : memref<1x100x128xf32, #tpu.memory_space<vmem>> -> memref<100x128xf32, #tpu.memory_space<vmem>>
    %dma_start3A_22 = arith.constant 0 : i32
    %dma_start3A_23 = tpu.memref_slice %arg5[%dma_start3A_16, %dma_start3A_22] : memref<64x100xi32, #tpu.memory_space<vmem>> -> memref<1x100xi32, #tpu.memory_space<vmem>>
    %dma_start3A_24 = tpu.memref_squeeze %dma_start3A_23 : memref<1x100xi32, #tpu.memory_space<vmem>> -> memref<100xi32, #tpu.memory_space<vmem>>
    %dma_start3A_25 = arith.constant 0 : i32
    %dma_start3A_26 = arith.constant 0 : i32
    %dma_start3A_27 = tpu.memref_slice %arg2[%dma_start3A_25, %dma_start3A_26] : memref<100000x128xf32, #tpu.memory_space<hbm>> -> memref<100000x128xf32, #tpu.memory_space<hbm>>
    tpu.enqueue_indirect_dma source(%dma_start3A_27 : memref<100000x128xf32, #tpu.memory_space<hbm>>) target(%dma_start3A_21 : memref<100x128xf32, #tpu.memory_space<vmem>>) offsets(%dma_start3A_24 : memref<100xi32, #tpu.memory_space<vmem>>) semaphore(%arg9 : memref<!tpu.dma_semaphore, #tpu.memory_space<semaphore_mem>>)
    %dma_start3A_28 = arith.constant 2 : i32
    %dma_start3A_29 = arith.constant 2 : i32
    %dma_start3A_30 = arith.constant 0 : i32
    %dma_start3A_31 = arith.constant 0 : i32
    %dma_start3A_32 = tpu.memref_slice %arg6[%dma_start3A_29, %dma_start3A_30, %dma_start3A_31] : memref<4x100x128xf32, #tpu.memory_space<vmem>> -> memref<1x100x128xf32, #tpu.memory_space<vmem>>
    %dma_start3A_33 = tpu.memref_squeeze %dma_start3A_32 : memref<1x100x128xf32, #tpu.memory_space<vmem>> -> memref<100x128xf32, #tpu.memory_space<vmem>>
    %dma_start3A_34 = arith.constant 0 : i32
    %dma_start3A_35 = tpu.memref_slice %arg5[%dma_start3A_28, %dma_start3A_34] : memref<64x100xi32, #tpu.memory_space<vmem>> -> memref<1x100xi32, #tpu.memory_space<vmem>>
    %dma_start3A_36 = tpu.memref_squeeze %dma_start3A_35 : memref<1x100xi32, #tpu.memory_space<vmem>> -> memref<100xi32, #tpu.memory_space<vmem>>
    %dma_start3A_37 = arith.constant 0 : i32
    %dma_start3A_38 = arith.constant 0 : i32
    %dma_start3A_39 = tpu.memref_slice %arg2[%dma_start3A_37, %dma_start3A_38] : memref<100000x128xf32, #tpu.memory_space<hbm>> -> memref<100000x128xf32, #tpu.memory_space<hbm>>
    tpu.enqueue_indirect_dma source(%dma_start3A_39 : memref<100000x128xf32, #tpu.memory_space<hbm>>) target(%dma_start3A_33 : memref<100x128xf32, #tpu.memory_space<vmem>>) offsets(%dma_start3A_36 : memref<100xi32, #tpu.memory_space<vmem>>) semaphore(%arg10 : memref<!tpu.dma_semaphore, #tpu.memory_space<semaphore_mem>>)
    %scan3A = arith.constant 0 : i32
    %scan3A_40 = arith.constant 16 : i32
    %scan3A_41 = arith.addi %scan3A, %scan3A_40 : i32
    %scan3A_42 = arith.constant 1 : i32
    scf.for %scan3A_79 = %scan3A to %scan3A_41 step %scan3A_42  : i32 {
      %mul3A_80 = arith.constant 4 : i32
      %mul3A_81 = arith.muli %scan3A_79, %mul3A_80 : i32
      %add3A_82 = arith.constant 0 : i32
      %add3A_83 = arith.addi %add3A_82, %mul3A_81 : i32
      %add3A_84 = arith.constant 0 : i32
      %add3A_85 = arith.addi %add3A_83, %add3A_84 : i32
      %add3A_86 = arith.constant 4 : i32
      %add3A_87 = arith.addi %add3A_85, %add3A_86 : i32
      %sub3A = arith.constant 1 : i32
      %sub3A_88 = arith.subi %add3A_87, %sub3A : i32
      %min3A = arith.constant 63 : i32
      %min3A_89 = arith.minsi %sub3A_88, %min3A : i32
      %dma_start3A_90 = arith.constant 3 : i32
      %dma_start3A_91 = arith.constant 0 : i32
      %dma_start3A_92 = arith.constant 0 : i32
      %dma_start3A_93 = tpu.memref_slice %arg6[%dma_start3A_90, %dma_start3A_91, %dma_start3A_92] : memref<4x100x128xf32, #tpu.memory_space<vmem>> -> memref<1x100x128xf32, #tpu.memory_space<vmem>>
      %dma_start3A_94 = tpu.memref_squeeze %dma_start3A_93 : memref<1x100x128xf32, #tpu.memory_space<vmem>> -> memref<100x128xf32, #tpu.memory_space<vmem>>
      %dma_start3A_95 = arith.constant 0 : i32
      %dma_start3A_96 = tpu.memref_slice %arg5[%min3A_89, %dma_start3A_95] : memref<64x100xi32, #tpu.memory_space<vmem>> -> memref<1x100xi32, #tpu.memory_space<vmem>>
      %dma_start3A_97 = tpu.memref_squeeze %dma_start3A_96 : memref<1x100xi32, #tpu.memory_space<vmem>> -> memref<100xi32, #tpu.memory_space<vmem>>
      %dma_start3A_98 = arith.constant 0 : i32
      %dma_start3A_99 = arith.constant 0 : i32
      %dma_start3A_100 = tpu.memref_slice %arg2[%dma_start3A_98, %dma_start3A_99] : memref<100000x128xf32, #tpu.memory_space<hbm>> -> memref<100000x128xf32, #tpu.memory_space<hbm>>
      tpu.enqueue_indirect_dma source(%dma_start3A_100 : memref<100000x128xf32, #tpu.memory_space<hbm>>) target(%dma_start3A_94 : memref<100x128xf32, #tpu.memory_space<vmem>>) offsets(%dma_start3A_97 : memref<100xi32, #tpu.memory_space<vmem>>) semaphore(%arg11 : memref<!tpu.dma_semaphore, #tpu.memory_space<semaphore_mem>>)
      %dma_wait3A_101 = arith.constant 0 : i32
      %dma_wait3A_102 = arith.constant 0 : i32
      %dma_wait3A_103 = arith.constant 0 : i32
      %dma_wait3A_104 = arith.constant 0 : i32
      %dma_wait3A_105 = tpu.memref_slice %arg6[%dma_wait3A_102, %dma_wait3A_103, %dma_wait3A_104] : memref<4x100x128xf32, #tpu.memory_space<vmem>> -> memref<1x100x128xf32, #tpu.memory_space<vmem>>
      %dma_wait3A_106 = tpu.memref_squeeze %dma_wait3A_105 : memref<1x100x128xf32, #tpu.memory_space<vmem>> -> memref<100x128xf32, #tpu.memory_space<vmem>>
      %dma_wait3A_107 = arith.constant 0 : i32
      %dma_wait3A_108 = tpu.memref_slice %arg5[%dma_wait3A_101, %dma_wait3A_107] : memref<64x100xi32, #tpu.memory_space<vmem>> -> memref<1x100xi32, #tpu.memory_space<vmem>>
      %dma_wait3A_109 = tpu.memref_squeeze %dma_wait3A_108 : memref<1x100xi32, #tpu.memory_space<vmem>> -> memref<100xi32, #tpu.memory_space<vmem>>
      %dma_wait3A_110 = arith.constant 0 : i32
      %dma_wait3A_111 = arith.constant 0 : i32
      %dma_wait3A_112 = tpu.memref_slice %arg2[%dma_wait3A_110, %dma_wait3A_111] : memref<100000x128xf32, #tpu.memory_space<hbm>> -> memref<100000x128xf32, #tpu.memory_space<hbm>>
      tpu.wait_indirect_dma semaphore(%arg8 : memref<!tpu.dma_semaphore, #tpu.memory_space<semaphore_mem>>) src(%dma_wait3A_112 : memref<100000x128xf32, #tpu.memory_space<hbm>>) dst(%dma_wait3A_106 : memref<100x128xf32, #tpu.memory_space<vmem>>)
      %add3A_113 = arith.constant 0 : i32
      %add3A_114 = arith.addi %add3A_83, %add3A_113 : i32
      %broadcast_in_dim3A = arith.constant 0.000000e+00 : f32
      %broadcast_in_dim3A_115 = vector.broadcast %broadcast_in_dim3A : f32 to vector<16xf32>
      %broadcast_in_dim3A_116 = arith.constant 0.000000e+00 : f32
      %broadcast_in_dim3A_117 = vector.broadcast %broadcast_in_dim3A_116 : f32 to vector<16xf32>
      %broadcast_in_dim3A_118 = arith.constant 0.000000e+00 : f32
      %broadcast_in_dim3A_119 = vector.broadcast %broadcast_in_dim3A_118 : f32 to vector<16xf32>
      %broadcast_in_dim3A_120 = arith.constant 0.000000e+00 : f32
      %broadcast_in_dim3A_121 = vector.broadcast %broadcast_in_dim3A_120 : f32 to vector<16xf32>
      %broadcast_in_dim3A_122 = arith.constant 0.000000e+00 : f32
      %broadcast_in_dim3A_123 = vector.broadcast %broadcast_in_dim3A_122 : f32 to vector<16xf32>
      %broadcast_in_dim3A_124 = arith.constant 0.000000e+00 : f32
      %broadcast_in_dim3A_125 = vector.broadcast %broadcast_in_dim3A_124 : f32 to vector<16xf32>
      %broadcast_in_dim3A_126 = arith.constant 0.000000e+00 : f32
      %broadcast_in_dim3A_127 = vector.broadcast %broadcast_in_dim3A_126 : f32 to vector<16xf32>
      %broadcast_in_dim3A_128 = arith.constant 0.000000e+00 : f32
      %broadcast_in_dim3A_129 = vector.broadcast %broadcast_in_dim3A_128 : f32 to vector<16xf32>
      %scan3A_130 = arith.constant 0 : i32
      %scan3A_131 = arith.constant 10 : i32
      %scan3A_132 = arith.addi %scan3A_130, %scan3A_131 : i32
      %scan3A_133 = arith.constant 1 : i32
      %scan3A_134:8 = scf.for %scan3A_964 = %scan3A_130 to %scan3A_132 step %scan3A_133 iter_args(%scan3A_965 = %broadcast_in_dim3A_115, %scan3A_966 = %broadcast_in_dim3A_117, %scan3A_967 = %broadcast_in_dim3A_119, %scan3A_968 = %broadcast_in_dim3A_121, %scan3A_969 = %broadcast_in_dim3A_123, %scan3A_970 = %broadcast_in_dim3A_125, %scan3A_971 = %broadcast_in_dim3A_127, %scan3A_972 = %broadcast_in_dim3A_129) -> (vector<16xf32>, vector<16xf32>, vector<16xf32>, vector<16xf32>, vector<16xf32>, vector<16xf32>, vector<16xf32>, vector<16xf32>)  : i32 {
        %mul3A_973 = arith.constant 5 : i32
        %mul3A_974 = arith.muli %scan3A_964, %mul3A_973 : i32
        %add3A_975 = arith.constant 0 : i32
        %add3A_976 = arith.addi %add3A_975, %mul3A_974 : i32
        %add3A_977 = arith.constant 0 : i32
        %add3A_978 = arith.addi %add3A_976, %add3A_977 : i32
        %get3A = arith.constant 0 : i32
        %get3A_979 = arith.index_cast %get3A : i32 to index
        %get3A_980 = arith.index_cast %add3A_978 : i32 to index
        %get3A_981 = arith.constant 0 : index
        %get3A_982 = tpu.vector_load %arg6[%get3A_979, %get3A_980, %get3A_981] {strides = array<i32>} : memref<4x100x128xf32, #tpu.memory_space<vmem>>, vector<1x1x16xf32>,
        %get3A_983 = vector.shape_cast %get3A_982 : vector<1x1x16xf32> to vector<16xf32>
        %add3A_984 = arith.addf %scan3A_965, %get3A_983 : vector<16xf32>
        %add3A_985 = arith.constant 0 : i32
        %add3A_986 = arith.addi %add3A_976, %add3A_985 : i32
        %get3A_987 = arith.constant 0 : i32
        %get3A_988 = arith.index_cast %get3A_987 : i32 to index
        %get3A_989 = arith.index_cast %add3A_986 : i32 to index
        %get3A_990 = arith.constant 16 : index
        %get3A_991 = tpu.vector_load %arg6[%get3A_988, %get3A_989, %get3A_990] {strides = array<i32>} : memref<4x100x128xf32, #tpu.memory_space<vmem>>, vector<1x1x16xf32>,
        %get3A_992 = vector.shape_cast %get3A_991 : vector<1x1x16xf32> to vector<16xf32>
        %add3A_993 = arith.addf %scan3A_966, %get3A_992 : vector<16xf32>
        %add3A_994 = arith.constant 0 : i32
        %add3A_995 = arith.addi %add3A_976, %add3A_994 : i32
        %get3A_996 = arith.constant 0 : i32
        %get3A_997 = arith.index_cast %get3A_996 : i32 to index
        %get3A_998 = arith.index_cast %add3A_995 : i32 to index
        %get3A_999 = arith.constant 32 : index
        %get3A_1000 = tpu.vector_load %arg6[%get3A_997, %get3A_998, %get3A_999] {strides = array<i32>} : memref<4x100x128xf32, #tpu.memory_space<vmem>>, vector<1x1x16xf32>,
        %get3A_1001 = vector.shape_cast %get3A_1000 : vector<1x1x16xf32> to vector<16xf32>
        %add3A_1002 = arith.addf %scan3A_967, %get3A_1001 : vector<16xf32>
        %add3A_1003 = arith.constant 0 : i32
        %add3A_1004 = arith.addi %add3A_976, %add3A_1003 : i32
        %get3A_1005 = arith.constant 0 : i32
        %get3A_1006 = arith.index_cast %get3A_1005 : i32 to index
        %get3A_1007 = arith.index_cast %add3A_1004 : i32 to index
        %get3A_1008 = arith.constant 48 : index
        %get3A_1009 = tpu.vector_load %arg6[%get3A_1006, %get3A_1007, %get3A_1008] {strides = array<i32>} : memref<4x100x128xf32, #tpu.memory_space<vmem>>, vector<1x1x16xf32>,
        %get3A_1010 = vector.shape_cast %get3A_1009 : vector<1x1x16xf32> to vector<16xf32>
        %add3A_1011 = arith.addf %scan3A_968, %get3A_1010 : vector<16xf32>
        %add3A_1012 = arith.constant 0 : i32
        %add3A_1013 = arith.addi %add3A_976, %add3A_1012 : i32
        %get3A_1014 = arith.constant 0 : i32
        %get3A_1015 = arith.index_cast %get3A_1014 : i32 to index
        %get3A_1016 = arith.index_cast %add3A_1013 : i32 to index
        %get3A_1017 = arith.constant 64 : index
        %get3A_1018 = tpu.vector_load %arg6[%get3A_1015, %get3A_1016, %get3A_1017] {strides = array<i32>} : memref<4x100x128xf32, #tpu.memory_space<vmem>>, vector<1x1x16xf32>,
        %get3A_1019 = vector.shape_cast %get3A_1018 : vector<1x1x16xf32> to vector<16xf32>
        %add3A_1020 = arith.addf %scan3A_969, %get3A_1019 : vector<16xf32>
        %add3A_1021 = arith.constant 0 : i32
        %add3A_1022 = arith.addi %add3A_976, %add3A_1021 : i32
        %get3A_1023 = arith.constant 0 : i32
        %get3A_1024 = arith.index_cast %get3A_1023 : i32 to index
        %get3A_1025 = arith.index_cast %add3A_1022 : i32 to index
        %get3A_1026 = arith.constant 80 : index
        %get3A_1027 = tpu.vector_load %arg6[%get3A_1024, %get3A_1025, %get3A_1026] {strides = array<i32>} : memref<4x100x128xf32, #tpu.memory_space<vmem>>, vector<1x1x16xf32>,
        %get3A_1028 = vector.shape_cast %get3A_1027 : vector<1x1x16xf32> to vector<16xf32>
        %add3A_1029 = arith.addf %scan3A_970, %get3A_1028 : vector<16xf32>
        %add3A_1030 = arith.constant 0 : i32
        %add3A_1031 = arith.addi %add3A_976, %add3A_1030 : i32
        %get3A_1032 = arith.constant 0 : i32
        %get3A_1033 = arith.index_cast %get3A_1032 : i32 to index
        %get3A_1034 = arith.index_cast %add3A_1031 : i32 to index
        %get3A_1035 = arith.constant 96 : index
        %get3A_1036 = tpu.vector_load %arg6[%get3A_1033, %get3A_1034, %get3A_1035] {strides = array<i32>} : memref<4x100x128xf32, #tpu.memory_space<vmem>>, vector<1x1x16xf32>,
        %get3A_1037 = vector.shape_cast %get3A_1036 : vector<1x1x16xf32> to vector<16xf32>
        %add3A_1038 = arith.addf %scan3A_971, %get3A_1037 : vector<16xf32>
        %add3A_1039 = arith.constant 0 : i32
        %add3A_1040 = arith.addi %add3A_976, %add3A_1039 : i32
        %get3A_1041 = arith.constant 0 : i32
        %get3A_1042 = arith.index_cast %get3A_1041 : i32 to index
        %get3A_1043 = arith.index_cast %add3A_1040 : i32 to index
        %get3A_1044 = arith.constant 112 : index
        %get3A_1045 = tpu.vector_load %arg6[%get3A_1042, %get3A_1043, %get3A_1044] {strides = array<i32>} : memref<4x100x128xf32, #tpu.memory_space<vmem>>, vector<1x1x16xf32>,
        %get3A_1046 = vector.shape_cast %get3A_1045 : vector<1x1x16xf32> to vector<16xf32>
        %add3A_1047 = arith.addf %scan3A_972, %get3A_1046 : vector<16xf32>
        %add3A_1048 = arith.constant 1 : i32
        %add3A_1049 = arith.addi %add3A_976, %add3A_1048 : i32
        %get3A_1050 = arith.constant 0 : i32
        %get3A_1051 = arith.index_cast %get3A_1050 : i32 to index
        %get3A_1052 = arith.index_cast %add3A_1049 : i32 to index
        %get3A_1053 = arith.constant 0 : index
        %get3A_1054 = tpu.vector_load %arg6[%get3A_1051, %get3A_1052, %get3A_1053] {strides = array<i32>} : memref<4x100x128xf32, #tpu.memory_space<vmem>>, vector<1x1x16xf32>,
        %get3A_1055 = vector.shape_cast %get3A_1054 : vector<1x1x16xf32> to vector<16xf32>
        %add3A_1056 = arith.addf %add3A_984, %get3A_1055 : vector<16xf32>
        %add3A_1057 = arith.constant 1 : i32
        %add3A_1058 = arith.addi %add3A_976, %add3A_1057 : i32
        %get3A_1059 = arith.constant 0 : i32
        %get3A_1060 = arith.index_cast %get3A_1059 : i32 to index
        %get3A_1061 = arith.index_cast %add3A_1058 : i32 to index
        %get3A_1062 = arith.constant 16 : index
        %get3A_1063 = tpu.vector_load %arg6[%get3A_1060, %get3A_1061, %get3A_1062] {strides = array<i32>} : memref<4x100x128xf32, #tpu.memory_space<vmem>>, vector<1x1x16xf32>,
        %get3A_1064 = vector.shape_cast %get3A_1063 : vector<1x1x16xf32> to vector<16xf32>
        %add3A_1065 = arith.addf %add3A_993, %get3A_1064 : vector<16xf32>
        %add3A_1066 = arith.constant 1 : i32
        %add3A_1067 = arith.addi %add3A_976, %add3A_1066 : i32
        %get3A_1068 = arith.constant 0 : i32
        %get3A_1069 = arith.index_cast %get3A_1068 : i32 to index
        %get3A_1070 = arith.index_cast %add3A_1067 : i32 to index
        %get3A_1071 = arith.constant 32 : index
        %get3A_1072 = tpu.vector_load %arg6[%get3A_1069, %get3A_1070, %get3A_1071] {strides = array<i32>} : memref<4x100x128xf32, #tpu.memory_space<vmem>>, vector<1x1x16xf32>,
        %get3A_1073 = vector.shape_cast %get3A_1072 : vector<1x1x16xf32> to vector<16xf32>
        %add3A_1074 = arith.addf %add3A_1002, %get3A_1073 : vector<16xf32>
        %add3A_1075 = arith.constant 1 : i32
        %add3A_1076 = arith.addi %add3A_976, %add3A_1075 : i32
        %get3A_1077 = arith.constant 0 : i32
        %get3A_1078 = arith.index_cast %get3A_1077 : i32 to index
        %get3A_1079 = arith.index_cast %add3A_1076 : i32 to index
        %get3A_1080 = arith.constant 48 : index
        %get3A_1081 = tpu.vector_load %arg6[%get3A_1078, %get3A_1079, %get3A_1080] {strides = array<i32>} : memref<4x100x128xf32, #tpu.memory_space<vmem>>, vector<1x1x16xf32>,
        %get3A_1082 = vector.shape_cast %get3A_1081 : vector<1x1x16xf32> to vector<16xf32>
        %add3A_1083 = arith.addf %add3A_1011, %get3A_1082 : vector<16xf32>
        %add3A_1084 = arith.constant 1 : i32
        %add3A_1085 = arith.addi %add3A_976, %add3A_1084 : i32
        %get3A_1086 = arith.constant 0 : i32
        %get3A_1087 = arith.index_cast %get3A_1086 : i32 to index
        %get3A_1088 = arith.index_cast %add3A_1085 : i32 to index
        %get3A_1089 = arith.constant 64 : index
        %get3A_1090 = tpu.vector_load %arg6[%get3A_1087, %get3A_1088, %get3A_1089] {strides = array<i32>} : memref<4x100x128xf32, #tpu.memory_space<vmem>>, vector<1x1x16xf32>,
        %get3A_1091 = vector.shape_cast %get3A_1090 : vector<1x1x16xf32> to vector<16xf32>
        %add3A_1092 = arith.addf %add3A_1020, %get3A_1091 : vector<16xf32>
        %add3A_1093 = arith.constant 1 : i32
        %add3A_1094 = arith.addi %add3A_976, %add3A_1093 : i32
        %get3A_1095 = arith.constant 0 : i32
        %get3A_1096 = arith.index_cast %get3A_1095 : i32 to index
        %get3A_1097 = arith.index_cast %add3A_1094 : i32 to index
        %get3A_1098 = arith.constant 80 : index
        %get3A_1099 = tpu.vector_load %arg6[%get3A_1096, %get3A_1097, %get3A_1098] {strides = array<i32>} : memref<4x100x128xf32, #tpu.memory_space<vmem>>, vector<1x1x16xf32>,
        %get3A_1100 = vector.shape_cast %get3A_1099 : vector<1x1x16xf32> to vector<16xf32>
        %add3A_1101 = arith.addf %add3A_1029, %get3A_1100 : vector<16xf32>
        %add3A_1102 = arith.constant 1 : i32
        %add3A_1103 = arith.addi %add3A_976, %add3A_1102 : i32
        %get3A_1104 = arith.constant 0 : i32
        %get3A_1105 = arith.index_cast %get3A_1104 : i32 to index
        %get3A_1106 = arith.index_cast %add3A_1103 : i32 to index
        %get3A_1107 = arith.constant 96 : index
        %get3A_1108 = tpu.vector_load %arg6[%get3A_1105, %get3A_1106, %get3A_1107] {strides = array<i32>} : memref<4x100x128xf32, #tpu.memory_space<vmem>>, vector<1x1x16xf32>,
        %get3A_1109 = vector.shape_cast %get3A_1108 : vector<1x1x16xf32> to vector<16xf32>
        %add3A_1110 = arith.addf %add3A_1038, %get3A_1109 : vector<16xf32>
        %add3A_1111 = arith.constant 1 : i32
        %add3A_1112 = arith.addi %add3A_976, %add3A_1111 : i32
        %get3A_1113 = arith.constant 0 : i32
        %get3A_1114 = arith.index_cast %get3A_1113 : i32 to index
        %get3A_1115 = arith.index_cast %add3A_1112 : i32 to index
        %get3A_1116 = arith.constant 112 : index
        %get3A_1117 = tpu.vector_load %arg6[%get3A_1114, %get3A_1115, %get3A_1116] {strides = array<i32>} : memref<4x100x128xf32, #tpu.memory_space<vmem>>, vector<1x1x16xf32>,
        %get3A_1118 = vector.shape_cast %get3A_1117 : vector<1x1x16xf32> to vector<16xf32>
        %add3A_1119 = arith.addf %add3A_1047, %get3A_1118 : vector<16xf32>
        %add3A_1120 = arith.constant 2 : i32
        %add3A_1121 = arith.addi %add3A_976, %add3A_1120 : i32
        %get3A_1122 = arith.constant 0 : i32
        %get3A_1123 = arith.index_cast %get3A_1122 : i32 to index
        %get3A_1124 = arith.index_cast %add3A_1121 : i32 to index
        %get3A_1125 = arith.constant 0 : index
        %get3A_1126 = tpu.vector_load %arg6[%get3A_1123, %get3A_1124, %get3A_1125] {strides = array<i32>} : memref<4x100x128xf32, #tpu.memory_space<vmem>>, vector<1x1x16xf32>,
        %get3A_1127 = vector.shape_cast %get3A_1126 : vector<1x1x16xf32> to vector<16xf32>
        %add3A_1128 = arith.addf %add3A_1056, %get3A_1127 : vector<16xf32>
        %add3A_1129 = arith.constant 2 : i32
        %add3A_1130 = arith.addi %add3A_976, %add3A_1129 : i32
        %get3A_1131 = arith.constant 0 : i32
        %get3A_1132 = arith.index_cast %get3A_1131 : i32 to index
        %get3A_1133 = arith.index_cast %add3A_1130 : i32 to index
        %get3A_1134 = arith.constant 16 : index
        %get3A_1135 = tpu.vector_load %arg6[%get3A_1132, %get3A_1133, %get3A_1134] {strides = array<i32>} : memref<4x100x128xf32, #tpu.memory_space<vmem>>, vector<1x1x16xf32>,
        %get3A_1136 = vector.shape_cast %get3A_1135 : vector<1x1x16xf32> to vector<16xf32>
        %add3A_1137 = arith.addf %add3A_1065, %get3A_1136 : vector<16xf32>
        %add3A_1138 = arith.constant 2 : i32
        %add3A_1139 = arith.addi %add3A_976, %add3A_1138 : i32
        %get3A_1140 = arith.constant 0 : i32
        %get3A_1141 = arith.index_cast %get3A_1140 : i32 to index
        %get3A_1142 = arith.index_cast %add3A_1139 : i32 to index
        %get3A_1143 = arith.constant 32 : index
        %get3A_1144 = tpu.vector_load %arg6[%get3A_1141, %get3A_1142, %get3A_1143] {strides = array<i32>} : memref<4x100x128xf32, #tpu.memory_space<vmem>>, vector<1x1x16xf32>,
        %get3A_1145 = vector.shape_cast %get3A_1144 : vector<1x1x16xf32> to vector<16xf32>
        %add3A_1146 = arith.addf %add3A_1074, %get3A_1145 : vector<16xf32>
        %add3A_1147 = arith.constant 2 : i32
        %add3A_1148 = arith.addi %add3A_976, %add3A_1147 : i32
        %get3A_1149 = arith.constant 0 : i32
        %get3A_1150 = arith.index_cast %get3A_1149 : i32 to index
        %get3A_1151 = arith.index_cast %add3A_1148 : i32 to index
        %get3A_1152 = arith.constant 48 : index
        %get3A_1153 = tpu.vector_load %arg6[%get3A_1150, %get3A_1151, %get3A_1152] {strides = array<i32>} : memref<4x100x128xf32, #tpu.memory_space<vmem>>, vector<1x1x16xf32>,
        %get3A_1154 = vector.shape_cast %get3A_1153 : vector<1x1x16xf32> to vector<16xf32>
        %add3A_1155 = arith.addf %add3A_1083, %get3A_1154 : vector<16xf32>
        %add3A_1156 = arith.constant 2 : i32
        %add3A_1157 = arith.addi %add3A_976, %add3A_1156 : i32
        %get3A_1158 = arith.constant 0 : i32
        %get3A_1159 = arith.index_cast %get3A_1158 : i32 to index
        %get3A_1160 = arith.index_cast %add3A_1157 : i32 to index
        %get3A_1161 = arith.constant 64 : index
        %get3A_1162 = tpu.vector_load %arg6[%get3A_1159, %get3A_1160, %get3A_1161] {strides = array<i32>} : memref<4x100x128xf32, #tpu.memory_space<vmem>>, vector<1x1x16xf32>,
        %get3A_1163 = vector.shape_cast %get3A_1162 : vector<1x1x16xf32> to vector<16xf32>
        %add3A_1164 = arith.addf %add3A_1092, %get3A_1163 : vector<16xf32>
        %add3A_1165 = arith.constant 2 : i32
        %add3A_1166 = arith.addi %add3A_976, %add3A_1165 : i32
        %get3A_1167 = arith.constant 0 : i32
        %get3A_1168 = arith.index_cast %get3A_1167 : i32 to index
        %get3A_1169 = arith.index_cast %add3A_1166 : i32 to index
        %get3A_1170 = arith.constant 80 : index
        %get3A_1171 = tpu.vector_load %arg6[%get3A_1168, %get3A_1169, %get3A_1170] {strides = array<i32>} : memref<4x100x128xf32, #tpu.memory_space<vmem>>, vector<1x1x16xf32>,
        %get3A_1172 = vector.shape_cast %get3A_1171 : vector<1x1x16xf32> to vector<16xf32>
        %add3A_1173 = arith.addf %add3A_1101, %get3A_1172 : vector<16xf32>
        %add3A_1174 = arith.constant 2 : i32
        %add3A_1175 = arith.addi %add3A_976, %add3A_1174 : i32
        %get3A_1176 = arith.constant 0 : i32
        %get3A_1177 = arith.index_cast %get3A_1176 : i32 to index
        %get3A_1178 = arith.index_cast %add3A_1175 : i32 to index
        %get3A_1179 = arith.constant 96 : index
        %get3A_1180 = tpu.vector_load %arg6[%get3A_1177, %get3A_1178, %get3A_1179] {strides = array<i32>} : memref<4x100x128xf32, #tpu.memory_space<vmem>>, vector<1x1x16xf32>,
        %get3A_1181 = vector.shape_cast %get3A_1180 : vector<1x1x16xf32> to vector<16xf32>
        %add3A_1182 = arith.addf %add3A_1110, %get3A_1181 : vector<16xf32>
        %add3A_1183 = arith.constant 2 : i32
        %add3A_1184 = arith.addi %add3A_976, %add3A_1183 : i32
        %get3A_1185 = arith.constant 0 : i32
        %get3A_1186 = arith.index_cast %get3A_1185 : i32 to index
        %get3A_1187 = arith.index_cast %add3A_1184 : i32 to index
        %get3A_1188 = arith.constant 112 : index
        %get3A_1189 = tpu.vector_load %arg6[%get3A_1186, %get3A_1187, %get3A_1188] {strides = array<i32>} : memref<4x100x128xf32, #tpu.memory_space<vmem>>, vector<1x1x16xf32>,
        %get3A_1190 = vector.shape_cast %get3A_1189 : vector<1x1x16xf32> to vector<16xf32>
        %add3A_1191 = arith.addf %add3A_1119, %get3A_1190 : vector<16xf32>
        %add3A_1192 = arith.constant 3 : i32
        %add3A_1193 = arith.addi %add3A_976, %add3A_1192 : i32
        %get3A_1194 = arith.constant 0 : i32
        %get3A_1195 = arith.index_cast %get3A_1194 : i32 to index
        %get3A_1196 = arith.index_cast %add3A_1193 : i32 to index
        %get3A_1197 = arith.constant 0 : index
        %get3A_1198 = tpu.vector_load %arg6[%get3A_1195, %get3A_1196, %get3A_1197] {strides = array<i32>} : memref<4x100x128xf32, #tpu.memory_space<vmem>>, vector<1x1x16xf32>,
        %get3A_1199 = vector.shape_cast %get3A_1198 : vector<1x1x16xf32> to vector<16xf32>
        %add3A_1200 = arith.addf %add3A_1128, %get3A_1199 : vector<16xf32>
        %add3A_1201 = arith.constant 3 : i32
        %add3A_1202 = arith.addi %add3A_976, %add3A_1201 : i32
        %get3A_1203 = arith.constant 0 : i32
        %get3A_1204 = arith.index_cast %get3A_1203 : i32 to index
        %get3A_1205 = arith.index_cast %add3A_1202 : i32 to index
        %get3A_1206 = arith.constant 16 : index
        %get3A_1207 = tpu.vector_load %arg6[%get3A_1204, %get3A_1205, %get3A_1206] {strides = array<i32>} : memref<4x100x128xf32, #tpu.memory_space<vmem>>, vector<1x1x16xf32>,
        %get3A_1208 = vector.shape_cast %get3A_1207 : vector<1x1x16xf32> to vector<16xf32>
        %add3A_1209 = arith.addf %add3A_1137, %get3A_1208 : vector<16xf32>
        %add3A_1210 = arith.constant 3 : i32
        %add3A_1211 = arith.addi %add3A_976, %add3A_1210 : i32
        %get3A_1212 = arith.constant 0 : i32
        %get3A_1213 = arith.index_cast %get3A_1212 : i32 to index
        %get3A_1214 = arith.index_cast %add3A_1211 : i32 to index
        %get3A_1215 = arith.constant 32 : index
        %get3A_1216 = tpu.vector_load %arg6[%get3A_1213, %get3A_1214, %get3A_1215] {strides = array<i32>} : memref<4x100x128xf32, #tpu.memory_space<vmem>>, vector<1x1x16xf32>,
        %get3A_1217 = vector.shape_cast %get3A_1216 : vector<1x1x16xf32> to vector<16xf32>
        %add3A_1218 = arith.addf %add3A_1146, %get3A_1217 : vector<16xf32>
        %add3A_1219 = arith.constant 3 : i32
        %add3A_1220 = arith.addi %add3A_976, %add3A_1219 : i32
        %get3A_1221 = arith.constant 0 : i32
        %get3A_1222 = arith.index_cast %get3A_1221 : i32 to index
        %get3A_1223 = arith.index_cast %add3A_1220 : i32 to index
        %get3A_1224 = arith.constant 48 : index
        %get3A_1225 = tpu.vector_load %arg6[%get3A_1222, %get3A_1223, %get3A_1224] {strides = array<i32>} : memref<4x100x128xf32, #tpu.memory_space<vmem>>, vector<1x1x16xf32>,
        %get3A_1226 = vector.shape_cast %get3A_1225 : vector<1x1x16xf32> to vector<16xf32>
        %add3A_1227 = arith.addf %add3A_1155, %get3A_1226 : vector<16xf32>
        %add3A_1228 = arith.constant 3 : i32
        %add3A_1229 = arith.addi %add3A_976, %add3A_1228 : i32
        %get3A_1230 = arith.constant 0 : i32
        %get3A_1231 = arith.index_cast %get3A_1230 : i32 to index
        %get3A_1232 = arith.index_cast %add3A_1229 : i32 to index
        %get3A_1233 = arith.constant 64 : index
        %get3A_1234 = tpu.vector_load %arg6[%get3A_1231, %get3A_1232, %get3A_1233] {strides = array<i32>} : memref<4x100x128xf32, #tpu.memory_space<vmem>>, vector<1x1x16xf32>,
        %get3A_1235 = vector.shape_cast %get3A_1234 : vector<1x1x16xf32> to vector<16xf32>
        %add3A_1236 = arith.addf %add3A_1164, %get3A_1235 : vector<16xf32>
        %add3A_1237 = arith.constant 3 : i32
        %add3A_1238 = arith.addi %add3A_976, %add3A_1237 : i32
        %get3A_1239 = arith.constant 0 : i32
        %get3A_1240 = arith.index_cast %get3A_1239 : i32 to index
        %get3A_1241 = arith.index_cast %add3A_1238 : i32 to index
        %get3A_1242 = arith.constant 80 : index
        %get3A_1243 = tpu.vector_load %arg6[%get3A_1240, %get3A_1241, %get3A_1242] {strides = array<i32>} : memref<4x100x128xf32, #tpu.memory_space<vmem>>, vector<1x1x16xf32>,
        %get3A_1244 = vector.shape_cast %get3A_1243 : vector<1x1x16xf32> to vector<16xf32>
        %add3A_1245 = arith.addf %add3A_1173, %get3A_1244 : vector<16xf32>
        %add3A_1246 = arith.constant 3 : i32
        %add3A_1247 = arith.addi %add3A_976, %add3A_1246 : i32
        %get3A_1248 = arith.constant 0 : i32
        %get3A_1249 = arith.index_cast %get3A_1248 : i32 to index
        %get3A_1250 = arith.index_cast %add3A_1247 : i32 to index
        %get3A_1251 = arith.constant 96 : index
        %get3A_1252 = tpu.vector_load %arg6[%get3A_1249, %get3A_1250, %get3A_1251] {strides = array<i32>} : memref<4x100x128xf32, #tpu.memory_space<vmem>>, vector<1x1x16xf32>,
        %get3A_1253 = vector.shape_cast %get3A_1252 : vector<1x1x16xf32> to vector<16xf32>
        %add3A_1254 = arith.addf %add3A_1182, %get3A_1253 : vector<16xf32>
        %add3A_1255 = arith.constant 3 : i32
        %add3A_1256 = arith.addi %add3A_976, %add3A_1255 : i32
        %get3A_1257 = arith.constant 0 : i32
        %get3A_1258 = arith.index_cast %get3A_1257 : i32 to index
        %get3A_1259 = arith.index_cast %add3A_1256 : i32 to index
        %get3A_1260 = arith.constant 112 : index
        %get3A_1261 = tpu.vector_load %arg6[%get3A_1258, %get3A_1259, %get3A_1260] {strides = array<i32>} : memref<4x100x128xf32, #tpu.memory_space<vmem>>, vector<1x1x16xf32>,
        %get3A_1262 = vector.shape_cast %get3A_1261 : vector<1x1x16xf32> to vector<16xf32>
        %add3A_1263 = arith.addf %add3A_1191, %get3A_1262 : vector<16xf32>
        %add3A_1264 = arith.constant 4 : i32
        %add3A_1265 = arith.addi %add3A_976, %add3A_1264 : i32
        %get3A_1266 = arith.constant 0 : i32
        %get3A_1267 = arith.index_cast %get3A_1266 : i32 to index
        %get3A_1268 = arith.index_cast %add3A_1265 : i32 to index
        %get3A_1269 = arith.constant 0 : index
        %get3A_1270 = tpu.vector_load %arg6[%get3A_1267, %get3A_1268, %get3A_1269] {strides = array<i32>} : memref<4x100x128xf32, #tpu.memory_space<vmem>>, vector<1x1x16xf32>,
        %get3A_1271 = vector.shape_cast %get3A_1270 : vector<1x1x16xf32> to vector<16xf32>
        %add3A_1272 = arith.addf %add3A_1200, %get3A_1271 : vector<16xf32>
        %add3A_1273 = arith.constant 4 : i32
        %add3A_1274 = arith.addi %add3A_976, %add3A_1273 : i32
        %get3A_1275 = arith.constant 0 : i32
        %get3A_1276 = arith.index_cast %get3A_1275 : i32 to index
        %get3A_1277 = arith.index_cast %add3A_1274 : i32 to index
        %get3A_1278 = arith.constant 16 : index
        %get3A_1279 = tpu.vector_load %arg6[%get3A_1276, %get3A_1277, %get3A_1278] {strides = array<i32>} : memref<4x100x128xf32, #tpu.memory_space<vmem>>, vector<1x1x16xf32>,
        %get3A_1280 = vector.shape_cast %get3A_1279 : vector<1x1x16xf32> to vector<16xf32>
        %add3A_1281 = arith.addf %add3A_1209, %get3A_1280 : vector<16xf32>
        %add3A_1282 = arith.constant 4 : i32
        %add3A_1283 = arith.addi %add3A_976, %add3A_1282 : i32
        %get3A_1284 = arith.constant 0 : i32
        %get3A_1285 = arith.index_cast %get3A_1284 : i32 to index
        %get3A_1286 = arith.index_cast %add3A_1283 : i32 to index
        %get3A_1287 = arith.constant 32 : index
        %get3A_1288 = tpu.vector_load %arg6[%get3A_1285, %get3A_1286, %get3A_1287] {strides = array<i32>} : memref<4x100x128xf32, #tpu.memory_space<vmem>>, vector<1x1x16xf32>,
        %get3A_1289 = vector.shape_cast %get3A_1288 : vector<1x1x16xf32> to vector<16xf32>
        %add3A_1290 = arith.addf %add3A_1218, %get3A_1289 : vector<16xf32>
        %add3A_1291 = arith.constant 4 : i32
        %add3A_1292 = arith.addi %add3A_976, %add3A_1291 : i32
        %get3A_1293 = arith.constant 0 : i32
        %get3A_1294 = arith.index_cast %get3A_1293 : i32 to index
        %get3A_1295 = arith.index_cast %add3A_1292 : i32 to index
        %get3A_1296 = arith.constant 48 : index
        %get3A_1297 = tpu.vector_load %arg6[%get3A_1294, %get3A_1295, %get3A_1296] {strides = array<i32>} : memref<4x100x128xf32, #tpu.memory_space<vmem>>, vector<1x1x16xf32>,
        %get3A_1298 = vector.shape_cast %get3A_1297 : vector<1x1x16xf32> to vector<16xf32>
        %add3A_1299 = arith.addf %add3A_1227, %get3A_1298 : vector<16xf32>
        %add3A_1300 = arith.constant 4 : i32
        %add3A_1301 = arith.addi %add3A_976, %add3A_1300 : i32
        %get3A_1302 = arith.constant 0 : i32
        %get3A_1303 = arith.index_cast %get3A_1302 : i32 to index
        %get3A_1304 = arith.index_cast %add3A_1301 : i32 to index
        %get3A_1305 = arith.constant 64 : index
        %get3A_1306 = tpu.vector_load %arg6[%get3A_1303, %get3A_1304, %get3A_1305] {strides = array<i32>} : memref<4x100x128xf32, #tpu.memory_space<vmem>>, vector<1x1x16xf32>,
        %get3A_1307 = vector.shape_cast %get3A_1306 : vector<1x1x16xf32> to vector<16xf32>
        %add3A_1308 = arith.addf %add3A_1236, %get3A_1307 : vector<16xf32>
        %add3A_1309 = arith.constant 4 : i32
        %add3A_1310 = arith.addi %add3A_976, %add3A_1309 : i32
        %get3A_1311 = arith.constant 0 : i32
        %get3A_1312 = arith.index_cast %get3A_1311 : i32 to index
        %get3A_1313 = arith.index_cast %add3A_1310 : i32 to index
        %get3A_1314 = arith.constant 80 : index
        %get3A_1315 = tpu.vector_load %arg6[%get3A_1312, %get3A_1313, %get3A_1314] {strides = array<i32>} : memref<4x100x128xf32, #tpu.memory_space<vmem>>, vector<1x1x16xf32>,
        %get3A_1316 = vector.shape_cast %get3A_1315 : vector<1x1x16xf32> to vector<16xf32>
        %add3A_1317 = arith.addf %add3A_1245, %get3A_1316 : vector<16xf32>
        %add3A_1318 = arith.constant 4 : i32
        %add3A_1319 = arith.addi %add3A_976, %add3A_1318 : i32
        %get3A_1320 = arith.constant 0 : i32
        %get3A_1321 = arith.index_cast %get3A_1320 : i32 to index
        %get3A_1322 = arith.index_cast %add3A_1319 : i32 to index
        %get3A_1323 = arith.constant 96 : index
        %get3A_1324 = tpu.vector_load %arg6[%get3A_1321, %get3A_1322, %get3A_1323] {strides = array<i32>} : memref<4x100x128xf32, #tpu.memory_space<vmem>>, vector<1x1x16xf32>,
        %get3A_1325 = vector.shape_cast %get3A_1324 : vector<1x1x16xf32> to vector<16xf32>
        %add3A_1326 = arith.addf %add3A_1254, %get3A_1325 : vector<16xf32>
        %add3A_1327 = arith.constant 4 : i32
        %add3A_1328 = arith.addi %add3A_976, %add3A_1327 : i32
        %get3A_1329 = arith.constant 0 : i32
        %get3A_1330 = arith.index_cast %get3A_1329 : i32 to index
        %get3A_1331 = arith.index_cast %add3A_1328 : i32 to index
        %get3A_1332 = arith.constant 112 : index
        %get3A_1333 = tpu.vector_load %arg6[%get3A_1330, %get3A_1331, %get3A_1332] {strides = array<i32>} : memref<4x100x128xf32, #tpu.memory_space<vmem>>, vector<1x1x16xf32>,
        %get3A_1334 = vector.shape_cast %get3A_1333 : vector<1x1x16xf32> to vector<16xf32>
        %add3A_1335 = arith.addf %add3A_1263, %get3A_1334 : vector<16xf32>
        scf.yield %add3A_1272, %add3A_1281, %add3A_1290, %add3A_1299, %add3A_1308, %add3A_1317, %add3A_1326, %add3A_1335 : vector<16xf32>, vector<16xf32>, vector<16xf32>, vector<16xf32>, vector<16xf32>, vector<16xf32>, vector<16xf32>, vector<16xf32>
      }
      %scan3A_135 = arith.constant 10 : i32
      %mul3A_136 = arith.constant 2 : i32
      %mul3A_137 = arith.muli %add3A_114, %mul3A_136 : i32
      %add3A_138 = arith.constant 0 : i32
      %add3A_139 = arith.addi %mul3A_137, %add3A_138 : i32
      %swap3A = arith.index_cast %add3A_139 : i32 to index
      %swap3A_140 = arith.constant 0 : index
      %swap3A_141 = tpu.vector_load %arg7[%swap3A, %swap3A_140] {strides = array<i32>} : memref<128x128xf32, #tpu.memory_space<vmem>>, vector<1x16xf32>,
      %swap3A_142 = vector.shape_cast %swap3A_141 : vector<1x16xf32> to vector<16xf32>
      %swap3A_143 = vector.shape_cast %scan3A_134#0 : vector<16xf32> to vector<1x16xf32>
      tpu.vector_store %arg7[%swap3A, %swap3A_140], %swap3A_143 {strides = array<i32>} : memref<128x128xf32, #tpu.memory_space<vmem>>, vector<1x16xf32>,
      %mul3A_144 = arith.constant 2 : i32
      %mul3A_145 = arith.muli %add3A_114, %mul3A_144 : i32
      %add3A_146 = arith.constant 0 : i32
      %add3A_147 = arith.addi %mul3A_145, %add3A_146 : i32
      %swap3A_148 = arith.index_cast %add3A_147 : i32 to index
      %swap3A_149 = arith.constant 16 : index
      %swap3A_150 = tpu.vector_load %arg7[%swap3A_148, %swap3A_149] {strides = array<i32>} : memref<128x128xf32, #tpu.memory_space<vmem>>, vector<1x16xf32>,
      %swap3A_151 = vector.shape_cast %swap3A_150 : vector<1x16xf32> to vector<16xf32>
      %swap3A_152 = vector.shape_cast %scan3A_134#1 : vector<16xf32> to vector<1x16xf32>
      tpu.vector_store %arg7[%swap3A_148, %swap3A_149], %swap3A_152 {strides = array<i32>} : memref<128x128xf32, #tpu.memory_space<vmem>>, vector<1x16xf32>,
      %mul3A_153 = arith.constant 2 : i32
      %mul3A_154 = arith.muli %add3A_114, %mul3A_153 : i32
      %add3A_155 = arith.constant 0 : i32
      %add3A_156 = arith.addi %mul3A_154, %add3A_155 : i32
      %swap3A_157 = arith.index_cast %add3A_156 : i32 to index
      %swap3A_158 = arith.constant 32 : index
      %swap3A_159 = tpu.vector_load %arg7[%swap3A_157, %swap3A_158] {strides = array<i32>} : memref<128x128xf32, #tpu.memory_space<vmem>>, vector<1x16xf32>,
      %swap3A_160 = vector.shape_cast %swap3A_159 : vector<1x16xf32> to vector<16xf32>
      %swap3A_161 = vector.shape_cast %scan3A_134#2 : vector<16xf32> to vector<1x16xf32>
      tpu.vector_store %arg7[%swap3A_157, %swap3A_158], %swap3A_161 {strides = array<i32>} : memref<128x128xf32, #tpu.memory_space<vmem>>, vector<1x16xf32>,
      %mul3A_162 = arith.constant 2 : i32
      %mul3A_163 = arith.muli %add3A_114, %mul3A_162 : i32
      %add3A_164 = arith.constant 0 : i32
      %add3A_165 = arith.addi %mul3A_163, %add3A_164 : i32
      %swap3A_166 = arith.index_cast %add3A_165 : i32 to index
      %swap3A_167 = arith.constant 48 : index
      %swap3A_168 = tpu.vector_load %arg7[%swap3A_166, %swap3A_167] {strides = array<i32>} : memref<128x128xf32, #tpu.memory_space<vmem>>, vector<1x16xf32>,
      %swap3A_169 = vector.shape_cast %swap3A_168 : vector<1x16xf32> to vector<16xf32>
      %swap3A_170 = vector.shape_cast %scan3A_134#3 : vector<16xf32> to vector<1x16xf32>
      tpu.vector_store %arg7[%swap3A_166, %swap3A_167], %swap3A_170 {strides = array<i32>} : memref<128x128xf32, #tpu.memory_space<vmem>>, vector<1x16xf32>,
      %mul3A_171 = arith.constant 2 : i32
      %mul3A_172 = arith.muli %add3A_114, %mul3A_171 : i32
      %add3A_173 = arith.constant 0 : i32
      %add3A_174 = arith.addi %mul3A_172, %add3A_173 : i32
      %swap3A_175 = arith.index_cast %add3A_174 : i32 to index
      %swap3A_176 = arith.constant 64 : index
      %swap3A_177 = tpu.vector_load %arg7[%swap3A_175, %swap3A_176] {strides = array<i32>} : memref<128x128xf32, #tpu.memory_space<vmem>>, vector<1x16xf32>,
      %swap3A_178 = vector.shape_cast %swap3A_177 : vector<1x16xf32> to vector<16xf32>
      %swap3A_179 = vector.shape_cast %scan3A_134#4 : vector<16xf32> to vector<1x16xf32>
      tpu.vector_store %arg7[%swap3A_175, %swap3A_176], %swap3A_179 {strides = array<i32>} : memref<128x128xf32, #tpu.memory_space<vmem>>, vector<1x16xf32>,
      %mul3A_180 = arith.constant 2 : i32
      %mul3A_181 = arith.muli %add3A_114, %mul3A_180 : i32
      %add3A_182 = arith.constant 0 : i32
      %add3A_183 = arith.addi %mul3A_181, %add3A_182 : i32
      %swap3A_184 = arith.index_cast %add3A_183 : i32 to index
      %swap3A_185 = arith.constant 80 : index
      %swap3A_186 = tpu.vector_load %arg7[%swap3A_184, %swap3A_185] {strides = array<i32>} : memref<128x128xf32, #tpu.memory_space<vmem>>, vector<1x16xf32>,
      %swap3A_187 = vector.shape_cast %swap3A_186 : vector<1x16xf32> to vector<16xf32>
      %swap3A_188 = vector.shape_cast %scan3A_134#5 : vector<16xf32> to vector<1x16xf32>
      tpu.vector_store %arg7[%swap3A_184, %swap3A_185], %swap3A_188 {strides = array<i32>} : memref<128x128xf32, #tpu.memory_space<vmem>>, vector<1x16xf32>,
      %mul3A_189 = arith.constant 2 : i32
      %mul3A_190 = arith.muli %add3A_114, %mul3A_189 : i32
      %add3A_191 = arith.constant 0 : i32
      %add3A_192 = arith.addi %mul3A_190, %add3A_191 : i32
      %swap3A_193 = arith.index_cast %add3A_192 : i32 to index
      %swap3A_194 = arith.constant 96 : index
      %swap3A_195 = tpu.vector_load %arg7[%swap3A_193, %swap3A_194] {strides = array<i32>} : memref<128x128xf32, #tpu.memory_space<vmem>>, vector<1x16xf32>,
      %swap3A_196 = vector.shape_cast %swap3A_195 : vector<1x16xf32> to vector<16xf32>
      %swap3A_197 = vector.shape_cast %scan3A_134#6 : vector<16xf32> to vector<1x16xf32>
      tpu.vector_store %arg7[%swap3A_193, %swap3A_194], %swap3A_197 {strides = array<i32>} : memref<128x128xf32, #tpu.memory_space<vmem>>, vector<1x16xf32>,
      %mul3A_198 = arith.constant 2 : i32
      %mul3A_199 = arith.muli %add3A_114, %mul3A_198 : i32
      %add3A_200 = arith.constant 0 : i32
      %add3A_201 = arith.addi %mul3A_199, %add3A_200 : i32
      %swap3A_202 = arith.index_cast %add3A_201 : i32 to index
      %swap3A_203 = arith.constant 112 : index
      %swap3A_204 = tpu.vector_load %arg7[%swap3A_202, %swap3A_203] {strides = array<i32>} : memref<128x128xf32, #tpu.memory_space<vmem>>, vector<1x16xf32>,
      %swap3A_205 = vector.shape_cast %swap3A_204 : vector<1x16xf32> to vector<16xf32>
      %swap3A_206 = vector.shape_cast %scan3A_134#7 : vector<16xf32> to vector<1x16xf32>
      tpu.vector_store %arg7[%swap3A_202, %swap3A_203], %swap3A_206 {strides = array<i32>} : memref<128x128xf32, #tpu.memory_space<vmem>>, vector<1x16xf32>,
      %broadcast_in_dim3A_207 = arith.constant 0.000000e+00 : f32
      %broadcast_in_dim3A_208 = vector.broadcast %broadcast_in_dim3A_207 : f32 to vector<16xf32>
      %broadcast_in_dim3A_209 = arith.constant 0.000000e+00 : f32
      %broadcast_in_dim3A_210 = vector.broadcast %broadcast_in_dim3A_209 : f32 to vector<16xf32>
      %broadcast_in_dim3A_211 = arith.constant 0.000000e+00 : f32
      %broadcast_in_dim3A_212 = vector.broadcast %broadcast_in_dim3A_211 : f32 to vector<16xf32>
      %broadcast_in_dim3A_213 = arith.constant 0.000000e+00 : f32
      %broadcast_in_dim3A_214 = vector.broadcast %broadcast_in_dim3A_213 : f32 to vector<16xf32>
      %broadcast_in_dim3A_215 = arith.constant 0.000000e+00 : f32
      %broadcast_in_dim3A_216 = vector.broadcast %broadcast_in_dim3A_215 : f32 to vector<16xf32>
      %broadcast_in_dim3A_217 = arith.constant 0.000000e+00 : f32
      %broadcast_in_dim3A_218 = vector.broadcast %broadcast_in_dim3A_217 : f32 to vector<16xf32>
      %broadcast_in_dim3A_219 = arith.constant 0.000000e+00 : f32
      %broadcast_in_dim3A_220 = vector.broadcast %broadcast_in_dim3A_219 : f32 to vector<16xf32>
      %broadcast_in_dim3A_221 = arith.constant 0.000000e+00 : f32
      %broadcast_in_dim3A_222 = vector.broadcast %broadcast_in_dim3A_221 : f32 to vector<16xf32>
      %scan3A_223 = arith.constant 0 : i32
      %scan3A_224 = arith.constant 10 : i32
      %scan3A_225 = arith.addi %scan3A_223, %scan3A_224 : i32
      %scan3A_226 = arith.constant 1 : i32
      %scan3A_227:8 = scf.for %scan3A_964 = %scan3A_223 to %scan3A_225 step %scan3A_226 iter_args(%scan3A_965 = %broadcast_in_dim3A_208, %scan3A_966 = %broadcast_in_dim3A_210, %scan3A_967 = %broadcast_in_dim3A_212, %scan3A_968 = %broadcast_in_dim3A_214, %scan3A_969 = %broadcast_in_dim3A_216, %scan3A_970 = %broadcast_in_dim3A_218, %scan3A_971 = %broadcast_in_dim3A_220, %scan3A_972 = %broadcast_in_dim3A_222) -> (vector<16xf32>, vector<16xf32>, vector<16xf32>, vector<16xf32>, vector<16xf32>, vector<16xf32>, vector<16xf32>, vector<16xf32>)  : i32 {
        %mul3A_973 = arith.constant 5 : i32
        %mul3A_974 = arith.muli %scan3A_964, %mul3A_973 : i32
        %add3A_975 = arith.constant 50 : i32
        %add3A_976 = arith.addi %add3A_975, %mul3A_974 : i32
        %add3A_977 = arith.constant 0 : i32
        %add3A_978 = arith.addi %add3A_976, %add3A_977 : i32
        %get3A = arith.constant 0 : i32
        %get3A_979 = arith.index_cast %get3A : i32 to index
        %get3A_980 = arith.index_cast %add3A_978 : i32 to index
        %get3A_981 = arith.constant 0 : index
        %get3A_982 = tpu.vector_load %arg6[%get3A_979, %get3A_980, %get3A_981] {strides = array<i32>} : memref<4x100x128xf32, #tpu.memory_space<vmem>>, vector<1x1x16xf32>,
        %get3A_983 = vector.shape_cast %get3A_982 : vector<1x1x16xf32> to vector<16xf32>
        %add3A_984 = arith.addf %scan3A_965, %get3A_983 : vector<16xf32>
        %add3A_985 = arith.constant 0 : i32
        %add3A_986 = arith.addi %add3A_976, %add3A_985 : i32
        %get3A_987 = arith.constant 0 : i32
        %get3A_988 = arith.index_cast %get3A_987 : i32 to index
        %get3A_989 = arith.index_cast %add3A_986 : i32 to index
        %get3A_990 = arith.constant 16 : index
        %get3A_991 = tpu.vector_load %arg6[%get3A_988, %get3A_989, %get3A_990] {strides = array<i32>} : memref<4x100x128xf32, #tpu.memory_space<vmem>>, vector<1x1x16xf32>,
        %get3A_992 = vector.shape_cast %get3A_991 : vector<1x1x16xf32> to vector<16xf32>
        %add3A_993 = arith.addf %scan3A_966, %get3A_992 : vector<16xf32>
        %add3A_994 = arith.constant 0 : i32
        %add3A_995 = arith.addi %add3A_976, %add3A_994 : i32
        %get3A_996 = arith.constant 0 : i32
        %get3A_997 = arith.index_cast %get3A_996 : i32 to index
        %get3A_998 = arith.index_cast %add3A_995 : i32 to index
        %get3A_999 = arith.constant 32 : index
        %get3A_1000 = tpu.vector_load %arg6[%get3A_997, %get3A_998, %get3A_999] {strides = array<i32>} : memref<4x100x128xf32, #tpu.memory_space<vmem>>, vector<1x1x16xf32>,
        %get3A_1001 = vector.shape_cast %get3A_1000 : vector<1x1x16xf32> to vector<16xf32>
        %add3A_1002 = arith.addf %scan3A_967, %get3A_1001 : vector<16xf32>
        %add3A_1003 = arith.constant 0 : i32
        %add3A_1004 = arith.addi %add3A_976, %add3A_1003 : i32
        %get3A_1005 = arith.constant 0 : i32
        %get3A_1006 = arith.index_cast %get3A_1005 : i32 to index
        %get3A_1007 = arith.index_cast %add3A_1004 : i32 to index
        %get3A_1008 = arith.constant 48 : index
        %get3A_1009 = tpu.vector_load %arg6[%get3A_1006, %get3A_1007, %get3A_1008] {strides = array<i32>} : memref<4x100x128xf32, #tpu.memory_space<vmem>>, vector<1x1x16xf32>,
        %get3A_1010 = vector.shape_cast %get3A_1009 : vector<1x1x16xf32> to vector<16xf32>
        %add3A_1011 = arith.addf %scan3A_968, %get3A_1010 : vector<16xf32>
        %add3A_1012 = arith.constant 0 : i32
        %add3A_1013 = arith.addi %add3A_976, %add3A_1012 : i32
        %get3A_1014 = arith.constant 0 : i32
        %get3A_1015 = arith.index_cast %get3A_1014 : i32 to index
        %get3A_1016 = arith.index_cast %add3A_1013 : i32 to index
        %get3A_1017 = arith.constant 64 : index
        %get3A_1018 = tpu.vector_load %arg6[%get3A_1015, %get3A_1016, %get3A_1017] {strides = array<i32>} : memref<4x100x128xf32, #tpu.memory_space<vmem>>, vector<1x1x16xf32>,
        %get3A_1019 = vector.shape_cast %get3A_1018 : vector<1x1x16xf32> to vector<16xf32>
        %add3A_1020 = arith.addf %scan3A_969, %get3A_1019 : vector<16xf32>
        %add3A_1021 = arith.constant 0 : i32
        %add3A_1022 = arith.addi %add3A_976, %add3A_1021 : i32
        %get3A_1023 = arith.constant 0 : i32
        %get3A_1024 = arith.index_cast %get3A_1023 : i32 to index
        %get3A_1025 = arith.index_cast %add3A_1022 : i32 to index
        %get3A_1026 = arith.constant 80 : index
        %get3A_1027 = tpu.vector_load %arg6[%get3A_1024, %get3A_1025, %get3A_1026] {strides = array<i32>} : memref<4x100x128xf32, #tpu.memory_space<vmem>>, vector<1x1x16xf32>,
        %get3A_1028 = vector.shape_cast %get3A_1027 : vector<1x1x16xf32> to vector<16xf32>
        %add3A_1029 = arith.addf %scan3A_970, %get3A_1028 : vector<16xf32>
        %add3A_1030 = arith.constant 0 : i32
        %add3A_1031 = arith.addi %add3A_976, %add3A_1030 : i32
        %get3A_1032 = arith.constant 0 : i32
        %get3A_1033 = arith.index_cast %get3A_1032 : i32 to index
        %get3A_1034 = arith.index_cast %add3A_1031 : i32 to index
        %get3A_1035 = arith.constant 96 : index
        %get3A_1036 = tpu.vector_load %arg6[%get3A_1033, %get3A_1034, %get3A_1035] {strides = array<i32>} : memref<4x100x128xf32, #tpu.memory_space<vmem>>, vector<1x1x16xf32>,
        %get3A_1037 = vector.shape_cast %get3A_1036 : vector<1x1x16xf32> to vector<16xf32>
        %add3A_1038 = arith.addf %scan3A_971, %get3A_1037 : vector<16xf32>
        %add3A_1039 = arith.constant 0 : i32
        %add3A_1040 = arith.addi %add3A_976, %add3A_1039 : i32
        %get3A_1041 = arith.constant 0 : i32
        %get3A_1042 = arith.index_cast %get3A_1041 : i32 to index
        %get3A_1043 = arith.index_cast %add3A_1040 : i32 to index
        %get3A_1044 = arith.constant 112 : index
        %get3A_1045 = tpu.vector_load %arg6[%get3A_1042, %get3A_1043, %get3A_1044] {strides = array<i32>} : memref<4x100x128xf32, #tpu.memory_space<vmem>>, vector<1x1x16xf32>,
        %get3A_1046 = vector.shape_cast %get3A_1045 : vector<1x1x16xf32> to vector<16xf32>
        %add3A_1047 = arith.addf %scan3A_972, %get3A_1046 : vector<16xf32>
        %add3A_1048 = arith.constant 1 : i32
        %add3A_1049 = arith.addi %add3A_976, %add3A_1048 : i32
        %get3A_1050 = arith.constant 0 : i32
        %get3A_1051 = arith.index_cast %get3A_1050 : i32 to index
        %get3A_1052 = arith.index_cast %add3A_1049 : i32 to index
        %get3A_1053 = arith.constant 0 : index
        %get3A_1054 = tpu.vector_load %arg6[%get3A_1051, %get3A_1052, %get3A_1053] {strides = array<i32>} : memref<4x100x128xf32, #tpu.memory_space<vmem>>, vector<1x1x16xf32>,
        %get3A_1055 = vector.shape_cast %get3A_1054 : vector<1x1x16xf32> to vector<16xf32>
        %add3A_1056 = arith.addf %add3A_984, %get3A_1055 : vector<16xf32>
        %add3A_1057 = arith.constant 1 : i32
        %add3A_1058 = arith.addi %add3A_976, %add3A_1057 : i32
        %get3A_1059 = arith.constant 0 : i32
        %get3A_1060 = arith.index_cast %get3A_1059 : i32 to index
        %get3A_1061 = arith.index_cast %add3A_1058 : i32 to index
        %get3A_1062 = arith.constant 16 : index
        %get3A_1063 = tpu.vector_load %arg6[%get3A_1060, %get3A_1061, %get3A_1062] {strides = array<i32>} : memref<4x100x128xf32, #tpu.memory_space<vmem>>, vector<1x1x16xf32>,
        %get3A_1064 = vector.shape_cast %get3A_1063 : vector<1x1x16xf32> to vector<16xf32>
        %add3A_1065 = arith.addf %add3A_993, %get3A_1064 : vector<16xf32>
        %add3A_1066 = arith.constant 1 : i32
        %add3A_1067 = arith.addi %add3A_976, %add3A_1066 : i32
        %get3A_1068 = arith.constant 0 : i32
        %get3A_1069 = arith.index_cast %get3A_1068 : i32 to index
        %get3A_1070 = arith.index_cast %add3A_1067 : i32 to index
        %get3A_1071 = arith.constant 32 : index
        %get3A_1072 = tpu.vector_load %arg6[%get3A_1069, %get3A_1070, %get3A_1071] {strides = array<i32>} : memref<4x100x128xf32, #tpu.memory_space<vmem>>, vector<1x1x16xf32>,
        %get3A_1073 = vector.shape_cast %get3A_1072 : vector<1x1x16xf32> to vector<16xf32>
        %add3A_1074 = arith.addf %add3A_1002, %get3A_1073 : vector<16xf32>
        %add3A_1075 = arith.constant 1 : i32
        %add3A_1076 = arith.addi %add3A_976, %add3A_1075 : i32
        %get3A_1077 = arith.constant 0 : i32
        %get3A_1078 = arith.index_cast %get3A_1077 : i32 to index
        %get3A_1079 = arith.index_cast %add3A_1076 : i32 to index
        %get3A_1080 = arith.constant 48 : index
        %get3A_1081 = tpu.vector_load %arg6[%get3A_1078, %get3A_1079, %get3A_1080] {strides = array<i32>} : memref<4x100x128xf32, #tpu.memory_space<vmem>>, vector<1x1x16xf32>,
        %get3A_1082 = vector.shape_cast %get3A_1081 : vector<1x1x16xf32> to vector<16xf32>
        %add3A_1083 = arith.addf %add3A_1011, %get3A_1082 : vector<16xf32>
        %add3A_1084 = arith.constant 1 : i32
        %add3A_1085 = arith.addi %add3A_976, %add3A_1084 : i32
        %get3A_1086 = arith.constant 0 : i32
        %get3A_1087 = arith.index_cast %get3A_1086 : i32 to index
        %get3A_1088 = arith.index_cast %add3A_1085 : i32 to index
        %get3A_1089 = arith.constant 64 : index
        %get3A_1090 = tpu.vector_load %arg6[%get3A_1087, %get3A_1088, %get3A_1089] {strides = array<i32>} : memref<4x100x128xf32, #tpu.memory_space<vmem>>, vector<1x1x16xf32>,
        %get3A_1091 = vector.shape_cast %get3A_1090 : vector<1x1x16xf32> to vector<16xf32>
        %add3A_1092 = arith.addf %add3A_1020, %get3A_1091 : vector<16xf32>
        %add3A_1093 = arith.constant 1 : i32
        %add3A_1094 = arith.addi %add3A_976, %add3A_1093 : i32
        %get3A_1095 = arith.constant 0 : i32
        %get3A_1096 = arith.index_cast %get3A_1095 : i32 to index
        %get3A_1097 = arith.index_cast %add3A_1094 : i32 to index
        %get3A_1098 = arith.constant 80 : index
        %get3A_1099 = tpu.vector_load %arg6[%get3A_1096, %get3A_1097, %get3A_1098] {strides = array<i32>} : memref<4x100x128xf32, #tpu.memory_space<vmem>>, vector<1x1x16xf32>,
        %get3A_1100 = vector.shape_cast %get3A_1099 : vector<1x1x16xf32> to vector<16xf32>
        %add3A_1101 = arith.addf %add3A_1029, %get3A_1100 : vector<16xf32>
        %add3A_1102 = arith.constant 1 : i32
        %add3A_1103 = arith.addi %add3A_976, %add3A_1102 : i32
        %get3A_1104 = arith.constant 0 : i32
        %get3A_1105 = arith.index_cast %get3A_1104 : i32 to index
        %get3A_1106 = arith.index_cast %add3A_1103 : i32 to index
        %get3A_1107 = arith.constant 96 : index
        %get3A_1108 = tpu.vector_load %arg6[%get3A_1105, %get3A_1106, %get3A_1107] {strides = array<i32>} : memref<4x100x128xf32, #tpu.memory_space<vmem>>, vector<1x1x16xf32>,
        %get3A_1109 = vector.shape_cast %get3A_1108 : vector<1x1x16xf32> to vector<16xf32>
        %add3A_1110 = arith.addf %add3A_1038, %get3A_1109 : vector<16xf32>
        %add3A_1111 = arith.constant 1 : i32
        %add3A_1112 = arith.addi %add3A_976, %add3A_1111 : i32
        %get3A_1113 = arith.constant 0 : i32
        %get3A_1114 = arith.index_cast %get3A_1113 : i32 to index
        %get3A_1115 = arith.index_cast %add3A_1112 : i32 to index
        %get3A_1116 = arith.constant 112 : index
        %get3A_1117 = tpu.vector_load %arg6[%get3A_1114, %get3A_1115, %get3A_1116] {strides = array<i32>} : memref<4x100x128xf32, #tpu.memory_space<vmem>>, vector<1x1x16xf32>,
        %get3A_1118 = vector.shape_cast %get3A_1117 : vector<1x1x16xf32> to vector<16xf32>
        %add3A_1119 = arith.addf %add3A_1047, %get3A_1118 : vector<16xf32>
        %add3A_1120 = arith.constant 2 : i32
        %add3A_1121 = arith.addi %add3A_976, %add3A_1120 : i32
        %get3A_1122 = arith.constant 0 : i32
        %get3A_1123 = arith.index_cast %get3A_1122 : i32 to index
        %get3A_1124 = arith.index_cast %add3A_1121 : i32 to index
        %get3A_1125 = arith.constant 0 : index
        %get3A_1126 = tpu.vector_load %arg6[%get3A_1123, %get3A_1124, %get3A_1125] {strides = array<i32>} : memref<4x100x128xf32, #tpu.memory_space<vmem>>, vector<1x1x16xf32>,
        %get3A_1127 = vector.shape_cast %get3A_1126 : vector<1x1x16xf32> to vector<16xf32>
        %add3A_1128 = arith.addf %add3A_1056, %get3A_1127 : vector<16xf32>
        %add3A_1129 = arith.constant 2 : i32
        %add3A_1130 = arith.addi %add3A_976, %add3A_1129 : i32
        %get3A_1131 = arith.constant 0 : i32
        %get3A_1132 = arith.index_cast %get3A_1131 : i32 to index
        %get3A_1133 = arith.index_cast %add3A_1130 : i32 to index
        %get3A_1134 = arith.constant 16 : index
        %get3A_1135 = tpu.vector_load %arg6[%get3A_1132, %get3A_1133, %get3A_1134] {strides = array<i32>} : memref<4x100x128xf32, #tpu.memory_space<vmem>>, vector<1x1x16xf32>,
        %get3A_1136 = vector.shape_cast %get3A_1135 : vector<1x1x16xf32> to vector<16xf32>
        %add3A_1137 = arith.addf %add3A_1065, %get3A_1136 : vector<16xf32>
        %add3A_1138 = arith.constant 2 : i32
        %add3A_1139 = arith.addi %add3A_976, %add3A_1138 : i32
        %get3A_1140 = arith.constant 0 : i32
        %get3A_1141 = arith.index_cast %get3A_1140 : i32 to index
        %get3A_1142 = arith.index_cast %add3A_1139 : i32 to index
        %get3A_1143 = arith.constant 32 : index
        %get3A_1144 = tpu.vector_load %arg6[%get3A_1141, %get3A_1142, %get3A_1143] {strides = array<i32>} : memref<4x100x128xf32, #tpu.memory_space<vmem>>, vector<1x1x16xf32>,
        %get3A_1145 = vector.shape_cast %get3A_1144 : vector<1x1x16xf32> to vector<16xf32>
        %add3A_1146 = arith.addf %add3A_1074, %get3A_1145 : vector<16xf32>
        %add3A_1147 = arith.constant 2 : i32
        %add3A_1148 = arith.addi %add3A_976, %add3A_1147 : i32
        %get3A_1149 = arith.constant 0 : i32
        %get3A_1150 = arith.index_cast %get3A_1149 : i32 to index
        %get3A_1151 = arith.index_cast %add3A_1148 : i32 to index
        %get3A_1152 = arith.constant 48 : index
        %get3A_1153 = tpu.vector_load %arg6[%get3A_1150, %get3A_1151, %get3A_1152] {strides = array<i32>} : memref<4x100x128xf32, #tpu.memory_space<vmem>>, vector<1x1x16xf32>,
        %get3A_1154 = vector.shape_cast %get3A_1153 : vector<1x1x16xf32> to vector<16xf32>
        %add3A_1155 = arith.addf %add3A_1083, %get3A_1154 : vector<16xf32>
        %add3A_1156 = arith.constant 2 : i32
        %add3A_1157 = arith.addi %add3A_976, %add3A_1156 : i32
        %get3A_1158 = arith.constant 0 : i32
        %get3A_1159 = arith.index_cast %get3A_1158 : i32 to index
        %get3A_1160 = arith.index_cast %add3A_1157 : i32 to index
        %get3A_1161 = arith.constant 64 : index
        %get3A_1162 = tpu.vector_load %arg6[%get3A_1159, %get3A_1160, %get3A_1161] {strides = array<i32>} : memref<4x100x128xf32, #tpu.memory_space<vmem>>, vector<1x1x16xf32>,
        %get3A_1163 = vector.shape_cast %get3A_1162 : vector<1x1x16xf32> to vector<16xf32>
        %add3A_1164 = arith.addf %add3A_1092, %get3A_1163 : vector<16xf32>
        %add3A_1165 = arith.constant 2 : i32
        %add3A_1166 = arith.addi %add3A_976, %add3A_1165 : i32
        %get3A_1167 = arith.constant 0 : i32
        %get3A_1168 = arith.index_cast %get3A_1167 : i32 to index
        %get3A_1169 = arith.index_cast %add3A_1166 : i32 to index
        %get3A_1170 = arith.constant 80 : index
        %get3A_1171 = tpu.vector_load %arg6[%get3A_1168, %get3A_1169, %get3A_1170] {strides = array<i32>} : memref<4x100x128xf32, #tpu.memory_space<vmem>>, vector<1x1x16xf32>,
        %get3A_1172 = vector.shape_cast %get3A_1171 : vector<1x1x16xf32> to vector<16xf32>
        %add3A_1173 = arith.addf %add3A_1101, %get3A_1172 : vector<16xf32>
        %add3A_1174 = arith.constant 2 : i32
        %add3A_1175 = arith.addi %add3A_976, %add3A_1174 : i32
        %get3A_1176 = arith.constant 0 : i32
        %get3A_1177 = arith.index_cast %get3A_1176 : i32 to index
        %get3A_1178 = arith.index_cast %add3A_1175 : i32 to index
        %get3A_1179 = arith.constant 96 : index
        %get3A_1180 = tpu.vector_load %arg6[%get3A_1177, %get3A_1178, %get3A_1179] {strides = array<i32>} : memref<4x100x128xf32, #tpu.memory_space<vmem>>, vector<1x1x16xf32>,
        %get3A_1181 = vector.shape_cast %get3A_1180 : vector<1x1x16xf32> to vector<16xf32>
        %add3A_1182 = arith.addf %add3A_1110, %get3A_1181 : vector<16xf32>
        %add3A_1183 = arith.constant 2 : i32
        %add3A_1184 = arith.addi %add3A_976, %add3A_1183 : i32
        %get3A_1185 = arith.constant 0 : i32
        %get3A_1186 = arith.index_cast %get3A_1185 : i32 to index
        %get3A_1187 = arith.index_cast %add3A_1184 : i32 to index
        %get3A_1188 = arith.constant 112 : index
        %get3A_1189 = tpu.vector_load %arg6[%get3A_1186, %get3A_1187, %get3A_1188] {strides = array<i32>} : memref<4x100x128xf32, #tpu.memory_space<vmem>>, vector<1x1x16xf32>,
        %get3A_1190 = vector.shape_cast %get3A_1189 : vector<1x1x16xf32> to vector<16xf32>
        %add3A_1191 = arith.addf %add3A_1119, %get3A_1190 : vector<16xf32>
        %add3A_1192 = arith.constant 3 : i32
        %add3A_1193 = arith.addi %add3A_976, %add3A_1192 : i32
        %get3A_1194 = arith.constant 0 : i32
        %get3A_1195 = arith.index_cast %get3A_1194 : i32 to index
        %get3A_1196 = arith.index_cast %add3A_1193 : i32 to index
        %get3A_1197 = arith.constant 0 : index
        %get3A_1198 = tpu.vector_load %arg6[%get3A_1195, %get3A_1196, %get3A_1197] {strides = array<i32>} : memref<4x100x128xf32, #tpu.memory_space<vmem>>, vector<1x1x16xf32>,
        %get3A_1199 = vector.shape_cast %get3A_1198 : vector<1x1x16xf32> to vector<16xf32>
        %add3A_1200 = arith.addf %add3A_1128, %get3A_1199 : vector<16xf32>
        %add3A_1201 = arith.constant 3 : i32
        %add3A_1202 = arith.addi %add3A_976, %add3A_1201 : i32
        %get3A_1203 = arith.constant 0 : i32
        %get3A_1204 = arith.index_cast %get3A_1203 : i32 to index
        %get3A_1205 = arith.index_cast %add3A_1202 : i32 to index
        %get3A_1206 = arith.constant 16 : index
        %get3A_1207 = tpu.vector_load %arg6[%get3A_1204, %get3A_1205, %get3A_1206] {strides = array<i32>} : memref<4x100x128xf32, #tpu.memory_space<vmem>>, vector<1x1x16xf32>,
        %get3A_1208 = vector.shape_cast %get3A_1207 : vector<1x1x16xf32> to vector<16xf32>
        %add3A_1209 = arith.addf %add3A_1137, %get3A_1208 : vector<16xf32>
        %add3A_1210 = arith.constant 3 : i32
        %add3A_1211 = arith.addi %add3A_976, %add3A_1210 : i32
        %get3A_1212 = arith.constant 0 : i32
        %get3A_1213 = arith.index_cast %get3A_1212 : i32 to index
        %get3A_1214 = arith.index_cast %add3A_1211 : i32 to index
        %get3A_1215 = arith.constant 32 : index
        %get3A_1216 = tpu.vector_load %arg6[%get3A_1213, %get3A_1214, %get3A_1215] {strides = array<i32>} : memref<4x100x128xf32, #tpu.memory_space<vmem>>, vector<1x1x16xf32>,
        %get3A_1217 = vector.shape_cast %get3A_1216 : vector<1x1x16xf32> to vector<16xf32>
        %add3A_1218 = arith.addf %add3A_1146, %get3A_1217 : vector<16xf32>
        %add3A_1219 = arith.constant 3 : i32
        %add3A_1220 = arith.addi %add3A_976, %add3A_1219 : i32
        %get3A_1221 = arith.constant 0 : i32
        %get3A_1222 = arith.index_cast %get3A_1221 : i32 to index
        %get3A_1223 = arith.index_cast %add3A_1220 : i32 to index
        %get3A_1224 = arith.constant 48 : index
        %get3A_1225 = tpu.vector_load %arg6[%get3A_1222, %get3A_1223, %get3A_1224] {strides = array<i32>} : memref<4x100x128xf32, #tpu.memory_space<vmem>>, vector<1x1x16xf32>,
        %get3A_1226 = vector.shape_cast %get3A_1225 : vector<1x1x16xf32> to vector<16xf32>
        %add3A_1227 = arith.addf %add3A_1155, %get3A_1226 : vector<16xf32>
        %add3A_1228 = arith.constant 3 : i32
        %add3A_1229 = arith.addi %add3A_976, %add3A_1228 : i32
        %get3A_1230 = arith.constant 0 : i32
        %get3A_1231 = arith.index_cast %get3A_1230 : i32 to index
        %get3A_1232 = arith.index_cast %add3A_1229 : i32 to index
        %get3A_1233 = arith.constant 64 : index
        %get3A_1234 = tpu.vector_load %arg6[%get3A_1231, %get3A_1232, %get3A_1233] {strides = array<i32>} : memref<4x100x128xf32, #tpu.memory_space<vmem>>, vector<1x1x16xf32>,
        %get3A_1235 = vector.shape_cast %get3A_1234 : vector<1x1x16xf32> to vector<16xf32>
        %add3A_1236 = arith.addf %add3A_1164, %get3A_1235 : vector<16xf32>
        %add3A_1237 = arith.constant 3 : i32
        %add3A_1238 = arith.addi %add3A_976, %add3A_1237 : i32
        %get3A_1239 = arith.constant 0 : i32
        %get3A_1240 = arith.index_cast %get3A_1239 : i32 to index
        %get3A_1241 = arith.index_cast %add3A_1238 : i32 to index
        %get3A_1242 = arith.constant 80 : index
        %get3A_1243 = tpu.vector_load %arg6[%get3A_1240, %get3A_1241, %get3A_1242] {strides = array<i32>} : memref<4x100x128xf32, #tpu.memory_space<vmem>>, vector<1x1x16xf32>,
        %get3A_1244 = vector.shape_cast %get3A_1243 : vector<1x1x16xf32> to vector<16xf32>
        %add3A_1245 = arith.addf %add3A_1173, %get3A_1244 : vector<16xf32>
        %add3A_1246 = arith.constant 3 : i32
        %add3A_1247 = arith.addi %add3A_976, %add3A_1246 : i32
        %get3A_1248 = arith.constant 0 : i32
        %get3A_1249 = arith.index_cast %get3A_1248 : i32 to index
        %get3A_1250 = arith.index_cast %add3A_1247 : i32 to index
        %get3A_1251 = arith.constant 96 : index
        %get3A_1252 = tpu.vector_load %arg6[%get3A_1249, %get3A_1250, %get3A_1251] {strides = array<i32>} : memref<4x100x128xf32, #tpu.memory_space<vmem>>, vector<1x1x16xf32>,
        %get3A_1253 = vector.shape_cast %get3A_1252 : vector<1x1x16xf32> to vector<16xf32>
        %add3A_1254 = arith.addf %add3A_1182, %get3A_1253 : vector<16xf32>
        %add3A_1255 = arith.constant 3 : i32
        %add3A_1256 = arith.addi %add3A_976, %add3A_1255 : i32
        %get3A_1257 = arith.constant 0 : i32
        %get3A_1258 = arith.index_cast %get3A_1257 : i32 to index
        %get3A_1259 = arith.index_cast %add3A_1256 : i32 to index
        %get3A_1260 = arith.constant 112 : index
        %get3A_1261 = tpu.vector_load %arg6[%get3A_1258, %get3A_1259, %get3A_1260] {strides = array<i32>} : memref<4x100x128xf32, #tpu.memory_space<vmem>>, vector<1x1x16xf32>,
        %get3A_1262 = vector.shape_cast %get3A_1261 : vector<1x1x16xf32> to vector<16xf32>
        %add3A_1263 = arith.addf %add3A_1191, %get3A_1262 : vector<16xf32>
        %add3A_1264 = arith.constant 4 : i32
        %add3A_1265 = arith.addi %add3A_976, %add3A_1264 : i32
        %get3A_1266 = arith.constant 0 : i32
        %get3A_1267 = arith.index_cast %get3A_1266 : i32 to index
        %get3A_1268 = arith.index_cast %add3A_1265 : i32 to index
        %get3A_1269 = arith.constant 0 : index
        %get3A_1270 = tpu.vector_load %arg6[%get3A_1267, %get3A_1268, %get3A_1269] {strides = array<i32>} : memref<4x100x128xf32, #tpu.memory_space<vmem>>, vector<1x1x16xf32>,
        %get3A_1271 = vector.shape_cast %get3A_1270 : vector<1x1x16xf32> to vector<16xf32>
        %add3A_1272 = arith.addf %add3A_1200, %get3A_1271 : vector<16xf32>
        %add3A_1273 = arith.constant 4 : i32
        %add3A_1274 = arith.addi %add3A_976, %add3A_1273 : i32
        %get3A_1275 = arith.constant 0 : i32
        %get3A_1276 = arith.index_cast %get3A_1275 : i32 to index
        %get3A_1277 = arith.index_cast %add3A_1274 : i32 to index
        %get3A_1278 = arith.constant 16 : index
        %get3A_1279 = tpu.vector_load %arg6[%get3A_1276, %get3A_1277, %get3A_1278] {strides = array<i32>} : memref<4x100x128xf32, #tpu.memory_space<vmem>>, vector<1x1x16xf32>,
        %get3A_1280 = vector.shape_cast %get3A_1279 : vector<1x1x16xf32> to vector<16xf32>
        %add3A_1281 = arith.addf %add3A_1209, %get3A_1280 : vector<16xf32>
        %add3A_1282 = arith.constant 4 : i32
        %add3A_1283 = arith.addi %add3A_976, %add3A_1282 : i32
        %get3A_1284 = arith.constant 0 : i32
        %get3A_1285 = arith.index_cast %get3A_1284 : i32 to index
        %get3A_1286 = arith.index_cast %add3A_1283 : i32 to index
        %get3A_1287 = arith.constant 32 : index
        %get3A_1288 = tpu.vector_load %arg6[%get3A_1285, %get3A_1286, %get3A_1287] {strides = array<i32>} : memref<4x100x128xf32, #tpu.memory_space<vmem>>, vector<1x1x16xf32>,
        %get3A_1289 = vector.shape_cast %get3A_1288 : vector<1x1x16xf32> to vector<16xf32>
        %add3A_1290 = arith.addf %add3A_1218, %get3A_1289 : vector<16xf32>
        %add3A_1291 = arith.constant 4 : i32
        %add3A_1292 = arith.addi %add3A_976, %add3A_1291 : i32
        %get3A_1293 = arith.constant 0 : i32
        %get3A_1294 = arith.index_cast %get3A_1293 : i32 to index
        %get3A_1295 = arith.index_cast %add3A_1292 : i32 to index
        %get3A_1296 = arith.constant 48 : index
        %get3A_1297 = tpu.vector_load %arg6[%get3A_1294, %get3A_1295, %get3A_1296] {strides = array<i32>} : memref<4x100x128xf32, #tpu.memory_space<vmem>>, vector<1x1x16xf32>,
        %get3A_1298 = vector.shape_cast %get3A_1297 : vector<1x1x16xf32> to vector<16xf32>
        %add3A_1299 = arith.addf %add3A_1227, %get3A_1298 : vector<16xf32>
        %add3A_1300 = arith.constant 4 : i32
        %add3A_1301 = arith.addi %add3A_976, %add3A_1300 : i32
        %get3A_1302 = arith.constant 0 : i32
        %get3A_1303 = arith.index_cast %get3A_1302 : i32 to index
        %get3A_1304 = arith.index_cast %add3A_1301 : i32 to index
        %get3A_1305 = arith.constant 64 : index
        %get3A_1306 = tpu.vector_load %arg6[%get3A_1303, %get3A_1304, %get3A_1305] {strides = array<i32>} : memref<4x100x128xf32, #tpu.memory_space<vmem>>, vector<1x1x16xf32>,
        %get3A_1307 = vector.shape_cast %get3A_1306 : vector<1x1x16xf32> to vector<16xf32>
        %add3A_1308 = arith.addf %add3A_1236, %get3A_1307 : vector<16xf32>
        %add3A_1309 = arith.constant 4 : i32
        %add3A_1310 = arith.addi %add3A_976, %add3A_1309 : i32
        %get3A_1311 = arith.constant 0 : i32
        %get3A_1312 = arith.index_cast %get3A_1311 : i32 to index
        %get3A_1313 = arith.index_cast %add3A_1310 : i32 to index
        %get3A_1314 = arith.constant 80 : index
        %get3A_1315 = tpu.vector_load %arg6[%get3A_1312, %get3A_1313, %get3A_1314] {strides = array<i32>} : memref<4x100x128xf32, #tpu.memory_space<vmem>>, vector<1x1x16xf32>,
        %get3A_1316 = vector.shape_cast %get3A_1315 : vector<1x1x16xf32> to vector<16xf32>
        %add3A_1317 = arith.addf %add3A_1245, %get3A_1316 : vector<16xf32>
        %add3A_1318 = arith.constant 4 : i32
        %add3A_1319 = arith.addi %add3A_976, %add3A_1318 : i32
        %get3A_1320 = arith.constant 0 : i32
        %get3A_1321 = arith.index_cast %get3A_1320 : i32 to index
        %get3A_1322 = arith.index_cast %add3A_1319 : i32 to index
        %get3A_1323 = arith.constant 96 : index
        %get3A_1324 = tpu.vector_load %arg6[%get3A_1321, %get3A_1322, %get3A_1323] {strides = array<i32>} : memref<4x100x128xf32, #tpu.memory_space<vmem>>, vector<1x1x16xf32>,
        %get3A_1325 = vector.shape_cast %get3A_1324 : vector<1x1x16xf32> to vector<16xf32>
        %add3A_1326 = arith.addf %add3A_1254, %get3A_1325 : vector<16xf32>
        %add3A_1327 = arith.constant 4 : i32
        %add3A_1328 = arith.addi %add3A_976, %add3A_1327 : i32
        %get3A_1329 = arith.constant 0 : i32
        %get3A_1330 = arith.index_cast %get3A_1329 : i32 to index
        %get3A_1331 = arith.index_cast %add3A_1328 : i32 to index
        %get3A_1332 = arith.constant 112 : index
        %get3A_1333 = tpu.vector_load %arg6[%get3A_1330, %get3A_1331, %get3A_1332] {strides = array<i32>} : memref<4x100x128xf32, #tpu.memory_space<vmem>>, vector<1x1x16xf32>,
        %get3A_1334 = vector.shape_cast %get3A_1333 : vector<1x1x16xf32> to vector<16xf32>
        %add3A_1335 = arith.addf %add3A_1263, %get3A_1334 : vector<16xf32>
        scf.yield %add3A_1272, %add3A_1281, %add3A_1290, %add3A_1299, %add3A_1308, %add3A_1317, %add3A_1326, %add3A_1335 : vector<16xf32>, vector<16xf32>, vector<16xf32>, vector<16xf32>, vector<16xf32>, vector<16xf32>, vector<16xf32>, vector<16xf32>
      }
      %scan3A_228 = arith.constant 10 : i32
      %mul3A_229 = arith.constant 2 : i32
      %mul3A_230 = arith.muli %add3A_114, %mul3A_229 : i32
      %add3A_231 = arith.constant 1 : i32
      %add3A_232 = arith.addi %mul3A_230, %add3A_231 : i32
      %swap3A_233 = arith.index_cast %add3A_232 : i32 to index
      %swap3A_234 = arith.constant 0 : index
      %swap3A_235 = tpu.vector_load %arg7[%swap3A_233, %swap3A_234] {strides = array<i32>} : memref<128x128xf32, #tpu.memory_space<vmem>>, vector<1x16xf32>,
      %swap3A_236 = vector.shape_cast %swap3A_235 : vector<1x16xf32> to vector<16xf32>
      %swap3A_237 = vector.shape_cast %scan3A_227#0 : vector<16xf32> to vector<1x16xf32>
      tpu.vector_store %arg7[%swap3A_233, %swap3A_234], %swap3A_237 {strides = array<i32>} : memref<128x128xf32, #tpu.memory_space<vmem>>, vector<1x16xf32>,
      %mul3A_238 = arith.constant 2 : i32
      %mul3A_239 = arith.muli %add3A_114, %mul3A_238 : i32
      %add3A_240 = arith.constant 1 : i32
      %add3A_241 = arith.addi %mul3A_239, %add3A_240 : i32
      %swap3A_242 = arith.index_cast %add3A_241 : i32 to index
      %swap3A_243 = arith.constant 16 : index
      %swap3A_244 = tpu.vector_load %arg7[%swap3A_242, %swap3A_243] {strides = array<i32>} : memref<128x128xf32, #tpu.memory_space<vmem>>, vector<1x16xf32>,
      %swap3A_245 = vector.shape_cast %swap3A_244 : vector<1x16xf32> to vector<16xf32>
      %swap3A_246 = vector.shape_cast %scan3A_227#1 : vector<16xf32> to vector<1x16xf32>
      tpu.vector_store %arg7[%swap3A_242, %swap3A_243], %swap3A_246 {strides = array<i32>} : memref<128x128xf32, #tpu.memory_space<vmem>>, vector<1x16xf32>,
      %mul3A_247 = arith.constant 2 : i32
      %mul3A_248 = arith.muli %add3A_114, %mul3A_247 : i32
      %add3A_249 = arith.constant 1 : i32
      %add3A_250 = arith.addi %mul3A_248, %add3A_249 : i32
      %swap3A_251 = arith.index_cast %add3A_250 : i32 to index
      %swap3A_252 = arith.constant 32 : index
      %swap3A_253 = tpu.vector_load %arg7[%swap3A_251, %swap3A_252] {strides = array<i32>} : memref<128x128xf32, #tpu.memory_space<vmem>>, vector<1x16xf32>,
      %swap3A_254 = vector.shape_cast %swap3A_253 : vector<1x16xf32> to vector<16xf32>
      %swap3A_255 = vector.shape_cast %scan3A_227#2 : vector<16xf32> to vector<1x16xf32>
      tpu.vector_store %arg7[%swap3A_251, %swap3A_252], %swap3A_255 {strides = array<i32>} : memref<128x128xf32, #tpu.memory_space<vmem>>, vector<1x16xf32>,
      %mul3A_256 = arith.constant 2 : i32
      %mul3A_257 = arith.muli %add3A_114, %mul3A_256 : i32
      %add3A_258 = arith.constant 1 : i32
      %add3A_259 = arith.addi %mul3A_257, %add3A_258 : i32
      %swap3A_260 = arith.index_cast %add3A_259 : i32 to index
      %swap3A_261 = arith.constant 48 : index
      %swap3A_262 = tpu.vector_load %arg7[%swap3A_260, %swap3A_261] {strides = array<i32>} : memref<128x128xf32, #tpu.memory_space<vmem>>, vector<1x16xf32>,
      %swap3A_263 = vector.shape_cast %swap3A_262 : vector<1x16xf32> to vector<16xf32>
      %swap3A_264 = vector.shape_cast %scan3A_227#3 : vector<16xf32> to vector<1x16xf32>
      tpu.vector_store %arg7[%swap3A_260, %swap3A_261], %swap3A_264 {strides = array<i32>} : memref<128x128xf32, #tpu.memory_space<vmem>>, vector<1x16xf32>,
      %mul3A_265 = arith.constant 2 : i32
      %mul3A_266 = arith.muli %add3A_114, %mul3A_265 : i32
      %add3A_267 = arith.constant 1 : i32
      %add3A_268 = arith.addi %mul3A_266, %add3A_267 : i32
      %swap3A_269 = arith.index_cast %add3A_268 : i32 to index
      %swap3A_270 = arith.constant 64 : index
      %swap3A_271 = tpu.vector_load %arg7[%swap3A_269, %swap3A_270] {strides = array<i32>} : memref<128x128xf32, #tpu.memory_space<vmem>>, vector<1x16xf32>,
      %swap3A_272 = vector.shape_cast %swap3A_271 : vector<1x16xf32> to vector<16xf32>
      %swap3A_273 = vector.shape_cast %scan3A_227#4 : vector<16xf32> to vector<1x16xf32>
      tpu.vector_store %arg7[%swap3A_269, %swap3A_270], %swap3A_273 {strides = array<i32>} : memref<128x128xf32, #tpu.memory_space<vmem>>, vector<1x16xf32>,
      %mul3A_274 = arith.constant 2 : i32
      %mul3A_275 = arith.muli %add3A_114, %mul3A_274 : i32
      %add3A_276 = arith.constant 1 : i32
      %add3A_277 = arith.addi %mul3A_275, %add3A_276 : i32
      %swap3A_278 = arith.index_cast %add3A_277 : i32 to index
      %swap3A_279 = arith.constant 80 : index
      %swap3A_280 = tpu.vector_load %arg7[%swap3A_278, %swap3A_279] {strides = array<i32>} : memref<128x128xf32, #tpu.memory_space<vmem>>, vector<1x16xf32>,
      %swap3A_281 = vector.shape_cast %swap3A_280 : vector<1x16xf32> to vector<16xf32>
      %swap3A_282 = vector.shape_cast %scan3A_227#5 : vector<16xf32> to vector<1x16xf32>
      tpu.vector_store %arg7[%swap3A_278, %swap3A_279], %swap3A_282 {strides = array<i32>} : memref<128x128xf32, #tpu.memory_space<vmem>>, vector<1x16xf32>,
      %mul3A_283 = arith.constant 2 : i32
      %mul3A_284 = arith.muli %add3A_114, %mul3A_283 : i32
      %add3A_285 = arith.constant 1 : i32
      %add3A_286 = arith.addi %mul3A_284, %add3A_285 : i32
      %swap3A_287 = arith.index_cast %add3A_286 : i32 to index
      %swap3A_288 = arith.constant 96 : index
      %swap3A_289 = tpu.vector_load %arg7[%swap3A_287, %swap3A_288] {strides = array<i32>} : memref<128x128xf32, #tpu.memory_space<vmem>>, vector<1x16xf32>,
      %swap3A_290 = vector.shape_cast %swap3A_289 : vector<1x16xf32> to vector<16xf32>
      %swap3A_291 = vector.shape_cast %scan3A_227#6 : vector<16xf32> to vector<1x16xf32>
      tpu.vector_store %arg7[%swap3A_287, %swap3A_288], %swap3A_291 {strides = array<i32>} : memref<128x128xf32, #tpu.memory_space<vmem>>, vector<1x16xf32>,
      %mul3A_292 = arith.constant 2 : i32
      %mul3A_293 = arith.muli %add3A_114, %mul3A_292 : i32
      %add3A_294 = arith.constant 1 : i32
      %add3A_295 = arith.addi %mul3A_293, %add3A_294 : i32
      %swap3A_296 = arith.index_cast %add3A_295 : i32 to index
      %swap3A_297 = arith.constant 112 : index
      %swap3A_298 = tpu.vector_load %arg7[%swap3A_296, %swap3A_297] {strides = array<i32>} : memref<128x128xf32, #tpu.memory_space<vmem>>, vector<1x16xf32>,
      %swap3A_299 = vector.shape_cast %swap3A_298 : vector<1x16xf32> to vector<16xf32>
      %swap3A_300 = vector.shape_cast %scan3A_227#7 : vector<16xf32> to vector<1x16xf32>
      tpu.vector_store %arg7[%swap3A_296, %swap3A_297], %swap3A_300 {strides = array<i32>} : memref<128x128xf32, #tpu.memory_space<vmem>>, vector<1x16xf32>,
      %add3A_301 = arith.constant 1 : i32
      %add3A_302 = arith.addi %add3A_83, %add3A_301 : i32
      %add3A_303 = arith.constant 4 : i32
      %add3A_304 = arith.addi %add3A_302, %add3A_303 : i32
      %sub3A_305 = arith.constant 1 : i32
      %sub3A_306 = arith.subi %add3A_304, %sub3A_305 : i32
      %min3A_307 = arith.constant 63 : i32
      %min3A_308 = arith.minsi %sub3A_306, %min3A_307 : i32
      %dma_start3A_309 = arith.constant 0 : i32
      %dma_start3A_310 = arith.constant 0 : i32
      %dma_start3A_311 = arith.constant 0 : i32
      %dma_start3A_312 = tpu.memref_slice %arg6[%dma_start3A_309, %dma_start3A_310, %dma_start3A_311] : memref<4x100x128xf32, #tpu.memory_space<vmem>> -> memref<1x100x128xf32, #tpu.memory_space<vmem>>
      %dma_start3A_313 = tpu.memref_squeeze %dma_start3A_312 : memref<1x100x128xf32, #tpu.memory_space<vmem>> -> memref<100x128xf32, #tpu.memory_space<vmem>>
      %dma_start3A_314 = arith.constant 0 : i32
      %dma_start3A_315 = tpu.memref_slice %arg5[%min3A_308, %dma_start3A_314] : memref<64x100xi32, #tpu.memory_space<vmem>> -> memref<1x100xi32, #tpu.memory_space<vmem>>
      %dma_start3A_316 = tpu.memref_squeeze %dma_start3A_315 : memref<1x100xi32, #tpu.memory_space<vmem>> -> memref<100xi32, #tpu.memory_space<vmem>>
      %dma_start3A_317 = arith.constant 0 : i32
      %dma_start3A_318 = arith.constant 0 : i32
      %dma_start3A_319 = tpu.memref_slice %arg2[%dma_start3A_317, %dma_start3A_318] : memref<100000x128xf32, #tpu.memory_space<hbm>> -> memref<100000x128xf32, #tpu.memory_space<hbm>>
      tpu.enqueue_indirect_dma source(%dma_start3A_319 : memref<100000x128xf32, #tpu.memory_space<hbm>>) target(%dma_start3A_313 : memref<100x128xf32, #tpu.memory_space<vmem>>) offsets(%dma_start3A_316 : memref<100xi32, #tpu.memory_space<vmem>>) semaphore(%arg8 : memref<!tpu.dma_semaphore, #tpu.memory_space<semaphore_mem>>)
      %dma_wait3A_320 = arith.constant 0 : i32
      %dma_wait3A_321 = arith.constant 1 : i32
      %dma_wait3A_322 = arith.constant 0 : i32
      %dma_wait3A_323 = arith.constant 0 : i32
      %dma_wait3A_324 = tpu.memref_slice %arg6[%dma_wait3A_321, %dma_wait3A_322, %dma_wait3A_323] : memref<4x100x128xf32, #tpu.memory_space<vmem>> -> memref<1x100x128xf32, #tpu.memory_space<vmem>>
      %dma_wait3A_325 = tpu.memref_squeeze %dma_wait3A_324 : memref<1x100x128xf32, #tpu.memory_space<vmem>> -> memref<100x128xf32, #tpu.memory_space<vmem>>
      %dma_wait3A_326 = arith.constant 0 : i32
      %dma_wait3A_327 = tpu.memref_slice %arg5[%dma_wait3A_320, %dma_wait3A_326] : memref<64x100xi32, #tpu.memory_space<vmem>> -> memref<1x100xi32, #tpu.memory_space<vmem>>
      %dma_wait3A_328 = tpu.memref_squeeze %dma_wait3A_327 : memref<1x100xi32, #tpu.memory_space<vmem>> -> memref<100xi32, #tpu.memory_space<vmem>>
      %dma_wait3A_329 = arith.constant 0 : i32
      %dma_wait3A_330 = arith.constant 0 : i32
      %dma_wait3A_331 = tpu.memref_slice %arg2[%dma_wait3A_329, %dma_wait3A_330] : memref<100000x128xf32, #tpu.memory_space<hbm>> -> memref<100000x128xf32, #tpu.memory_space<hbm>>
      tpu.wait_indirect_dma semaphore(%arg9 : memref<!tpu.dma_semaphore, #tpu.memory_space<semaphore_mem>>) src(%dma_wait3A_331 : memref<100000x128xf32, #tpu.memory_space<hbm>>) dst(%dma_wait3A_325 : memref<100x128xf32, #tpu.memory_space<vmem>>)
      %add3A_332 = arith.constant 1 : i32
      %add3A_333 = arith.addi %add3A_83, %add3A_332 : i32
      %broadcast_in_dim3A_334 = arith.constant 0.000000e+00 : f32
      %broadcast_in_dim3A_335 = vector.broadcast %broadcast_in_dim3A_334 : f32 to vector<16xf32>
      %broadcast_in_dim3A_336 = arith.constant 0.000000e+00 : f32
      %broadcast_in_dim3A_337 = vector.broadcast %broadcast_in_dim3A_336 : f32 to vector<16xf32>
      %broadcast_in_dim3A_338 = arith.constant 0.000000e+00 : f32
      %broadcast_in_dim3A_339 = vector.broadcast %broadcast_in_dim3A_338 : f32 to vector<16xf32>
      %broadcast_in_dim3A_340 = arith.constant 0.000000e+00 : f32
      %broadcast_in_dim3A_341 = vector.broadcast %broadcast_in_dim3A_340 : f32 to vector<16xf32>
      %broadcast_in_dim3A_342 = arith.constant 0.000000e+00 : f32
      %broadcast_in_dim3A_343 = vector.broadcast %broadcast_in_dim3A_342 : f32 to vector<16xf32>
      %broadcast_in_dim3A_344 = arith.constant 0.000000e+00 : f32
      %broadcast_in_dim3A_345 = vector.broadcast %broadcast_in_dim3A_344 : f32 to vector<16xf32>
      %broadcast_in_dim3A_346 = arith.constant 0.000000e+00 : f32
      %broadcast_in_dim3A_347 = vector.broadcast %broadcast_in_dim3A_346 : f32 to vector<16xf32>
      %broadcast_in_dim3A_348 = arith.constant 0.000000e+00 : f32
      %broadcast_in_dim3A_349 = vector.broadcast %broadcast_in_dim3A_348 : f32 to vector<16xf32>
      %scan3A_350 = arith.constant 0 : i32
      %scan3A_351 = arith.constant 10 : i32
      %scan3A_352 = arith.addi %scan3A_350, %scan3A_351 : i32
      %scan3A_353 = arith.constant 1 : i32
      %scan3A_354:8 = scf.for %scan3A_964 = %scan3A_350 to %scan3A_352 step %scan3A_353 iter_args(%scan3A_965 = %broadcast_in_dim3A_335, %scan3A_966 = %broadcast_in_dim3A_337, %scan3A_967 = %broadcast_in_dim3A_339, %scan3A_968 = %broadcast_in_dim3A_341, %scan3A_969 = %broadcast_in_dim3A_343, %scan3A_970 = %broadcast_in_dim3A_345, %scan3A_971 = %broadcast_in_dim3A_347, %scan3A_972 = %broadcast_in_dim3A_349) -> (vector<16xf32>, vector<16xf32>, vector<16xf32>, vector<16xf32>, vector<16xf32>, vector<16xf32>, vector<16xf32>, vector<16xf32>)  : i32 {
        %mul3A_973 = arith.constant 5 : i32
        %mul3A_974 = arith.muli %scan3A_964, %mul3A_973 : i32
        %add3A_975 = arith.constant 0 : i32
        %add3A_976 = arith.addi %add3A_975, %mul3A_974 : i32
        %add3A_977 = arith.constant 0 : i32
        %add3A_978 = arith.addi %add3A_976, %add3A_977 : i32
        %get3A = arith.constant 1 : i32
        %get3A_979 = arith.index_cast %get3A : i32 to index
        %get3A_980 = arith.index_cast %add3A_978 : i32 to index
        %get3A_981 = arith.constant 0 : index
        %get3A_982 = tpu.vector_load %arg6[%get3A_979, %get3A_980, %get3A_981] {strides = array<i32>} : memref<4x100x128xf32, #tpu.memory_space<vmem>>, vector<1x1x16xf32>,
        %get3A_983 = vector.shape_cast %get3A_982 : vector<1x1x16xf32> to vector<16xf32>
        %add3A_984 = arith.addf %scan3A_965, %get3A_983 : vector<16xf32>
        %add3A_985 = arith.constant 0 : i32
        %add3A_986 = arith.addi %add3A_976, %add3A_985 : i32
        %get3A_987 = arith.constant 1 : i32
        %get3A_988 = arith.index_cast %get3A_987 : i32 to index
        %get3A_989 = arith.index_cast %add3A_986 : i32 to index
        %get3A_990 = arith.constant 16 : index
        %get3A_991 = tpu.vector_load %arg6[%get3A_988, %get3A_989, %get3A_990] {strides = array<i32>} : memref<4x100x128xf32, #tpu.memory_space<vmem>>, vector<1x1x16xf32>,
        %get3A_992 = vector.shape_cast %get3A_991 : vector<1x1x16xf32> to vector<16xf32>
        %add3A_993 = arith.addf %scan3A_966, %get3A_992 : vector<16xf32>
        %add3A_994 = arith.constant 0 : i32
        %add3A_995 = arith.addi %add3A_976, %add3A_994 : i32
        %get3A_996 = arith.constant 1 : i32
        %get3A_997 = arith.index_cast %get3A_996 : i32 to index
        %get3A_998 = arith.index_cast %add3A_995 : i32 to index
        %get3A_999 = arith.constant 32 : index
        %get3A_1000 = tpu.vector_load %arg6[%get3A_997, %get3A_998, %get3A_999] {strides = array<i32>} : memref<4x100x128xf32, #tpu.memory_space<vmem>>, vector<1x1x16xf32>,
        %get3A_1001 = vector.shape_cast %get3A_1000 : vector<1x1x16xf32> to vector<16xf32>
        %add3A_1002 = arith.addf %scan3A_967, %get3A_1001 : vector<16xf32>
        %add3A_1003 = arith.constant 0 : i32
        %add3A_1004 = arith.addi %add3A_976, %add3A_1003 : i32
        %get3A_1005 = arith.constant 1 : i32
        %get3A_1006 = arith.index_cast %get3A_1005 : i32 to index
        %get3A_1007 = arith.index_cast %add3A_1004 : i32 to index
        %get3A_1008 = arith.constant 48 : index
        %get3A_1009 = tpu.vector_load %arg6[%get3A_1006, %get3A_1007, %get3A_1008] {strides = array<i32>} : memref<4x100x128xf32, #tpu.memory_space<vmem>>, vector<1x1x16xf32>,
        %get3A_1010 = vector.shape_cast %get3A_1009 : vector<1x1x16xf32> to vector<16xf32>
        %add3A_1011 = arith.addf %scan3A_968, %get3A_1010 : vector<16xf32>
        %add3A_1012 = arith.constant 0 : i32
        %add3A_1013 = arith.addi %add3A_976, %add3A_1012 : i32
        %get3A_1014 = arith.constant 1 : i32
        %get3A_1015 = arith.index_cast %get3A_1014 : i32 to index
        %get3A_1016 = arith.index_cast %add3A_1013 : i32 to index
        %get3A_1017 = arith.constant 64 : index
        %get3A_1018 = tpu.vector_load %arg6[%get3A_1015, %get3A_1016, %get3A_1017] {strides = array<i32>} : memref<4x100x128xf32, #tpu.memory_space<vmem>>, vector<1x1x16xf32>,
        %get3A_1019 = vector.shape_cast %get3A_1018 : vector<1x1x16xf32> to vector<16xf32>
        %add3A_1020 = arith.addf %scan3A_969, %get3A_1019 : vector<16xf32>
        %add3A_1021 = arith.constant 0 : i32
        %add3A_1022 = arith.addi %add3A_976, %add3A_1021 : i32
        %get3A_1023 = arith.constant 1 : i32
        %get3A_1024 = arith.index_cast %get3A_1023 : i32 to index
        %get3A_1025 = arith.index_cast %add3A_1022 : i32 to index
        %get3A_1026 = arith.constant 80 : index
        %get3A_1027 = tpu.vector_load %arg6[%get3A_1024, %get3A_1025, %get3A_1026] {strides = array<i32>} : memref<4x100x128xf32, #tpu.memory_space<vmem>>, vector<1x1x16xf32>,
        %get3A_1028 = vector.shape_cast %get3A_1027 : vector<1x1x16xf32> to vector<16xf32>
        %add3A_1029 = arith.addf %scan3A_970, %get3A_1028 : vector<16xf32>
        %add3A_1030 = arith.constant 0 : i32
        %add3A_1031 = arith.addi %add3A_976, %add3A_1030 : i32
        %get3A_1032 = arith.constant 1 : i32
        %get3A_1033 = arith.index_cast %get3A_1032 : i32 to index
        %get3A_1034 = arith.index_cast %add3A_1031 : i32 to index
        %get3A_1035 = arith.constant 96 : index
        %get3A_1036 = tpu.vector_load %arg6[%get3A_1033, %get3A_1034, %get3A_1035] {strides = array<i32>} : memref<4x100x128xf32, #tpu.memory_space<vmem>>, vector<1x1x16xf32>,
        %get3A_1037 = vector.shape_cast %get3A_1036 : vector<1x1x16xf32> to vector<16xf32>
        %add3A_1038 = arith.addf %scan3A_971, %get3A_1037 : vector<16xf32>
        %add3A_1039 = arith.constant 0 : i32
        %add3A_1040 = arith.addi %add3A_976, %add3A_1039 : i32
        %get3A_1041 = arith.constant 1 : i32
        %get3A_1042 = arith.index_cast %get3A_1041 : i32 to index
        %get3A_1043 = arith.index_cast %add3A_1040 : i32 to index
        %get3A_1044 = arith.constant 112 : index
        %get3A_1045 = tpu.vector_load %arg6[%get3A_1042, %get3A_1043, %get3A_1044] {strides = array<i32>} : memref<4x100x128xf32, #tpu.memory_space<vmem>>, vector<1x1x16xf32>,
        %get3A_1046 = vector.shape_cast %get3A_1045 : vector<1x1x16xf32> to vector<16xf32>
        %add3A_1047 = arith.addf %scan3A_972, %get3A_1046 : vector<16xf32>
        %add3A_1048 = arith.constant 1 : i32
        %add3A_1049 = arith.addi %add3A_976, %add3A_1048 : i32
        %get3A_1050 = arith.constant 1 : i32
        %get3A_1051 = arith.index_cast %get3A_1050 : i32 to index
        %get3A_1052 = arith.index_cast %add3A_1049 : i32 to index
        %get3A_1053 = arith.constant 0 : index
        %get3A_1054 = tpu.vector_load %arg6[%get3A_1051, %get3A_1052, %get3A_1053] {strides = array<i32>} : memref<4x100x128xf32, #tpu.memory_space<vmem>>, vector<1x1x16xf32>,
        %get3A_1055 = vector.shape_cast %get3A_1054 : vector<1x1x16xf32> to vector<16xf32>
        %add3A_1056 = arith.addf %add3A_984, %get3A_1055 : vector<16xf32>
        %add3A_1057 = arith.constant 1 : i32
        %add3A_1058 = arith.addi %add3A_976, %add3A_1057 : i32
        %get3A_1059 = arith.constant 1 : i32
        %get3A_1060 = arith.index_cast %get3A_1059 : i32 to index
        %get3A_1061 = arith.index_cast %add3A_1058 : i32 to index
        %get3A_1062 = arith.constant 16 : index
        %get3A_1063 = tpu.vector_load %arg6[%get3A_1060, %get3A_1061, %get3A_1062] {strides = array<i32>} : memref<4x100x128xf32, #tpu.memory_space<vmem>>, vector<1x1x16xf32>,
        %get3A_1064 = vector.shape_cast %get3A_1063 : vector<1x1x16xf32> to vector<16xf32>
        %add3A_1065 = arith.addf %add3A_993, %get3A_1064 : vector<16xf32>
        %add3A_1066 = arith.constant 1 : i32
        %add3A_1067 = arith.addi %add3A_976, %add3A_1066 : i32
        %get3A_1068 = arith.constant 1 : i32
        %get3A_1069 = arith.index_cast %get3A_1068 : i32 to index
        %get3A_1070 = arith.index_cast %add3A_1067 : i32 to index
        %get3A_1071 = arith.constant 32 : index
        %get3A_1072 = tpu.vector_load %arg6[%get3A_1069, %get3A_1070, %get3A_1071] {strides = array<i32>} : memref<4x100x128xf32, #tpu.memory_space<vmem>>, vector<1x1x16xf32>,
        %get3A_1073 = vector.shape_cast %get3A_1072 : vector<1x1x16xf32> to vector<16xf32>
        %add3A_1074 = arith.addf %add3A_1002, %get3A_1073 : vector<16xf32>
        %add3A_1075 = arith.constant 1 : i32
        %add3A_1076 = arith.addi %add3A_976, %add3A_1075 : i32
        %get3A_1077 = arith.constant 1 : i32
        %get3A_1078 = arith.index_cast %get3A_1077 : i32 to index
        %get3A_1079 = arith.index_cast %add3A_1076 : i32 to index
        %get3A_1080 = arith.constant 48 : index
        %get3A_1081 = tpu.vector_load %arg6[%get3A_1078, %get3A_1079, %get3A_1080] {strides = array<i32>} : memref<4x100x128xf32, #tpu.memory_space<vmem>>, vector<1x1x16xf32>,
        %get3A_1082 = vector.shape_cast %get3A_1081 : vector<1x1x16xf32> to vector<16xf32>
        %add3A_1083 = arith.addf %add3A_1011, %get3A_1082 : vector<16xf32>
        %add3A_1084 = arith.constant 1 : i32
        %add3A_1085 = arith.addi %add3A_976, %add3A_1084 : i32
        %get3A_1086 = arith.constant 1 : i32
        %get3A_1087 = arith.index_cast %get3A_1086 : i32 to index
        %get3A_1088 = arith.index_cast %add3A_1085 : i32 to index
        %get3A_1089 = arith.constant 64 : index
        %get3A_1090 = tpu.vector_load %arg6[%get3A_1087, %get3A_1088, %get3A_1089] {strides = array<i32>} : memref<4x100x128xf32, #tpu.memory_space<vmem>>, vector<1x1x16xf32>,
        %get3A_1091 = vector.shape_cast %get3A_1090 : vector<1x1x16xf32> to vector<16xf32>
        %add3A_1092 = arith.addf %add3A_1020, %get3A_1091 : vector<16xf32>
        %add3A_1093 = arith.constant 1 : i32
        %add3A_1094 = arith.addi %add3A_976, %add3A_1093 : i32
        %get3A_1095 = arith.constant 1 : i32
        %get3A_1096 = arith.index_cast %get3A_1095 : i32 to index
        %get3A_1097 = arith.index_cast %add3A_1094 : i32 to index
        %get3A_1098 = arith.constant 80 : index
        %get3A_1099 = tpu.vector_load %arg6[%get3A_1096, %get3A_1097, %get3A_1098] {strides = array<i32>} : memref<4x100x128xf32, #tpu.memory_space<vmem>>, vector<1x1x16xf32>,
        %get3A_1100 = vector.shape_cast %get3A_1099 : vector<1x1x16xf32> to vector<16xf32>
        %add3A_1101 = arith.addf %add3A_1029, %get3A_1100 : vector<16xf32>
        %add3A_1102 = arith.constant 1 : i32
        %add3A_1103 = arith.addi %add3A_976, %add3A_1102 : i32
        %get3A_1104 = arith.constant 1 : i32
        %get3A_1105 = arith.index_cast %get3A_1104 : i32 to index
        %get3A_1106 = arith.index_cast %add3A_1103 : i32 to index
        %get3A_1107 = arith.constant 96 : index
        %get3A_1108 = tpu.vector_load %arg6[%get3A_1105, %get3A_1106, %get3A_1107] {strides = array<i32>} : memref<4x100x128xf32, #tpu.memory_space<vmem>>, vector<1x1x16xf32>,
        %get3A_1109 = vector.shape_cast %get3A_1108 : vector<1x1x16xf32> to vector<16xf32>
        %add3A_1110 = arith.addf %add3A_1038, %get3A_1109 : vector<16xf32>
        %add3A_1111 = arith.constant 1 : i32
        %add3A_1112 = arith.addi %add3A_976, %add3A_1111 : i32
        %get3A_1113 = arith.constant 1 : i32
        %get3A_1114 = arith.index_cast %get3A_1113 : i32 to index
        %get3A_1115 = arith.index_cast %add3A_1112 : i32 to index
        %get3A_1116 = arith.constant 112 : index
        %get3A_1117 = tpu.vector_load %arg6[%get3A_1114, %get3A_1115, %get3A_1116] {strides = array<i32>} : memref<4x100x128xf32, #tpu.memory_space<vmem>>, vector<1x1x16xf32>,
        %get3A_1118 = vector.shape_cast %get3A_1117 : vector<1x1x16xf32> to vector<16xf32>
        %add3A_1119 = arith.addf %add3A_1047, %get3A_1118 : vector<16xf32>
        %add3A_1120 = arith.constant 2 : i32
        %add3A_1121 = arith.addi %add3A_976, %add3A_1120 : i32
        %get3A_1122 = arith.constant 1 : i32
        %get3A_1123 = arith.index_cast %get3A_1122 : i32 to index
        %get3A_1124 = arith.index_cast %add3A_1121 : i32 to index
        %get3A_1125 = arith.constant 0 : index
        %get3A_1126 = tpu.vector_load %arg6[%get3A_1123, %get3A_1124, %get3A_1125] {strides = array<i32>} : memref<4x100x128xf32, #tpu.memory_space<vmem>>, vector<1x1x16xf32>,
        %get3A_1127 = vector.shape_cast %get3A_1126 : vector<1x1x16xf32> to vector<16xf32>
        %add3A_1128 = arith.addf %add3A_1056, %get3A_1127 : vector<16xf32>
        %add3A_1129 = arith.constant 2 : i32
        %add3A_1130 = arith.addi %add3A_976, %add3A_1129 : i32
        %get3A_1131 = arith.constant 1 : i32
        %get3A_1132 = arith.index_cast %get3A_1131 : i32 to index
        %get3A_1133 = arith.index_cast %add3A_1130 : i32 to index
        %get3A_1134 = arith.constant 16 : index
        %get3A_1135 = tpu.vector_load %arg6[%get3A_1132, %get3A_1133, %get3A_1134] {strides = array<i32>} : memref<4x100x128xf32, #tpu.memory_space<vmem>>, vector<1x1x16xf32>,
        %get3A_1136 = vector.shape_cast %get3A_1135 : vector<1x1x16xf32> to vector<16xf32>
        %add3A_1137 = arith.addf %add3A_1065, %get3A_1136 : vector<16xf32>
        %add3A_1138 = arith.constant 2 : i32
        %add3A_1139 = arith.addi %add3A_976, %add3A_1138 : i32
        %get3A_1140 = arith.constant 1 : i32
        %get3A_1141 = arith.index_cast %get3A_1140 : i32 to index
        %get3A_1142 = arith.index_cast %add3A_1139 : i32 to index
        %get3A_1143 = arith.constant 32 : index
        %get3A_1144 = tpu.vector_load %arg6[%get3A_1141, %get3A_1142, %get3A_1143] {strides = array<i32>} : memref<4x100x128xf32, #tpu.memory_space<vmem>>, vector<1x1x16xf32>,
        %get3A_1145 = vector.shape_cast %get3A_1144 : vector<1x1x16xf32> to vector<16xf32>
        %add3A_1146 = arith.addf %add3A_1074, %get3A_1145 : vector<16xf32>
        %add3A_1147 = arith.constant 2 : i32
        %add3A_1148 = arith.addi %add3A_976, %add3A_1147 : i32
        %get3A_1149 = arith.constant 1 : i32
        %get3A_1150 = arith.index_cast %get3A_1149 : i32 to index
        %get3A_1151 = arith.index_cast %add3A_1148 : i32 to index
        %get3A_1152 = arith.constant 48 : index
        %get3A_1153 = tpu.vector_load %arg6[%get3A_1150, %get3A_1151, %get3A_1152] {strides = array<i32>} : memref<4x100x128xf32, #tpu.memory_space<vmem>>, vector<1x1x16xf32>,
        %get3A_1154 = vector.shape_cast %get3A_1153 : vector<1x1x16xf32> to vector<16xf32>
        %add3A_1155 = arith.addf %add3A_1083, %get3A_1154 : vector<16xf32>
        %add3A_1156 = arith.constant 2 : i32
        %add3A_1157 = arith.addi %add3A_976, %add3A_1156 : i32
        %get3A_1158 = arith.constant 1 : i32
        %get3A_1159 = arith.index_cast %get3A_1158 : i32 to index
        %get3A_1160 = arith.index_cast %add3A_1157 : i32 to index
        %get3A_1161 = arith.constant 64 : index
        %get3A_1162 = tpu.vector_load %arg6[%get3A_1159, %get3A_1160, %get3A_1161] {strides = array<i32>} : memref<4x100x128xf32, #tpu.memory_space<vmem>>, vector<1x1x16xf32>,
        %get3A_1163 = vector.shape_cast %get3A_1162 : vector<1x1x16xf32> to vector<16xf32>
        %add3A_1164 = arith.addf %add3A_1092, %get3A_1163 : vector<16xf32>
        %add3A_1165 = arith.constant 2 : i32
        %add3A_1166 = arith.addi %add3A_976, %add3A_1165 : i32
        %get3A_1167 = arith.constant 1 : i32
        %get3A_1168 = arith.index_cast %get3A_1167 : i32 to index
        %get3A_1169 = arith.index_cast %add3A_1166 : i32 to index
        %get3A_1170 = arith.constant 80 : index
        %get3A_1171 = tpu.vector_load %arg6[%get3A_1168, %get3A_1169, %get3A_1170] {strides = array<i32>} : memref<4x100x128xf32, #tpu.memory_space<vmem>>, vector<1x1x16xf32>,
        %get3A_1172 = vector.shape_cast %get3A_1171 : vector<1x1x16xf32> to vector<16xf32>
        %add3A_1173 = arith.addf %add3A_1101, %get3A_1172 : vector<16xf32>
        %add3A_1174 = arith.constant 2 : i32
        %add3A_1175 = arith.addi %add3A_976, %add3A_1174 : i32
        %get3A_1176 = arith.constant 1 : i32
        %get3A_1177 = arith.index_cast %get3A_1176 : i32 to index
        %get3A_1178 = arith.index_cast %add3A_1175 : i32 to index
        %get3A_1179 = arith.constant 96 : index
        %get3A_1180 = tpu.vector_load %arg6[%get3A_1177, %get3A_1178, %get3A_1179] {strides = array<i32>} : memref<4x100x128xf32, #tpu.memory_space<vmem>>, vector<1x1x16xf32>,
        %get3A_1181 = vector.shape_cast %get3A_1180 : vector<1x1x16xf32> to vector<16xf32>
        %add3A_1182 = arith.addf %add3A_1110, %get3A_1181 : vector<16xf32>
        %add3A_1183 = arith.constant 2 : i32
        %add3A_1184 = arith.addi %add3A_976, %add3A_1183 : i32
        %get3A_1185 = arith.constant 1 : i32
        %get3A_1186 = arith.index_cast %get3A_1185 : i32 to index
        %get3A_1187 = arith.index_cast %add3A_1184 : i32 to index
        %get3A_1188 = arith.constant 112 : index
        %get3A_1189 = tpu.vector_load %arg6[%get3A_1186, %get3A_1187, %get3A_1188] {strides = array<i32>} : memref<4x100x128xf32, #tpu.memory_space<vmem>>, vector<1x1x16xf32>,
        %get3A_1190 = vector.shape_cast %get3A_1189 : vector<1x1x16xf32> to vector<16xf32>
        %add3A_1191 = arith.addf %add3A_1119, %get3A_1190 : vector<16xf32>
        %add3A_1192 = arith.constant 3 : i32
        %add3A_1193 = arith.addi %add3A_976, %add3A_1192 : i32
        %get3A_1194 = arith.constant 1 : i32
        %get3A_1195 = arith.index_cast %get3A_1194 : i32 to index
        %get3A_1196 = arith.index_cast %add3A_1193 : i32 to index
        %get3A_1197 = arith.constant 0 : index
        %get3A_1198 = tpu.vector_load %arg6[%get3A_1195, %get3A_1196, %get3A_1197] {strides = array<i32>} : memref<4x100x128xf32, #tpu.memory_space<vmem>>, vector<1x1x16xf32>,
        %get3A_1199 = vector.shape_cast %get3A_1198 : vector<1x1x16xf32> to vector<16xf32>
        %add3A_1200 = arith.addf %add3A_1128, %get3A_1199 : vector<16xf32>
        %add3A_1201 = arith.constant 3 : i32
        %add3A_1202 = arith.addi %add3A_976, %add3A_1201 : i32
        %get3A_1203 = arith.constant 1 : i32
        %get3A_1204 = arith.index_cast %get3A_1203 : i32 to index
        %get3A_1205 = arith.index_cast %add3A_1202 : i32 to index
        %get3A_1206 = arith.constant 16 : index
        %get3A_1207 = tpu.vector_load %arg6[%get3A_1204, %get3A_1205, %get3A_1206] {strides = array<i32>} : memref<4x100x128xf32, #tpu.memory_space<vmem>>, vector<1x1x16xf32>,
        %get3A_1208 = vector.shape_cast %get3A_1207 : vector<1x1x16xf32> to vector<16xf32>
        %add3A_1209 = arith.addf %add3A_1137, %get3A_1208 : vector<16xf32>
        %add3A_1210 = arith.constant 3 : i32
        %add3A_1211 = arith.addi %add3A_976, %add3A_1210 : i32
        %get3A_1212 = arith.constant 1 : i32
        %get3A_1213 = arith.index_cast %get3A_1212 : i32 to index
        %get3A_1214 = arith.index_cast %add3A_1211 : i32 to index
        %get3A_1215 = arith.constant 32 : index
        %get3A_1216 = tpu.vector_load %arg6[%get3A_1213, %get3A_1214, %get3A_1215] {strides = array<i32>} : memref<4x100x128xf32, #tpu.memory_space<vmem>>, vector<1x1x16xf32>,
        %get3A_1217 = vector.shape_cast %get3A_1216 : vector<1x1x16xf32> to vector<16xf32>
        %add3A_1218 = arith.addf %add3A_1146, %get3A_1217 : vector<16xf32>
        %add3A_1219 = arith.constant 3 : i32
        %add3A_1220 = arith.addi %add3A_976, %add3A_1219 : i32
        %get3A_1221 = arith.constant 1 : i32
        %get3A_1222 = arith.index_cast %get3A_1221 : i32 to index
        %get3A_1223 = arith.index_cast %add3A_1220 : i32 to index
        %get3A_1224 = arith.constant 48 : index
        %get3A_1225 = tpu.vector_load %arg6[%get3A_1222, %get3A_1223, %get3A_1224] {strides = array<i32>} : memref<4x100x128xf32, #tpu.memory_space<vmem>>, vector<1x1x16xf32>,
        %get3A_1226 = vector.shape_cast %get3A_1225 : vector<1x1x16xf32> to vector<16xf32>
        %add3A_1227 = arith.addf %add3A_1155, %get3A_1226 : vector<16xf32>
        %add3A_1228 = arith.constant 3 : i32
        %add3A_1229 = arith.addi %add3A_976, %add3A_1228 : i32
        %get3A_1230 = arith.constant 1 : i32
        %get3A_1231 = arith.index_cast %get3A_1230 : i32 to index
        %get3A_1232 = arith.index_cast %add3A_1229 : i32 to index
        %get3A_1233 = arith.constant 64 : index
        %get3A_1234 = tpu.vector_load %arg6[%get3A_1231, %get3A_1232, %get3A_1233] {strides = array<i32>} : memref<4x100x128xf32, #tpu.memory_space<vmem>>, vector<1x1x16xf32>,
        %get3A_1235 = vector.shape_cast %get3A_1234 : vector<1x1x16xf32> to vector<16xf32>
        %add3A_1236 = arith.addf %add3A_1164, %get3A_1235 : vector<16xf32>
        %add3A_1237 = arith.constant 3 : i32
        %add3A_1238 = arith.addi %add3A_976, %add3A_1237 : i32
        %get3A_1239 = arith.constant 1 : i32
        %get3A_1240 = arith.index_cast %get3A_1239 : i32 to index
        %get3A_1241 = arith.index_cast %add3A_1238 : i32 to index
        %get3A_1242 = arith.constant 80 : index
        %get3A_1243 = tpu.vector_load %arg6[%get3A_1240, %get3A_1241, %get3A_1242] {strides = array<i32>} : memref<4x100x128xf32, #tpu.memory_space<vmem>>, vector<1x1x16xf32>,
        %get3A_1244 = vector.shape_cast %get3A_1243 : vector<1x1x16xf32> to vector<16xf32>
        %add3A_1245 = arith.addf %add3A_1173, %get3A_1244 : vector<16xf32>
        %add3A_1246 = arith.constant 3 : i32
        %add3A_1247 = arith.addi %add3A_976, %add3A_1246 : i32
        %get3A_1248 = arith.constant 1 : i32
        %get3A_1249 = arith.index_cast %get3A_1248 : i32 to index
        %get3A_1250 = arith.index_cast %add3A_1247 : i32 to index
        %get3A_1251 = arith.constant 96 : index
        %get3A_1252 = tpu.vector_load %arg6[%get3A_1249, %get3A_1250, %get3A_1251] {strides = array<i32>} : memref<4x100x128xf32, #tpu.memory_space<vmem>>, vector<1x1x16xf32>,
        %get3A_1253 = vector.shape_cast %get3A_1252 : vector<1x1x16xf32> to vector<16xf32>
        %add3A_1254 = arith.addf %add3A_1182, %get3A_1253 : vector<16xf32>
        %add3A_1255 = arith.constant 3 : i32
        %add3A_1256 = arith.addi %add3A_976, %add3A_1255 : i32
        %get3A_1257 = arith.constant 1 : i32
        %get3A_1258 = arith.index_cast %get3A_1257 : i32 to index
        %get3A_1259 = arith.index_cast %add3A_1256 : i32 to index
        %get3A_1260 = arith.constant 112 : index
        %get3A_1261 = tpu.vector_load %arg6[%get3A_1258, %get3A_1259, %get3A_1260] {strides = array<i32>} : memref<4x100x128xf32, #tpu.memory_space<vmem>>, vector<1x1x16xf32>,
        %get3A_1262 = vector.shape_cast %get3A_1261 : vector<1x1x16xf32> to vector<16xf32>
        %add3A_1263 = arith.addf %add3A_1191, %get3A_1262 : vector<16xf32>
        %add3A_1264 = arith.constant 4 : i32
        %add3A_1265 = arith.addi %add3A_976, %add3A_1264 : i32
        %get3A_1266 = arith.constant 1 : i32
        %get3A_1267 = arith.index_cast %get3A_1266 : i32 to index
        %get3A_1268 = arith.index_cast %add3A_1265 : i32 to index
        %get3A_1269 = arith.constant 0 : index
        %get3A_1270 = tpu.vector_load %arg6[%get3A_1267, %get3A_1268, %get3A_1269] {strides = array<i32>} : memref<4x100x128xf32, #tpu.memory_space<vmem>>, vector<1x1x16xf32>,
        %get3A_1271 = vector.shape_cast %get3A_1270 : vector<1x1x16xf32> to vector<16xf32>
        %add3A_1272 = arith.addf %add3A_1200, %get3A_1271 : vector<16xf32>
        %add3A_1273 = arith.constant 4 : i32
        %add3A_1274 = arith.addi %add3A_976, %add3A_1273 : i32
        %get3A_1275 = arith.constant 1 : i32
        %get3A_1276 = arith.index_cast %get3A_1275 : i32 to index
        %get3A_1277 = arith.index_cast %add3A_1274 : i32 to index
        %get3A_1278 = arith.constant 16 : index
        %get3A_1279 = tpu.vector_load %arg6[%get3A_1276, %get3A_1277, %get3A_1278] {strides = array<i32>} : memref<4x100x128xf32, #tpu.memory_space<vmem>>, vector<1x1x16xf32>,
        %get3A_1280 = vector.shape_cast %get3A_1279 : vector<1x1x16xf32> to vector<16xf32>
        %add3A_1281 = arith.addf %add3A_1209, %get3A_1280 : vector<16xf32>
        %add3A_1282 = arith.constant 4 : i32
        %add3A_1283 = arith.addi %add3A_976, %add3A_1282 : i32
        %get3A_1284 = arith.constant 1 : i32
        %get3A_1285 = arith.index_cast %get3A_1284 : i32 to index
        %get3A_1286 = arith.index_cast %add3A_1283 : i32 to index
        %get3A_1287 = arith.constant 32 : index
        %get3A_1288 = tpu.vector_load %arg6[%get3A_1285, %get3A_1286, %get3A_1287] {strides = array<i32>} : memref<4x100x128xf32, #tpu.memory_space<vmem>>, vector<1x1x16xf32>,
        %get3A_1289 = vector.shape_cast %get3A_1288 : vector<1x1x16xf32> to vector<16xf32>
        %add3A_1290 = arith.addf %add3A_1218, %get3A_1289 : vector<16xf32>
        %add3A_1291 = arith.constant 4 : i32
        %add3A_1292 = arith.addi %add3A_976, %add3A_1291 : i32
        %get3A_1293 = arith.constant 1 : i32
        %get3A_1294 = arith.index_cast %get3A_1293 : i32 to index
        %get3A_1295 = arith.index_cast %add3A_1292 : i32 to index
        %get3A_1296 = arith.constant 48 : index
        %get3A_1297 = tpu.vector_load %arg6[%get3A_1294, %get3A_1295, %get3A_1296] {strides = array<i32>} : memref<4x100x128xf32, #tpu.memory_space<vmem>>, vector<1x1x16xf32>,
        %get3A_1298 = vector.shape_cast %get3A_1297 : vector<1x1x16xf32> to vector<16xf32>
        %add3A_1299 = arith.addf %add3A_1227, %get3A_1298 : vector<16xf32>
        %add3A_1300 = arith.constant 4 : i32
        %add3A_1301 = arith.addi %add3A_976, %add3A_1300 : i32
        %get3A_1302 = arith.constant 1 : i32
        %get3A_1303 = arith.index_cast %get3A_1302 : i32 to index
        %get3A_1304 = arith.index_cast %add3A_1301 : i32 to index
        %get3A_1305 = arith.constant 64 : index
        %get3A_1306 = tpu.vector_load %arg6[%get3A_1303, %get3A_1304, %get3A_1305] {strides = array<i32>} : memref<4x100x128xf32, #tpu.memory_space<vmem>>, vector<1x1x16xf32>,
        %get3A_1307 = vector.shape_cast %get3A_1306 : vector<1x1x16xf32> to vector<16xf32>
        %add3A_1308 = arith.addf %add3A_1236, %get3A_1307 : vector<16xf32>
        %add3A_1309 = arith.constant 4 : i32
        %add3A_1310 = arith.addi %add3A_976, %add3A_1309 : i32
        %get3A_1311 = arith.constant 1 : i32
        %get3A_1312 = arith.index_cast %get3A_1311 : i32 to index
        %get3A_1313 = arith.index_cast %add3A_1310 : i32 to index
        %get3A_1314 = arith.constant 80 : index
        %get3A_1315 = tpu.vector_load %arg6[%get3A_1312, %get3A_1313, %get3A_1314] {strides = array<i32>} : memref<4x100x128xf32, #tpu.memory_space<vmem>>, vector<1x1x16xf32>,
        %get3A_1316 = vector.shape_cast %get3A_1315 : vector<1x1x16xf32> to vector<16xf32>
        %add3A_1317 = arith.addf %add3A_1245, %get3A_1316 : vector<16xf32>
        %add3A_1318 = arith.constant 4 : i32
        %add3A_1319 = arith.addi %add3A_976, %add3A_1318 : i32
        %get3A_1320 = arith.constant 1 : i32
        %get3A_1321 = arith.index_cast %get3A_1320 : i32 to index
        %get3A_1322 = arith.index_cast %add3A_1319 : i32 to index
        %get3A_1323 = arith.constant 96 : index
        %get3A_1324 = tpu.vector_load %arg6[%get3A_1321, %get3A_1322, %get3A_1323] {strides = array<i32>} : memref<4x100x128xf32, #tpu.memory_space<vmem>>, vector<1x1x16xf32>,
        %get3A_1325 = vector.shape_cast %get3A_1324 : vector<1x1x16xf32> to vector<16xf32>
        %add3A_1326 = arith.addf %add3A_1254, %get3A_1325 : vector<16xf32>
        %add3A_1327 = arith.constant 4 : i32
        %add3A_1328 = arith.addi %add3A_976, %add3A_1327 : i32
        %get3A_1329 = arith.constant 1 : i32
        %get3A_1330 = arith.index_cast %get3A_1329 : i32 to index
        %get3A_1331 = arith.index_cast %add3A_1328 : i32 to index
        %get3A_1332 = arith.constant 112 : index
        %get3A_1333 = tpu.vector_load %arg6[%get3A_1330, %get3A_1331, %get3A_1332] {strides = array<i32>} : memref<4x100x128xf32, #tpu.memory_space<vmem>>, vector<1x1x16xf32>,
        %get3A_1334 = vector.shape_cast %get3A_1333 : vector<1x1x16xf32> to vector<16xf32>
        %add3A_1335 = arith.addf %add3A_1263, %get3A_1334 : vector<16xf32>
        scf.yield %add3A_1272, %add3A_1281, %add3A_1290, %add3A_1299, %add3A_1308, %add3A_1317, %add3A_1326, %add3A_1335 : vector<16xf32>, vector<16xf32>, vector<16xf32>, vector<16xf32>, vector<16xf32>, vector<16xf32>, vector<16xf32>, vector<16xf32>
      }
      %scan3A_355 = arith.constant 10 : i32
      %mul3A_356 = arith.constant 2 : i32
      %mul3A_357 = arith.muli %add3A_333, %mul3A_356 : i32
      %add3A_358 = arith.constant 0 : i32
      %add3A_359 = arith.addi %mul3A_357, %add3A_358 : i32
      %swap3A_360 = arith.index_cast %add3A_359 : i32 to index
      %swap3A_361 = arith.constant 0 : index
      %swap3A_362 = tpu.vector_load %arg7[%swap3A_360, %swap3A_361] {strides = array<i32>} : memref<128x128xf32, #tpu.memory_space<vmem>>, vector<1x16xf32>,
      %swap3A_363 = vector.shape_cast %swap3A_362 : vector<1x16xf32> to vector<16xf32>
      %swap3A_364 = vector.shape_cast %scan3A_354#0 : vector<16xf32> to vector<1x16xf32>
      tpu.vector_store %arg7[%swap3A_360, %swap3A_361], %swap3A_364 {strides = array<i32>} : memref<128x128xf32, #tpu.memory_space<vmem>>, vector<1x16xf32>,
      %mul3A_365 = arith.constant 2 : i32
      %mul3A_366 = arith.muli %add3A_333, %mul3A_365 : i32
      %add3A_367 = arith.constant 0 : i32
      %add3A_368 = arith.addi %mul3A_366, %add3A_367 : i32
      %swap3A_369 = arith.index_cast %add3A_368 : i32 to index
      %swap3A_370 = arith.constant 16 : index
      %swap3A_371 = tpu.vector_load %arg7[%swap3A_369, %swap3A_370] {strides = array<i32>} : memref<128x128xf32, #tpu.memory_space<vmem>>, vector<1x16xf32>,
      %swap3A_372 = vector.shape_cast %swap3A_371 : vector<1x16xf32> to vector<16xf32>
      %swap3A_373 = vector.shape_cast %scan3A_354#1 : vector<16xf32> to vector<1x16xf32>
      tpu.vector_store %arg7[%swap3A_369, %swap3A_370], %swap3A_373 {strides = array<i32>} : memref<128x128xf32, #tpu.memory_space<vmem>>, vector<1x16xf32>,
      %mul3A_374 = arith.constant 2 : i32
      %mul3A_375 = arith.muli %add3A_333, %mul3A_374 : i32
      %add3A_376 = arith.constant 0 : i32
      %add3A_377 = arith.addi %mul3A_375, %add3A_376 : i32
      %swap3A_378 = arith.index_cast %add3A_377 : i32 to index
      %swap3A_379 = arith.constant 32 : index
      %swap3A_380 = tpu.vector_load %arg7[%swap3A_378, %swap3A_379] {strides = array<i32>} : memref<128x128xf32, #tpu.memory_space<vmem>>, vector<1x16xf32>,
      %swap3A_381 = vector.shape_cast %swap3A_380 : vector<1x16xf32> to vector<16xf32>
      %swap3A_382 = vector.shape_cast %scan3A_354#2 : vector<16xf32> to vector<1x16xf32>
      tpu.vector_store %arg7[%swap3A_378, %swap3A_379], %swap3A_382 {strides = array<i32>} : memref<128x128xf32, #tpu.memory_space<vmem>>, vector<1x16xf32>,
      %mul3A_383 = arith.constant 2 : i32
      %mul3A_384 = arith.muli %add3A_333, %mul3A_383 : i32
      %add3A_385 = arith.constant 0 : i32
      %add3A_386 = arith.addi %mul3A_384, %add3A_385 : i32
      %swap3A_387 = arith.index_cast %add3A_386 : i32 to index
      %swap3A_388 = arith.constant 48 : index
      %swap3A_389 = tpu.vector_load %arg7[%swap3A_387, %swap3A_388] {strides = array<i32>} : memref<128x128xf32, #tpu.memory_space<vmem>>, vector<1x16xf32>,
      %swap3A_390 = vector.shape_cast %swap3A_389 : vector<1x16xf32> to vector<16xf32>
      %swap3A_391 = vector.shape_cast %scan3A_354#3 : vector<16xf32> to vector<1x16xf32>
      tpu.vector_store %arg7[%swap3A_387, %swap3A_388], %swap3A_391 {strides = array<i32>} : memref<128x128xf32, #tpu.memory_space<vmem>>, vector<1x16xf32>,
      %mul3A_392 = arith.constant 2 : i32
      %mul3A_393 = arith.muli %add3A_333, %mul3A_392 : i32
      %add3A_394 = arith.constant 0 : i32
      %add3A_395 = arith.addi %mul3A_393, %add3A_394 : i32
      %swap3A_396 = arith.index_cast %add3A_395 : i32 to index
      %swap3A_397 = arith.constant 64 : index
      %swap3A_398 = tpu.vector_load %arg7[%swap3A_396, %swap3A_397] {strides = array<i32>} : memref<128x128xf32, #tpu.memory_space<vmem>>, vector<1x16xf32>,
      %swap3A_399 = vector.shape_cast %swap3A_398 : vector<1x16xf32> to vector<16xf32>
      %swap3A_400 = vector.shape_cast %scan3A_354#4 : vector<16xf32> to vector<1x16xf32>
      tpu.vector_store %arg7[%swap3A_396, %swap3A_397], %swap3A_400 {strides = array<i32>} : memref<128x128xf32, #tpu.memory_space<vmem>>, vector<1x16xf32>,
      %mul3A_401 = arith.constant 2 : i32
      %mul3A_402 = arith.muli %add3A_333, %mul3A_401 : i32
      %add3A_403 = arith.constant 0 : i32
      %add3A_404 = arith.addi %mul3A_402, %add3A_403 : i32
      %swap3A_405 = arith.index_cast %add3A_404 : i32 to index
      %swap3A_406 = arith.constant 80 : index
      %swap3A_407 = tpu.vector_load %arg7[%swap3A_405, %swap3A_406] {strides = array<i32>} : memref<128x128xf32, #tpu.memory_space<vmem>>, vector<1x16xf32>,
      %swap3A_408 = vector.shape_cast %swap3A_407 : vector<1x16xf32> to vector<16xf32>
      %swap3A_409 = vector.shape_cast %scan3A_354#5 : vector<16xf32> to vector<1x16xf32>
      tpu.vector_store %arg7[%swap3A_405, %swap3A_406], %swap3A_409 {strides = array<i32>} : memref<128x128xf32, #tpu.memory_space<vmem>>, vector<1x16xf32>,
      %mul3A_410 = arith.constant 2 : i32
      %mul3A_411 = arith.muli %add3A_333, %mul3A_410 : i32
      %add3A_412 = arith.constant 0 : i32
      %add3A_413 = arith.addi %mul3A_411, %add3A_412 : i32
      %swap3A_414 = arith.index_cast %add3A_413 : i32 to index
      %swap3A_415 = arith.constant 96 : index
      %swap3A_416 = tpu.vector_load %arg7[%swap3A_414, %swap3A_415] {strides = array<i32>} : memref<128x128xf32, #tpu.memory_space<vmem>>, vector<1x16xf32>,
      %swap3A_417 = vector.shape_cast %swap3A_416 : vector<1x16xf32> to vector<16xf32>
      %swap3A_418 = vector.shape_cast %scan3A_354#6 : vector<16xf32> to vector<1x16xf32>
      tpu.vector_store %arg7[%swap3A_414, %swap3A_415], %swap3A_418 {strides = array<i32>} : memref<128x128xf32, #tpu.memory_space<vmem>>, vector<1x16xf32>,
      %mul3A_419 = arith.constant 2 : i32
      %mul3A_420 = arith.muli %add3A_333, %mul3A_419 : i32
      %add3A_421 = arith.constant 0 : i32
      %add3A_422 = arith.addi %mul3A_420, %add3A_421 : i32
      %swap3A_423 = arith.index_cast %add3A_422 : i32 to index
      %swap3A_424 = arith.constant 112 : index
      %swap3A_425 = tpu.vector_load %arg7[%swap3A_423, %swap3A_424] {strides = array<i32>} : memref<128x128xf32, #tpu.memory_space<vmem>>, vector<1x16xf32>,
      %swap3A_426 = vector.shape_cast %swap3A_425 : vector<1x16xf32> to vector<16xf32>
      %swap3A_427 = vector.shape_cast %scan3A_354#7 : vector<16xf32> to vector<1x16xf32>
      tpu.vector_store %arg7[%swap3A_423, %swap3A_424], %swap3A_427 {strides = array<i32>} : memref<128x128xf32, #tpu.memory_space<vmem>>, vector<1x16xf32>,
      %broadcast_in_dim3A_428 = arith.constant 0.000000e+00 : f32
      %broadcast_in_dim3A_429 = vector.broadcast %broadcast_in_dim3A_428 : f32 to vector<16xf32>
      %broadcast_in_dim3A_430 = arith.constant 0.000000e+00 : f32
      %broadcast_in_dim3A_431 = vector.broadcast %broadcast_in_dim3A_430 : f32 to vector<16xf32>
      %broadcast_in_dim3A_432 = arith.constant 0.000000e+00 : f32
      %broadcast_in_dim3A_433 = vector.broadcast %broadcast_in_dim3A_432 : f32 to vector<16xf32>
      %broadcast_in_dim3A_434 = arith.constant 0.000000e+00 : f32
      %broadcast_in_dim3A_435 = vector.broadcast %broadcast_in_dim3A_434 : f32 to vector<16xf32>
      %broadcast_in_dim3A_436 = arith.constant 0.000000e+00 : f32
      %broadcast_in_dim3A_437 = vector.broadcast %broadcast_in_dim3A_436 : f32 to vector<16xf32>
      %broadcast_in_dim3A_438 = arith.constant 0.000000e+00 : f32
      %broadcast_in_dim3A_439 = vector.broadcast %broadcast_in_dim3A_438 : f32 to vector<16xf32>
      %broadcast_in_dim3A_440 = arith.constant 0.000000e+00 : f32
      %broadcast_in_dim3A_441 = vector.broadcast %broadcast_in_dim3A_440 : f32 to vector<16xf32>
      %broadcast_in_dim3A_442 = arith.constant 0.000000e+00 : f32
      %broadcast_in_dim3A_443 = vector.broadcast %broadcast_in_dim3A_442 : f32 to vector<16xf32>
      %scan3A_444 = arith.constant 0 : i32
      %scan3A_445 = arith.constant 10 : i32
      %scan3A_446 = arith.addi %scan3A_444, %scan3A_445 : i32
      %scan3A_447 = arith.constant 1 : i32
      %scan3A_448:8 = scf.for %scan3A_964 = %scan3A_444 to %scan3A_446 step %scan3A_447 iter_args(%scan3A_965 = %broadcast_in_dim3A_429, %scan3A_966 = %broadcast_in_dim3A_431, %scan3A_967 = %broadcast_in_dim3A_433, %scan3A_968 = %broadcast_in_dim3A_435, %scan3A_969 = %broadcast_in_dim3A_437, %scan3A_970 = %broadcast_in_dim3A_439, %scan3A_971 = %broadcast_in_dim3A_441, %scan3A_972 = %broadcast_in_dim3A_443) -> (vector<16xf32>, vector<16xf32>, vector<16xf32>, vector<16xf32>, vector<16xf32>, vector<16xf32>, vector<16xf32>, vector<16xf32>)  : i32 {
        %mul3A_973 = arith.constant 5 : i32
        %mul3A_974 = arith.muli %scan3A_964, %mul3A_973 : i32
        %add3A_975 = arith.constant 50 : i32
        %add3A_976 = arith.addi %add3A_975, %mul3A_974 : i32
        %add3A_977 = arith.constant 0 : i32
        %add3A_978 = arith.addi %add3A_976, %add3A_977 : i32
        %get3A = arith.constant 1 : i32
        %get3A_979 = arith.index_cast %get3A : i32 to index
        %get3A_980 = arith.index_cast %add3A_978 : i32 to index
        %get3A_981 = arith.constant 0 : index
        %get3A_982 = tpu.vector_load %arg6[%get3A_979, %get3A_980, %get3A_981] {strides = array<i32>} : memref<4x100x128xf32, #tpu.memory_space<vmem>>, vector<1x1x16xf32>,
        %get3A_983 = vector.shape_cast %get3A_982 : vector<1x1x16xf32> to vector<16xf32>
        %add3A_984 = arith.addf %scan3A_965, %get3A_983 : vector<16xf32>
        %add3A_985 = arith.constant 0 : i32
        %add3A_986 = arith.addi %add3A_976, %add3A_985 : i32
        %get3A_987 = arith.constant 1 : i32
        %get3A_988 = arith.index_cast %get3A_987 : i32 to index
        %get3A_989 = arith.index_cast %add3A_986 : i32 to index
        %get3A_990 = arith.constant 16 : index
        %get3A_991 = tpu.vector_load %arg6[%get3A_988, %get3A_989, %get3A_990] {strides = array<i32>} : memref<4x100x128xf32, #tpu.memory_space<vmem>>, vector<1x1x16xf32>,
        %get3A_992 = vector.shape_cast %get3A_991 : vector<1x1x16xf32> to vector<16xf32>
        %add3A_993 = arith.addf %scan3A_966, %get3A_992 : vector<16xf32>
        %add3A_994 = arith.constant 0 : i32
        %add3A_995 = arith.addi %add3A_976, %add3A_994 : i32
        %get3A_996 = arith.constant 1 : i32
        %get3A_997 = arith.index_cast %get3A_996 : i32 to index
        %get3A_998 = arith.index_cast %add3A_995 : i32 to index
        %get3A_999 = arith.constant 32 : index
        %get3A_1000 = tpu.vector_load %arg6[%get3A_997, %get3A_998, %get3A_999] {strides = array<i32>} : memref<4x100x128xf32, #tpu.memory_space<vmem>>, vector<1x1x16xf32>,
        %get3A_1001 = vector.shape_cast %get3A_1000 : vector<1x1x16xf32> to vector<16xf32>
        %add3A_1002 = arith.addf %scan3A_967, %get3A_1001 : vector<16xf32>
        %add3A_1003 = arith.constant 0 : i32
        %add3A_1004 = arith.addi %add3A_976, %add3A_1003 : i32
        %get3A_1005 = arith.constant 1 : i32
        %get3A_1006 = arith.index_cast %get3A_1005 : i32 to index
        %get3A_1007 = arith.index_cast %add3A_1004 : i32 to index
        %get3A_1008 = arith.constant 48 : index
        %get3A_1009 = tpu.vector_load %arg6[%get3A_1006, %get3A_1007, %get3A_1008] {strides = array<i32>} : memref<4x100x128xf32, #tpu.memory_space<vmem>>, vector<1x1x16xf32>,
        %get3A_1010 = vector.shape_cast %get3A_1009 : vector<1x1x16xf32> to vector<16xf32>
        %add3A_1011 = arith.addf %scan3A_968, %get3A_1010 : vector<16xf32>
        %add3A_1012 = arith.constant 0 : i32
        %add3A_1013 = arith.addi %add3A_976, %add3A_1012 : i32
        %get3A_1014 = arith.constant 1 : i32
        %get3A_1015 = arith.index_cast %get3A_1014 : i32 to index
        %get3A_1016 = arith.index_cast %add3A_1013 : i32 to index
        %get3A_1017 = arith.constant 64 : index
        %get3A_1018 = tpu.vector_load %arg6[%get3A_1015, %get3A_1016, %get3A_1017] {strides = array<i32>} : memref<4x100x128xf32, #tpu.memory_space<vmem>>, vector<1x1x16xf32>,
        %get3A_1019 = vector.shape_cast %get3A_1018 : vector<1x1x16xf32> to vector<16xf32>
        %add3A_1020 = arith.addf %scan3A_969, %get3A_1019 : vector<16xf32>
        %add3A_1021 = arith.constant 0 : i32
        %add3A_1022 = arith.addi %add3A_976, %add3A_1021 : i32
        %get3A_1023 = arith.constant 1 : i32
        %get3A_1024 = arith.index_cast %get3A_1023 : i32 to index
        %get3A_1025 = arith.index_cast %add3A_1022 : i32 to index
        %get3A_1026 = arith.constant 80 : index
        %get3A_1027 = tpu.vector_load %arg6[%get3A_1024, %get3A_1025, %get3A_1026] {strides = array<i32>} : memref<4x100x128xf32, #tpu.memory_space<vmem>>, vector<1x1x16xf32>,
        %get3A_1028 = vector.shape_cast %get3A_1027 : vector<1x1x16xf32> to vector<16xf32>
        %add3A_1029 = arith.addf %scan3A_970, %get3A_1028 : vector<16xf32>
        %add3A_1030 = arith.constant 0 : i32
        %add3A_1031 = arith.addi %add3A_976, %add3A_1030 : i32
        %get3A_1032 = arith.constant 1 : i32
        %get3A_1033 = arith.index_cast %get3A_1032 : i32 to index
        %get3A_1034 = arith.index_cast %add3A_1031 : i32 to index
        %get3A_1035 = arith.constant 96 : index
        %get3A_1036 = tpu.vector_load %arg6[%get3A_1033, %get3A_1034, %get3A_1035] {strides = array<i32>} : memref<4x100x128xf32, #tpu.memory_space<vmem>>, vector<1x1x16xf32>,
        %get3A_1037 = vector.shape_cast %get3A_1036 : vector<1x1x16xf32> to vector<16xf32>
        %add3A_1038 = arith.addf %scan3A_971, %get3A_1037 : vector<16xf32>
        %add3A_1039 = arith.constant 0 : i32
        %add3A_1040 = arith.addi %add3A_976, %add3A_1039 : i32
        %get3A_1041 = arith.constant 1 : i32
        %get3A_1042 = arith.index_cast %get3A_1041 : i32 to index
        %get3A_1043 = arith.index_cast %add3A_1040 : i32 to index
        %get3A_1044 = arith.constant 112 : index
        %get3A_1045 = tpu.vector_load %arg6[%get3A_1042, %get3A_1043, %get3A_1044] {strides = array<i32>} : memref<4x100x128xf32, #tpu.memory_space<vmem>>, vector<1x1x16xf32>,
        %get3A_1046 = vector.shape_cast %get3A_1045 : vector<1x1x16xf32> to vector<16xf32>
        %add3A_1047 = arith.addf %scan3A_972, %get3A_1046 : vector<16xf32>
        %add3A_1048 = arith.constant 1 : i32
        %add3A_1049 = arith.addi %add3A_976, %add3A_1048 : i32
        %get3A_1050 = arith.constant 1 : i32
        %get3A_1051 = arith.index_cast %get3A_1050 : i32 to index
        %get3A_1052 = arith.index_cast %add3A_1049 : i32 to index
        %get3A_1053 = arith.constant 0 : index
        %get3A_1054 = tpu.vector_load %arg6[%get3A_1051, %get3A_1052, %get3A_1053] {strides = array<i32>} : memref<4x100x128xf32, #tpu.memory_space<vmem>>, vector<1x1x16xf32>,
        %get3A_1055 = vector.shape_cast %get3A_1054 : vector<1x1x16xf32> to vector<16xf32>
        %add3A_1056 = arith.addf %add3A_984, %get3A_1055 : vector<16xf32>
        %add3A_1057 = arith.constant 1 : i32
        %add3A_1058 = arith.addi %add3A_976, %add3A_1057 : i32
        %get3A_1059 = arith.constant 1 : i32
        %get3A_1060 = arith.index_cast %get3A_1059 : i32 to index
        %get3A_1061 = arith.index_cast %add3A_1058 : i32 to index
        %get3A_1062 = arith.constant 16 : index
        %get3A_1063 = tpu.vector_load %arg6[%get3A_1060, %get3A_1061, %get3A_1062] {strides = array<i32>} : memref<4x100x128xf32, #tpu.memory_space<vmem>>, vector<1x1x16xf32>,
        %get3A_1064 = vector.shape_cast %get3A_1063 : vector<1x1x16xf32> to vector<16xf32>
        %add3A_1065 = arith.addf %add3A_993, %get3A_1064 : vector<16xf32>
        %add3A_1066 = arith.constant 1 : i32
        %add3A_1067 = arith.addi %add3A_976, %add3A_1066 : i32
        %get3A_1068 = arith.constant 1 : i32
        %get3A_1069 = arith.index_cast %get3A_1068 : i32 to index
        %get3A_1070 = arith.index_cast %add3A_1067 : i32 to index
        %get3A_1071 = arith.constant 32 : index
        %get3A_1072 = tpu.vector_load %arg6[%get3A_1069, %get3A_1070, %get3A_1071] {strides = array<i32>} : memref<4x100x128xf32, #tpu.memory_space<vmem>>, vector<1x1x16xf32>,
        %get3A_1073 = vector.shape_cast %get3A_1072 : vector<1x1x16xf32> to vector<16xf32>
        %add3A_1074 = arith.addf %add3A_1002, %get3A_1073 : vector<16xf32>
        %add3A_1075 = arith.constant 1 : i32
        %add3A_1076 = arith.addi %add3A_976, %add3A_1075 : i32
        %get3A_1077 = arith.constant 1 : i32
        %get3A_1078 = arith.index_cast %get3A_1077 : i32 to index
        %get3A_1079 = arith.index_cast %add3A_1076 : i32 to index
        %get3A_1080 = arith.constant 48 : index
        %get3A_1081 = tpu.vector_load %arg6[%get3A_1078, %get3A_1079, %get3A_1080] {strides = array<i32>} : memref<4x100x128xf32, #tpu.memory_space<vmem>>, vector<1x1x16xf32>,
        %get3A_1082 = vector.shape_cast %get3A_1081 : vector<1x1x16xf32> to vector<16xf32>
        %add3A_1083 = arith.addf %add3A_1011, %get3A_1082 : vector<16xf32>
        %add3A_1084 = arith.constant 1 : i32
        %add3A_1085 = arith.addi %add3A_976, %add3A_1084 : i32
        %get3A_1086 = arith.constant 1 : i32
        %get3A_1087 = arith.index_cast %get3A_1086 : i32 to index
        %get3A_1088 = arith.index_cast %add3A_1085 : i32 to index
        %get3A_1089 = arith.constant 64 : index
        %get3A_1090 = tpu.vector_load %arg6[%get3A_1087, %get3A_1088, %get3A_1089] {strides = array<i32>} : memref<4x100x128xf32, #tpu.memory_space<vmem>>, vector<1x1x16xf32>,
        %get3A_1091 = vector.shape_cast %get3A_1090 : vector<1x1x16xf32> to vector<16xf32>
        %add3A_1092 = arith.addf %add3A_1020, %get3A_1091 : vector<16xf32>
        %add3A_1093 = arith.constant 1 : i32
        %add3A_1094 = arith.addi %add3A_976, %add3A_1093 : i32
        %get3A_1095 = arith.constant 1 : i32
        %get3A_1096 = arith.index_cast %get3A_1095 : i32 to index
        %get3A_1097 = arith.index_cast %add3A_1094 : i32 to index
        %get3A_1098 = arith.constant 80 : index
        %get3A_1099 = tpu.vector_load %arg6[%get3A_1096, %get3A_1097, %get3A_1098] {strides = array<i32>} : memref<4x100x128xf32, #tpu.memory_space<vmem>>, vector<1x1x16xf32>,
        %get3A_1100 = vector.shape_cast %get3A_1099 : vector<1x1x16xf32> to vector<16xf32>
        %add3A_1101 = arith.addf %add3A_1029, %get3A_1100 : vector<16xf32>
        %add3A_1102 = arith.constant 1 : i32
        %add3A_1103 = arith.addi %add3A_976, %add3A_1102 : i32
        %get3A_1104 = arith.constant 1 : i32
        %get3A_1105 = arith.index_cast %get3A_1104 : i32 to index
        %get3A_1106 = arith.index_cast %add3A_1103 : i32 to index
        %get3A_1107 = arith.constant 96 : index
        %get3A_1108 = tpu.vector_load %arg6[%get3A_1105, %get3A_1106, %get3A_1107] {strides = array<i32>} : memref<4x100x128xf32, #tpu.memory_space<vmem>>, vector<1x1x16xf32>,
        %get3A_1109 = vector.shape_cast %get3A_1108 : vector<1x1x16xf32> to vector<16xf32>
        %add3A_1110 = arith.addf %add3A_1038, %get3A_1109 : vector<16xf32>
        %add3A_1111 = arith.constant 1 : i32
        %add3A_1112 = arith.addi %add3A_976, %add3A_1111 : i32
        %get3A_1113 = arith.constant 1 : i32
        %get3A_1114 = arith.index_cast %get3A_1113 : i32 to index
        %get3A_1115 = arith.index_cast %add3A_1112 : i32 to index
        %get3A_1116 = arith.constant 112 : index
        %get3A_1117 = tpu.vector_load %arg6[%get3A_1114, %get3A_1115, %get3A_1116] {strides = array<i32>} : memref<4x100x128xf32, #tpu.memory_space<vmem>>, vector<1x1x16xf32>,
        %get3A_1118 = vector.shape_cast %get3A_1117 : vector<1x1x16xf32> to vector<16xf32>
        %add3A_1119 = arith.addf %add3A_1047, %get3A_1118 : vector<16xf32>
        %add3A_1120 = arith.constant 2 : i32
        %add3A_1121 = arith.addi %add3A_976, %add3A_1120 : i32
        %get3A_1122 = arith.constant 1 : i32
        %get3A_1123 = arith.index_cast %get3A_1122 : i32 to index
        %get3A_1124 = arith.index_cast %add3A_1121 : i32 to index
        %get3A_1125 = arith.constant 0 : index
        %get3A_1126 = tpu.vector_load %arg6[%get3A_1123, %get3A_1124, %get3A_1125] {strides = array<i32>} : memref<4x100x128xf32, #tpu.memory_space<vmem>>, vector<1x1x16xf32>,
        %get3A_1127 = vector.shape_cast %get3A_1126 : vector<1x1x16xf32> to vector<16xf32>
        %add3A_1128 = arith.addf %add3A_1056, %get3A_1127 : vector<16xf32>
        %add3A_1129 = arith.constant 2 : i32
        %add3A_1130 = arith.addi %add3A_976, %add3A_1129 : i32
        %get3A_1131 = arith.constant 1 : i32
        %get3A_1132 = arith.index_cast %get3A_1131 : i32 to index
        %get3A_1133 = arith.index_cast %add3A_1130 : i32 to index
        %get3A_1134 = arith.constant 16 : index
        %get3A_1135 = tpu.vector_load %arg6[%get3A_1132, %get3A_1133, %get3A_1134] {strides = array<i32>} : memref<4x100x128xf32, #tpu.memory_space<vmem>>, vector<1x1x16xf32>,
        %get3A_1136 = vector.shape_cast %get3A_1135 : vector<1x1x16xf32> to vector<16xf32>
        %add3A_1137 = arith.addf %add3A_1065, %get3A_1136 : vector<16xf32>
        %add3A_1138 = arith.constant 2 : i32
        %add3A_1139 = arith.addi %add3A_976, %add3A_1138 : i32
        %get3A_1140 = arith.constant 1 : i32
        %get3A_1141 = arith.index_cast %get3A_1140 : i32 to index
        %get3A_1142 = arith.index_cast %add3A_1139 : i32 to index
        %get3A_1143 = arith.constant 32 : index
        %get3A_1144 = tpu.vector_load %arg6[%get3A_1141, %get3A_1142, %get3A_1143] {strides = array<i32>} : memref<4x100x128xf32, #tpu.memory_space<vmem>>, vector<1x1x16xf32>,
        %get3A_1145 = vector.shape_cast %get3A_1144 : vector<1x1x16xf32> to vector<16xf32>
        %add3A_1146 = arith.addf %add3A_1074, %get3A_1145 : vector<16xf32>
        %add3A_1147 = arith.constant 2 : i32
        %add3A_1148 = arith.addi %add3A_976, %add3A_1147 : i32
        %get3A_1149 = arith.constant 1 : i32
        %get3A_1150 = arith.index_cast %get3A_1149 : i32 to index
        %get3A_1151 = arith.index_cast %add3A_1148 : i32 to index
        %get3A_1152 = arith.constant 48 : index
        %get3A_1153 = tpu.vector_load %arg6[%get3A_1150, %get3A_1151, %get3A_1152] {strides = array<i32>} : memref<4x100x128xf32, #tpu.memory_space<vmem>>, vector<1x1x16xf32>,
        %get3A_1154 = vector.shape_cast %get3A_1153 : vector<1x1x16xf32> to vector<16xf32>
        %add3A_1155 = arith.addf %add3A_1083, %get3A_1154 : vector<16xf32>
        %add3A_1156 = arith.constant 2 : i32
        %add3A_1157 = arith.addi %add3A_976, %add3A_1156 : i32
        %get3A_1158 = arith.constant 1 : i32
        %get3A_1159 = arith.index_cast %get3A_1158 : i32 to index
        %get3A_1160 = arith.index_cast %add3A_1157 : i32 to index
        %get3A_1161 = arith.constant 64 : index
        %get3A_1162 = tpu.vector_load %arg6[%get3A_1159, %get3A_1160, %get3A_1161] {strides = array<i32>} : memref<4x100x128xf32, #tpu.memory_space<vmem>>, vector<1x1x16xf32>,
        %get3A_1163 = vector.shape_cast %get3A_1162 : vector<1x1x16xf32> to vector<16xf32>
        %add3A_1164 = arith.addf %add3A_1092, %get3A_1163 : vector<16xf32>
        %add3A_1165 = arith.constant 2 : i32
        %add3A_1166 = arith.addi %add3A_976, %add3A_1165 : i32
        %get3A_1167 = arith.constant 1 : i32
        %get3A_1168 = arith.index_cast %get3A_1167 : i32 to index
        %get3A_1169 = arith.index_cast %add3A_1166 : i32 to index
        %get3A_1170 = arith.constant 80 : index
        %get3A_1171 = tpu.vector_load %arg6[%get3A_1168, %get3A_1169, %get3A_1170] {strides = array<i32>} : memref<4x100x128xf32, #tpu.memory_space<vmem>>, vector<1x1x16xf32>,
        %get3A_1172 = vector.shape_cast %get3A_1171 : vector<1x1x16xf32> to vector<16xf32>
        %add3A_1173 = arith.addf %add3A_1101, %get3A_1172 : vector<16xf32>
        %add3A_1174 = arith.constant 2 : i32
        %add3A_1175 = arith.addi %add3A_976, %add3A_1174 : i32
        %get3A_1176 = arith.constant 1 : i32
        %get3A_1177 = arith.index_cast %get3A_1176 : i32 to index
        %get3A_1178 = arith.index_cast %add3A_1175 : i32 to index
        %get3A_1179 = arith.constant 96 : index
        %get3A_1180 = tpu.vector_load %arg6[%get3A_1177, %get3A_1178, %get3A_1179] {strides = array<i32>} : memref<4x100x128xf32, #tpu.memory_space<vmem>>, vector<1x1x16xf32>,
        %get3A_1181 = vector.shape_cast %get3A_1180 : vector<1x1x16xf32> to vector<16xf32>
        %add3A_1182 = arith.addf %add3A_1110, %get3A_1181 : vector<16xf32>
        %add3A_1183 = arith.constant 2 : i32
        %add3A_1184 = arith.addi %add3A_976, %add3A_1183 : i32
        %get3A_1185 = arith.constant 1 : i32
        %get3A_1186 = arith.index_cast %get3A_1185 : i32 to index
        %get3A_1187 = arith.index_cast %add3A_1184 : i32 to index
        %get3A_1188 = arith.constant 112 : index
        %get3A_1189 = tpu.vector_load %arg6[%get3A_1186, %get3A_1187, %get3A_1188] {strides = array<i32>} : memref<4x100x128xf32, #tpu.memory_space<vmem>>, vector<1x1x16xf32>,
        %get3A_1190 = vector.shape_cast %get3A_1189 : vector<1x1x16xf32> to vector<16xf32>
        %add3A_1191 = arith.addf %add3A_1119, %get3A_1190 : vector<16xf32>
        %add3A_1192 = arith.constant 3 : i32
        %add3A_1193 = arith.addi %add3A_976, %add3A_1192 : i32
        %get3A_1194 = arith.constant 1 : i32
        %get3A_1195 = arith.index_cast %get3A_1194 : i32 to index
        %get3A_1196 = arith.index_cast %add3A_1193 : i32 to index
        %get3A_1197 = arith.constant 0 : index
        %get3A_1198 = tpu.vector_load %arg6[%get3A_1195, %get3A_1196, %get3A_1197] {strides = array<i32>} : memref<4x100x128xf32, #tpu.memory_space<vmem>>, vector<1x1x16xf32>,
        %get3A_1199 = vector.shape_cast %get3A_1198 : vector<1x1x16xf32> to vector<16xf32>
        %add3A_1200 = arith.addf %add3A_1128, %get3A_1199 : vector<16xf32>
        %add3A_1201 = arith.constant 3 : i32
        %add3A_1202 = arith.addi %add3A_976, %add3A_1201 : i32
        %get3A_1203 = arith.constant 1 : i32
        %get3A_1204 = arith.index_cast %get3A_1203 : i32 to index
        %get3A_1205 = arith.index_cast %add3A_1202 : i32 to index
        %get3A_1206 = arith.constant 16 : index
        %get3A_1207 = tpu.vector_load %arg6[%get3A_1204, %get3A_1205, %get3A_1206] {strides = array<i32>} : memref<4x100x128xf32, #tpu.memory_space<vmem>>, vector<1x1x16xf32>,
        %get3A_1208 = vector.shape_cast %get3A_1207 : vector<1x1x16xf32> to vector<16xf32>
        %add3A_1209 = arith.addf %add3A_1137, %get3A_1208 : vector<16xf32>
        %add3A_1210 = arith.constant 3 : i32
        %add3A_1211 = arith.addi %add3A_976, %add3A_1210 : i32
        %get3A_1212 = arith.constant 1 : i32
        %get3A_1213 = arith.index_cast %get3A_1212 : i32 to index
        %get3A_1214 = arith.index_cast %add3A_1211 : i32 to index
        %get3A_1215 = arith.constant 32 : index
        %get3A_1216 = tpu.vector_load %arg6[%get3A_1213, %get3A_1214, %get3A_1215] {strides = array<i32>} : memref<4x100x128xf32, #tpu.memory_space<vmem>>, vector<1x1x16xf32>,
        %get3A_1217 = vector.shape_cast %get3A_1216 : vector<1x1x16xf32> to vector<16xf32>
        %add3A_1218 = arith.addf %add3A_1146, %get3A_1217 : vector<16xf32>
        %add3A_1219 = arith.constant 3 : i32
        %add3A_1220 = arith.addi %add3A_976, %add3A_1219 : i32
        %get3A_1221 = arith.constant 1 : i32
        %get3A_1222 = arith.index_cast %get3A_1221 : i32 to index
        %get3A_1223 = arith.index_cast %add3A_1220 : i32 to index
        %get3A_1224 = arith.constant 48 : index
        %get3A_1225 = tpu.vector_load %arg6[%get3A_1222, %get3A_1223, %get3A_1224] {strides = array<i32>} : memref<4x100x128xf32, #tpu.memory_space<vmem>>, vector<1x1x16xf32>,
        %get3A_1226 = vector.shape_cast %get3A_1225 : vector<1x1x16xf32> to vector<16xf32>
        %add3A_1227 = arith.addf %add3A_1155, %get3A_1226 : vector<16xf32>
        %add3A_1228 = arith.constant 3 : i32
        %add3A_1229 = arith.addi %add3A_976, %add3A_1228 : i32
        %get3A_1230 = arith.constant 1 : i32
        %get3A_1231 = arith.index_cast %get3A_1230 : i32 to index
        %get3A_1232 = arith.index_cast %add3A_1229 : i32 to index
        %get3A_1233 = arith.constant 64 : index
        %get3A_1234 = tpu.vector_load %arg6[%get3A_1231, %get3A_1232, %get3A_1233] {strides = array<i32>} : memref<4x100x128xf32, #tpu.memory_space<vmem>>, vector<1x1x16xf32>,
        %get3A_1235 = vector.shape_cast %get3A_1234 : vector<1x1x16xf32> to vector<16xf32>
        %add3A_1236 = arith.addf %add3A_1164, %get3A_1235 : vector<16xf32>
        %add3A_1237 = arith.constant 3 : i32
        %add3A_1238 = arith.addi %add3A_976, %add3A_1237 : i32
        %get3A_1239 = arith.constant 1 : i32
        %get3A_1240 = arith.index_cast %get3A_1239 : i32 to index
        %get3A_1241 = arith.index_cast %add3A_1238 : i32 to index
        %get3A_1242 = arith.constant 80 : index
        %get3A_1243 = tpu.vector_load %arg6[%get3A_1240, %get3A_1241, %get3A_1242] {strides = array<i32>} : memref<4x100x128xf32, #tpu.memory_space<vmem>>, vector<1x1x16xf32>,
        %get3A_1244 = vector.shape_cast %get3A_1243 : vector<1x1x16xf32> to vector<16xf32>
        %add3A_1245 = arith.addf %add3A_1173, %get3A_1244 : vector<16xf32>
        %add3A_1246 = arith.constant 3 : i32
        %add3A_1247 = arith.addi %add3A_976, %add3A_1246 : i32
        %get3A_1248 = arith.constant 1 : i32
        %get3A_1249 = arith.index_cast %get3A_1248 : i32 to index
        %get3A_1250 = arith.index_cast %add3A_1247 : i32 to index
        %get3A_1251 = arith.constant 96 : index
        %get3A_1252 = tpu.vector_load %arg6[%get3A_1249, %get3A_1250, %get3A_1251] {strides = array<i32>} : memref<4x100x128xf32, #tpu.memory_space<vmem>>, vector<1x1x16xf32>,
        %get3A_1253 = vector.shape_cast %get3A_1252 : vector<1x1x16xf32> to vector<16xf32>
        %add3A_1254 = arith.addf %add3A_1182, %get3A_1253 : vector<16xf32>
        %add3A_1255 = arith.constant 3 : i32
        %add3A_1256 = arith.addi %add3A_976, %add3A_1255 : i32
        %get3A_1257 = arith.constant 1 : i32
        %get3A_1258 = arith.index_cast %get3A_1257 : i32 to index
        %get3A_1259 = arith.index_cast %add3A_1256 : i32 to index
        %get3A_1260 = arith.constant 112 : index
        %get3A_1261 = tpu.vector_load %arg6[%get3A_1258, %get3A_1259, %get3A_1260] {strides = array<i32>} : memref<4x100x128xf32, #tpu.memory_space<vmem>>, vector<1x1x16xf32>,
        %get3A_1262 = vector.shape_cast %get3A_1261 : vector<1x1x16xf32> to vector<16xf32>
        %add3A_1263 = arith.addf %add3A_1191, %get3A_1262 : vector<16xf32>
        %add3A_1264 = arith.constant 4 : i32
        %add3A_1265 = arith.addi %add3A_976, %add3A_1264 : i32
        %get3A_1266 = arith.constant 1 : i32
        %get3A_1267 = arith.index_cast %get3A_1266 : i32 to index
        %get3A_1268 = arith.index_cast %add3A_1265 : i32 to index
        %get3A_1269 = arith.constant 0 : index
        %get3A_1270 = tpu.vector_load %arg6[%get3A_1267, %get3A_1268, %get3A_1269] {strides = array<i32>} : memref<4x100x128xf32, #tpu.memory_space<vmem>>, vector<1x1x16xf32>,
        %get3A_1271 = vector.shape_cast %get3A_1270 : vector<1x1x16xf32> to vector<16xf32>
        %add3A_1272 = arith.addf %add3A_1200, %get3A_1271 : vector<16xf32>
        %add3A_1273 = arith.constant 4 : i32
        %add3A_1274 = arith.addi %add3A_976, %add3A_1273 : i32
        %get3A_1275 = arith.constant 1 : i32
        %get3A_1276 = arith.index_cast %get3A_1275 : i32 to index
        %get3A_1277 = arith.index_cast %add3A_1274 : i32 to index
        %get3A_1278 = arith.constant 16 : index
        %get3A_1279 = tpu.vector_load %arg6[%get3A_1276, %get3A_1277, %get3A_1278] {strides = array<i32>} : memref<4x100x128xf32, #tpu.memory_space<vmem>>, vector<1x1x16xf32>,
        %get3A_1280 = vector.shape_cast %get3A_1279 : vector<1x1x16xf32> to vector<16xf32>
        %add3A_1281 = arith.addf %add3A_1209, %get3A_1280 : vector<16xf32>
        %add3A_1282 = arith.constant 4 : i32
        %add3A_1283 = arith.addi %add3A_976, %add3A_1282 : i32
        %get3A_1284 = arith.constant 1 : i32
        %get3A_1285 = arith.index_cast %get3A_1284 : i32 to index
        %get3A_1286 = arith.index_cast %add3A_1283 : i32 to index
        %get3A_1287 = arith.constant 32 : index
        %get3A_1288 = tpu.vector_load %arg6[%get3A_1285, %get3A_1286, %get3A_1287] {strides = array<i32>} : memref<4x100x128xf32, #tpu.memory_space<vmem>>, vector<1x1x16xf32>,
        %get3A_1289 = vector.shape_cast %get3A_1288 : vector<1x1x16xf32> to vector<16xf32>
        %add3A_1290 = arith.addf %add3A_1218, %get3A_1289 : vector<16xf32>
        %add3A_1291 = arith.constant 4 : i32
        %add3A_1292 = arith.addi %add3A_976, %add3A_1291 : i32
        %get3A_1293 = arith.constant 1 : i32
        %get3A_1294 = arith.index_cast %get3A_1293 : i32 to index
        %get3A_1295 = arith.index_cast %add3A_1292 : i32 to index
        %get3A_1296 = arith.constant 48 : index
        %get3A_1297 = tpu.vector_load %arg6[%get3A_1294, %get3A_1295, %get3A_1296] {strides = array<i32>} : memref<4x100x128xf32, #tpu.memory_space<vmem>>, vector<1x1x16xf32>,
        %get3A_1298 = vector.shape_cast %get3A_1297 : vector<1x1x16xf32> to vector<16xf32>
        %add3A_1299 = arith.addf %add3A_1227, %get3A_1298 : vector<16xf32>
        %add3A_1300 = arith.constant 4 : i32
        %add3A_1301 = arith.addi %add3A_976, %add3A_1300 : i32
        %get3A_1302 = arith.constant 1 : i32
        %get3A_1303 = arith.index_cast %get3A_1302 : i32 to index
        %get3A_1304 = arith.index_cast %add3A_1301 : i32 to index
        %get3A_1305 = arith.constant 64 : index
        %get3A_1306 = tpu.vector_load %arg6[%get3A_1303, %get3A_1304, %get3A_1305] {strides = array<i32>} : memref<4x100x128xf32, #tpu.memory_space<vmem>>, vector<1x1x16xf32>,
        %get3A_1307 = vector.shape_cast %get3A_1306 : vector<1x1x16xf32> to vector<16xf32>
        %add3A_1308 = arith.addf %add3A_1236, %get3A_1307 : vector<16xf32>
        %add3A_1309 = arith.constant 4 : i32
        %add3A_1310 = arith.addi %add3A_976, %add3A_1309 : i32
        %get3A_1311 = arith.constant 1 : i32
        %get3A_1312 = arith.index_cast %get3A_1311 : i32 to index
        %get3A_1313 = arith.index_cast %add3A_1310 : i32 to index
        %get3A_1314 = arith.constant 80 : index
        %get3A_1315 = tpu.vector_load %arg6[%get3A_1312, %get3A_1313, %get3A_1314] {strides = array<i32>} : memref<4x100x128xf32, #tpu.memory_space<vmem>>, vector<1x1x16xf32>,
        %get3A_1316 = vector.shape_cast %get3A_1315 : vector<1x1x16xf32> to vector<16xf32>
        %add3A_1317 = arith.addf %add3A_1245, %get3A_1316 : vector<16xf32>
        %add3A_1318 = arith.constant 4 : i32
        %add3A_1319 = arith.addi %add3A_976, %add3A_1318 : i32
        %get3A_1320 = arith.constant 1 : i32
        %get3A_1321 = arith.index_cast %get3A_1320 : i32 to index
        %get3A_1322 = arith.index_cast %add3A_1319 : i32 to index
        %get3A_1323 = arith.constant 96 : index
        %get3A_1324 = tpu.vector_load %arg6[%get3A_1321, %get3A_1322, %get3A_1323] {strides = array<i32>} : memref<4x100x128xf32, #tpu.memory_space<vmem>>, vector<1x1x16xf32>,
        %get3A_1325 = vector.shape_cast %get3A_1324 : vector<1x1x16xf32> to vector<16xf32>
        %add3A_1326 = arith.addf %add3A_1254, %get3A_1325 : vector<16xf32>
        %add3A_1327 = arith.constant 4 : i32
        %add3A_1328 = arith.addi %add3A_976, %add3A_1327 : i32
        %get3A_1329 = arith.constant 1 : i32
        %get3A_1330 = arith.index_cast %get3A_1329 : i32 to index
        %get3A_1331 = arith.index_cast %add3A_1328 : i32 to index
        %get3A_1332 = arith.constant 112 : index
        %get3A_1333 = tpu.vector_load %arg6[%get3A_1330, %get3A_1331, %get3A_1332] {strides = array<i32>} : memref<4x100x128xf32, #tpu.memory_space<vmem>>, vector<1x1x16xf32>,
        %get3A_1334 = vector.shape_cast %get3A_1333 : vector<1x1x16xf32> to vector<16xf32>
        %add3A_1335 = arith.addf %add3A_1263, %get3A_1334 : vector<16xf32>
        scf.yield %add3A_1272, %add3A_1281, %add3A_1290, %add3A_1299, %add3A_1308, %add3A_1317, %add3A_1326, %add3A_1335 : vector<16xf32>, vector<16xf32>, vector<16xf32>, vector<16xf32>, vector<16xf32>, vector<16xf32>, vector<16xf32>, vector<16xf32>
      }
      %scan3A_449 = arith.constant 10 : i32
      %mul3A_450 = arith.constant 2 : i32
      %mul3A_451 = arith.muli %add3A_333, %mul3A_450 : i32
      %add3A_452 = arith.constant 1 : i32
      %add3A_453 = arith.addi %mul3A_451, %add3A_452 : i32
      %swap3A_454 = arith.index_cast %add3A_453 : i32 to index
      %swap3A_455 = arith.constant 0 : index
      %swap3A_456 = tpu.vector_load %arg7[%swap3A_454, %swap3A_455] {strides = array<i32>} : memref<128x128xf32, #tpu.memory_space<vmem>>, vector<1x16xf32>,
      %swap3A_457 = vector.shape_cast %swap3A_456 : vector<1x16xf32> to vector<16xf32>
      %swap3A_458 = vector.shape_cast %scan3A_448#0 : vector<16xf32> to vector<1x16xf32>
      tpu.vector_store %arg7[%swap3A_454, %swap3A_455], %swap3A_458 {strides = array<i32>} : memref<128x128xf32, #tpu.memory_space<vmem>>, vector<1x16xf32>,
      %mul3A_459 = arith.constant 2 : i32
      %mul3A_460 = arith.muli %add3A_333, %mul3A_459 : i32
      %add3A_461 = arith.constant 1 : i32
      %add3A_462 = arith.addi %mul3A_460, %add3A_461 : i32
      %swap3A_463 = arith.index_cast %add3A_462 : i32 to index
      %swap3A_464 = arith.constant 16 : index
      %swap3A_465 = tpu.vector_load %arg7[%swap3A_463, %swap3A_464] {strides = array<i32>} : memref<128x128xf32, #tpu.memory_space<vmem>>, vector<1x16xf32>,
      %swap3A_466 = vector.shape_cast %swap3A_465 : vector<1x16xf32> to vector<16xf32>
      %swap3A_467 = vector.shape_cast %scan3A_448#1 : vector<16xf32> to vector<1x16xf32>
      tpu.vector_store %arg7[%swap3A_463, %swap3A_464], %swap3A_467 {strides = array<i32>} : memref<128x128xf32, #tpu.memory_space<vmem>>, vector<1x16xf32>,
      %mul3A_468 = arith.constant 2 : i32
      %mul3A_469 = arith.muli %add3A_333, %mul3A_468 : i32
      %add3A_470 = arith.constant 1 : i32
      %add3A_471 = arith.addi %mul3A_469, %add3A_470 : i32
      %swap3A_472 = arith.index_cast %add3A_471 : i32 to index
      %swap3A_473 = arith.constant 32 : index
      %swap3A_474 = tpu.vector_load %arg7[%swap3A_472, %swap3A_473] {strides = array<i32>} : memref<128x128xf32, #tpu.memory_space<vmem>>, vector<1x16xf32>,
      %swap3A_475 = vector.shape_cast %swap3A_474 : vector<1x16xf32> to vector<16xf32>
      %swap3A_476 = vector.shape_cast %scan3A_448#2 : vector<16xf32> to vector<1x16xf32>
      tpu.vector_store %arg7[%swap3A_472, %swap3A_473], %swap3A_476 {strides = array<i32>} : memref<128x128xf32, #tpu.memory_space<vmem>>, vector<1x16xf32>,
      %mul3A_477 = arith.constant 2 : i32
      %mul3A_478 = arith.muli %add3A_333, %mul3A_477 : i32
      %add3A_479 = arith.constant 1 : i32
      %add3A_480 = arith.addi %mul3A_478, %add3A_479 : i32
      %swap3A_481 = arith.index_cast %add3A_480 : i32 to index
      %swap3A_482 = arith.constant 48 : index
      %swap3A_483 = tpu.vector_load %arg7[%swap3A_481, %swap3A_482] {strides = array<i32>} : memref<128x128xf32, #tpu.memory_space<vmem>>, vector<1x16xf32>,
      %swap3A_484 = vector.shape_cast %swap3A_483 : vector<1x16xf32> to vector<16xf32>
      %swap3A_485 = vector.shape_cast %scan3A_448#3 : vector<16xf32> to vector<1x16xf32>
      tpu.vector_store %arg7[%swap3A_481, %swap3A_482], %swap3A_485 {strides = array<i32>} : memref<128x128xf32, #tpu.memory_space<vmem>>, vector<1x16xf32>,
      %mul3A_486 = arith.constant 2 : i32
      %mul3A_487 = arith.muli %add3A_333, %mul3A_486 : i32
      %add3A_488 = arith.constant 1 : i32
      %add3A_489 = arith.addi %mul3A_487, %add3A_488 : i32
      %swap3A_490 = arith.index_cast %add3A_489 : i32 to index
      %swap3A_491 = arith.constant 64 : index
      %swap3A_492 = tpu.vector_load %arg7[%swap3A_490, %swap3A_491] {strides = array<i32>} : memref<128x128xf32, #tpu.memory_space<vmem>>, vector<1x16xf32>,
      %swap3A_493 = vector.shape_cast %swap3A_492 : vector<1x16xf32> to vector<16xf32>
      %swap3A_494 = vector.shape_cast %scan3A_448#4 : vector<16xf32> to vector<1x16xf32>
      tpu.vector_store %arg7[%swap3A_490, %swap3A_491], %swap3A_494 {strides = array<i32>} : memref<128x128xf32, #tpu.memory_space<vmem>>, vector<1x16xf32>,
      %mul3A_495 = arith.constant 2 : i32
      %mul3A_496 = arith.muli %add3A_333, %mul3A_495 : i32
      %add3A_497 = arith.constant 1 : i32
      %add3A_498 = arith.addi %mul3A_496, %add3A_497 : i32
      %swap3A_499 = arith.index_cast %add3A_498 : i32 to index
      %swap3A_500 = arith.constant 80 : index
      %swap3A_501 = tpu.vector_load %arg7[%swap3A_499, %swap3A_500] {strides = array<i32>} : memref<128x128xf32, #tpu.memory_space<vmem>>, vector<1x16xf32>,
      %swap3A_502 = vector.shape_cast %swap3A_501 : vector<1x16xf32> to vector<16xf32>
      %swap3A_503 = vector.shape_cast %scan3A_448#5 : vector<16xf32> to vector<1x16xf32>
      tpu.vector_store %arg7[%swap3A_499, %swap3A_500], %swap3A_503 {strides = array<i32>} : memref<128x128xf32, #tpu.memory_space<vmem>>, vector<1x16xf32>,
      %mul3A_504 = arith.constant 2 : i32
      %mul3A_505 = arith.muli %add3A_333, %mul3A_504 : i32
      %add3A_506 = arith.constant 1 : i32
      %add3A_507 = arith.addi %mul3A_505, %add3A_506 : i32
      %swap3A_508 = arith.index_cast %add3A_507 : i32 to index
      %swap3A_509 = arith.constant 96 : index
      %swap3A_510 = tpu.vector_load %arg7[%swap3A_508, %swap3A_509] {strides = array<i32>} : memref<128x128xf32, #tpu.memory_space<vmem>>, vector<1x16xf32>,
      %swap3A_511 = vector.shape_cast %swap3A_510 : vector<1x16xf32> to vector<16xf32>
      %swap3A_512 = vector.shape_cast %scan3A_448#6 : vector<16xf32> to vector<1x16xf32>
      tpu.vector_store %arg7[%swap3A_508, %swap3A_509], %swap3A_512 {strides = array<i32>} : memref<128x128xf32, #tpu.memory_space<vmem>>, vector<1x16xf32>,
      %mul3A_513 = arith.constant 2 : i32
      %mul3A_514 = arith.muli %add3A_333, %mul3A_513 : i32
      %add3A_515 = arith.constant 1 : i32
      %add3A_516 = arith.addi %mul3A_514, %add3A_515 : i32
      %swap3A_517 = arith.index_cast %add3A_516 : i32 to index
      %swap3A_518 = arith.constant 112 : index
      %swap3A_519 = tpu.vector_load %arg7[%swap3A_517, %swap3A_518] {strides = array<i32>} : memref<128x128xf32, #tpu.memory_space<vmem>>, vector<1x16xf32>,
      %swap3A_520 = vector.shape_cast %swap3A_519 : vector<1x16xf32> to vector<16xf32>
      %swap3A_521 = vector.shape_cast %scan3A_448#7 : vector<16xf32> to vector<1x16xf32>
      tpu.vector_store %arg7[%swap3A_517, %swap3A_518], %swap3A_521 {strides = array<i32>} : memref<128x128xf32, #tpu.memory_space<vmem>>, vector<1x16xf32>,
      %add3A_522 = arith.constant 2 : i32
      %add3A_523 = arith.addi %add3A_83, %add3A_522 : i32
      %add3A_524 = arith.constant 4 : i32
      %add3A_525 = arith.addi %add3A_523, %add3A_524 : i32
      %sub3A_526 = arith.constant 1 : i32
      %sub3A_527 = arith.subi %add3A_525, %sub3A_526 : i32
      %min3A_528 = arith.constant 63 : i32
      %min3A_529 = arith.minsi %sub3A_527, %min3A_528 : i32
      %dma_start3A_530 = arith.constant 1 : i32
      %dma_start3A_531 = arith.constant 0 : i32
      %dma_start3A_532 = arith.constant 0 : i32
      %dma_start3A_533 = tpu.memref_slice %arg6[%dma_start3A_530, %dma_start3A_531, %dma_start3A_532] : memref<4x100x128xf32, #tpu.memory_space<vmem>> -> memref<1x100x128xf32, #tpu.memory_space<vmem>>
      %dma_start3A_534 = tpu.memref_squeeze %dma_start3A_533 : memref<1x100x128xf32, #tpu.memory_space<vmem>> -> memref<100x128xf32, #tpu.memory_space<vmem>>
      %dma_start3A_535 = arith.constant 0 : i32
      %dma_start3A_536 = tpu.memref_slice %arg5[%min3A_529, %dma_start3A_535] : memref<64x100xi32, #tpu.memory_space<vmem>> -> memref<1x100xi32, #tpu.memory_space<vmem>>
      %dma_start3A_537 = tpu.memref_squeeze %dma_start3A_536 : memref<1x100xi32, #tpu.memory_space<vmem>> -> memref<100xi32, #tpu.memory_space<vmem>>
      %dma_start3A_538 = arith.constant 0 : i32
      %dma_start3A_539 = arith.constant 0 : i32
      %dma_start3A_540 = tpu.memref_slice %arg2[%dma_start3A_538, %dma_start3A_539] : memref<100000x128xf32, #tpu.memory_space<hbm>> -> memref<100000x128xf32, #tpu.memory_space<hbm>>
      tpu.enqueue_indirect_dma source(%dma_start3A_540 : memref<100000x128xf32, #tpu.memory_space<hbm>>) target(%dma_start3A_534 : memref<100x128xf32, #tpu.memory_space<vmem>>) offsets(%dma_start3A_537 : memref<100xi32, #tpu.memory_space<vmem>>) semaphore(%arg9 : memref<!tpu.dma_semaphore, #tpu.memory_space<semaphore_mem>>)
      %dma_wait3A_541 = arith.constant 0 : i32
      %dma_wait3A_542 = arith.constant 2 : i32
      %dma_wait3A_543 = arith.constant 0 : i32
      %dma_wait3A_544 = arith.constant 0 : i32
      %dma_wait3A_545 = tpu.memref_slice %arg6[%dma_wait3A_542, %dma_wait3A_543, %dma_wait3A_544] : memref<4x100x128xf32, #tpu.memory_space<vmem>> -> memref<1x100x128xf32, #tpu.memory_space<vmem>>
      %dma_wait3A_546 = tpu.memref_squeeze %dma_wait3A_545 : memref<1x100x128xf32, #tpu.memory_space<vmem>> -> memref<100x128xf32, #tpu.memory_space<vmem>>
      %dma_wait3A_547 = arith.constant 0 : i32
      %dma_wait3A_548 = tpu.memref_slice %arg5[%dma_wait3A_541, %dma_wait3A_547] : memref<64x100xi32, #tpu.memory_space<vmem>> -> memref<1x100xi32, #tpu.memory_space<vmem>>
      %dma_wait3A_549 = tpu.memref_squeeze %dma_wait3A_548 : memref<1x100xi32, #tpu.memory_space<vmem>> -> memref<100xi32, #tpu.memory_space<vmem>>
      %dma_wait3A_550 = arith.constant 0 : i32
      %dma_wait3A_551 = arith.constant 0 : i32
      %dma_wait3A_552 = tpu.memref_slice %arg2[%dma_wait3A_550, %dma_wait3A_551] : memref<100000x128xf32, #tpu.memory_space<hbm>> -> memref<100000x128xf32, #tpu.memory_space<hbm>>
      tpu.wait_indirect_dma semaphore(%arg10 : memref<!tpu.dma_semaphore, #tpu.memory_space<semaphore_mem>>) src(%dma_wait3A_552 : memref<100000x128xf32, #tpu.memory_space<hbm>>) dst(%dma_wait3A_546 : memref<100x128xf32, #tpu.memory_space<vmem>>)
      %add3A_553 = arith.constant 2 : i32
      %add3A_554 = arith.addi %add3A_83, %add3A_553 : i32
      %broadcast_in_dim3A_555 = arith.constant 0.000000e+00 : f32
      %broadcast_in_dim3A_556 = vector.broadcast %broadcast_in_dim3A_555 : f32 to vector<16xf32>
      %broadcast_in_dim3A_557 = arith.constant 0.000000e+00 : f32
      %broadcast_in_dim3A_558 = vector.broadcast %broadcast_in_dim3A_557 : f32 to vector<16xf32>
      %broadcast_in_dim3A_559 = arith.constant 0.000000e+00 : f32
      %broadcast_in_dim3A_560 = vector.broadcast %broadcast_in_dim3A_559 : f32 to vector<16xf32>
      %broadcast_in_dim3A_561 = arith.constant 0.000000e+00 : f32
      %broadcast_in_dim3A_562 = vector.broadcast %broadcast_in_dim3A_561 : f32 to vector<16xf32>
      %broadcast_in_dim3A_563 = arith.constant 0.000000e+00 : f32
      %broadcast_in_dim3A_564 = vector.broadcast %broadcast_in_dim3A_563 : f32 to vector<16xf32>
      %broadcast_in_dim3A_565 = arith.constant 0.000000e+00 : f32
      %broadcast_in_dim3A_566 = vector.broadcast %broadcast_in_dim3A_565 : f32 to vector<16xf32>
      %broadcast_in_dim3A_567 = arith.constant 0.000000e+00 : f32
      %broadcast_in_dim3A_568 = vector.broadcast %broadcast_in_dim3A_567 : f32 to vector<16xf32>
      %broadcast_in_dim3A_569 = arith.constant 0.000000e+00 : f32
      %broadcast_in_dim3A_570 = vector.broadcast %broadcast_in_dim3A_569 : f32 to vector<16xf32>
      %scan3A_571 = arith.constant 0 : i32
      %scan3A_572 = arith.constant 10 : i32
      %scan3A_573 = arith.addi %scan3A_571, %scan3A_572 : i32
      %scan3A_574 = arith.constant 1 : i32
      %scan3A_575:8 = scf.for %scan3A_964 = %scan3A_571 to %scan3A_573 step %scan3A_574 iter_args(%scan3A_965 = %broadcast_in_dim3A_556, %scan3A_966 = %broadcast_in_dim3A_558, %scan3A_967 = %broadcast_in_dim3A_560, %scan3A_968 = %broadcast_in_dim3A_562, %scan3A_969 = %broadcast_in_dim3A_564, %scan3A_970 = %broadcast_in_dim3A_566, %scan3A_971 = %broadcast_in_dim3A_568, %scan3A_972 = %broadcast_in_dim3A_570) -> (vector<16xf32>, vector<16xf32>, vector<16xf32>, vector<16xf32>, vector<16xf32>, vector<16xf32>, vector<16xf32>, vector<16xf32>)  : i32 {
        %mul3A_973 = arith.constant 5 : i32
        %mul3A_974 = arith.muli %scan3A_964, %mul3A_973 : i32
        %add3A_975 = arith.constant 0 : i32
        %add3A_976 = arith.addi %add3A_975, %mul3A_974 : i32
        %add3A_977 = arith.constant 0 : i32
        %add3A_978 = arith.addi %add3A_976, %add3A_977 : i32
        %get3A = arith.constant 2 : i32
        %get3A_979 = arith.index_cast %get3A : i32 to index
        %get3A_980 = arith.index_cast %add3A_978 : i32 to index
        %get3A_981 = arith.constant 0 : index
        %get3A_982 = tpu.vector_load %arg6[%get3A_979, %get3A_980, %get3A_981] {strides = array<i32>} : memref<4x100x128xf32, #tpu.memory_space<vmem>>, vector<1x1x16xf32>,
        %get3A_983 = vector.shape_cast %get3A_982 : vector<1x1x16xf32> to vector<16xf32>
        %add3A_984 = arith.addf %scan3A_965, %get3A_983 : vector<16xf32>
        %add3A_985 = arith.constant 0 : i32
        %add3A_986 = arith.addi %add3A_976, %add3A_985 : i32
        %get3A_987 = arith.constant 2 : i32
        %get3A_988 = arith.index_cast %get3A_987 : i32 to index
        %get3A_989 = arith.index_cast %add3A_986 : i32 to index
        %get3A_990 = arith.constant 16 : index
        %get3A_991 = tpu.vector_load %arg6[%get3A_988, %get3A_989, %get3A_990] {strides = array<i32>} : memref<4x100x128xf32, #tpu.memory_space<vmem>>, vector<1x1x16xf32>,
        %get3A_992 = vector.shape_cast %get3A_991 : vector<1x1x16xf32> to vector<16xf32>
        %add3A_993 = arith.addf %scan3A_966, %get3A_992 : vector<16xf32>
        %add3A_994 = arith.constant 0 : i32
        %add3A_995 = arith.addi %add3A_976, %add3A_994 : i32
        %get3A_996 = arith.constant 2 : i32
        %get3A_997 = arith.index_cast %get3A_996 : i32 to index
        %get3A_998 = arith.index_cast %add3A_995 : i32 to index
        %get3A_999 = arith.constant 32 : index
        %get3A_1000 = tpu.vector_load %arg6[%get3A_997, %get3A_998, %get3A_999] {strides = array<i32>} : memref<4x100x128xf32, #tpu.memory_space<vmem>>, vector<1x1x16xf32>,
        %get3A_1001 = vector.shape_cast %get3A_1000 : vector<1x1x16xf32> to vector<16xf32>
        %add3A_1002 = arith.addf %scan3A_967, %get3A_1001 : vector<16xf32>
        %add3A_1003 = arith.constant 0 : i32
        %add3A_1004 = arith.addi %add3A_976, %add3A_1003 : i32
        %get3A_1005 = arith.constant 2 : i32
        %get3A_1006 = arith.index_cast %get3A_1005 : i32 to index
        %get3A_1007 = arith.index_cast %add3A_1004 : i32 to index
        %get3A_1008 = arith.constant 48 : index
        %get3A_1009 = tpu.vector_load %arg6[%get3A_1006, %get3A_1007, %get3A_1008] {strides = array<i32>} : memref<4x100x128xf32, #tpu.memory_space<vmem>>, vector<1x1x16xf32>,
        %get3A_1010 = vector.shape_cast %get3A_1009 : vector<1x1x16xf32> to vector<16xf32>
        %add3A_1011 = arith.addf %scan3A_968, %get3A_1010 : vector<16xf32>
        %add3A_1012 = arith.constant 0 : i32
        %add3A_1013 = arith.addi %add3A_976, %add3A_1012 : i32
        %get3A_1014 = arith.constant 2 : i32
        %get3A_1015 = arith.index_cast %get3A_1014 : i32 to index
        %get3A_1016 = arith.index_cast %add3A_1013 : i32 to index
        %get3A_1017 = arith.constant 64 : index
        %get3A_1018 = tpu.vector_load %arg6[%get3A_1015, %get3A_1016, %get3A_1017] {strides = array<i32>} : memref<4x100x128xf32, #tpu.memory_space<vmem>>, vector<1x1x16xf32>,
        %get3A_1019 = vector.shape_cast %get3A_1018 : vector<1x1x16xf32> to vector<16xf32>
        %add3A_1020 = arith.addf %scan3A_969, %get3A_1019 : vector<16xf32>
        %add3A_1021 = arith.constant 0 : i32
        %add3A_1022 = arith.addi %add3A_976, %add3A_1021 : i32
        %get3A_1023 = arith.constant 2 : i32
        %get3A_1024 = arith.index_cast %get3A_1023 : i32 to index
        %get3A_1025 = arith.index_cast %add3A_1022 : i32 to index
        %get3A_1026 = arith.constant 80 : index
        %get3A_1027 = tpu.vector_load %arg6[%get3A_1024, %get3A_1025, %get3A_1026] {strides = array<i32>} : memref<4x100x128xf32, #tpu.memory_space<vmem>>, vector<1x1x16xf32>,
        %get3A_1028 = vector.shape_cast %get3A_1027 : vector<1x1x16xf32> to vector<16xf32>
        %add3A_1029 = arith.addf %scan3A_970, %get3A_1028 : vector<16xf32>
        %add3A_1030 = arith.constant 0 : i32
        %add3A_1031 = arith.addi %add3A_976, %add3A_1030 : i32
        %get3A_1032 = arith.constant 2 : i32
        %get3A_1033 = arith.index_cast %get3A_1032 : i32 to index
        %get3A_1034 = arith.index_cast %add3A_1031 : i32 to index
        %get3A_1035 = arith.constant 96 : index
        %get3A_1036 = tpu.vector_load %arg6[%get3A_1033, %get3A_1034, %get3A_1035] {strides = array<i32>} : memref<4x100x128xf32, #tpu.memory_space<vmem>>, vector<1x1x16xf32>,
        %get3A_1037 = vector.shape_cast %get3A_1036 : vector<1x1x16xf32> to vector<16xf32>
        %add3A_1038 = arith.addf %scan3A_971, %get3A_1037 : vector<16xf32>
        %add3A_1039 = arith.constant 0 : i32
        %add3A_1040 = arith.addi %add3A_976, %add3A_1039 : i32
        %get3A_1041 = arith.constant 2 : i32
        %get3A_1042 = arith.index_cast %get3A_1041 : i32 to index
        %get3A_1043 = arith.index_cast %add3A_1040 : i32 to index
        %get3A_1044 = arith.constant 112 : index
        %get3A_1045 = tpu.vector_load %arg6[%get3A_1042, %get3A_1043, %get3A_1044] {strides = array<i32>} : memref<4x100x128xf32, #tpu.memory_space<vmem>>, vector<1x1x16xf32>,
        %get3A_1046 = vector.shape_cast %get3A_1045 : vector<1x1x16xf32> to vector<16xf32>
        %add3A_1047 = arith.addf %scan3A_972, %get3A_1046 : vector<16xf32>
        %add3A_1048 = arith.constant 1 : i32
        %add3A_1049 = arith.addi %add3A_976, %add3A_1048 : i32
        %get3A_1050 = arith.constant 2 : i32
        %get3A_1051 = arith.index_cast %get3A_1050 : i32 to index
        %get3A_1052 = arith.index_cast %add3A_1049 : i32 to index
        %get3A_1053 = arith.constant 0 : index
        %get3A_1054 = tpu.vector_load %arg6[%get3A_1051, %get3A_1052, %get3A_1053] {strides = array<i32>} : memref<4x100x128xf32, #tpu.memory_space<vmem>>, vector<1x1x16xf32>,
        %get3A_1055 = vector.shape_cast %get3A_1054 : vector<1x1x16xf32> to vector<16xf32>
        %add3A_1056 = arith.addf %add3A_984, %get3A_1055 : vector<16xf32>
        %add3A_1057 = arith.constant 1 : i32
        %add3A_1058 = arith.addi %add3A_976, %add3A_1057 : i32
        %get3A_1059 = arith.constant 2 : i32
        %get3A_1060 = arith.index_cast %get3A_1059 : i32 to index
        %get3A_1061 = arith.index_cast %add3A_1058 : i32 to index
        %get3A_1062 = arith.constant 16 : index
        %get3A_1063 = tpu.vector_load %arg6[%get3A_1060, %get3A_1061, %get3A_1062] {strides = array<i32>} : memref<4x100x128xf32, #tpu.memory_space<vmem>>, vector<1x1x16xf32>,
        %get3A_1064 = vector.shape_cast %get3A_1063 : vector<1x1x16xf32> to vector<16xf32>
        %add3A_1065 = arith.addf %add3A_993, %get3A_1064 : vector<16xf32>
        %add3A_1066 = arith.constant 1 : i32
        %add3A_1067 = arith.addi %add3A_976, %add3A_1066 : i32
        %get3A_1068 = arith.constant 2 : i32
        %get3A_1069 = arith.index_cast %get3A_1068 : i32 to index
        %get3A_1070 = arith.index_cast %add3A_1067 : i32 to index
        %get3A_1071 = arith.constant 32 : index
        %get3A_1072 = tpu.vector_load %arg6[%get3A_1069, %get3A_1070, %get3A_1071] {strides = array<i32>} : memref<4x100x128xf32, #tpu.memory_space<vmem>>, vector<1x1x16xf32>,
        %get3A_1073 = vector.shape_cast %get3A_1072 : vector<1x1x16xf32> to vector<16xf32>
        %add3A_1074 = arith.addf %add3A_1002, %get3A_1073 : vector<16xf32>
        %add3A_1075 = arith.constant 1 : i32
        %add3A_1076 = arith.addi %add3A_976, %add3A_1075 : i32
        %get3A_1077 = arith.constant 2 : i32
        %get3A_1078 = arith.index_cast %get3A_1077 : i32 to index
        %get3A_1079 = arith.index_cast %add3A_1076 : i32 to index
        %get3A_1080 = arith.constant 48 : index
        %get3A_1081 = tpu.vector_load %arg6[%get3A_1078, %get3A_1079, %get3A_1080] {strides = array<i32>} : memref<4x100x128xf32, #tpu.memory_space<vmem>>, vector<1x1x16xf32>,
        %get3A_1082 = vector.shape_cast %get3A_1081 : vector<1x1x16xf32> to vector<16xf32>
        %add3A_1083 = arith.addf %add3A_1011, %get3A_1082 : vector<16xf32>
        %add3A_1084 = arith.constant 1 : i32
        %add3A_1085 = arith.addi %add3A_976, %add3A_1084 : i32
        %get3A_1086 = arith.constant 2 : i32
        %get3A_1087 = arith.index_cast %get3A_1086 : i32 to index
        %get3A_1088 = arith.index_cast %add3A_1085 : i32 to index
        %get3A_1089 = arith.constant 64 : index
        %get3A_1090 = tpu.vector_load %arg6[%get3A_1087, %get3A_1088, %get3A_1089] {strides = array<i32>} : memref<4x100x128xf32, #tpu.memory_space<vmem>>, vector<1x1x16xf32>,
        %get3A_1091 = vector.shape_cast %get3A_1090 : vector<1x1x16xf32> to vector<16xf32>
        %add3A_1092 = arith.addf %add3A_1020, %get3A_1091 : vector<16xf32>
        %add3A_1093 = arith.constant 1 : i32
        %add3A_1094 = arith.addi %add3A_976, %add3A_1093 : i32
        %get3A_1095 = arith.constant 2 : i32
        %get3A_1096 = arith.index_cast %get3A_1095 : i32 to index
        %get3A_1097 = arith.index_cast %add3A_1094 : i32 to index
        %get3A_1098 = arith.constant 80 : index
        %get3A_1099 = tpu.vector_load %arg6[%get3A_1096, %get3A_1097, %get3A_1098] {strides = array<i32>} : memref<4x100x128xf32, #tpu.memory_space<vmem>>, vector<1x1x16xf32>,
        %get3A_1100 = vector.shape_cast %get3A_1099 : vector<1x1x16xf32> to vector<16xf32>
        %add3A_1101 = arith.addf %add3A_1029, %get3A_1100 : vector<16xf32>
        %add3A_1102 = arith.constant 1 : i32
        %add3A_1103 = arith.addi %add3A_976, %add3A_1102 : i32
        %get3A_1104 = arith.constant 2 : i32
        %get3A_1105 = arith.index_cast %get3A_1104 : i32 to index
        %get3A_1106 = arith.index_cast %add3A_1103 : i32 to index
        %get3A_1107 = arith.constant 96 : index
        %get3A_1108 = tpu.vector_load %arg6[%get3A_1105, %get3A_1106, %get3A_1107] {strides = array<i32>} : memref<4x100x128xf32, #tpu.memory_space<vmem>>, vector<1x1x16xf32>,
        %get3A_1109 = vector.shape_cast %get3A_1108 : vector<1x1x16xf32> to vector<16xf32>
        %add3A_1110 = arith.addf %add3A_1038, %get3A_1109 : vector<16xf32>
        %add3A_1111 = arith.constant 1 : i32
        %add3A_1112 = arith.addi %add3A_976, %add3A_1111 : i32
        %get3A_1113 = arith.constant 2 : i32
        %get3A_1114 = arith.index_cast %get3A_1113 : i32 to index
        %get3A_1115 = arith.index_cast %add3A_1112 : i32 to index
        %get3A_1116 = arith.constant 112 : index
        %get3A_1117 = tpu.vector_load %arg6[%get3A_1114, %get3A_1115, %get3A_1116] {strides = array<i32>} : memref<4x100x128xf32, #tpu.memory_space<vmem>>, vector<1x1x16xf32>,
        %get3A_1118 = vector.shape_cast %get3A_1117 : vector<1x1x16xf32> to vector<16xf32>
        %add3A_1119 = arith.addf %add3A_1047, %get3A_1118 : vector<16xf32>
        %add3A_1120 = arith.constant 2 : i32
        %add3A_1121 = arith.addi %add3A_976, %add3A_1120 : i32
        %get3A_1122 = arith.constant 2 : i32
        %get3A_1123 = arith.index_cast %get3A_1122 : i32 to index
        %get3A_1124 = arith.index_cast %add3A_1121 : i32 to index
        %get3A_1125 = arith.constant 0 : index
        %get3A_1126 = tpu.vector_load %arg6[%get3A_1123, %get3A_1124, %get3A_1125] {strides = array<i32>} : memref<4x100x128xf32, #tpu.memory_space<vmem>>, vector<1x1x16xf32>,
        %get3A_1127 = vector.shape_cast %get3A_1126 : vector<1x1x16xf32> to vector<16xf32>
        %add3A_1128 = arith.addf %add3A_1056, %get3A_1127 : vector<16xf32>
        %add3A_1129 = arith.constant 2 : i32
        %add3A_1130 = arith.addi %add3A_976, %add3A_1129 : i32
        %get3A_1131 = arith.constant 2 : i32
        %get3A_1132 = arith.index_cast %get3A_1131 : i32 to index
        %get3A_1133 = arith.index_cast %add3A_1130 : i32 to index
        %get3A_1134 = arith.constant 16 : index
        %get3A_1135 = tpu.vector_load %arg6[%get3A_1132, %get3A_1133, %get3A_1134] {strides = array<i32>} : memref<4x100x128xf32, #tpu.memory_space<vmem>>, vector<1x1x16xf32>,
        %get3A_1136 = vector.shape_cast %get3A_1135 : vector<1x1x16xf32> to vector<16xf32>
        %add3A_1137 = arith.addf %add3A_1065, %get3A_1136 : vector<16xf32>
        %add3A_1138 = arith.constant 2 : i32
        %add3A_1139 = arith.addi %add3A_976, %add3A_1138 : i32
        %get3A_1140 = arith.constant 2 : i32
        %get3A_1141 = arith.index_cast %get3A_1140 : i32 to index
        %get3A_1142 = arith.index_cast %add3A_1139 : i32 to index
        %get3A_1143 = arith.constant 32 : index
        %get3A_1144 = tpu.vector_load %arg6[%get3A_1141, %get3A_1142, %get3A_1143] {strides = array<i32>} : memref<4x100x128xf32, #tpu.memory_space<vmem>>, vector<1x1x16xf32>,
        %get3A_1145 = vector.shape_cast %get3A_1144 : vector<1x1x16xf32> to vector<16xf32>
        %add3A_1146 = arith.addf %add3A_1074, %get3A_1145 : vector<16xf32>
        %add3A_1147 = arith.constant 2 : i32
        %add3A_1148 = arith.addi %add3A_976, %add3A_1147 : i32
        %get3A_1149 = arith.constant 2 : i32
        %get3A_1150 = arith.index_cast %get3A_1149 : i32 to index
        %get3A_1151 = arith.index_cast %add3A_1148 : i32 to index
        %get3A_1152 = arith.constant 48 : index
        %get3A_1153 = tpu.vector_load %arg6[%get3A_1150, %get3A_1151, %get3A_1152] {strides = array<i32>} : memref<4x100x128xf32, #tpu.memory_space<vmem>>, vector<1x1x16xf32>,
        %get3A_1154 = vector.shape_cast %get3A_1153 : vector<1x1x16xf32> to vector<16xf32>
        %add3A_1155 = arith.addf %add3A_1083, %get3A_1154 : vector<16xf32>
        %add3A_1156 = arith.constant 2 : i32
        %add3A_1157 = arith.addi %add3A_976, %add3A_1156 : i32
        %get3A_1158 = arith.constant 2 : i32
        %get3A_1159 = arith.index_cast %get3A_1158 : i32 to index
        %get3A_1160 = arith.index_cast %add3A_1157 : i32 to index
        %get3A_1161 = arith.constant 64 : index
        %get3A_1162 = tpu.vector_load %arg6[%get3A_1159, %get3A_1160, %get3A_1161] {strides = array<i32>} : memref<4x100x128xf32, #tpu.memory_space<vmem>>, vector<1x1x16xf32>,
        %get3A_1163 = vector.shape_cast %get3A_1162 : vector<1x1x16xf32> to vector<16xf32>
        %add3A_1164 = arith.addf %add3A_1092, %get3A_1163 : vector<16xf32>
        %add3A_1165 = arith.constant 2 : i32
        %add3A_1166 = arith.addi %add3A_976, %add3A_1165 : i32
        %get3A_1167 = arith.constant 2 : i32
        %get3A_1168 = arith.index_cast %get3A_1167 : i32 to index
        %get3A_1169 = arith.index_cast %add3A_1166 : i32 to index
        %get3A_1170 = arith.constant 80 : index
        %get3A_1171 = tpu.vector_load %arg6[%get3A_1168, %get3A_1169, %get3A_1170] {strides = array<i32>} : memref<4x100x128xf32, #tpu.memory_space<vmem>>, vector<1x1x16xf32>,
        %get3A_1172 = vector.shape_cast %get3A_1171 : vector<1x1x16xf32> to vector<16xf32>
        %add3A_1173 = arith.addf %add3A_1101, %get3A_1172 : vector<16xf32>
        %add3A_1174 = arith.constant 2 : i32
        %add3A_1175 = arith.addi %add3A_976, %add3A_1174 : i32
        %get3A_1176 = arith.constant 2 : i32
        %get3A_1177 = arith.index_cast %get3A_1176 : i32 to index
        %get3A_1178 = arith.index_cast %add3A_1175 : i32 to index
        %get3A_1179 = arith.constant 96 : index
        %get3A_1180 = tpu.vector_load %arg6[%get3A_1177, %get3A_1178, %get3A_1179] {strides = array<i32>} : memref<4x100x128xf32, #tpu.memory_space<vmem>>, vector<1x1x16xf32>,
        %get3A_1181 = vector.shape_cast %get3A_1180 : vector<1x1x16xf32> to vector<16xf32>
        %add3A_1182 = arith.addf %add3A_1110, %get3A_1181 : vector<16xf32>
        %add3A_1183 = arith.constant 2 : i32
        %add3A_1184 = arith.addi %add3A_976, %add3A_1183 : i32
        %get3A_1185 = arith.constant 2 : i32
        %get3A_1186 = arith.index_cast %get3A_1185 : i32 to index
        %get3A_1187 = arith.index_cast %add3A_1184 : i32 to index
        %get3A_1188 = arith.constant 112 : index
        %get3A_1189 = tpu.vector_load %arg6[%get3A_1186, %get3A_1187, %get3A_1188] {strides = array<i32>} : memref<4x100x128xf32, #tpu.memory_space<vmem>>, vector<1x1x16xf32>,
        %get3A_1190 = vector.shape_cast %get3A_1189 : vector<1x1x16xf32> to vector<16xf32>
        %add3A_1191 = arith.addf %add3A_1119, %get3A_1190 : vector<16xf32>
        %add3A_1192 = arith.constant 3 : i32
        %add3A_1193 = arith.addi %add3A_976, %add3A_1192 : i32
        %get3A_1194 = arith.constant 2 : i32
        %get3A_1195 = arith.index_cast %get3A_1194 : i32 to index
        %get3A_1196 = arith.index_cast %add3A_1193 : i32 to index
        %get3A_1197 = arith.constant 0 : index
        %get3A_1198 = tpu.vector_load %arg6[%get3A_1195, %get3A_1196, %get3A_1197] {strides = array<i32>} : memref<4x100x128xf32, #tpu.memory_space<vmem>>, vector<1x1x16xf32>,
        %get3A_1199 = vector.shape_cast %get3A_1198 : vector<1x1x16xf32> to vector<16xf32>
        %add3A_1200 = arith.addf %add3A_1128, %get3A_1199 : vector<16xf32>
        %add3A_1201 = arith.constant 3 : i32
        %add3A_1202 = arith.addi %add3A_976, %add3A_1201 : i32
        %get3A_1203 = arith.constant 2 : i32
        %get3A_1204 = arith.index_cast %get3A_1203 : i32 to index
        %get3A_1205 = arith.index_cast %add3A_1202 : i32 to index
        %get3A_1206 = arith.constant 16 : index
        %get3A_1207 = tpu.vector_load %arg6[%get3A_1204, %get3A_1205, %get3A_1206] {strides = array<i32>} : memref<4x100x128xf32, #tpu.memory_space<vmem>>, vector<1x1x16xf32>,
        %get3A_1208 = vector.shape_cast %get3A_1207 : vector<1x1x16xf32> to vector<16xf32>
        %add3A_1209 = arith.addf %add3A_1137, %get3A_1208 : vector<16xf32>
        %add3A_1210 = arith.constant 3 : i32
        %add3A_1211 = arith.addi %add3A_976, %add3A_1210 : i32
        %get3A_1212 = arith.constant 2 : i32
        %get3A_1213 = arith.index_cast %get3A_1212 : i32 to index
        %get3A_1214 = arith.index_cast %add3A_1211 : i32 to index
        %get3A_1215 = arith.constant 32 : index
        %get3A_1216 = tpu.vector_load %arg6[%get3A_1213, %get3A_1214, %get3A_1215] {strides = array<i32>} : memref<4x100x128xf32, #tpu.memory_space<vmem>>, vector<1x1x16xf32>,
        %get3A_1217 = vector.shape_cast %get3A_1216 : vector<1x1x16xf32> to vector<16xf32>
        %add3A_1218 = arith.addf %add3A_1146, %get3A_1217 : vector<16xf32>
        %add3A_1219 = arith.constant 3 : i32
        %add3A_1220 = arith.addi %add3A_976, %add3A_1219 : i32
        %get3A_1221 = arith.constant 2 : i32
        %get3A_1222 = arith.index_cast %get3A_1221 : i32 to index
        %get3A_1223 = arith.index_cast %add3A_1220 : i32 to index
        %get3A_1224 = arith.constant 48 : index
        %get3A_1225 = tpu.vector_load %arg6[%get3A_1222, %get3A_1223, %get3A_1224] {strides = array<i32>} : memref<4x100x128xf32, #tpu.memory_space<vmem>>, vector<1x1x16xf32>,
        %get3A_1226 = vector.shape_cast %get3A_1225 : vector<1x1x16xf32> to vector<16xf32>
        %add3A_1227 = arith.addf %add3A_1155, %get3A_1226 : vector<16xf32>
        %add3A_1228 = arith.constant 3 : i32
        %add3A_1229 = arith.addi %add3A_976, %add3A_1228 : i32
        %get3A_1230 = arith.constant 2 : i32
        %get3A_1231 = arith.index_cast %get3A_1230 : i32 to index
        %get3A_1232 = arith.index_cast %add3A_1229 : i32 to index
        %get3A_1233 = arith.constant 64 : index
        %get3A_1234 = tpu.vector_load %arg6[%get3A_1231, %get3A_1232, %get3A_1233] {strides = array<i32>} : memref<4x100x128xf32, #tpu.memory_space<vmem>>, vector<1x1x16xf32>,
        %get3A_1235 = vector.shape_cast %get3A_1234 : vector<1x1x16xf32> to vector<16xf32>
        %add3A_1236 = arith.addf %add3A_1164, %get3A_1235 : vector<16xf32>
        %add3A_1237 = arith.constant 3 : i32
        %add3A_1238 = arith.addi %add3A_976, %add3A_1237 : i32
        %get3A_1239 = arith.constant 2 : i32
        %get3A_1240 = arith.index_cast %get3A_1239 : i32 to index
        %get3A_1241 = arith.index_cast %add3A_1238 : i32 to index
        %get3A_1242 = arith.constant 80 : index
        %get3A_1243 = tpu.vector_load %arg6[%get3A_1240, %get3A_1241, %get3A_1242] {strides = array<i32>} : memref<4x100x128xf32, #tpu.memory_space<vmem>>, vector<1x1x16xf32>,
        %get3A_1244 = vector.shape_cast %get3A_1243 : vector<1x1x16xf32> to vector<16xf32>
        %add3A_1245 = arith.addf %add3A_1173, %get3A_1244 : vector<16xf32>
        %add3A_1246 = arith.constant 3 : i32
        %add3A_1247 = arith.addi %add3A_976, %add3A_1246 : i32
        %get3A_1248 = arith.constant 2 : i32
        %get3A_1249 = arith.index_cast %get3A_1248 : i32 to index
        %get3A_1250 = arith.index_cast %add3A_1247 : i32 to index
        %get3A_1251 = arith.constant 96 : index
        %get3A_1252 = tpu.vector_load %arg6[%get3A_1249, %get3A_1250, %get3A_1251] {strides = array<i32>} : memref<4x100x128xf32, #tpu.memory_space<vmem>>, vector<1x1x16xf32>,
        %get3A_1253 = vector.shape_cast %get3A_1252 : vector<1x1x16xf32> to vector<16xf32>
        %add3A_1254 = arith.addf %add3A_1182, %get3A_1253 : vector<16xf32>
        %add3A_1255 = arith.constant 3 : i32
        %add3A_1256 = arith.addi %add3A_976, %add3A_1255 : i32
        %get3A_1257 = arith.constant 2 : i32
        %get3A_1258 = arith.index_cast %get3A_1257 : i32 to index
        %get3A_1259 = arith.index_cast %add3A_1256 : i32 to index
        %get3A_1260 = arith.constant 112 : index
        %get3A_1261 = tpu.vector_load %arg6[%get3A_1258, %get3A_1259, %get3A_1260] {strides = array<i32>} : memref<4x100x128xf32, #tpu.memory_space<vmem>>, vector<1x1x16xf32>,
        %get3A_1262 = vector.shape_cast %get3A_1261 : vector<1x1x16xf32> to vector<16xf32>
        %add3A_1263 = arith.addf %add3A_1191, %get3A_1262 : vector<16xf32>
        %add3A_1264 = arith.constant 4 : i32
        %add3A_1265 = arith.addi %add3A_976, %add3A_1264 : i32
        %get3A_1266 = arith.constant 2 : i32
        %get3A_1267 = arith.index_cast %get3A_1266 : i32 to index
        %get3A_1268 = arith.index_cast %add3A_1265 : i32 to index
        %get3A_1269 = arith.constant 0 : index
        %get3A_1270 = tpu.vector_load %arg6[%get3A_1267, %get3A_1268, %get3A_1269] {strides = array<i32>} : memref<4x100x128xf32, #tpu.memory_space<vmem>>, vector<1x1x16xf32>,
        %get3A_1271 = vector.shape_cast %get3A_1270 : vector<1x1x16xf32> to vector<16xf32>
        %add3A_1272 = arith.addf %add3A_1200, %get3A_1271 : vector<16xf32>
        %add3A_1273 = arith.constant 4 : i32
        %add3A_1274 = arith.addi %add3A_976, %add3A_1273 : i32
        %get3A_1275 = arith.constant 2 : i32
        %get3A_1276 = arith.index_cast %get3A_1275 : i32 to index
        %get3A_1277 = arith.index_cast %add3A_1274 : i32 to index
        %get3A_1278 = arith.constant 16 : index
        %get3A_1279 = tpu.vector_load %arg6[%get3A_1276, %get3A_1277, %get3A_1278] {strides = array<i32>} : memref<4x100x128xf32, #tpu.memory_space<vmem>>, vector<1x1x16xf32>,
        %get3A_1280 = vector.shape_cast %get3A_1279 : vector<1x1x16xf32> to vector<16xf32>
        %add3A_1281 = arith.addf %add3A_1209, %get3A_1280 : vector<16xf32>
        %add3A_1282 = arith.constant 4 : i32
        %add3A_1283 = arith.addi %add3A_976, %add3A_1282 : i32
        %get3A_1284 = arith.constant 2 : i32
        %get3A_1285 = arith.index_cast %get3A_1284 : i32 to index
        %get3A_1286 = arith.index_cast %add3A_1283 : i32 to index
        %get3A_1287 = arith.constant 32 : index
        %get3A_1288 = tpu.vector_load %arg6[%get3A_1285, %get3A_1286, %get3A_1287] {strides = array<i32>} : memref<4x100x128xf32, #tpu.memory_space<vmem>>, vector<1x1x16xf32>,
        %get3A_1289 = vector.shape_cast %get3A_1288 : vector<1x1x16xf32> to vector<16xf32>
        %add3A_1290 = arith.addf %add3A_1218, %get3A_1289 : vector<16xf32>
        %add3A_1291 = arith.constant 4 : i32
        %add3A_1292 = arith.addi %add3A_976, %add3A_1291 : i32
        %get3A_1293 = arith.constant 2 : i32
        %get3A_1294 = arith.index_cast %get3A_1293 : i32 to index
        %get3A_1295 = arith.index_cast %add3A_1292 : i32 to index
        %get3A_1296 = arith.constant 48 : index
        %get3A_1297 = tpu.vector_load %arg6[%get3A_1294, %get3A_1295, %get3A_1296] {strides = array<i32>} : memref<4x100x128xf32, #tpu.memory_space<vmem>>, vector<1x1x16xf32>,
        %get3A_1298 = vector.shape_cast %get3A_1297 : vector<1x1x16xf32> to vector<16xf32>
        %add3A_1299 = arith.addf %add3A_1227, %get3A_1298 : vector<16xf32>
        %add3A_1300 = arith.constant 4 : i32
        %add3A_1301 = arith.addi %add3A_976, %add3A_1300 : i32
        %get3A_1302 = arith.constant 2 : i32
        %get3A_1303 = arith.index_cast %get3A_1302 : i32 to index
        %get3A_1304 = arith.index_cast %add3A_1301 : i32 to index
        %get3A_1305 = arith.constant 64 : index
        %get3A_1306 = tpu.vector_load %arg6[%get3A_1303, %get3A_1304, %get3A_1305] {strides = array<i32>} : memref<4x100x128xf32, #tpu.memory_space<vmem>>, vector<1x1x16xf32>,
        %get3A_1307 = vector.shape_cast %get3A_1306 : vector<1x1x16xf32> to vector<16xf32>
        %add3A_1308 = arith.addf %add3A_1236, %get3A_1307 : vector<16xf32>
        %add3A_1309 = arith.constant 4 : i32
        %add3A_1310 = arith.addi %add3A_976, %add3A_1309 : i32
        %get3A_1311 = arith.constant 2 : i32
        %get3A_1312 = arith.index_cast %get3A_1311 : i32 to index
        %get3A_1313 = arith.index_cast %add3A_1310 : i32 to index
        %get3A_1314 = arith.constant 80 : index
        %get3A_1315 = tpu.vector_load %arg6[%get3A_1312, %get3A_1313, %get3A_1314] {strides = array<i32>} : memref<4x100x128xf32, #tpu.memory_space<vmem>>, vector<1x1x16xf32>,
        %get3A_1316 = vector.shape_cast %get3A_1315 : vector<1x1x16xf32> to vector<16xf32>
        %add3A_1317 = arith.addf %add3A_1245, %get3A_1316 : vector<16xf32>
        %add3A_1318 = arith.constant 4 : i32
        %add3A_1319 = arith.addi %add3A_976, %add3A_1318 : i32
        %get3A_1320 = arith.constant 2 : i32
        %get3A_1321 = arith.index_cast %get3A_1320 : i32 to index
        %get3A_1322 = arith.index_cast %add3A_1319 : i32 to index
        %get3A_1323 = arith.constant 96 : index
        %get3A_1324 = tpu.vector_load %arg6[%get3A_1321, %get3A_1322, %get3A_1323] {strides = array<i32>} : memref<4x100x128xf32, #tpu.memory_space<vmem>>, vector<1x1x16xf32>,
        %get3A_1325 = vector.shape_cast %get3A_1324 : vector<1x1x16xf32> to vector<16xf32>
        %add3A_1326 = arith.addf %add3A_1254, %get3A_1325 : vector<16xf32>
        %add3A_1327 = arith.constant 4 : i32
        %add3A_1328 = arith.addi %add3A_976, %add3A_1327 : i32
        %get3A_1329 = arith.constant 2 : i32
        %get3A_1330 = arith.index_cast %get3A_1329 : i32 to index
        %get3A_1331 = arith.index_cast %add3A_1328 : i32 to index
        %get3A_1332 = arith.constant 112 : index
        %get3A_1333 = tpu.vector_load %arg6[%get3A_1330, %get3A_1331, %get3A_1332] {strides = array<i32>} : memref<4x100x128xf32, #tpu.memory_space<vmem>>, vector<1x1x16xf32>,
        %get3A_1334 = vector.shape_cast %get3A_1333 : vector<1x1x16xf32> to vector<16xf32>
        %add3A_1335 = arith.addf %add3A_1263, %get3A_1334 : vector<16xf32>
        scf.yield %add3A_1272, %add3A_1281, %add3A_1290, %add3A_1299, %add3A_1308, %add3A_1317, %add3A_1326, %add3A_1335 : vector<16xf32>, vector<16xf32>, vector<16xf32>, vector<16xf32>, vector<16xf32>, vector<16xf32>, vector<16xf32>, vector<16xf32>
      }
      %scan3A_576 = arith.constant 10 : i32
      %mul3A_577 = arith.constant 2 : i32
      %mul3A_578 = arith.muli %add3A_554, %mul3A_577 : i32
      %add3A_579 = arith.constant 0 : i32
      %add3A_580 = arith.addi %mul3A_578, %add3A_579 : i32
      %swap3A_581 = arith.index_cast %add3A_580 : i32 to index
      %swap3A_582 = arith.constant 0 : index
      %swap3A_583 = tpu.vector_load %arg7[%swap3A_581, %swap3A_582] {strides = array<i32>} : memref<128x128xf32, #tpu.memory_space<vmem>>, vector<1x16xf32>,
      %swap3A_584 = vector.shape_cast %swap3A_583 : vector<1x16xf32> to vector<16xf32>
      %swap3A_585 = vector.shape_cast %scan3A_575#0 : vector<16xf32> to vector<1x16xf32>
      tpu.vector_store %arg7[%swap3A_581, %swap3A_582], %swap3A_585 {strides = array<i32>} : memref<128x128xf32, #tpu.memory_space<vmem>>, vector<1x16xf32>,
      %mul3A_586 = arith.constant 2 : i32
      %mul3A_587 = arith.muli %add3A_554, %mul3A_586 : i32
      %add3A_588 = arith.constant 0 : i32
      %add3A_589 = arith.addi %mul3A_587, %add3A_588 : i32
      %swap3A_590 = arith.index_cast %add3A_589 : i32 to index
      %swap3A_591 = arith.constant 16 : index
      %swap3A_592 = tpu.vector_load %arg7[%swap3A_590, %swap3A_591] {strides = array<i32>} : memref<128x128xf32, #tpu.memory_space<vmem>>, vector<1x16xf32>,
      %swap3A_593 = vector.shape_cast %swap3A_592 : vector<1x16xf32> to vector<16xf32>
      %swap3A_594 = vector.shape_cast %scan3A_575#1 : vector<16xf32> to vector<1x16xf32>
      tpu.vector_store %arg7[%swap3A_590, %swap3A_591], %swap3A_594 {strides = array<i32>} : memref<128x128xf32, #tpu.memory_space<vmem>>, vector<1x16xf32>,
      %mul3A_595 = arith.constant 2 : i32
      %mul3A_596 = arith.muli %add3A_554, %mul3A_595 : i32
      %add3A_597 = arith.constant 0 : i32
      %add3A_598 = arith.addi %mul3A_596, %add3A_597 : i32
      %swap3A_599 = arith.index_cast %add3A_598 : i32 to index
      %swap3A_600 = arith.constant 32 : index
      %swap3A_601 = tpu.vector_load %arg7[%swap3A_599, %swap3A_600] {strides = array<i32>} : memref<128x128xf32, #tpu.memory_space<vmem>>, vector<1x16xf32>,
      %swap3A_602 = vector.shape_cast %swap3A_601 : vector<1x16xf32> to vector<16xf32>
      %swap3A_603 = vector.shape_cast %scan3A_575#2 : vector<16xf32> to vector<1x16xf32>
      tpu.vector_store %arg7[%swap3A_599, %swap3A_600], %swap3A_603 {strides = array<i32>} : memref<128x128xf32, #tpu.memory_space<vmem>>, vector<1x16xf32>,
      %mul3A_604 = arith.constant 2 : i32
      %mul3A_605 = arith.muli %add3A_554, %mul3A_604 : i32
      %add3A_606 = arith.constant 0 : i32
      %add3A_607 = arith.addi %mul3A_605, %add3A_606 : i32
      %swap3A_608 = arith.index_cast %add3A_607 : i32 to index
      %swap3A_609 = arith.constant 48 : index
      %swap3A_610 = tpu.vector_load %arg7[%swap3A_608, %swap3A_609] {strides = array<i32>} : memref<128x128xf32, #tpu.memory_space<vmem>>, vector<1x16xf32>,
      %swap3A_611 = vector.shape_cast %swap3A_610 : vector<1x16xf32> to vector<16xf32>
      %swap3A_612 = vector.shape_cast %scan3A_575#3 : vector<16xf32> to vector<1x16xf32>
      tpu.vector_store %arg7[%swap3A_608, %swap3A_609], %swap3A_612 {strides = array<i32>} : memref<128x128xf32, #tpu.memory_space<vmem>>, vector<1x16xf32>,
      %mul3A_613 = arith.constant 2 : i32
      %mul3A_614 = arith.muli %add3A_554, %mul3A_613 : i32
      %add3A_615 = arith.constant 0 : i32
      %add3A_616 = arith.addi %mul3A_614, %add3A_615 : i32
      %swap3A_617 = arith.index_cast %add3A_616 : i32 to index
      %swap3A_618 = arith.constant 64 : index
      %swap3A_619 = tpu.vector_load %arg7[%swap3A_617, %swap3A_618] {strides = array<i32>} : memref<128x128xf32, #tpu.memory_space<vmem>>, vector<1x16xf32>,
      %swap3A_620 = vector.shape_cast %swap3A_619 : vector<1x16xf32> to vector<16xf32>
      %swap3A_621 = vector.shape_cast %scan3A_575#4 : vector<16xf32> to vector<1x16xf32>
      tpu.vector_store %arg7[%swap3A_617, %swap3A_618], %swap3A_621 {strides = array<i32>} : memref<128x128xf32, #tpu.memory_space<vmem>>, vector<1x16xf32>,
      %mul3A_622 = arith.constant 2 : i32
      %mul3A_623 = arith.muli %add3A_554, %mul3A_622 : i32
      %add3A_624 = arith.constant 0 : i32
      %add3A_625 = arith.addi %mul3A_623, %add3A_624 : i32
      %swap3A_626 = arith.index_cast %add3A_625 : i32 to index
      %swap3A_627 = arith.constant 80 : index
      %swap3A_628 = tpu.vector_load %arg7[%swap3A_626, %swap3A_627] {strides = array<i32>} : memref<128x128xf32, #tpu.memory_space<vmem>>, vector<1x16xf32>,
      %swap3A_629 = vector.shape_cast %swap3A_628 : vector<1x16xf32> to vector<16xf32>
      %swap3A_630 = vector.shape_cast %scan3A_575#5 : vector<16xf32> to vector<1x16xf32>
      tpu.vector_store %arg7[%swap3A_626, %swap3A_627], %swap3A_630 {strides = array<i32>} : memref<128x128xf32, #tpu.memory_space<vmem>>, vector<1x16xf32>,
      %mul3A_631 = arith.constant 2 : i32
      %mul3A_632 = arith.muli %add3A_554, %mul3A_631 : i32
      %add3A_633 = arith.constant 0 : i32
      %add3A_634 = arith.addi %mul3A_632, %add3A_633 : i32
      %swap3A_635 = arith.index_cast %add3A_634 : i32 to index
      %swap3A_636 = arith.constant 96 : index
      %swap3A_637 = tpu.vector_load %arg7[%swap3A_635, %swap3A_636] {strides = array<i32>} : memref<128x128xf32, #tpu.memory_space<vmem>>, vector<1x16xf32>,
      %swap3A_638 = vector.shape_cast %swap3A_637 : vector<1x16xf32> to vector<16xf32>
      %swap3A_639 = vector.shape_cast %scan3A_575#6 : vector<16xf32> to vector<1x16xf32>
      tpu.vector_store %arg7[%swap3A_635, %swap3A_636], %swap3A_639 {strides = array<i32>} : memref<128x128xf32, #tpu.memory_space<vmem>>, vector<1x16xf32>,
      %mul3A_640 = arith.constant 2 : i32
      %mul3A_641 = arith.muli %add3A_554, %mul3A_640 : i32
      %add3A_642 = arith.constant 0 : i32
      %add3A_643 = arith.addi %mul3A_641, %add3A_642 : i32
      %swap3A_644 = arith.index_cast %add3A_643 : i32 to index
      %swap3A_645 = arith.constant 112 : index
      %swap3A_646 = tpu.vector_load %arg7[%swap3A_644, %swap3A_645] {strides = array<i32>} : memref<128x128xf32, #tpu.memory_space<vmem>>, vector<1x16xf32>,
      %swap3A_647 = vector.shape_cast %swap3A_646 : vector<1x16xf32> to vector<16xf32>
      %swap3A_648 = vector.shape_cast %scan3A_575#7 : vector<16xf32> to vector<1x16xf32>
      tpu.vector_store %arg7[%swap3A_644, %swap3A_645], %swap3A_648 {strides = array<i32>} : memref<128x128xf32, #tpu.memory_space<vmem>>, vector<1x16xf32>,
      %broadcast_in_dim3A_649 = arith.constant 0.000000e+00 : f32
      %broadcast_in_dim3A_650 = vector.broadcast %broadcast_in_dim3A_649 : f32 to vector<16xf32>
      %broadcast_in_dim3A_651 = arith.constant 0.000000e+00 : f32
      %broadcast_in_dim3A_652 = vector.broadcast %broadcast_in_dim3A_651 : f32 to vector<16xf32>
      %broadcast_in_dim3A_653 = arith.constant 0.000000e+00 : f32
      %broadcast_in_dim3A_654 = vector.broadcast %broadcast_in_dim3A_653 : f32 to vector<16xf32>
      %broadcast_in_dim3A_655 = arith.constant 0.000000e+00 : f32
      %broadcast_in_dim3A_656 = vector.broadcast %broadcast_in_dim3A_655 : f32 to vector<16xf32>
      %broadcast_in_dim3A_657 = arith.constant 0.000000e+00 : f32
      %broadcast_in_dim3A_658 = vector.broadcast %broadcast_in_dim3A_657 : f32 to vector<16xf32>
      %broadcast_in_dim3A_659 = arith.constant 0.000000e+00 : f32
      %broadcast_in_dim3A_660 = vector.broadcast %broadcast_in_dim3A_659 : f32 to vector<16xf32>
      %broadcast_in_dim3A_661 = arith.constant 0.000000e+00 : f32
      %broadcast_in_dim3A_662 = vector.broadcast %broadcast_in_dim3A_661 : f32 to vector<16xf32>
      %broadcast_in_dim3A_663 = arith.constant 0.000000e+00 : f32
      %broadcast_in_dim3A_664 = vector.broadcast %broadcast_in_dim3A_663 : f32 to vector<16xf32>
      %scan3A_665 = arith.constant 0 : i32
      %scan3A_666 = arith.constant 10 : i32
      %scan3A_667 = arith.addi %scan3A_665, %scan3A_666 : i32
      %scan3A_668 = arith.constant 1 : i32
      %scan3A_669:8 = scf.for %scan3A_964 = %scan3A_665 to %scan3A_667 step %scan3A_668 iter_args(%scan3A_965 = %broadcast_in_dim3A_650, %scan3A_966 = %broadcast_in_dim3A_652, %scan3A_967 = %broadcast_in_dim3A_654, %scan3A_968 = %broadcast_in_dim3A_656, %scan3A_969 = %broadcast_in_dim3A_658, %scan3A_970 = %broadcast_in_dim3A_660, %scan3A_971 = %broadcast_in_dim3A_662, %scan3A_972 = %broadcast_in_dim3A_664) -> (vector<16xf32>, vector<16xf32>, vector<16xf32>, vector<16xf32>, vector<16xf32>, vector<16xf32>, vector<16xf32>, vector<16xf32>)  : i32 {
        %mul3A_973 = arith.constant 5 : i32
        %mul3A_974 = arith.muli %scan3A_964, %mul3A_973 : i32
        %add3A_975 = arith.constant 50 : i32
        %add3A_976 = arith.addi %add3A_975, %mul3A_974 : i32
        %add3A_977 = arith.constant 0 : i32
        %add3A_978 = arith.addi %add3A_976, %add3A_977 : i32
        %get3A = arith.constant 2 : i32
        %get3A_979 = arith.index_cast %get3A : i32 to index
        %get3A_980 = arith.index_cast %add3A_978 : i32 to index
        %get3A_981 = arith.constant 0 : index
        %get3A_982 = tpu.vector_load %arg6[%get3A_979, %get3A_980, %get3A_981] {strides = array<i32>} : memref<4x100x128xf32, #tpu.memory_space<vmem>>, vector<1x1x16xf32>,
        %get3A_983 = vector.shape_cast %get3A_982 : vector<1x1x16xf32> to vector<16xf32>
        %add3A_984 = arith.addf %scan3A_965, %get3A_983 : vector<16xf32>
        %add3A_985 = arith.constant 0 : i32
        %add3A_986 = arith.addi %add3A_976, %add3A_985 : i32
        %get3A_987 = arith.constant 2 : i32
        %get3A_988 = arith.index_cast %get3A_987 : i32 to index
        %get3A_989 = arith.index_cast %add3A_986 : i32 to index
        %get3A_990 = arith.constant 16 : index
        %get3A_991 = tpu.vector_load %arg6[%get3A_988, %get3A_989, %get3A_990] {strides = array<i32>} : memref<4x100x128xf32, #tpu.memory_space<vmem>>, vector<1x1x16xf32>,
        %get3A_992 = vector.shape_cast %get3A_991 : vector<1x1x16xf32> to vector<16xf32>
        %add3A_993 = arith.addf %scan3A_966, %get3A_992 : vector<16xf32>
        %add3A_994 = arith.constant 0 : i32
        %add3A_995 = arith.addi %add3A_976, %add3A_994 : i32
        %get3A_996 = arith.constant 2 : i32
        %get3A_997 = arith.index_cast %get3A_996 : i32 to index
        %get3A_998 = arith.index_cast %add3A_995 : i32 to index
        %get3A_999 = arith.constant 32 : index
        %get3A_1000 = tpu.vector_load %arg6[%get3A_997, %get3A_998, %get3A_999] {strides = array<i32>} : memref<4x100x128xf32, #tpu.memory_space<vmem>>, vector<1x1x16xf32>,
        %get3A_1001 = vector.shape_cast %get3A_1000 : vector<1x1x16xf32> to vector<16xf32>
        %add3A_1002 = arith.addf %scan3A_967, %get3A_1001 : vector<16xf32>
        %add3A_1003 = arith.constant 0 : i32
        %add3A_1004 = arith.addi %add3A_976, %add3A_1003 : i32
        %get3A_1005 = arith.constant 2 : i32
        %get3A_1006 = arith.index_cast %get3A_1005 : i32 to index
        %get3A_1007 = arith.index_cast %add3A_1004 : i32 to index
        %get3A_1008 = arith.constant 48 : index
        %get3A_1009 = tpu.vector_load %arg6[%get3A_1006, %get3A_1007, %get3A_1008] {strides = array<i32>} : memref<4x100x128xf32, #tpu.memory_space<vmem>>, vector<1x1x16xf32>,
        %get3A_1010 = vector.shape_cast %get3A_1009 : vector<1x1x16xf32> to vector<16xf32>
        %add3A_1011 = arith.addf %scan3A_968, %get3A_1010 : vector<16xf32>
        %add3A_1012 = arith.constant 0 : i32
        %add3A_1013 = arith.addi %add3A_976, %add3A_1012 : i32
        %get3A_1014 = arith.constant 2 : i32
        %get3A_1015 = arith.index_cast %get3A_1014 : i32 to index
        %get3A_1016 = arith.index_cast %add3A_1013 : i32 to index
        %get3A_1017 = arith.constant 64 : index
        %get3A_1018 = tpu.vector_load %arg6[%get3A_1015, %get3A_1016, %get3A_1017] {strides = array<i32>} : memref<4x100x128xf32, #tpu.memory_space<vmem>>, vector<1x1x16xf32>,
        %get3A_1019 = vector.shape_cast %get3A_1018 : vector<1x1x16xf32> to vector<16xf32>
        %add3A_1020 = arith.addf %scan3A_969, %get3A_1019 : vector<16xf32>
        %add3A_1021 = arith.constant 0 : i32
        %add3A_1022 = arith.addi %add3A_976, %add3A_1021 : i32
        %get3A_1023 = arith.constant 2 : i32
        %get3A_1024 = arith.index_cast %get3A_1023 : i32 to index
        %get3A_1025 = arith.index_cast %add3A_1022 : i32 to index
        %get3A_1026 = arith.constant 80 : index
        %get3A_1027 = tpu.vector_load %arg6[%get3A_1024, %get3A_1025, %get3A_1026] {strides = array<i32>} : memref<4x100x128xf32, #tpu.memory_space<vmem>>, vector<1x1x16xf32>,
        %get3A_1028 = vector.shape_cast %get3A_1027 : vector<1x1x16xf32> to vector<16xf32>
        %add3A_1029 = arith.addf %scan3A_970, %get3A_1028 : vector<16xf32>
        %add3A_1030 = arith.constant 0 : i32
        %add3A_1031 = arith.addi %add3A_976, %add3A_1030 : i32
        %get3A_1032 = arith.constant 2 : i32
        %get3A_1033 = arith.index_cast %get3A_1032 : i32 to index
        %get3A_1034 = arith.index_cast %add3A_1031 : i32 to index
        %get3A_1035 = arith.constant 96 : index
        %get3A_1036 = tpu.vector_load %arg6[%get3A_1033, %get3A_1034, %get3A_1035] {strides = array<i32>} : memref<4x100x128xf32, #tpu.memory_space<vmem>>, vector<1x1x16xf32>,
        %get3A_1037 = vector.shape_cast %get3A_1036 : vector<1x1x16xf32> to vector<16xf32>
        %add3A_1038 = arith.addf %scan3A_971, %get3A_1037 : vector<16xf32>
        %add3A_1039 = arith.constant 0 : i32
        %add3A_1040 = arith.addi %add3A_976, %add3A_1039 : i32
        %get3A_1041 = arith.constant 2 : i32
        %get3A_1042 = arith.index_cast %get3A_1041 : i32 to index
        %get3A_1043 = arith.index_cast %add3A_1040 : i32 to index
        %get3A_1044 = arith.constant 112 : index
        %get3A_1045 = tpu.vector_load %arg6[%get3A_1042, %get3A_1043, %get3A_1044] {strides = array<i32>} : memref<4x100x128xf32, #tpu.memory_space<vmem>>, vector<1x1x16xf32>,
        %get3A_1046 = vector.shape_cast %get3A_1045 : vector<1x1x16xf32> to vector<16xf32>
        %add3A_1047 = arith.addf %scan3A_972, %get3A_1046 : vector<16xf32>
        %add3A_1048 = arith.constant 1 : i32
        %add3A_1049 = arith.addi %add3A_976, %add3A_1048 : i32
        %get3A_1050 = arith.constant 2 : i32
        %get3A_1051 = arith.index_cast %get3A_1050 : i32 to index
        %get3A_1052 = arith.index_cast %add3A_1049 : i32 to index
        %get3A_1053 = arith.constant 0 : index
        %get3A_1054 = tpu.vector_load %arg6[%get3A_1051, %get3A_1052, %get3A_1053] {strides = array<i32>} : memref<4x100x128xf32, #tpu.memory_space<vmem>>, vector<1x1x16xf32>,
        %get3A_1055 = vector.shape_cast %get3A_1054 : vector<1x1x16xf32> to vector<16xf32>
        %add3A_1056 = arith.addf %add3A_984, %get3A_1055 : vector<16xf32>
        %add3A_1057 = arith.constant 1 : i32
        %add3A_1058 = arith.addi %add3A_976, %add3A_1057 : i32
        %get3A_1059 = arith.constant 2 : i32
        %get3A_1060 = arith.index_cast %get3A_1059 : i32 to index
        %get3A_1061 = arith.index_cast %add3A_1058 : i32 to index
        %get3A_1062 = arith.constant 16 : index
        %get3A_1063 = tpu.vector_load %arg6[%get3A_1060, %get3A_1061, %get3A_1062] {strides = array<i32>} : memref<4x100x128xf32, #tpu.memory_space<vmem>>, vector<1x1x16xf32>,
        %get3A_1064 = vector.shape_cast %get3A_1063 : vector<1x1x16xf32> to vector<16xf32>
        %add3A_1065 = arith.addf %add3A_993, %get3A_1064 : vector<16xf32>
        %add3A_1066 = arith.constant 1 : i32
        %add3A_1067 = arith.addi %add3A_976, %add3A_1066 : i32
        %get3A_1068 = arith.constant 2 : i32
        %get3A_1069 = arith.index_cast %get3A_1068 : i32 to index
        %get3A_1070 = arith.index_cast %add3A_1067 : i32 to index
        %get3A_1071 = arith.constant 32 : index
        %get3A_1072 = tpu.vector_load %arg6[%get3A_1069, %get3A_1070, %get3A_1071] {strides = array<i32>} : memref<4x100x128xf32, #tpu.memory_space<vmem>>, vector<1x1x16xf32>,
        %get3A_1073 = vector.shape_cast %get3A_1072 : vector<1x1x16xf32> to vector<16xf32>
        %add3A_1074 = arith.addf %add3A_1002, %get3A_1073 : vector<16xf32>
        %add3A_1075 = arith.constant 1 : i32
        %add3A_1076 = arith.addi %add3A_976, %add3A_1075 : i32
        %get3A_1077 = arith.constant 2 : i32
        %get3A_1078 = arith.index_cast %get3A_1077 : i32 to index
        %get3A_1079 = arith.index_cast %add3A_1076 : i32 to index
        %get3A_1080 = arith.constant 48 : index
        %get3A_1081 = tpu.vector_load %arg6[%get3A_1078, %get3A_1079, %get3A_1080] {strides = array<i32>} : memref<4x100x128xf32, #tpu.memory_space<vmem>>, vector<1x1x16xf32>,
        %get3A_1082 = vector.shape_cast %get3A_1081 : vector<1x1x16xf32> to vector<16xf32>
        %add3A_1083 = arith.addf %add3A_1011, %get3A_1082 : vector<16xf32>
        %add3A_1084 = arith.constant 1 : i32
        %add3A_1085 = arith.addi %add3A_976, %add3A_1084 : i32
        %get3A_1086 = arith.constant 2 : i32
        %get3A_1087 = arith.index_cast %get3A_1086 : i32 to index
        %get3A_1088 = arith.index_cast %add3A_1085 : i32 to index
        %get3A_1089 = arith.constant 64 : index
        %get3A_1090 = tpu.vector_load %arg6[%get3A_1087, %get3A_1088, %get3A_1089] {strides = array<i32>} : memref<4x100x128xf32, #tpu.memory_space<vmem>>, vector<1x1x16xf32>,
        %get3A_1091 = vector.shape_cast %get3A_1090 : vector<1x1x16xf32> to vector<16xf32>
        %add3A_1092 = arith.addf %add3A_1020, %get3A_1091 : vector<16xf32>
        %add3A_1093 = arith.constant 1 : i32
        %add3A_1094 = arith.addi %add3A_976, %add3A_1093 : i32
        %get3A_1095 = arith.constant 2 : i32
        %get3A_1096 = arith.index_cast %get3A_1095 : i32 to index
        %get3A_1097 = arith.index_cast %add3A_1094 : i32 to index
        %get3A_1098 = arith.constant 80 : index
        %get3A_1099 = tpu.vector_load %arg6[%get3A_1096, %get3A_1097, %get3A_1098] {strides = array<i32>} : memref<4x100x128xf32, #tpu.memory_space<vmem>>, vector<1x1x16xf32>,
        %get3A_1100 = vector.shape_cast %get3A_1099 : vector<1x1x16xf32> to vector<16xf32>
        %add3A_1101 = arith.addf %add3A_1029, %get3A_1100 : vector<16xf32>
        %add3A_1102 = arith.constant 1 : i32
        %add3A_1103 = arith.addi %add3A_976, %add3A_1102 : i32
        %get3A_1104 = arith.constant 2 : i32
        %get3A_1105 = arith.index_cast %get3A_1104 : i32 to index
        %get3A_1106 = arith.index_cast %add3A_1103 : i32 to index
        %get3A_1107 = arith.constant 96 : index
        %get3A_1108 = tpu.vector_load %arg6[%get3A_1105, %get3A_1106, %get3A_1107] {strides = array<i32>} : memref<4x100x128xf32, #tpu.memory_space<vmem>>, vector<1x1x16xf32>,
        %get3A_1109 = vector.shape_cast %get3A_1108 : vector<1x1x16xf32> to vector<16xf32>
        %add3A_1110 = arith.addf %add3A_1038, %get3A_1109 : vector<16xf32>
        %add3A_1111 = arith.constant 1 : i32
        %add3A_1112 = arith.addi %add3A_976, %add3A_1111 : i32
        %get3A_1113 = arith.constant 2 : i32
        %get3A_1114 = arith.index_cast %get3A_1113 : i32 to index
        %get3A_1115 = arith.index_cast %add3A_1112 : i32 to index
        %get3A_1116 = arith.constant 112 : index
        %get3A_1117 = tpu.vector_load %arg6[%get3A_1114, %get3A_1115, %get3A_1116] {strides = array<i32>} : memref<4x100x128xf32, #tpu.memory_space<vmem>>, vector<1x1x16xf32>,
        %get3A_1118 = vector.shape_cast %get3A_1117 : vector<1x1x16xf32> to vector<16xf32>
        %add3A_1119 = arith.addf %add3A_1047, %get3A_1118 : vector<16xf32>
        %add3A_1120 = arith.constant 2 : i32
        %add3A_1121 = arith.addi %add3A_976, %add3A_1120 : i32
        %get3A_1122 = arith.constant 2 : i32
        %get3A_1123 = arith.index_cast %get3A_1122 : i32 to index
        %get3A_1124 = arith.index_cast %add3A_1121 : i32 to index
        %get3A_1125 = arith.constant 0 : index
        %get3A_1126 = tpu.vector_load %arg6[%get3A_1123, %get3A_1124, %get3A_1125] {strides = array<i32>} : memref<4x100x128xf32, #tpu.memory_space<vmem>>, vector<1x1x16xf32>,
        %get3A_1127 = vector.shape_cast %get3A_1126 : vector<1x1x16xf32> to vector<16xf32>
        %add3A_1128 = arith.addf %add3A_1056, %get3A_1127 : vector<16xf32>
        %add3A_1129 = arith.constant 2 : i32
        %add3A_1130 = arith.addi %add3A_976, %add3A_1129 : i32
        %get3A_1131 = arith.constant 2 : i32
        %get3A_1132 = arith.index_cast %get3A_1131 : i32 to index
        %get3A_1133 = arith.index_cast %add3A_1130 : i32 to index
        %get3A_1134 = arith.constant 16 : index
        %get3A_1135 = tpu.vector_load %arg6[%get3A_1132, %get3A_1133, %get3A_1134] {strides = array<i32>} : memref<4x100x128xf32, #tpu.memory_space<vmem>>, vector<1x1x16xf32>,
        %get3A_1136 = vector.shape_cast %get3A_1135 : vector<1x1x16xf32> to vector<16xf32>
        %add3A_1137 = arith.addf %add3A_1065, %get3A_1136 : vector<16xf32>
        %add3A_1138 = arith.constant 2 : i32
        %add3A_1139 = arith.addi %add3A_976, %add3A_1138 : i32
        %get3A_1140 = arith.constant 2 : i32
        %get3A_1141 = arith.index_cast %get3A_1140 : i32 to index
        %get3A_1142 = arith.index_cast %add3A_1139 : i32 to index
        %get3A_1143 = arith.constant 32 : index
        %get3A_1144 = tpu.vector_load %arg6[%get3A_1141, %get3A_1142, %get3A_1143] {strides = array<i32>} : memref<4x100x128xf32, #tpu.memory_space<vmem>>, vector<1x1x16xf32>,
        %get3A_1145 = vector.shape_cast %get3A_1144 : vector<1x1x16xf32> to vector<16xf32>
        %add3A_1146 = arith.addf %add3A_1074, %get3A_1145 : vector<16xf32>
        %add3A_1147 = arith.constant 2 : i32
        %add3A_1148 = arith.addi %add3A_976, %add3A_1147 : i32
        %get3A_1149 = arith.constant 2 : i32
        %get3A_1150 = arith.index_cast %get3A_1149 : i32 to index
        %get3A_1151 = arith.index_cast %add3A_1148 : i32 to index
        %get3A_1152 = arith.constant 48 : index
        %get3A_1153 = tpu.vector_load %arg6[%get3A_1150, %get3A_1151, %get3A_1152] {strides = array<i32>} : memref<4x100x128xf32, #tpu.memory_space<vmem>>, vector<1x1x16xf32>,
        %get3A_1154 = vector.shape_cast %get3A_1153 : vector<1x1x16xf32> to vector<16xf32>
        %add3A_1155 = arith.addf %add3A_1083, %get3A_1154 : vector<16xf32>
        %add3A_1156 = arith.constant 2 : i32
        %add3A_1157 = arith.addi %add3A_976, %add3A_1156 : i32
        %get3A_1158 = arith.constant 2 : i32
        %get3A_1159 = arith.index_cast %get3A_1158 : i32 to index
        %get3A_1160 = arith.index_cast %add3A_1157 : i32 to index
        %get3A_1161 = arith.constant 64 : index
        %get3A_1162 = tpu.vector_load %arg6[%get3A_1159, %get3A_1160, %get3A_1161] {strides = array<i32>} : memref<4x100x128xf32, #tpu.memory_space<vmem>>, vector<1x1x16xf32>,
        %get3A_1163 = vector.shape_cast %get3A_1162 : vector<1x1x16xf32> to vector<16xf32>
        %add3A_1164 = arith.addf %add3A_1092, %get3A_1163 : vector<16xf32>
        %add3A_1165 = arith.constant 2 : i32
        %add3A_1166 = arith.addi %add3A_976, %add3A_1165 : i32
        %get3A_1167 = arith.constant 2 : i32
        %get3A_1168 = arith.index_cast %get3A_1167 : i32 to index
        %get3A_1169 = arith.index_cast %add3A_1166 : i32 to index
        %get3A_1170 = arith.constant 80 : index
        %get3A_1171 = tpu.vector_load %arg6[%get3A_1168, %get3A_1169, %get3A_1170] {strides = array<i32>} : memref<4x100x128xf32, #tpu.memory_space<vmem>>, vector<1x1x16xf32>,
        %get3A_1172 = vector.shape_cast %get3A_1171 : vector<1x1x16xf32> to vector<16xf32>
        %add3A_1173 = arith.addf %add3A_1101, %get3A_1172 : vector<16xf32>
        %add3A_1174 = arith.constant 2 : i32
        %add3A_1175 = arith.addi %add3A_976, %add3A_1174 : i32
        %get3A_1176 = arith.constant 2 : i32
        %get3A_1177 = arith.index_cast %get3A_1176 : i32 to index
        %get3A_1178 = arith.index_cast %add3A_1175 : i32 to index
        %get3A_1179 = arith.constant 96 : index
        %get3A_1180 = tpu.vector_load %arg6[%get3A_1177, %get3A_1178, %get3A_1179] {strides = array<i32>} : memref<4x100x128xf32, #tpu.memory_space<vmem>>, vector<1x1x16xf32>,
        %get3A_1181 = vector.shape_cast %get3A_1180 : vector<1x1x16xf32> to vector<16xf32>
        %add3A_1182 = arith.addf %add3A_1110, %get3A_1181 : vector<16xf32>
        %add3A_1183 = arith.constant 2 : i32
        %add3A_1184 = arith.addi %add3A_976, %add3A_1183 : i32
        %get3A_1185 = arith.constant 2 : i32
        %get3A_1186 = arith.index_cast %get3A_1185 : i32 to index
        %get3A_1187 = arith.index_cast %add3A_1184 : i32 to index
        %get3A_1188 = arith.constant 112 : index
        %get3A_1189 = tpu.vector_load %arg6[%get3A_1186, %get3A_1187, %get3A_1188] {strides = array<i32>} : memref<4x100x128xf32, #tpu.memory_space<vmem>>, vector<1x1x16xf32>,
        %get3A_1190 = vector.shape_cast %get3A_1189 : vector<1x1x16xf32> to vector<16xf32>
        %add3A_1191 = arith.addf %add3A_1119, %get3A_1190 : vector<16xf32>
        %add3A_1192 = arith.constant 3 : i32
        %add3A_1193 = arith.addi %add3A_976, %add3A_1192 : i32
        %get3A_1194 = arith.constant 2 : i32
        %get3A_1195 = arith.index_cast %get3A_1194 : i32 to index
        %get3A_1196 = arith.index_cast %add3A_1193 : i32 to index
        %get3A_1197 = arith.constant 0 : index
        %get3A_1198 = tpu.vector_load %arg6[%get3A_1195, %get3A_1196, %get3A_1197] {strides = array<i32>} : memref<4x100x128xf32, #tpu.memory_space<vmem>>, vector<1x1x16xf32>,
        %get3A_1199 = vector.shape_cast %get3A_1198 : vector<1x1x16xf32> to vector<16xf32>
        %add3A_1200 = arith.addf %add3A_1128, %get3A_1199 : vector<16xf32>
        %add3A_1201 = arith.constant 3 : i32
        %add3A_1202 = arith.addi %add3A_976, %add3A_1201 : i32
        %get3A_1203 = arith.constant 2 : i32
        %get3A_1204 = arith.index_cast %get3A_1203 : i32 to index
        %get3A_1205 = arith.index_cast %add3A_1202 : i32 to index
        %get3A_1206 = arith.constant 16 : index
        %get3A_1207 = tpu.vector_load %arg6[%get3A_1204, %get3A_1205, %get3A_1206] {strides = array<i32>} : memref<4x100x128xf32, #tpu.memory_space<vmem>>, vector<1x1x16xf32>,
        %get3A_1208 = vector.shape_cast %get3A_1207 : vector<1x1x16xf32> to vector<16xf32>
        %add3A_1209 = arith.addf %add3A_1137, %get3A_1208 : vector<16xf32>
        %add3A_1210 = arith.constant 3 : i32
        %add3A_1211 = arith.addi %add3A_976, %add3A_1210 : i32
        %get3A_1212 = arith.constant 2 : i32
        %get3A_1213 = arith.index_cast %get3A_1212 : i32 to index
        %get3A_1214 = arith.index_cast %add3A_1211 : i32 to index
        %get3A_1215 = arith.constant 32 : index
        %get3A_1216 = tpu.vector_load %arg6[%get3A_1213, %get3A_1214, %get3A_1215] {strides = array<i32>} : memref<4x100x128xf32, #tpu.memory_space<vmem>>, vector<1x1x16xf32>,
        %get3A_1217 = vector.shape_cast %get3A_1216 : vector<1x1x16xf32> to vector<16xf32>
        %add3A_1218 = arith.addf %add3A_1146, %get3A_1217 : vector<16xf32>
        %add3A_1219 = arith.constant 3 : i32
        %add3A_1220 = arith.addi %add3A_976, %add3A_1219 : i32
        %get3A_1221 = arith.constant 2 : i32
        %get3A_1222 = arith.index_cast %get3A_1221 : i32 to index
        %get3A_1223 = arith.index_cast %add3A_1220 : i32 to index
        %get3A_1224 = arith.constant 48 : index
        %get3A_1225 = tpu.vector_load %arg6[%get3A_1222, %get3A_1223, %get3A_1224] {strides = array<i32>} : memref<4x100x128xf32, #tpu.memory_space<vmem>>, vector<1x1x16xf32>,
        %get3A_1226 = vector.shape_cast %get3A_1225 : vector<1x1x16xf32> to vector<16xf32>
        %add3A_1227 = arith.addf %add3A_1155, %get3A_1226 : vector<16xf32>
        %add3A_1228 = arith.constant 3 : i32
        %add3A_1229 = arith.addi %add3A_976, %add3A_1228 : i32
        %get3A_1230 = arith.constant 2 : i32
        %get3A_1231 = arith.index_cast %get3A_1230 : i32 to index
        %get3A_1232 = arith.index_cast %add3A_1229 : i32 to index
        %get3A_1233 = arith.constant 64 : index
        %get3A_1234 = tpu.vector_load %arg6[%get3A_1231, %get3A_1232, %get3A_1233] {strides = array<i32>} : memref<4x100x128xf32, #tpu.memory_space<vmem>>, vector<1x1x16xf32>,
        %get3A_1235 = vector.shape_cast %get3A_1234 : vector<1x1x16xf32> to vector<16xf32>
        %add3A_1236 = arith.addf %add3A_1164, %get3A_1235 : vector<16xf32>
        %add3A_1237 = arith.constant 3 : i32
        %add3A_1238 = arith.addi %add3A_976, %add3A_1237 : i32
        %get3A_1239 = arith.constant 2 : i32
        %get3A_1240 = arith.index_cast %get3A_1239 : i32 to index
        %get3A_1241 = arith.index_cast %add3A_1238 : i32 to index
        %get3A_1242 = arith.constant 80 : index
        %get3A_1243 = tpu.vector_load %arg6[%get3A_1240, %get3A_1241, %get3A_1242] {strides = array<i32>} : memref<4x100x128xf32, #tpu.memory_space<vmem>>, vector<1x1x16xf32>,
        %get3A_1244 = vector.shape_cast %get3A_1243 : vector<1x1x16xf32> to vector<16xf32>
        %add3A_1245 = arith.addf %add3A_1173, %get3A_1244 : vector<16xf32>
        %add3A_1246 = arith.constant 3 : i32
        %add3A_1247 = arith.addi %add3A_976, %add3A_1246 : i32
        %get3A_1248 = arith.constant 2 : i32
        %get3A_1249 = arith.index_cast %get3A_1248 : i32 to index
        %get3A_1250 = arith.index_cast %add3A_1247 : i32 to index
        %get3A_1251 = arith.constant 96 : index
        %get3A_1252 = tpu.vector_load %arg6[%get3A_1249, %get3A_1250, %get3A_1251] {strides = array<i32>} : memref<4x100x128xf32, #tpu.memory_space<vmem>>, vector<1x1x16xf32>,
        %get3A_1253 = vector.shape_cast %get3A_1252 : vector<1x1x16xf32> to vector<16xf32>
        %add3A_1254 = arith.addf %add3A_1182, %get3A_1253 : vector<16xf32>
        %add3A_1255 = arith.constant 3 : i32
        %add3A_1256 = arith.addi %add3A_976, %add3A_1255 : i32
        %get3A_1257 = arith.constant 2 : i32
        %get3A_1258 = arith.index_cast %get3A_1257 : i32 to index
        %get3A_1259 = arith.index_cast %add3A_1256 : i32 to index
        %get3A_1260 = arith.constant 112 : index
        %get3A_1261 = tpu.vector_load %arg6[%get3A_1258, %get3A_1259, %get3A_1260] {strides = array<i32>} : memref<4x100x128xf32, #tpu.memory_space<vmem>>, vector<1x1x16xf32>,
        %get3A_1262 = vector.shape_cast %get3A_1261 : vector<1x1x16xf32> to vector<16xf32>
        %add3A_1263 = arith.addf %add3A_1191, %get3A_1262 : vector<16xf32>
        %add3A_1264 = arith.constant 4 : i32
        %add3A_1265 = arith.addi %add3A_976, %add3A_1264 : i32
        %get3A_1266 = arith.constant 2 : i32
        %get3A_1267 = arith.index_cast %get3A_1266 : i32 to index
        %get3A_1268 = arith.index_cast %add3A_1265 : i32 to index
        %get3A_1269 = arith.constant 0 : index
        %get3A_1270 = tpu.vector_load %arg6[%get3A_1267, %get3A_1268, %get3A_1269] {strides = array<i32>} : memref<4x100x128xf32, #tpu.memory_space<vmem>>, vector<1x1x16xf32>,
        %get3A_1271 = vector.shape_cast %get3A_1270 : vector<1x1x16xf32> to vector<16xf32>
        %add3A_1272 = arith.addf %add3A_1200, %get3A_1271 : vector<16xf32>
        %add3A_1273 = arith.constant 4 : i32
        %add3A_1274 = arith.addi %add3A_976, %add3A_1273 : i32
        %get3A_1275 = arith.constant 2 : i32
        %get3A_1276 = arith.index_cast %get3A_1275 : i32 to index
        %get3A_1277 = arith.index_cast %add3A_1274 : i32 to index
        %get3A_1278 = arith.constant 16 : index
        %get3A_1279 = tpu.vector_load %arg6[%get3A_1276, %get3A_1277, %get3A_1278] {strides = array<i32>} : memref<4x100x128xf32, #tpu.memory_space<vmem>>, vector<1x1x16xf32>,
        %get3A_1280 = vector.shape_cast %get3A_1279 : vector<1x1x16xf32> to vector<16xf32>
        %add3A_1281 = arith.addf %add3A_1209, %get3A_1280 : vector<16xf32>
        %add3A_1282 = arith.constant 4 : i32
        %add3A_1283 = arith.addi %add3A_976, %add3A_1282 : i32
        %get3A_1284 = arith.constant 2 : i32
        %get3A_1285 = arith.index_cast %get3A_1284 : i32 to index
        %get3A_1286 = arith.index_cast %add3A_1283 : i32 to index
        %get3A_1287 = arith.constant 32 : index
        %get3A_1288 = tpu.vector_load %arg6[%get3A_1285, %get3A_1286, %get3A_1287] {strides = array<i32>} : memref<4x100x128xf32, #tpu.memory_space<vmem>>, vector<1x1x16xf32>,
        %get3A_1289 = vector.shape_cast %get3A_1288 : vector<1x1x16xf32> to vector<16xf32>
        %add3A_1290 = arith.addf %add3A_1218, %get3A_1289 : vector<16xf32>
        %add3A_1291 = arith.constant 4 : i32
        %add3A_1292 = arith.addi %add3A_976, %add3A_1291 : i32
        %get3A_1293 = arith.constant 2 : i32
        %get3A_1294 = arith.index_cast %get3A_1293 : i32 to index
        %get3A_1295 = arith.index_cast %add3A_1292 : i32 to index
        %get3A_1296 = arith.constant 48 : index
        %get3A_1297 = tpu.vector_load %arg6[%get3A_1294, %get3A_1295, %get3A_1296] {strides = array<i32>} : memref<4x100x128xf32, #tpu.memory_space<vmem>>, vector<1x1x16xf32>,
        %get3A_1298 = vector.shape_cast %get3A_1297 : vector<1x1x16xf32> to vector<16xf32>
        %add3A_1299 = arith.addf %add3A_1227, %get3A_1298 : vector<16xf32>
        %add3A_1300 = arith.constant 4 : i32
        %add3A_1301 = arith.addi %add3A_976, %add3A_1300 : i32
        %get3A_1302 = arith.constant 2 : i32
        %get3A_1303 = arith.index_cast %get3A_1302 : i32 to index
        %get3A_1304 = arith.index_cast %add3A_1301 : i32 to index
        %get3A_1305 = arith.constant 64 : index
        %get3A_1306 = tpu.vector_load %arg6[%get3A_1303, %get3A_1304, %get3A_1305] {strides = array<i32>} : memref<4x100x128xf32, #tpu.memory_space<vmem>>, vector<1x1x16xf32>,
        %get3A_1307 = vector.shape_cast %get3A_1306 : vector<1x1x16xf32> to vector<16xf32>
        %add3A_1308 = arith.addf %add3A_1236, %get3A_1307 : vector<16xf32>
        %add3A_1309 = arith.constant 4 : i32
        %add3A_1310 = arith.addi %add3A_976, %add3A_1309 : i32
        %get3A_1311 = arith.constant 2 : i32
        %get3A_1312 = arith.index_cast %get3A_1311 : i32 to index
        %get3A_1313 = arith.index_cast %add3A_1310 : i32 to index
        %get3A_1314 = arith.constant 80 : index
        %get3A_1315 = tpu.vector_load %arg6[%get3A_1312, %get3A_1313, %get3A_1314] {strides = array<i32>} : memref<4x100x128xf32, #tpu.memory_space<vmem>>, vector<1x1x16xf32>,
        %get3A_1316 = vector.shape_cast %get3A_1315 : vector<1x1x16xf32> to vector<16xf32>
        %add3A_1317 = arith.addf %add3A_1245, %get3A_1316 : vector<16xf32>
        %add3A_1318 = arith.constant 4 : i32
        %add3A_1319 = arith.addi %add3A_976, %add3A_1318 : i32
        %get3A_1320 = arith.constant 2 : i32
        %get3A_1321 = arith.index_cast %get3A_1320 : i32 to index
        %get3A_1322 = arith.index_cast %add3A_1319 : i32 to index
        %get3A_1323 = arith.constant 96 : index
        %get3A_1324 = tpu.vector_load %arg6[%get3A_1321, %get3A_1322, %get3A_1323] {strides = array<i32>} : memref<4x100x128xf32, #tpu.memory_space<vmem>>, vector<1x1x16xf32>,
        %get3A_1325 = vector.shape_cast %get3A_1324 : vector<1x1x16xf32> to vector<16xf32>
        %add3A_1326 = arith.addf %add3A_1254, %get3A_1325 : vector<16xf32>
        %add3A_1327 = arith.constant 4 : i32
        %add3A_1328 = arith.addi %add3A_976, %add3A_1327 : i32
        %get3A_1329 = arith.constant 2 : i32
        %get3A_1330 = arith.index_cast %get3A_1329 : i32 to index
        %get3A_1331 = arith.index_cast %add3A_1328 : i32 to index
        %get3A_1332 = arith.constant 112 : index
        %get3A_1333 = tpu.vector_load %arg6[%get3A_1330, %get3A_1331, %get3A_1332] {strides = array<i32>} : memref<4x100x128xf32, #tpu.memory_space<vmem>>, vector<1x1x16xf32>,
        %get3A_1334 = vector.shape_cast %get3A_1333 : vector<1x1x16xf32> to vector<16xf32>
        %add3A_1335 = arith.addf %add3A_1263, %get3A_1334 : vector<16xf32>
        scf.yield %add3A_1272, %add3A_1281, %add3A_1290, %add3A_1299, %add3A_1308, %add3A_1317, %add3A_1326, %add3A_1335 : vector<16xf32>, vector<16xf32>, vector<16xf32>, vector<16xf32>, vector<16xf32>, vector<16xf32>, vector<16xf32>, vector<16xf32>
      }
      %scan3A_670 = arith.constant 10 : i32
      %mul3A_671 = arith.constant 2 : i32
      %mul3A_672 = arith.muli %add3A_554, %mul3A_671 : i32
      %add3A_673 = arith.constant 1 : i32
      %add3A_674 = arith.addi %mul3A_672, %add3A_673 : i32
      %swap3A_675 = arith.index_cast %add3A_674 : i32 to index
      %swap3A_676 = arith.constant 0 : index
      %swap3A_677 = tpu.vector_load %arg7[%swap3A_675, %swap3A_676] {strides = array<i32>} : memref<128x128xf32, #tpu.memory_space<vmem>>, vector<1x16xf32>,
      %swap3A_678 = vector.shape_cast %swap3A_677 : vector<1x16xf32> to vector<16xf32>
      %swap3A_679 = vector.shape_cast %scan3A_669#0 : vector<16xf32> to vector<1x16xf32>
      tpu.vector_store %arg7[%swap3A_675, %swap3A_676], %swap3A_679 {strides = array<i32>} : memref<128x128xf32, #tpu.memory_space<vmem>>, vector<1x16xf32>,
      %mul3A_680 = arith.constant 2 : i32
      %mul3A_681 = arith.muli %add3A_554, %mul3A_680 : i32
      %add3A_682 = arith.constant 1 : i32
      %add3A_683 = arith.addi %mul3A_681, %add3A_682 : i32
      %swap3A_684 = arith.index_cast %add3A_683 : i32 to index
      %swap3A_685 = arith.constant 16 : index
      %swap3A_686 = tpu.vector_load %arg7[%swap3A_684, %swap3A_685] {strides = array<i32>} : memref<128x128xf32, #tpu.memory_space<vmem>>, vector<1x16xf32>,
      %swap3A_687 = vector.shape_cast %swap3A_686 : vector<1x16xf32> to vector<16xf32>
      %swap3A_688 = vector.shape_cast %scan3A_669#1 : vector<16xf32> to vector<1x16xf32>
      tpu.vector_store %arg7[%swap3A_684, %swap3A_685], %swap3A_688 {strides = array<i32>} : memref<128x128xf32, #tpu.memory_space<vmem>>, vector<1x16xf32>,
      %mul3A_689 = arith.constant 2 : i32
      %mul3A_690 = arith.muli %add3A_554, %mul3A_689 : i32
      %add3A_691 = arith.constant 1 : i32
      %add3A_692 = arith.addi %mul3A_690, %add3A_691 : i32
      %swap3A_693 = arith.index_cast %add3A_692 : i32 to index
      %swap3A_694 = arith.constant 32 : index
      %swap3A_695 = tpu.vector_load %arg7[%swap3A_693, %swap3A_694] {strides = array<i32>} : memref<128x128xf32, #tpu.memory_space<vmem>>, vector<1x16xf32>,
      %swap3A_696 = vector.shape_cast %swap3A_695 : vector<1x16xf32> to vector<16xf32>
      %swap3A_697 = vector.shape_cast %scan3A_669#2 : vector<16xf32> to vector<1x16xf32>
      tpu.vector_store %arg7[%swap3A_693, %swap3A_694], %swap3A_697 {strides = array<i32>} : memref<128x128xf32, #tpu.memory_space<vmem>>, vector<1x16xf32>,
      %mul3A_698 = arith.constant 2 : i32
      %mul3A_699 = arith.muli %add3A_554, %mul3A_698 : i32
      %add3A_700 = arith.constant 1 : i32
      %add3A_701 = arith.addi %mul3A_699, %add3A_700 : i32
      %swap3A_702 = arith.index_cast %add3A_701 : i32 to index
      %swap3A_703 = arith.constant 48 : index
      %swap3A_704 = tpu.vector_load %arg7[%swap3A_702, %swap3A_703] {strides = array<i32>} : memref<128x128xf32, #tpu.memory_space<vmem>>, vector<1x16xf32>,
      %swap3A_705 = vector.shape_cast %swap3A_704 : vector<1x16xf32> to vector<16xf32>
      %swap3A_706 = vector.shape_cast %scan3A_669#3 : vector<16xf32> to vector<1x16xf32>
      tpu.vector_store %arg7[%swap3A_702, %swap3A_703], %swap3A_706 {strides = array<i32>} : memref<128x128xf32, #tpu.memory_space<vmem>>, vector<1x16xf32>,
      %mul3A_707 = arith.constant 2 : i32
      %mul3A_708 = arith.muli %add3A_554, %mul3A_707 : i32
      %add3A_709 = arith.constant 1 : i32
      %add3A_710 = arith.addi %mul3A_708, %add3A_709 : i32
      %swap3A_711 = arith.index_cast %add3A_710 : i32 to index
      %swap3A_712 = arith.constant 64 : index
      %swap3A_713 = tpu.vector_load %arg7[%swap3A_711, %swap3A_712] {strides = array<i32>} : memref<128x128xf32, #tpu.memory_space<vmem>>, vector<1x16xf32>,
      %swap3A_714 = vector.shape_cast %swap3A_713 : vector<1x16xf32> to vector<16xf32>
      %swap3A_715 = vector.shape_cast %scan3A_669#4 : vector<16xf32> to vector<1x16xf32>
      tpu.vector_store %arg7[%swap3A_711, %swap3A_712], %swap3A_715 {strides = array<i32>} : memref<128x128xf32, #tpu.memory_space<vmem>>, vector<1x16xf32>,
      %mul3A_716 = arith.constant 2 : i32
      %mul3A_717 = arith.muli %add3A_554, %mul3A_716 : i32
      %add3A_718 = arith.constant 1 : i32
      %add3A_719 = arith.addi %mul3A_717, %add3A_718 : i32
      %swap3A_720 = arith.index_cast %add3A_719 : i32 to index
      %swap3A_721 = arith.constant 80 : index
      %swap3A_722 = tpu.vector_load %arg7[%swap3A_720, %swap3A_721] {strides = array<i32>} : memref<128x128xf32, #tpu.memory_space<vmem>>, vector<1x16xf32>,
      %swap3A_723 = vector.shape_cast %swap3A_722 : vector<1x16xf32> to vector<16xf32>
      %swap3A_724 = vector.shape_cast %scan3A_669#5 : vector<16xf32> to vector<1x16xf32>
      tpu.vector_store %arg7[%swap3A_720, %swap3A_721], %swap3A_724 {strides = array<i32>} : memref<128x128xf32, #tpu.memory_space<vmem>>, vector<1x16xf32>,
      %mul3A_725 = arith.constant 2 : i32
      %mul3A_726 = arith.muli %add3A_554, %mul3A_725 : i32
      %add3A_727 = arith.constant 1 : i32
      %add3A_728 = arith.addi %mul3A_726, %add3A_727 : i32
      %swap3A_729 = arith.index_cast %add3A_728 : i32 to index
      %swap3A_730 = arith.constant 96 : index
      %swap3A_731 = tpu.vector_load %arg7[%swap3A_729, %swap3A_730] {strides = array<i32>} : memref<128x128xf32, #tpu.memory_space<vmem>>, vector<1x16xf32>,
      %swap3A_732 = vector.shape_cast %swap3A_731 : vector<1x16xf32> to vector<16xf32>
      %swap3A_733 = vector.shape_cast %scan3A_669#6 : vector<16xf32> to vector<1x16xf32>
      tpu.vector_store %arg7[%swap3A_729, %swap3A_730], %swap3A_733 {strides = array<i32>} : memref<128x128xf32, #tpu.memory_space<vmem>>, vector<1x16xf32>,
      %mul3A_734 = arith.constant 2 : i32
      %mul3A_735 = arith.muli %add3A_554, %mul3A_734 : i32
      %add3A_736 = arith.constant 1 : i32
      %add3A_737 = arith.addi %mul3A_735, %add3A_736 : i32
      %swap3A_738 = arith.index_cast %add3A_737 : i32 to index
      %swap3A_739 = arith.constant 112 : index
      %swap3A_740 = tpu.vector_load %arg7[%swap3A_738, %swap3A_739] {strides = array<i32>} : memref<128x128xf32, #tpu.memory_space<vmem>>, vector<1x16xf32>,
      %swap3A_741 = vector.shape_cast %swap3A_740 : vector<1x16xf32> to vector<16xf32>
      %swap3A_742 = vector.shape_cast %scan3A_669#7 : vector<16xf32> to vector<1x16xf32>
      tpu.vector_store %arg7[%swap3A_738, %swap3A_739], %swap3A_742 {strides = array<i32>} : memref<128x128xf32, #tpu.memory_space<vmem>>, vector<1x16xf32>,
      %add3A_743 = arith.constant 3 : i32
      %add3A_744 = arith.addi %add3A_83, %add3A_743 : i32
      %add3A_745 = arith.constant 4 : i32
      %add3A_746 = arith.addi %add3A_744, %add3A_745 : i32
      %sub3A_747 = arith.constant 1 : i32
      %sub3A_748 = arith.subi %add3A_746, %sub3A_747 : i32
      %min3A_749 = arith.constant 63 : i32
      %min3A_750 = arith.minsi %sub3A_748, %min3A_749 : i32
      %dma_start3A_751 = arith.constant 2 : i32
      %dma_start3A_752 = arith.constant 0 : i32
      %dma_start3A_753 = arith.constant 0 : i32
      %dma_start3A_754 = tpu.memref_slice %arg6[%dma_start3A_751, %dma_start3A_752, %dma_start3A_753] : memref<4x100x128xf32, #tpu.memory_space<vmem>> -> memref<1x100x128xf32, #tpu.memory_space<vmem>>
      %dma_start3A_755 = tpu.memref_squeeze %dma_start3A_754 : memref<1x100x128xf32, #tpu.memory_space<vmem>> -> memref<100x128xf32, #tpu.memory_space<vmem>>
      %dma_start3A_756 = arith.constant 0 : i32
      %dma_start3A_757 = tpu.memref_slice %arg5[%min3A_750, %dma_start3A_756] : memref<64x100xi32, #tpu.memory_space<vmem>> -> memref<1x100xi32, #tpu.memory_space<vmem>>
      %dma_start3A_758 = tpu.memref_squeeze %dma_start3A_757 : memref<1x100xi32, #tpu.memory_space<vmem>> -> memref<100xi32, #tpu.memory_space<vmem>>
      %dma_start3A_759 = arith.constant 0 : i32
      %dma_start3A_760 = arith.constant 0 : i32
      %dma_start3A_761 = tpu.memref_slice %arg2[%dma_start3A_759, %dma_start3A_760] : memref<100000x128xf32, #tpu.memory_space<hbm>> -> memref<100000x128xf32, #tpu.memory_space<hbm>>
      tpu.enqueue_indirect_dma source(%dma_start3A_761 : memref<100000x128xf32, #tpu.memory_space<hbm>>) target(%dma_start3A_755 : memref<100x128xf32, #tpu.memory_space<vmem>>) offsets(%dma_start3A_758 : memref<100xi32, #tpu.memory_space<vmem>>) semaphore(%arg10 : memref<!tpu.dma_semaphore, #tpu.memory_space<semaphore_mem>>)
      %dma_wait3A_762 = arith.constant 0 : i32
      %dma_wait3A_763 = arith.constant 3 : i32
      %dma_wait3A_764 = arith.constant 0 : i32
      %dma_wait3A_765 = arith.constant 0 : i32
      %dma_wait3A_766 = tpu.memref_slice %arg6[%dma_wait3A_763, %dma_wait3A_764, %dma_wait3A_765] : memref<4x100x128xf32, #tpu.memory_space<vmem>> -> memref<1x100x128xf32, #tpu.memory_space<vmem>>
      %dma_wait3A_767 = tpu.memref_squeeze %dma_wait3A_766 : memref<1x100x128xf32, #tpu.memory_space<vmem>> -> memref<100x128xf32, #tpu.memory_space<vmem>>
      %dma_wait3A_768 = arith.constant 0 : i32
      %dma_wait3A_769 = tpu.memref_slice %arg5[%dma_wait3A_762, %dma_wait3A_768] : memref<64x100xi32, #tpu.memory_space<vmem>> -> memref<1x100xi32, #tpu.memory_space<vmem>>
      %dma_wait3A_770 = tpu.memref_squeeze %dma_wait3A_769 : memref<1x100xi32, #tpu.memory_space<vmem>> -> memref<100xi32, #tpu.memory_space<vmem>>
      %dma_wait3A_771 = arith.constant 0 : i32
      %dma_wait3A_772 = arith.constant 0 : i32
      %dma_wait3A_773 = tpu.memref_slice %arg2[%dma_wait3A_771, %dma_wait3A_772] : memref<100000x128xf32, #tpu.memory_space<hbm>> -> memref<100000x128xf32, #tpu.memory_space<hbm>>
      tpu.wait_indirect_dma semaphore(%arg11 : memref<!tpu.dma_semaphore, #tpu.memory_space<semaphore_mem>>) src(%dma_wait3A_773 : memref<100000x128xf32, #tpu.memory_space<hbm>>) dst(%dma_wait3A_767 : memref<100x128xf32, #tpu.memory_space<vmem>>)
      %add3A_774 = arith.constant 3 : i32
      %add3A_775 = arith.addi %add3A_83, %add3A_774 : i32
      %broadcast_in_dim3A_776 = arith.constant 0.000000e+00 : f32
      %broadcast_in_dim3A_777 = vector.broadcast %broadcast_in_dim3A_776 : f32 to vector<16xf32>
      %broadcast_in_dim3A_778 = arith.constant 0.000000e+00 : f32
      %broadcast_in_dim3A_779 = vector.broadcast %broadcast_in_dim3A_778 : f32 to vector<16xf32>
      %broadcast_in_dim3A_780 = arith.constant 0.000000e+00 : f32
      %broadcast_in_dim3A_781 = vector.broadcast %broadcast_in_dim3A_780 : f32 to vector<16xf32>
      %broadcast_in_dim3A_782 = arith.constant 0.000000e+00 : f32
      %broadcast_in_dim3A_783 = vector.broadcast %broadcast_in_dim3A_782 : f32 to vector<16xf32>
      %broadcast_in_dim3A_784 = arith.constant 0.000000e+00 : f32
      %broadcast_in_dim3A_785 = vector.broadcast %broadcast_in_dim3A_784 : f32 to vector<16xf32>
      %broadcast_in_dim3A_786 = arith.constant 0.000000e+00 : f32
      %broadcast_in_dim3A_787 = vector.broadcast %broadcast_in_dim3A_786 : f32 to vector<16xf32>
      %broadcast_in_dim3A_788 = arith.constant 0.000000e+00 : f32
      %broadcast_in_dim3A_789 = vector.broadcast %broadcast_in_dim3A_788 : f32 to vector<16xf32>
      %broadcast_in_dim3A_790 = arith.constant 0.000000e+00 : f32
      %broadcast_in_dim3A_791 = vector.broadcast %broadcast_in_dim3A_790 : f32 to vector<16xf32>
      %scan3A_792 = arith.constant 0 : i32
      %scan3A_793 = arith.constant 10 : i32
      %scan3A_794 = arith.addi %scan3A_792, %scan3A_793 : i32
      %scan3A_795 = arith.constant 1 : i32
      %scan3A_796:8 = scf.for %scan3A_964 = %scan3A_792 to %scan3A_794 step %scan3A_795 iter_args(%scan3A_965 = %broadcast_in_dim3A_777, %scan3A_966 = %broadcast_in_dim3A_779, %scan3A_967 = %broadcast_in_dim3A_781, %scan3A_968 = %broadcast_in_dim3A_783, %scan3A_969 = %broadcast_in_dim3A_785, %scan3A_970 = %broadcast_in_dim3A_787, %scan3A_971 = %broadcast_in_dim3A_789, %scan3A_972 = %broadcast_in_dim3A_791) -> (vector<16xf32>, vector<16xf32>, vector<16xf32>, vector<16xf32>, vector<16xf32>, vector<16xf32>, vector<16xf32>, vector<16xf32>)  : i32 {
        %mul3A_973 = arith.constant 5 : i32
        %mul3A_974 = arith.muli %scan3A_964, %mul3A_973 : i32
        %add3A_975 = arith.constant 0 : i32
        %add3A_976 = arith.addi %add3A_975, %mul3A_974 : i32
        %add3A_977 = arith.constant 0 : i32
        %add3A_978 = arith.addi %add3A_976, %add3A_977 : i32
        %get3A = arith.constant 3 : i32
        %get3A_979 = arith.index_cast %get3A : i32 to index
        %get3A_980 = arith.index_cast %add3A_978 : i32 to index
        %get3A_981 = arith.constant 0 : index
        %get3A_982 = tpu.vector_load %arg6[%get3A_979, %get3A_980, %get3A_981] {strides = array<i32>} : memref<4x100x128xf32, #tpu.memory_space<vmem>>, vector<1x1x16xf32>,
        %get3A_983 = vector.shape_cast %get3A_982 : vector<1x1x16xf32> to vector<16xf32>
        %add3A_984 = arith.addf %scan3A_965, %get3A_983 : vector<16xf32>
        %add3A_985 = arith.constant 0 : i32
        %add3A_986 = arith.addi %add3A_976, %add3A_985 : i32
        %get3A_987 = arith.constant 3 : i32
        %get3A_988 = arith.index_cast %get3A_987 : i32 to index
        %get3A_989 = arith.index_cast %add3A_986 : i32 to index
        %get3A_990 = arith.constant 16 : index
        %get3A_991 = tpu.vector_load %arg6[%get3A_988, %get3A_989, %get3A_990] {strides = array<i32>} : memref<4x100x128xf32, #tpu.memory_space<vmem>>, vector<1x1x16xf32>,
        %get3A_992 = vector.shape_cast %get3A_991 : vector<1x1x16xf32> to vector<16xf32>
        %add3A_993 = arith.addf %scan3A_966, %get3A_992 : vector<16xf32>
        %add3A_994 = arith.constant 0 : i32
        %add3A_995 = arith.addi %add3A_976, %add3A_994 : i32
        %get3A_996 = arith.constant 3 : i32
        %get3A_997 = arith.index_cast %get3A_996 : i32 to index
        %get3A_998 = arith.index_cast %add3A_995 : i32 to index
        %get3A_999 = arith.constant 32 : index
        %get3A_1000 = tpu.vector_load %arg6[%get3A_997, %get3A_998, %get3A_999] {strides = array<i32>} : memref<4x100x128xf32, #tpu.memory_space<vmem>>, vector<1x1x16xf32>,
        %get3A_1001 = vector.shape_cast %get3A_1000 : vector<1x1x16xf32> to vector<16xf32>
        %add3A_1002 = arith.addf %scan3A_967, %get3A_1001 : vector<16xf32>
        %add3A_1003 = arith.constant 0 : i32
        %add3A_1004 = arith.addi %add3A_976, %add3A_1003 : i32
        %get3A_1005 = arith.constant 3 : i32
        %get3A_1006 = arith.index_cast %get3A_1005 : i32 to index
        %get3A_1007 = arith.index_cast %add3A_1004 : i32 to index
        %get3A_1008 = arith.constant 48 : index
        %get3A_1009 = tpu.vector_load %arg6[%get3A_1006, %get3A_1007, %get3A_1008] {strides = array<i32>} : memref<4x100x128xf32, #tpu.memory_space<vmem>>, vector<1x1x16xf32>,
        %get3A_1010 = vector.shape_cast %get3A_1009 : vector<1x1x16xf32> to vector<16xf32>
        %add3A_1011 = arith.addf %scan3A_968, %get3A_1010 : vector<16xf32>
        %add3A_1012 = arith.constant 0 : i32
        %add3A_1013 = arith.addi %add3A_976, %add3A_1012 : i32
        %get3A_1014 = arith.constant 3 : i32
        %get3A_1015 = arith.index_cast %get3A_1014 : i32 to index
        %get3A_1016 = arith.index_cast %add3A_1013 : i32 to index
        %get3A_1017 = arith.constant 64 : index
        %get3A_1018 = tpu.vector_load %arg6[%get3A_1015, %get3A_1016, %get3A_1017] {strides = array<i32>} : memref<4x100x128xf32, #tpu.memory_space<vmem>>, vector<1x1x16xf32>,
        %get3A_1019 = vector.shape_cast %get3A_1018 : vector<1x1x16xf32> to vector<16xf32>
        %add3A_1020 = arith.addf %scan3A_969, %get3A_1019 : vector<16xf32>
        %add3A_1021 = arith.constant 0 : i32
        %add3A_1022 = arith.addi %add3A_976, %add3A_1021 : i32
        %get3A_1023 = arith.constant 3 : i32
        %get3A_1024 = arith.index_cast %get3A_1023 : i32 to index
        %get3A_1025 = arith.index_cast %add3A_1022 : i32 to index
        %get3A_1026 = arith.constant 80 : index
        %get3A_1027 = tpu.vector_load %arg6[%get3A_1024, %get3A_1025, %get3A_1026] {strides = array<i32>} : memref<4x100x128xf32, #tpu.memory_space<vmem>>, vector<1x1x16xf32>,
        %get3A_1028 = vector.shape_cast %get3A_1027 : vector<1x1x16xf32> to vector<16xf32>
        %add3A_1029 = arith.addf %scan3A_970, %get3A_1028 : vector<16xf32>
        %add3A_1030 = arith.constant 0 : i32
        %add3A_1031 = arith.addi %add3A_976, %add3A_1030 : i32
        %get3A_1032 = arith.constant 3 : i32
        %get3A_1033 = arith.index_cast %get3A_1032 : i32 to index
        %get3A_1034 = arith.index_cast %add3A_1031 : i32 to index
        %get3A_1035 = arith.constant 96 : index
        %get3A_1036 = tpu.vector_load %arg6[%get3A_1033, %get3A_1034, %get3A_1035] {strides = array<i32>} : memref<4x100x128xf32, #tpu.memory_space<vmem>>, vector<1x1x16xf32>,
        %get3A_1037 = vector.shape_cast %get3A_1036 : vector<1x1x16xf32> to vector<16xf32>
        %add3A_1038 = arith.addf %scan3A_971, %get3A_1037 : vector<16xf32>
        %add3A_1039 = arith.constant 0 : i32
        %add3A_1040 = arith.addi %add3A_976, %add3A_1039 : i32
        %get3A_1041 = arith.constant 3 : i32
        %get3A_1042 = arith.index_cast %get3A_1041 : i32 to index
        %get3A_1043 = arith.index_cast %add3A_1040 : i32 to index
        %get3A_1044 = arith.constant 112 : index
        %get3A_1045 = tpu.vector_load %arg6[%get3A_1042, %get3A_1043, %get3A_1044] {strides = array<i32>} : memref<4x100x128xf32, #tpu.memory_space<vmem>>, vector<1x1x16xf32>,
        %get3A_1046 = vector.shape_cast %get3A_1045 : vector<1x1x16xf32> to vector<16xf32>
        %add3A_1047 = arith.addf %scan3A_972, %get3A_1046 : vector<16xf32>
        %add3A_1048 = arith.constant 1 : i32
        %add3A_1049 = arith.addi %add3A_976, %add3A_1048 : i32
        %get3A_1050 = arith.constant 3 : i32
        %get3A_1051 = arith.index_cast %get3A_1050 : i32 to index
        %get3A_1052 = arith.index_cast %add3A_1049 : i32 to index
        %get3A_1053 = arith.constant 0 : index
        %get3A_1054 = tpu.vector_load %arg6[%get3A_1051, %get3A_1052, %get3A_1053] {strides = array<i32>} : memref<4x100x128xf32, #tpu.memory_space<vmem>>, vector<1x1x16xf32>,
        %get3A_1055 = vector.shape_cast %get3A_1054 : vector<1x1x16xf32> to vector<16xf32>
        %add3A_1056 = arith.addf %add3A_984, %get3A_1055 : vector<16xf32>
        %add3A_1057 = arith.constant 1 : i32
        %add3A_1058 = arith.addi %add3A_976, %add3A_1057 : i32
        %get3A_1059 = arith.constant 3 : i32
        %get3A_1060 = arith.index_cast %get3A_1059 : i32 to index
        %get3A_1061 = arith.index_cast %add3A_1058 : i32 to index
        %get3A_1062 = arith.constant 16 : index
        %get3A_1063 = tpu.vector_load %arg6[%get3A_1060, %get3A_1061, %get3A_1062] {strides = array<i32>} : memref<4x100x128xf32, #tpu.memory_space<vmem>>, vector<1x1x16xf32>,
        %get3A_1064 = vector.shape_cast %get3A_1063 : vector<1x1x16xf32> to vector<16xf32>
        %add3A_1065 = arith.addf %add3A_993, %get3A_1064 : vector<16xf32>
        %add3A_1066 = arith.constant 1 : i32
        %add3A_1067 = arith.addi %add3A_976, %add3A_1066 : i32
        %get3A_1068 = arith.constant 3 : i32
        %get3A_1069 = arith.index_cast %get3A_1068 : i32 to index
        %get3A_1070 = arith.index_cast %add3A_1067 : i32 to index
        %get3A_1071 = arith.constant 32 : index
        %get3A_1072 = tpu.vector_load %arg6[%get3A_1069, %get3A_1070, %get3A_1071] {strides = array<i32>} : memref<4x100x128xf32, #tpu.memory_space<vmem>>, vector<1x1x16xf32>,
        %get3A_1073 = vector.shape_cast %get3A_1072 : vector<1x1x16xf32> to vector<16xf32>
        %add3A_1074 = arith.addf %add3A_1002, %get3A_1073 : vector<16xf32>
        %add3A_1075 = arith.constant 1 : i32
        %add3A_1076 = arith.addi %add3A_976, %add3A_1075 : i32
        %get3A_1077 = arith.constant 3 : i32
        %get3A_1078 = arith.index_cast %get3A_1077 : i32 to index
        %get3A_1079 = arith.index_cast %add3A_1076 : i32 to index
        %get3A_1080 = arith.constant 48 : index
        %get3A_1081 = tpu.vector_load %arg6[%get3A_1078, %get3A_1079, %get3A_1080] {strides = array<i32>} : memref<4x100x128xf32, #tpu.memory_space<vmem>>, vector<1x1x16xf32>,
        %get3A_1082 = vector.shape_cast %get3A_1081 : vector<1x1x16xf32> to vector<16xf32>
        %add3A_1083 = arith.addf %add3A_1011, %get3A_1082 : vector<16xf32>
        %add3A_1084 = arith.constant 1 : i32
        %add3A_1085 = arith.addi %add3A_976, %add3A_1084 : i32
        %get3A_1086 = arith.constant 3 : i32
        %get3A_1087 = arith.index_cast %get3A_1086 : i32 to index
        %get3A_1088 = arith.index_cast %add3A_1085 : i32 to index
        %get3A_1089 = arith.constant 64 : index
        %get3A_1090 = tpu.vector_load %arg6[%get3A_1087, %get3A_1088, %get3A_1089] {strides = array<i32>} : memref<4x100x128xf32, #tpu.memory_space<vmem>>, vector<1x1x16xf32>,
        %get3A_1091 = vector.shape_cast %get3A_1090 : vector<1x1x16xf32> to vector<16xf32>
        %add3A_1092 = arith.addf %add3A_1020, %get3A_1091 : vector<16xf32>
        %add3A_1093 = arith.constant 1 : i32
        %add3A_1094 = arith.addi %add3A_976, %add3A_1093 : i32
        %get3A_1095 = arith.constant 3 : i32
        %get3A_1096 = arith.index_cast %get3A_1095 : i32 to index
        %get3A_1097 = arith.index_cast %add3A_1094 : i32 to index
        %get3A_1098 = arith.constant 80 : index
        %get3A_1099 = tpu.vector_load %arg6[%get3A_1096, %get3A_1097, %get3A_1098] {strides = array<i32>} : memref<4x100x128xf32, #tpu.memory_space<vmem>>, vector<1x1x16xf32>,
        %get3A_1100 = vector.shape_cast %get3A_1099 : vector<1x1x16xf32> to vector<16xf32>
        %add3A_1101 = arith.addf %add3A_1029, %get3A_1100 : vector<16xf32>
        %add3A_1102 = arith.constant 1 : i32
        %add3A_1103 = arith.addi %add3A_976, %add3A_1102 : i32
        %get3A_1104 = arith.constant 3 : i32
        %get3A_1105 = arith.index_cast %get3A_1104 : i32 to index
        %get3A_1106 = arith.index_cast %add3A_1103 : i32 to index
        %get3A_1107 = arith.constant 96 : index
        %get3A_1108 = tpu.vector_load %arg6[%get3A_1105, %get3A_1106, %get3A_1107] {strides = array<i32>} : memref<4x100x128xf32, #tpu.memory_space<vmem>>, vector<1x1x16xf32>,
        %get3A_1109 = vector.shape_cast %get3A_1108 : vector<1x1x16xf32> to vector<16xf32>
        %add3A_1110 = arith.addf %add3A_1038, %get3A_1109 : vector<16xf32>
        %add3A_1111 = arith.constant 1 : i32
        %add3A_1112 = arith.addi %add3A_976, %add3A_1111 : i32
        %get3A_1113 = arith.constant 3 : i32
        %get3A_1114 = arith.index_cast %get3A_1113 : i32 to index
        %get3A_1115 = arith.index_cast %add3A_1112 : i32 to index
        %get3A_1116 = arith.constant 112 : index
        %get3A_1117 = tpu.vector_load %arg6[%get3A_1114, %get3A_1115, %get3A_1116] {strides = array<i32>} : memref<4x100x128xf32, #tpu.memory_space<vmem>>, vector<1x1x16xf32>,
        %get3A_1118 = vector.shape_cast %get3A_1117 : vector<1x1x16xf32> to vector<16xf32>
        %add3A_1119 = arith.addf %add3A_1047, %get3A_1118 : vector<16xf32>
        %add3A_1120 = arith.constant 2 : i32
        %add3A_1121 = arith.addi %add3A_976, %add3A_1120 : i32
        %get3A_1122 = arith.constant 3 : i32
        %get3A_1123 = arith.index_cast %get3A_1122 : i32 to index
        %get3A_1124 = arith.index_cast %add3A_1121 : i32 to index
        %get3A_1125 = arith.constant 0 : index
        %get3A_1126 = tpu.vector_load %arg6[%get3A_1123, %get3A_1124, %get3A_1125] {strides = array<i32>} : memref<4x100x128xf32, #tpu.memory_space<vmem>>, vector<1x1x16xf32>,
        %get3A_1127 = vector.shape_cast %get3A_1126 : vector<1x1x16xf32> to vector<16xf32>
        %add3A_1128 = arith.addf %add3A_1056, %get3A_1127 : vector<16xf32>
        %add3A_1129 = arith.constant 2 : i32
        %add3A_1130 = arith.addi %add3A_976, %add3A_1129 : i32
        %get3A_1131 = arith.constant 3 : i32
        %get3A_1132 = arith.index_cast %get3A_1131 : i32 to index
        %get3A_1133 = arith.index_cast %add3A_1130 : i32 to index
        %get3A_1134 = arith.constant 16 : index
        %get3A_1135 = tpu.vector_load %arg6[%get3A_1132, %get3A_1133, %get3A_1134] {strides = array<i32>} : memref<4x100x128xf32, #tpu.memory_space<vmem>>, vector<1x1x16xf32>,
        %get3A_1136 = vector.shape_cast %get3A_1135 : vector<1x1x16xf32> to vector<16xf32>
        %add3A_1137 = arith.addf %add3A_1065, %get3A_1136 : vector<16xf32>
        %add3A_1138 = arith.constant 2 : i32
        %add3A_1139 = arith.addi %add3A_976, %add3A_1138 : i32
        %get3A_1140 = arith.constant 3 : i32
        %get3A_1141 = arith.index_cast %get3A_1140 : i32 to index
        %get3A_1142 = arith.index_cast %add3A_1139 : i32 to index
        %get3A_1143 = arith.constant 32 : index
        %get3A_1144 = tpu.vector_load %arg6[%get3A_1141, %get3A_1142, %get3A_1143] {strides = array<i32>} : memref<4x100x128xf32, #tpu.memory_space<vmem>>, vector<1x1x16xf32>,
        %get3A_1145 = vector.shape_cast %get3A_1144 : vector<1x1x16xf32> to vector<16xf32>
        %add3A_1146 = arith.addf %add3A_1074, %get3A_1145 : vector<16xf32>
        %add3A_1147 = arith.constant 2 : i32
        %add3A_1148 = arith.addi %add3A_976, %add3A_1147 : i32
        %get3A_1149 = arith.constant 3 : i32
        %get3A_1150 = arith.index_cast %get3A_1149 : i32 to index
        %get3A_1151 = arith.index_cast %add3A_1148 : i32 to index
        %get3A_1152 = arith.constant 48 : index
        %get3A_1153 = tpu.vector_load %arg6[%get3A_1150, %get3A_1151, %get3A_1152] {strides = array<i32>} : memref<4x100x128xf32, #tpu.memory_space<vmem>>, vector<1x1x16xf32>,
        %get3A_1154 = vector.shape_cast %get3A_1153 : vector<1x1x16xf32> to vector<16xf32>
        %add3A_1155 = arith.addf %add3A_1083, %get3A_1154 : vector<16xf32>
        %add3A_1156 = arith.constant 2 : i32
        %add3A_1157 = arith.addi %add3A_976, %add3A_1156 : i32
        %get3A_1158 = arith.constant 3 : i32
        %get3A_1159 = arith.index_cast %get3A_1158 : i32 to index
        %get3A_1160 = arith.index_cast %add3A_1157 : i32 to index
        %get3A_1161 = arith.constant 64 : index
        %get3A_1162 = tpu.vector_load %arg6[%get3A_1159, %get3A_1160, %get3A_1161] {strides = array<i32>} : memref<4x100x128xf32, #tpu.memory_space<vmem>>, vector<1x1x16xf32>,
        %get3A_1163 = vector.shape_cast %get3A_1162 : vector<1x1x16xf32> to vector<16xf32>
        %add3A_1164 = arith.addf %add3A_1092, %get3A_1163 : vector<16xf32>
        %add3A_1165 = arith.constant 2 : i32
        %add3A_1166 = arith.addi %add3A_976, %add3A_1165 : i32
        %get3A_1167 = arith.constant 3 : i32
        %get3A_1168 = arith.index_cast %get3A_1167 : i32 to index
        %get3A_1169 = arith.index_cast %add3A_1166 : i32 to index
        %get3A_1170 = arith.constant 80 : index
        %get3A_1171 = tpu.vector_load %arg6[%get3A_1168, %get3A_1169, %get3A_1170] {strides = array<i32>} : memref<4x100x128xf32, #tpu.memory_space<vmem>>, vector<1x1x16xf32>,
        %get3A_1172 = vector.shape_cast %get3A_1171 : vector<1x1x16xf32> to vector<16xf32>
        %add3A_1173 = arith.addf %add3A_1101, %get3A_1172 : vector<16xf32>
        %add3A_1174 = arith.constant 2 : i32
        %add3A_1175 = arith.addi %add3A_976, %add3A_1174 : i32
        %get3A_1176 = arith.constant 3 : i32
        %get3A_1177 = arith.index_cast %get3A_1176 : i32 to index
        %get3A_1178 = arith.index_cast %add3A_1175 : i32 to index
        %get3A_1179 = arith.constant 96 : index
        %get3A_1180 = tpu.vector_load %arg6[%get3A_1177, %get3A_1178, %get3A_1179] {strides = array<i32>} : memref<4x100x128xf32, #tpu.memory_space<vmem>>, vector<1x1x16xf32>,
        %get3A_1181 = vector.shape_cast %get3A_1180 : vector<1x1x16xf32> to vector<16xf32>
        %add3A_1182 = arith.addf %add3A_1110, %get3A_1181 : vector<16xf32>
        %add3A_1183 = arith.constant 2 : i32
        %add3A_1184 = arith.addi %add3A_976, %add3A_1183 : i32
        %get3A_1185 = arith.constant 3 : i32
        %get3A_1186 = arith.index_cast %get3A_1185 : i32 to index
        %get3A_1187 = arith.index_cast %add3A_1184 : i32 to index
        %get3A_1188 = arith.constant 112 : index
        %get3A_1189 = tpu.vector_load %arg6[%get3A_1186, %get3A_1187, %get3A_1188] {strides = array<i32>} : memref<4x100x128xf32, #tpu.memory_space<vmem>>, vector<1x1x16xf32>,
        %get3A_1190 = vector.shape_cast %get3A_1189 : vector<1x1x16xf32> to vector<16xf32>
        %add3A_1191 = arith.addf %add3A_1119, %get3A_1190 : vector<16xf32>
        %add3A_1192 = arith.constant 3 : i32
        %add3A_1193 = arith.addi %add3A_976, %add3A_1192 : i32
        %get3A_1194 = arith.constant 3 : i32
        %get3A_1195 = arith.index_cast %get3A_1194 : i32 to index
        %get3A_1196 = arith.index_cast %add3A_1193 : i32 to index
        %get3A_1197 = arith.constant 0 : index
        %get3A_1198 = tpu.vector_load %arg6[%get3A_1195, %get3A_1196, %get3A_1197] {strides = array<i32>} : memref<4x100x128xf32, #tpu.memory_space<vmem>>, vector<1x1x16xf32>,
        %get3A_1199 = vector.shape_cast %get3A_1198 : vector<1x1x16xf32> to vector<16xf32>
        %add3A_1200 = arith.addf %add3A_1128, %get3A_1199 : vector<16xf32>
        %add3A_1201 = arith.constant 3 : i32
        %add3A_1202 = arith.addi %add3A_976, %add3A_1201 : i32
        %get3A_1203 = arith.constant 3 : i32
        %get3A_1204 = arith.index_cast %get3A_1203 : i32 to index
        %get3A_1205 = arith.index_cast %add3A_1202 : i32 to index
        %get3A_1206 = arith.constant 16 : index
        %get3A_1207 = tpu.vector_load %arg6[%get3A_1204, %get3A_1205, %get3A_1206] {strides = array<i32>} : memref<4x100x128xf32, #tpu.memory_space<vmem>>, vector<1x1x16xf32>,
        %get3A_1208 = vector.shape_cast %get3A_1207 : vector<1x1x16xf32> to vector<16xf32>
        %add3A_1209 = arith.addf %add3A_1137, %get3A_1208 : vector<16xf32>
        %add3A_1210 = arith.constant 3 : i32
        %add3A_1211 = arith.addi %add3A_976, %add3A_1210 : i32
        %get3A_1212 = arith.constant 3 : i32
        %get3A_1213 = arith.index_cast %get3A_1212 : i32 to index
        %get3A_1214 = arith.index_cast %add3A_1211 : i32 to index
        %get3A_1215 = arith.constant 32 : index
        %get3A_1216 = tpu.vector_load %arg6[%get3A_1213, %get3A_1214, %get3A_1215] {strides = array<i32>} : memref<4x100x128xf32, #tpu.memory_space<vmem>>, vector<1x1x16xf32>,
        %get3A_1217 = vector.shape_cast %get3A_1216 : vector<1x1x16xf32> to vector<16xf32>
        %add3A_1218 = arith.addf %add3A_1146, %get3A_1217 : vector<16xf32>
        %add3A_1219 = arith.constant 3 : i32
        %add3A_1220 = arith.addi %add3A_976, %add3A_1219 : i32
        %get3A_1221 = arith.constant 3 : i32
        %get3A_1222 = arith.index_cast %get3A_1221 : i32 to index
        %get3A_1223 = arith.index_cast %add3A_1220 : i32 to index
        %get3A_1224 = arith.constant 48 : index
        %get3A_1225 = tpu.vector_load %arg6[%get3A_1222, %get3A_1223, %get3A_1224] {strides = array<i32>} : memref<4x100x128xf32, #tpu.memory_space<vmem>>, vector<1x1x16xf32>,
        %get3A_1226 = vector.shape_cast %get3A_1225 : vector<1x1x16xf32> to vector<16xf32>
        %add3A_1227 = arith.addf %add3A_1155, %get3A_1226 : vector<16xf32>
        %add3A_1228 = arith.constant 3 : i32
        %add3A_1229 = arith.addi %add3A_976, %add3A_1228 : i32
        %get3A_1230 = arith.constant 3 : i32
        %get3A_1231 = arith.index_cast %get3A_1230 : i32 to index
        %get3A_1232 = arith.index_cast %add3A_1229 : i32 to index
        %get3A_1233 = arith.constant 64 : index
        %get3A_1234 = tpu.vector_load %arg6[%get3A_1231, %get3A_1232, %get3A_1233] {strides = array<i32>} : memref<4x100x128xf32, #tpu.memory_space<vmem>>, vector<1x1x16xf32>,
        %get3A_1235 = vector.shape_cast %get3A_1234 : vector<1x1x16xf32> to vector<16xf32>
        %add3A_1236 = arith.addf %add3A_1164, %get3A_1235 : vector<16xf32>
        %add3A_1237 = arith.constant 3 : i32
        %add3A_1238 = arith.addi %add3A_976, %add3A_1237 : i32
        %get3A_1239 = arith.constant 3 : i32
        %get3A_1240 = arith.index_cast %get3A_1239 : i32 to index
        %get3A_1241 = arith.index_cast %add3A_1238 : i32 to index
        %get3A_1242 = arith.constant 80 : index
        %get3A_1243 = tpu.vector_load %arg6[%get3A_1240, %get3A_1241, %get3A_1242] {strides = array<i32>} : memref<4x100x128xf32, #tpu.memory_space<vmem>>, vector<1x1x16xf32>,
        %get3A_1244 = vector.shape_cast %get3A_1243 : vector<1x1x16xf32> to vector<16xf32>
        %add3A_1245 = arith.addf %add3A_1173, %get3A_1244 : vector<16xf32>
        %add3A_1246 = arith.constant 3 : i32
        %add3A_1247 = arith.addi %add3A_976, %add3A_1246 : i32
        %get3A_1248 = arith.constant 3 : i32
        %get3A_1249 = arith.index_cast %get3A_1248 : i32 to index
        %get3A_1250 = arith.index_cast %add3A_1247 : i32 to index
        %get3A_1251 = arith.constant 96 : index
        %get3A_1252 = tpu.vector_load %arg6[%get3A_1249, %get3A_1250, %get3A_1251] {strides = array<i32>} : memref<4x100x128xf32, #tpu.memory_space<vmem>>, vector<1x1x16xf32>,
        %get3A_1253 = vector.shape_cast %get3A_1252 : vector<1x1x16xf32> to vector<16xf32>
        %add3A_1254 = arith.addf %add3A_1182, %get3A_1253 : vector<16xf32>
        %add3A_1255 = arith.constant 3 : i32
        %add3A_1256 = arith.addi %add3A_976, %add3A_1255 : i32
        %get3A_1257 = arith.constant 3 : i32
        %get3A_1258 = arith.index_cast %get3A_1257 : i32 to index
        %get3A_1259 = arith.index_cast %add3A_1256 : i32 to index
        %get3A_1260 = arith.constant 112 : index
        %get3A_1261 = tpu.vector_load %arg6[%get3A_1258, %get3A_1259, %get3A_1260] {strides = array<i32>} : memref<4x100x128xf32, #tpu.memory_space<vmem>>, vector<1x1x16xf32>,
        %get3A_1262 = vector.shape_cast %get3A_1261 : vector<1x1x16xf32> to vector<16xf32>
        %add3A_1263 = arith.addf %add3A_1191, %get3A_1262 : vector<16xf32>
        %add3A_1264 = arith.constant 4 : i32
        %add3A_1265 = arith.addi %add3A_976, %add3A_1264 : i32
        %get3A_1266 = arith.constant 3 : i32
        %get3A_1267 = arith.index_cast %get3A_1266 : i32 to index
        %get3A_1268 = arith.index_cast %add3A_1265 : i32 to index
        %get3A_1269 = arith.constant 0 : index
        %get3A_1270 = tpu.vector_load %arg6[%get3A_1267, %get3A_1268, %get3A_1269] {strides = array<i32>} : memref<4x100x128xf32, #tpu.memory_space<vmem>>, vector<1x1x16xf32>,
        %get3A_1271 = vector.shape_cast %get3A_1270 : vector<1x1x16xf32> to vector<16xf32>
        %add3A_1272 = arith.addf %add3A_1200, %get3A_1271 : vector<16xf32>
        %add3A_1273 = arith.constant 4 : i32
        %add3A_1274 = arith.addi %add3A_976, %add3A_1273 : i32
        %get3A_1275 = arith.constant 3 : i32
        %get3A_1276 = arith.index_cast %get3A_1275 : i32 to index
        %get3A_1277 = arith.index_cast %add3A_1274 : i32 to index
        %get3A_1278 = arith.constant 16 : index
        %get3A_1279 = tpu.vector_load %arg6[%get3A_1276, %get3A_1277, %get3A_1278] {strides = array<i32>} : memref<4x100x128xf32, #tpu.memory_space<vmem>>, vector<1x1x16xf32>,
        %get3A_1280 = vector.shape_cast %get3A_1279 : vector<1x1x16xf32> to vector<16xf32>
        %add3A_1281 = arith.addf %add3A_1209, %get3A_1280 : vector<16xf32>
        %add3A_1282 = arith.constant 4 : i32
        %add3A_1283 = arith.addi %add3A_976, %add3A_1282 : i32
        %get3A_1284 = arith.constant 3 : i32
        %get3A_1285 = arith.index_cast %get3A_1284 : i32 to index
        %get3A_1286 = arith.index_cast %add3A_1283 : i32 to index
        %get3A_1287 = arith.constant 32 : index
        %get3A_1288 = tpu.vector_load %arg6[%get3A_1285, %get3A_1286, %get3A_1287] {strides = array<i32>} : memref<4x100x128xf32, #tpu.memory_space<vmem>>, vector<1x1x16xf32>,
        %get3A_1289 = vector.shape_cast %get3A_1288 : vector<1x1x16xf32> to vector<16xf32>
        %add3A_1290 = arith.addf %add3A_1218, %get3A_1289 : vector<16xf32>
        %add3A_1291 = arith.constant 4 : i32
        %add3A_1292 = arith.addi %add3A_976, %add3A_1291 : i32
        %get3A_1293 = arith.constant 3 : i32
        %get3A_1294 = arith.index_cast %get3A_1293 : i32 to index
        %get3A_1295 = arith.index_cast %add3A_1292 : i32 to index
        %get3A_1296 = arith.constant 48 : index
        %get3A_1297 = tpu.vector_load %arg6[%get3A_1294, %get3A_1295, %get3A_1296] {strides = array<i32>} : memref<4x100x128xf32, #tpu.memory_space<vmem>>, vector<1x1x16xf32>,
        %get3A_1298 = vector.shape_cast %get3A_1297 : vector<1x1x16xf32> to vector<16xf32>
        %add3A_1299 = arith.addf %add3A_1227, %get3A_1298 : vector<16xf32>
        %add3A_1300 = arith.constant 4 : i32
        %add3A_1301 = arith.addi %add3A_976, %add3A_1300 : i32
        %get3A_1302 = arith.constant 3 : i32
        %get3A_1303 = arith.index_cast %get3A_1302 : i32 to index
        %get3A_1304 = arith.index_cast %add3A_1301 : i32 to index
        %get3A_1305 = arith.constant 64 : index
        %get3A_1306 = tpu.vector_load %arg6[%get3A_1303, %get3A_1304, %get3A_1305] {strides = array<i32>} : memref<4x100x128xf32, #tpu.memory_space<vmem>>, vector<1x1x16xf32>,
        %get3A_1307 = vector.shape_cast %get3A_1306 : vector<1x1x16xf32> to vector<16xf32>
        %add3A_1308 = arith.addf %add3A_1236, %get3A_1307 : vector<16xf32>
        %add3A_1309 = arith.constant 4 : i32
        %add3A_1310 = arith.addi %add3A_976, %add3A_1309 : i32
        %get3A_1311 = arith.constant 3 : i32
        %get3A_1312 = arith.index_cast %get3A_1311 : i32 to index
        %get3A_1313 = arith.index_cast %add3A_1310 : i32 to index
        %get3A_1314 = arith.constant 80 : index
        %get3A_1315 = tpu.vector_load %arg6[%get3A_1312, %get3A_1313, %get3A_1314] {strides = array<i32>} : memref<4x100x128xf32, #tpu.memory_space<vmem>>, vector<1x1x16xf32>,
        %get3A_1316 = vector.shape_cast %get3A_1315 : vector<1x1x16xf32> to vector<16xf32>
        %add3A_1317 = arith.addf %add3A_1245, %get3A_1316 : vector<16xf32>
        %add3A_1318 = arith.constant 4 : i32
        %add3A_1319 = arith.addi %add3A_976, %add3A_1318 : i32
        %get3A_1320 = arith.constant 3 : i32
        %get3A_1321 = arith.index_cast %get3A_1320 : i32 to index
        %get3A_1322 = arith.index_cast %add3A_1319 : i32 to index
        %get3A_1323 = arith.constant 96 : index
        %get3A_1324 = tpu.vector_load %arg6[%get3A_1321, %get3A_1322, %get3A_1323] {strides = array<i32>} : memref<4x100x128xf32, #tpu.memory_space<vmem>>, vector<1x1x16xf32>,
        %get3A_1325 = vector.shape_cast %get3A_1324 : vector<1x1x16xf32> to vector<16xf32>
        %add3A_1326 = arith.addf %add3A_1254, %get3A_1325 : vector<16xf32>
        %add3A_1327 = arith.constant 4 : i32
        %add3A_1328 = arith.addi %add3A_976, %add3A_1327 : i32
        %get3A_1329 = arith.constant 3 : i32
        %get3A_1330 = arith.index_cast %get3A_1329 : i32 to index
        %get3A_1331 = arith.index_cast %add3A_1328 : i32 to index
        %get3A_1332 = arith.constant 112 : index
        %get3A_1333 = tpu.vector_load %arg6[%get3A_1330, %get3A_1331, %get3A_1332] {strides = array<i32>} : memref<4x100x128xf32, #tpu.memory_space<vmem>>, vector<1x1x16xf32>,
        %get3A_1334 = vector.shape_cast %get3A_1333 : vector<1x1x16xf32> to vector<16xf32>
        %add3A_1335 = arith.addf %add3A_1263, %get3A_1334 : vector<16xf32>
        scf.yield %add3A_1272, %add3A_1281, %add3A_1290, %add3A_1299, %add3A_1308, %add3A_1317, %add3A_1326, %add3A_1335 : vector<16xf32>, vector<16xf32>, vector<16xf32>, vector<16xf32>, vector<16xf32>, vector<16xf32>, vector<16xf32>, vector<16xf32>
      }
      %scan3A_797 = arith.constant 10 : i32
      %mul3A_798 = arith.constant 2 : i32
      %mul3A_799 = arith.muli %add3A_775, %mul3A_798 : i32
      %add3A_800 = arith.constant 0 : i32
      %add3A_801 = arith.addi %mul3A_799, %add3A_800 : i32
      %swap3A_802 = arith.index_cast %add3A_801 : i32 to index
      %swap3A_803 = arith.constant 0 : index
      %swap3A_804 = tpu.vector_load %arg7[%swap3A_802, %swap3A_803] {strides = array<i32>} : memref<128x128xf32, #tpu.memory_space<vmem>>, vector<1x16xf32>,
      %swap3A_805 = vector.shape_cast %swap3A_804 : vector<1x16xf32> to vector<16xf32>
      %swap3A_806 = vector.shape_cast %scan3A_796#0 : vector<16xf32> to vector<1x16xf32>
      tpu.vector_store %arg7[%swap3A_802, %swap3A_803], %swap3A_806 {strides = array<i32>} : memref<128x128xf32, #tpu.memory_space<vmem>>, vector<1x16xf32>,
      %mul3A_807 = arith.constant 2 : i32
      %mul3A_808 = arith.muli %add3A_775, %mul3A_807 : i32
      %add3A_809 = arith.constant 0 : i32
      %add3A_810 = arith.addi %mul3A_808, %add3A_809 : i32
      %swap3A_811 = arith.index_cast %add3A_810 : i32 to index
      %swap3A_812 = arith.constant 16 : index
      %swap3A_813 = tpu.vector_load %arg7[%swap3A_811, %swap3A_812] {strides = array<i32>} : memref<128x128xf32, #tpu.memory_space<vmem>>, vector<1x16xf32>,
      %swap3A_814 = vector.shape_cast %swap3A_813 : vector<1x16xf32> to vector<16xf32>
      %swap3A_815 = vector.shape_cast %scan3A_796#1 : vector<16xf32> to vector<1x16xf32>
      tpu.vector_store %arg7[%swap3A_811, %swap3A_812], %swap3A_815 {strides = array<i32>} : memref<128x128xf32, #tpu.memory_space<vmem>>, vector<1x16xf32>,
      %mul3A_816 = arith.constant 2 : i32
      %mul3A_817 = arith.muli %add3A_775, %mul3A_816 : i32
      %add3A_818 = arith.constant 0 : i32
      %add3A_819 = arith.addi %mul3A_817, %add3A_818 : i32
      %swap3A_820 = arith.index_cast %add3A_819 : i32 to index
      %swap3A_821 = arith.constant 32 : index
      %swap3A_822 = tpu.vector_load %arg7[%swap3A_820, %swap3A_821] {strides = array<i32>} : memref<128x128xf32, #tpu.memory_space<vmem>>, vector<1x16xf32>,
      %swap3A_823 = vector.shape_cast %swap3A_822 : vector<1x16xf32> to vector<16xf32>
      %swap3A_824 = vector.shape_cast %scan3A_796#2 : vector<16xf32> to vector<1x16xf32>
      tpu.vector_store %arg7[%swap3A_820, %swap3A_821], %swap3A_824 {strides = array<i32>} : memref<128x128xf32, #tpu.memory_space<vmem>>, vector<1x16xf32>,
      %mul3A_825 = arith.constant 2 : i32
      %mul3A_826 = arith.muli %add3A_775, %mul3A_825 : i32
      %add3A_827 = arith.constant 0 : i32
      %add3A_828 = arith.addi %mul3A_826, %add3A_827 : i32
      %swap3A_829 = arith.index_cast %add3A_828 : i32 to index
      %swap3A_830 = arith.constant 48 : index
      %swap3A_831 = tpu.vector_load %arg7[%swap3A_829, %swap3A_830] {strides = array<i32>} : memref<128x128xf32, #tpu.memory_space<vmem>>, vector<1x16xf32>,
      %swap3A_832 = vector.shape_cast %swap3A_831 : vector<1x16xf32> to vector<16xf32>
      %swap3A_833 = vector.shape_cast %scan3A_796#3 : vector<16xf32> to vector<1x16xf32>
      tpu.vector_store %arg7[%swap3A_829, %swap3A_830], %swap3A_833 {strides = array<i32>} : memref<128x128xf32, #tpu.memory_space<vmem>>, vector<1x16xf32>,
      %mul3A_834 = arith.constant 2 : i32
      %mul3A_835 = arith.muli %add3A_775, %mul3A_834 : i32
      %add3A_836 = arith.constant 0 : i32
      %add3A_837 = arith.addi %mul3A_835, %add3A_836 : i32
      %swap3A_838 = arith.index_cast %add3A_837 : i32 to index
      %swap3A_839 = arith.constant 64 : index
      %swap3A_840 = tpu.vector_load %arg7[%swap3A_838, %swap3A_839] {strides = array<i32>} : memref<128x128xf32, #tpu.memory_space<vmem>>, vector<1x16xf32>,
      %swap3A_841 = vector.shape_cast %swap3A_840 : vector<1x16xf32> to vector<16xf32>
      %swap3A_842 = vector.shape_cast %scan3A_796#4 : vector<16xf32> to vector<1x16xf32>
      tpu.vector_store %arg7[%swap3A_838, %swap3A_839], %swap3A_842 {strides = array<i32>} : memref<128x128xf32, #tpu.memory_space<vmem>>, vector<1x16xf32>,
      %mul3A_843 = arith.constant 2 : i32
      %mul3A_844 = arith.muli %add3A_775, %mul3A_843 : i32
      %add3A_845 = arith.constant 0 : i32
      %add3A_846 = arith.addi %mul3A_844, %add3A_845 : i32
      %swap3A_847 = arith.index_cast %add3A_846 : i32 to index
      %swap3A_848 = arith.constant 80 : index
      %swap3A_849 = tpu.vector_load %arg7[%swap3A_847, %swap3A_848] {strides = array<i32>} : memref<128x128xf32, #tpu.memory_space<vmem>>, vector<1x16xf32>,
      %swap3A_850 = vector.shape_cast %swap3A_849 : vector<1x16xf32> to vector<16xf32>
      %swap3A_851 = vector.shape_cast %scan3A_796#5 : vector<16xf32> to vector<1x16xf32>
      tpu.vector_store %arg7[%swap3A_847, %swap3A_848], %swap3A_851 {strides = array<i32>} : memref<128x128xf32, #tpu.memory_space<vmem>>, vector<1x16xf32>,
      %mul3A_852 = arith.constant 2 : i32
      %mul3A_853 = arith.muli %add3A_775, %mul3A_852 : i32
      %add3A_854 = arith.constant 0 : i32
      %add3A_855 = arith.addi %mul3A_853, %add3A_854 : i32
      %swap3A_856 = arith.index_cast %add3A_855 : i32 to index
      %swap3A_857 = arith.constant 96 : index
      %swap3A_858 = tpu.vector_load %arg7[%swap3A_856, %swap3A_857] {strides = array<i32>} : memref<128x128xf32, #tpu.memory_space<vmem>>, vector<1x16xf32>,
      %swap3A_859 = vector.shape_cast %swap3A_858 : vector<1x16xf32> to vector<16xf32>
      %swap3A_860 = vector.shape_cast %scan3A_796#6 : vector<16xf32> to vector<1x16xf32>
      tpu.vector_store %arg7[%swap3A_856, %swap3A_857], %swap3A_860 {strides = array<i32>} : memref<128x128xf32, #tpu.memory_space<vmem>>, vector<1x16xf32>,
      %mul3A_861 = arith.constant 2 : i32
      %mul3A_862 = arith.muli %add3A_775, %mul3A_861 : i32
      %add3A_863 = arith.constant 0 : i32
      %add3A_864 = arith.addi %mul3A_862, %add3A_863 : i32
      %swap3A_865 = arith.index_cast %add3A_864 : i32 to index
      %swap3A_866 = arith.constant 112 : index
      %swap3A_867 = tpu.vector_load %arg7[%swap3A_865, %swap3A_866] {strides = array<i32>} : memref<128x128xf32, #tpu.memory_space<vmem>>, vector<1x16xf32>,
      %swap3A_868 = vector.shape_cast %swap3A_867 : vector<1x16xf32> to vector<16xf32>
      %swap3A_869 = vector.shape_cast %scan3A_796#7 : vector<16xf32> to vector<1x16xf32>
      tpu.vector_store %arg7[%swap3A_865, %swap3A_866], %swap3A_869 {strides = array<i32>} : memref<128x128xf32, #tpu.memory_space<vmem>>, vector<1x16xf32>,
      %broadcast_in_dim3A_870 = arith.constant 0.000000e+00 : f32
      %broadcast_in_dim3A_871 = vector.broadcast %broadcast_in_dim3A_870 : f32 to vector<16xf32>
      %broadcast_in_dim3A_872 = arith.constant 0.000000e+00 : f32
      %broadcast_in_dim3A_873 = vector.broadcast %broadcast_in_dim3A_872 : f32 to vector<16xf32>
      %broadcast_in_dim3A_874 = arith.constant 0.000000e+00 : f32
      %broadcast_in_dim3A_875 = vector.broadcast %broadcast_in_dim3A_874 : f32 to vector<16xf32>
      %broadcast_in_dim3A_876 = arith.constant 0.000000e+00 : f32
      %broadcast_in_dim3A_877 = vector.broadcast %broadcast_in_dim3A_876 : f32 to vector<16xf32>
      %broadcast_in_dim3A_878 = arith.constant 0.000000e+00 : f32
      %broadcast_in_dim3A_879 = vector.broadcast %broadcast_in_dim3A_878 : f32 to vector<16xf32>
      %broadcast_in_dim3A_880 = arith.constant 0.000000e+00 : f32
      %broadcast_in_dim3A_881 = vector.broadcast %broadcast_in_dim3A_880 : f32 to vector<16xf32>
      %broadcast_in_dim3A_882 = arith.constant 0.000000e+00 : f32
      %broadcast_in_dim3A_883 = vector.broadcast %broadcast_in_dim3A_882 : f32 to vector<16xf32>
      %broadcast_in_dim3A_884 = arith.constant 0.000000e+00 : f32
      %broadcast_in_dim3A_885 = vector.broadcast %broadcast_in_dim3A_884 : f32 to vector<16xf32>
      %scan3A_886 = arith.constant 0 : i32
      %scan3A_887 = arith.constant 10 : i32
      %scan3A_888 = arith.addi %scan3A_886, %scan3A_887 : i32
      %scan3A_889 = arith.constant 1 : i32
      %scan3A_890:8 = scf.for %scan3A_964 = %scan3A_886 to %scan3A_888 step %scan3A_889 iter_args(%scan3A_965 = %broadcast_in_dim3A_871, %scan3A_966 = %broadcast_in_dim3A_873, %scan3A_967 = %broadcast_in_dim3A_875, %scan3A_968 = %broadcast_in_dim3A_877, %scan3A_969 = %broadcast_in_dim3A_879, %scan3A_970 = %broadcast_in_dim3A_881, %scan3A_971 = %broadcast_in_dim3A_883, %scan3A_972 = %broadcast_in_dim3A_885) -> (vector<16xf32>, vector<16xf32>, vector<16xf32>, vector<16xf32>, vector<16xf32>, vector<16xf32>, vector<16xf32>, vector<16xf32>)  : i32 {
        %mul3A_973 = arith.constant 5 : i32
        %mul3A_974 = arith.muli %scan3A_964, %mul3A_973 : i32
        %add3A_975 = arith.constant 50 : i32
        %add3A_976 = arith.addi %add3A_975, %mul3A_974 : i32
        %add3A_977 = arith.constant 0 : i32
        %add3A_978 = arith.addi %add3A_976, %add3A_977 : i32
        %get3A = arith.constant 3 : i32
        %get3A_979 = arith.index_cast %get3A : i32 to index
        %get3A_980 = arith.index_cast %add3A_978 : i32 to index
        %get3A_981 = arith.constant 0 : index
        %get3A_982 = tpu.vector_load %arg6[%get3A_979, %get3A_980, %get3A_981] {strides = array<i32>} : memref<4x100x128xf32, #tpu.memory_space<vmem>>, vector<1x1x16xf32>,
        %get3A_983 = vector.shape_cast %get3A_982 : vector<1x1x16xf32> to vector<16xf32>
        %add3A_984 = arith.addf %scan3A_965, %get3A_983 : vector<16xf32>
        %add3A_985 = arith.constant 0 : i32
        %add3A_986 = arith.addi %add3A_976, %add3A_985 : i32
        %get3A_987 = arith.constant 3 : i32
        %get3A_988 = arith.index_cast %get3A_987 : i32 to index
        %get3A_989 = arith.index_cast %add3A_986 : i32 to index
        %get3A_990 = arith.constant 16 : index
        %get3A_991 = tpu.vector_load %arg6[%get3A_988, %get3A_989, %get3A_990] {strides = array<i32>} : memref<4x100x128xf32, #tpu.memory_space<vmem>>, vector<1x1x16xf32>,
        %get3A_992 = vector.shape_cast %get3A_991 : vector<1x1x16xf32> to vector<16xf32>
        %add3A_993 = arith.addf %scan3A_966, %get3A_992 : vector<16xf32>
        %add3A_994 = arith.constant 0 : i32
        %add3A_995 = arith.addi %add3A_976, %add3A_994 : i32
        %get3A_996 = arith.constant 3 : i32
        %get3A_997 = arith.index_cast %get3A_996 : i32 to index
        %get3A_998 = arith.index_cast %add3A_995 : i32 to index
        %get3A_999 = arith.constant 32 : index
        %get3A_1000 = tpu.vector_load %arg6[%get3A_997, %get3A_998, %get3A_999] {strides = array<i32>} : memref<4x100x128xf32, #tpu.memory_space<vmem>>, vector<1x1x16xf32>,
        %get3A_1001 = vector.shape_cast %get3A_1000 : vector<1x1x16xf32> to vector<16xf32>
        %add3A_1002 = arith.addf %scan3A_967, %get3A_1001 : vector<16xf32>
        %add3A_1003 = arith.constant 0 : i32
        %add3A_1004 = arith.addi %add3A_976, %add3A_1003 : i32
        %get3A_1005 = arith.constant 3 : i32
        %get3A_1006 = arith.index_cast %get3A_1005 : i32 to index
        %get3A_1007 = arith.index_cast %add3A_1004 : i32 to index
        %get3A_1008 = arith.constant 48 : index
        %get3A_1009 = tpu.vector_load %arg6[%get3A_1006, %get3A_1007, %get3A_1008] {strides = array<i32>} : memref<4x100x128xf32, #tpu.memory_space<vmem>>, vector<1x1x16xf32>,
        %get3A_1010 = vector.shape_cast %get3A_1009 : vector<1x1x16xf32> to vector<16xf32>
        %add3A_1011 = arith.addf %scan3A_968, %get3A_1010 : vector<16xf32>
        %add3A_1012 = arith.constant 0 : i32
        %add3A_1013 = arith.addi %add3A_976, %add3A_1012 : i32
        %get3A_1014 = arith.constant 3 : i32
        %get3A_1015 = arith.index_cast %get3A_1014 : i32 to index
        %get3A_1016 = arith.index_cast %add3A_1013 : i32 to index
        %get3A_1017 = arith.constant 64 : index
        %get3A_1018 = tpu.vector_load %arg6[%get3A_1015, %get3A_1016, %get3A_1017] {strides = array<i32>} : memref<4x100x128xf32, #tpu.memory_space<vmem>>, vector<1x1x16xf32>,
        %get3A_1019 = vector.shape_cast %get3A_1018 : vector<1x1x16xf32> to vector<16xf32>
        %add3A_1020 = arith.addf %scan3A_969, %get3A_1019 : vector<16xf32>
        %add3A_1021 = arith.constant 0 : i32
        %add3A_1022 = arith.addi %add3A_976, %add3A_1021 : i32
        %get3A_1023 = arith.constant 3 : i32
        %get3A_1024 = arith.index_cast %get3A_1023 : i32 to index
        %get3A_1025 = arith.index_cast %add3A_1022 : i32 to index
        %get3A_1026 = arith.constant 80 : index
        %get3A_1027 = tpu.vector_load %arg6[%get3A_1024, %get3A_1025, %get3A_1026] {strides = array<i32>} : memref<4x100x128xf32, #tpu.memory_space<vmem>>, vector<1x1x16xf32>,
        %get3A_1028 = vector.shape_cast %get3A_1027 : vector<1x1x16xf32> to vector<16xf32>
        %add3A_1029 = arith.addf %scan3A_970, %get3A_1028 : vector<16xf32>
        %add3A_1030 = arith.constant 0 : i32
        %add3A_1031 = arith.addi %add3A_976, %add3A_1030 : i32
        %get3A_1032 = arith.constant 3 : i32
        %get3A_1033 = arith.index_cast %get3A_1032 : i32 to index
        %get3A_1034 = arith.index_cast %add3A_1031 : i32 to index
        %get3A_1035 = arith.constant 96 : index
        %get3A_1036 = tpu.vector_load %arg6[%get3A_1033, %get3A_1034, %get3A_1035] {strides = array<i32>} : memref<4x100x128xf32, #tpu.memory_space<vmem>>, vector<1x1x16xf32>,
        %get3A_1037 = vector.shape_cast %get3A_1036 : vector<1x1x16xf32> to vector<16xf32>
        %add3A_1038 = arith.addf %scan3A_971, %get3A_1037 : vector<16xf32>
        %add3A_1039 = arith.constant 0 : i32
        %add3A_1040 = arith.addi %add3A_976, %add3A_1039 : i32
        %get3A_1041 = arith.constant 3 : i32
        %get3A_1042 = arith.index_cast %get3A_1041 : i32 to index
        %get3A_1043 = arith.index_cast %add3A_1040 : i32 to index
        %get3A_1044 = arith.constant 112 : index
        %get3A_1045 = tpu.vector_load %arg6[%get3A_1042, %get3A_1043, %get3A_1044] {strides = array<i32>} : memref<4x100x128xf32, #tpu.memory_space<vmem>>, vector<1x1x16xf32>,
        %get3A_1046 = vector.shape_cast %get3A_1045 : vector<1x1x16xf32> to vector<16xf32>
        %add3A_1047 = arith.addf %scan3A_972, %get3A_1046 : vector<16xf32>
        %add3A_1048 = arith.constant 1 : i32
        %add3A_1049 = arith.addi %add3A_976, %add3A_1048 : i32
        %get3A_1050 = arith.constant 3 : i32
        %get3A_1051 = arith.index_cast %get3A_1050 : i32 to index
        %get3A_1052 = arith.index_cast %add3A_1049 : i32 to index
        %get3A_1053 = arith.constant 0 : index
        %get3A_1054 = tpu.vector_load %arg6[%get3A_1051, %get3A_1052, %get3A_1053] {strides = array<i32>} : memref<4x100x128xf32, #tpu.memory_space<vmem>>, vector<1x1x16xf32>,
        %get3A_1055 = vector.shape_cast %get3A_1054 : vector<1x1x16xf32> to vector<16xf32>
        %add3A_1056 = arith.addf %add3A_984, %get3A_1055 : vector<16xf32>
        %add3A_1057 = arith.constant 1 : i32
        %add3A_1058 = arith.addi %add3A_976, %add3A_1057 : i32
        %get3A_1059 = arith.constant 3 : i32
        %get3A_1060 = arith.index_cast %get3A_1059 : i32 to index
        %get3A_1061 = arith.index_cast %add3A_1058 : i32 to index
        %get3A_1062 = arith.constant 16 : index
        %get3A_1063 = tpu.vector_load %arg6[%get3A_1060, %get3A_1061, %get3A_1062] {strides = array<i32>} : memref<4x100x128xf32, #tpu.memory_space<vmem>>, vector<1x1x16xf32>,
        %get3A_1064 = vector.shape_cast %get3A_1063 : vector<1x1x16xf32> to vector<16xf32>
        %add3A_1065 = arith.addf %add3A_993, %get3A_1064 : vector<16xf32>
        %add3A_1066 = arith.constant 1 : i32
        %add3A_1067 = arith.addi %add3A_976, %add3A_1066 : i32
        %get3A_1068 = arith.constant 3 : i32
        %get3A_1069 = arith.index_cast %get3A_1068 : i32 to index
        %get3A_1070 = arith.index_cast %add3A_1067 : i32 to index
        %get3A_1071 = arith.constant 32 : index
        %get3A_1072 = tpu.vector_load %arg6[%get3A_1069, %get3A_1070, %get3A_1071] {strides = array<i32>} : memref<4x100x128xf32, #tpu.memory_space<vmem>>, vector<1x1x16xf32>,
        %get3A_1073 = vector.shape_cast %get3A_1072 : vector<1x1x16xf32> to vector<16xf32>
        %add3A_1074 = arith.addf %add3A_1002, %get3A_1073 : vector<16xf32>
        %add3A_1075 = arith.constant 1 : i32
        %add3A_1076 = arith.addi %add3A_976, %add3A_1075 : i32
        %get3A_1077 = arith.constant 3 : i32
        %get3A_1078 = arith.index_cast %get3A_1077 : i32 to index
        %get3A_1079 = arith.index_cast %add3A_1076 : i32 to index
        %get3A_1080 = arith.constant 48 : index
        %get3A_1081 = tpu.vector_load %arg6[%get3A_1078, %get3A_1079, %get3A_1080] {strides = array<i32>} : memref<4x100x128xf32, #tpu.memory_space<vmem>>, vector<1x1x16xf32>,
        %get3A_1082 = vector.shape_cast %get3A_1081 : vector<1x1x16xf32> to vector<16xf32>
        %add3A_1083 = arith.addf %add3A_1011, %get3A_1082 : vector<16xf32>
        %add3A_1084 = arith.constant 1 : i32
        %add3A_1085 = arith.addi %add3A_976, %add3A_1084 : i32
        %get3A_1086 = arith.constant 3 : i32
        %get3A_1087 = arith.index_cast %get3A_1086 : i32 to index
        %get3A_1088 = arith.index_cast %add3A_1085 : i32 to index
        %get3A_1089 = arith.constant 64 : index
        %get3A_1090 = tpu.vector_load %arg6[%get3A_1087, %get3A_1088, %get3A_1089] {strides = array<i32>} : memref<4x100x128xf32, #tpu.memory_space<vmem>>, vector<1x1x16xf32>,
        %get3A_1091 = vector.shape_cast %get3A_1090 : vector<1x1x16xf32> to vector<16xf32>
        %add3A_1092 = arith.addf %add3A_1020, %get3A_1091 : vector<16xf32>
        %add3A_1093 = arith.constant 1 : i32
        %add3A_1094 = arith.addi %add3A_976, %add3A_1093 : i32
        %get3A_1095 = arith.constant 3 : i32
        %get3A_1096 = arith.index_cast %get3A_1095 : i32 to index
        %get3A_1097 = arith.index_cast %add3A_1094 : i32 to index
        %get3A_1098 = arith.constant 80 : index
        %get3A_1099 = tpu.vector_load %arg6[%get3A_1096, %get3A_1097, %get3A_1098] {strides = array<i32>} : memref<4x100x128xf32, #tpu.memory_space<vmem>>, vector<1x1x16xf32>,
        %get3A_1100 = vector.shape_cast %get3A_1099 : vector<1x1x16xf32> to vector<16xf32>
        %add3A_1101 = arith.addf %add3A_1029, %get3A_1100 : vector<16xf32>
        %add3A_1102 = arith.constant 1 : i32
        %add3A_1103 = arith.addi %add3A_976, %add3A_1102 : i32
        %get3A_1104 = arith.constant 3 : i32
        %get3A_1105 = arith.index_cast %get3A_1104 : i32 to index
        %get3A_1106 = arith.index_cast %add3A_1103 : i32 to index
        %get3A_1107 = arith.constant 96 : index
        %get3A_1108 = tpu.vector_load %arg6[%get3A_1105, %get3A_1106, %get3A_1107] {strides = array<i32>} : memref<4x100x128xf32, #tpu.memory_space<vmem>>, vector<1x1x16xf32>,
        %get3A_1109 = vector.shape_cast %get3A_1108 : vector<1x1x16xf32> to vector<16xf32>
        %add3A_1110 = arith.addf %add3A_1038, %get3A_1109 : vector<16xf32>
        %add3A_1111 = arith.constant 1 : i32
        %add3A_1112 = arith.addi %add3A_976, %add3A_1111 : i32
        %get3A_1113 = arith.constant 3 : i32
        %get3A_1114 = arith.index_cast %get3A_1113 : i32 to index
        %get3A_1115 = arith.index_cast %add3A_1112 : i32 to index
        %get3A_1116 = arith.constant 112 : index
        %get3A_1117 = tpu.vector_load %arg6[%get3A_1114, %get3A_1115, %get3A_1116] {strides = array<i32>} : memref<4x100x128xf32, #tpu.memory_space<vmem>>, vector<1x1x16xf32>,
        %get3A_1118 = vector.shape_cast %get3A_1117 : vector<1x1x16xf32> to vector<16xf32>
        %add3A_1119 = arith.addf %add3A_1047, %get3A_1118 : vector<16xf32>
        %add3A_1120 = arith.constant 2 : i32
        %add3A_1121 = arith.addi %add3A_976, %add3A_1120 : i32
        %get3A_1122 = arith.constant 3 : i32
        %get3A_1123 = arith.index_cast %get3A_1122 : i32 to index
        %get3A_1124 = arith.index_cast %add3A_1121 : i32 to index
        %get3A_1125 = arith.constant 0 : index
        %get3A_1126 = tpu.vector_load %arg6[%get3A_1123, %get3A_1124, %get3A_1125] {strides = array<i32>} : memref<4x100x128xf32, #tpu.memory_space<vmem>>, vector<1x1x16xf32>,
        %get3A_1127 = vector.shape_cast %get3A_1126 : vector<1x1x16xf32> to vector<16xf32>
        %add3A_1128 = arith.addf %add3A_1056, %get3A_1127 : vector<16xf32>
        %add3A_1129 = arith.constant 2 : i32
        %add3A_1130 = arith.addi %add3A_976, %add3A_1129 : i32
        %get3A_1131 = arith.constant 3 : i32
        %get3A_1132 = arith.index_cast %get3A_1131 : i32 to index
        %get3A_1133 = arith.index_cast %add3A_1130 : i32 to index
        %get3A_1134 = arith.constant 16 : index
        %get3A_1135 = tpu.vector_load %arg6[%get3A_1132, %get3A_1133, %get3A_1134] {strides = array<i32>} : memref<4x100x128xf32, #tpu.memory_space<vmem>>, vector<1x1x16xf32>,
        %get3A_1136 = vector.shape_cast %get3A_1135 : vector<1x1x16xf32> to vector<16xf32>
        %add3A_1137 = arith.addf %add3A_1065, %get3A_1136 : vector<16xf32>
        %add3A_1138 = arith.constant 2 : i32
        %add3A_1139 = arith.addi %add3A_976, %add3A_1138 : i32
        %get3A_1140 = arith.constant 3 : i32
        %get3A_1141 = arith.index_cast %get3A_1140 : i32 to index
        %get3A_1142 = arith.index_cast %add3A_1139 : i32 to index
        %get3A_1143 = arith.constant 32 : index
        %get3A_1144 = tpu.vector_load %arg6[%get3A_1141, %get3A_1142, %get3A_1143] {strides = array<i32>} : memref<4x100x128xf32, #tpu.memory_space<vmem>>, vector<1x1x16xf32>,
        %get3A_1145 = vector.shape_cast %get3A_1144 : vector<1x1x16xf32> to vector<16xf32>
        %add3A_1146 = arith.addf %add3A_1074, %get3A_1145 : vector<16xf32>
        %add3A_1147 = arith.constant 2 : i32
        %add3A_1148 = arith.addi %add3A_976, %add3A_1147 : i32
        %get3A_1149 = arith.constant 3 : i32
        %get3A_1150 = arith.index_cast %get3A_1149 : i32 to index
        %get3A_1151 = arith.index_cast %add3A_1148 : i32 to index
        %get3A_1152 = arith.constant 48 : index
        %get3A_1153 = tpu.vector_load %arg6[%get3A_1150, %get3A_1151, %get3A_1152] {strides = array<i32>} : memref<4x100x128xf32, #tpu.memory_space<vmem>>, vector<1x1x16xf32>,
        %get3A_1154 = vector.shape_cast %get3A_1153 : vector<1x1x16xf32> to vector<16xf32>
        %add3A_1155 = arith.addf %add3A_1083, %get3A_1154 : vector<16xf32>
        %add3A_1156 = arith.constant 2 : i32
        %add3A_1157 = arith.addi %add3A_976, %add3A_1156 : i32
        %get3A_1158 = arith.constant 3 : i32
        %get3A_1159 = arith.index_cast %get3A_1158 : i32 to index
        %get3A_1160 = arith.index_cast %add3A_1157 : i32 to index
        %get3A_1161 = arith.constant 64 : index
        %get3A_1162 = tpu.vector_load %arg6[%get3A_1159, %get3A_1160, %get3A_1161] {strides = array<i32>} : memref<4x100x128xf32, #tpu.memory_space<vmem>>, vector<1x1x16xf32>,
        %get3A_1163 = vector.shape_cast %get3A_1162 : vector<1x1x16xf32> to vector<16xf32>
        %add3A_1164 = arith.addf %add3A_1092, %get3A_1163 : vector<16xf32>
        %add3A_1165 = arith.constant 2 : i32
        %add3A_1166 = arith.addi %add3A_976, %add3A_1165 : i32
        %get3A_1167 = arith.constant 3 : i32
        %get3A_1168 = arith.index_cast %get3A_1167 : i32 to index
        %get3A_1169 = arith.index_cast %add3A_1166 : i32 to index
        %get3A_1170 = arith.constant 80 : index
        %get3A_1171 = tpu.vector_load %arg6[%get3A_1168, %get3A_1169, %get3A_1170] {strides = array<i32>} : memref<4x100x128xf32, #tpu.memory_space<vmem>>, vector<1x1x16xf32>,
        %get3A_1172 = vector.shape_cast %get3A_1171 : vector<1x1x16xf32> to vector<16xf32>
        %add3A_1173 = arith.addf %add3A_1101, %get3A_1172 : vector<16xf32>
        %add3A_1174 = arith.constant 2 : i32
        %add3A_1175 = arith.addi %add3A_976, %add3A_1174 : i32
        %get3A_1176 = arith.constant 3 : i32
        %get3A_1177 = arith.index_cast %get3A_1176 : i32 to index
        %get3A_1178 = arith.index_cast %add3A_1175 : i32 to index
        %get3A_1179 = arith.constant 96 : index
        %get3A_1180 = tpu.vector_load %arg6[%get3A_1177, %get3A_1178, %get3A_1179] {strides = array<i32>} : memref<4x100x128xf32, #tpu.memory_space<vmem>>, vector<1x1x16xf32>,
        %get3A_1181 = vector.shape_cast %get3A_1180 : vector<1x1x16xf32> to vector<16xf32>
        %add3A_1182 = arith.addf %add3A_1110, %get3A_1181 : vector<16xf32>
        %add3A_1183 = arith.constant 2 : i32
        %add3A_1184 = arith.addi %add3A_976, %add3A_1183 : i32
        %get3A_1185 = arith.constant 3 : i32
        %get3A_1186 = arith.index_cast %get3A_1185 : i32 to index
        %get3A_1187 = arith.index_cast %add3A_1184 : i32 to index
        %get3A_1188 = arith.constant 112 : index
        %get3A_1189 = tpu.vector_load %arg6[%get3A_1186, %get3A_1187, %get3A_1188] {strides = array<i32>} : memref<4x100x128xf32, #tpu.memory_space<vmem>>, vector<1x1x16xf32>,
        %get3A_1190 = vector.shape_cast %get3A_1189 : vector<1x1x16xf32> to vector<16xf32>
        %add3A_1191 = arith.addf %add3A_1119, %get3A_1190 : vector<16xf32>
        %add3A_1192 = arith.constant 3 : i32
        %add3A_1193 = arith.addi %add3A_976, %add3A_1192 : i32
        %get3A_1194 = arith.constant 3 : i32
        %get3A_1195 = arith.index_cast %get3A_1194 : i32 to index
        %get3A_1196 = arith.index_cast %add3A_1193 : i32 to index
        %get3A_1197 = arith.constant 0 : index
        %get3A_1198 = tpu.vector_load %arg6[%get3A_1195, %get3A_1196, %get3A_1197] {strides = array<i32>} : memref<4x100x128xf32, #tpu.memory_space<vmem>>, vector<1x1x16xf32>,
        %get3A_1199 = vector.shape_cast %get3A_1198 : vector<1x1x16xf32> to vector<16xf32>
        %add3A_1200 = arith.addf %add3A_1128, %get3A_1199 : vector<16xf32>
        %add3A_1201 = arith.constant 3 : i32
        %add3A_1202 = arith.addi %add3A_976, %add3A_1201 : i32
        %get3A_1203 = arith.constant 3 : i32
        %get3A_1204 = arith.index_cast %get3A_1203 : i32 to index
        %get3A_1205 = arith.index_cast %add3A_1202 : i32 to index
        %get3A_1206 = arith.constant 16 : index
        %get3A_1207 = tpu.vector_load %arg6[%get3A_1204, %get3A_1205, %get3A_1206] {strides = array<i32>} : memref<4x100x128xf32, #tpu.memory_space<vmem>>, vector<1x1x16xf32>,
        %get3A_1208 = vector.shape_cast %get3A_1207 : vector<1x1x16xf32> to vector<16xf32>
        %add3A_1209 = arith.addf %add3A_1137, %get3A_1208 : vector<16xf32>
        %add3A_1210 = arith.constant 3 : i32
        %add3A_1211 = arith.addi %add3A_976, %add3A_1210 : i32
        %get3A_1212 = arith.constant 3 : i32
        %get3A_1213 = arith.index_cast %get3A_1212 : i32 to index
        %get3A_1214 = arith.index_cast %add3A_1211 : i32 to index
        %get3A_1215 = arith.constant 32 : index
        %get3A_1216 = tpu.vector_load %arg6[%get3A_1213, %get3A_1214, %get3A_1215] {strides = array<i32>} : memref<4x100x128xf32, #tpu.memory_space<vmem>>, vector<1x1x16xf32>,
        %get3A_1217 = vector.shape_cast %get3A_1216 : vector<1x1x16xf32> to vector<16xf32>
        %add3A_1218 = arith.addf %add3A_1146, %get3A_1217 : vector<16xf32>
        %add3A_1219 = arith.constant 3 : i32
        %add3A_1220 = arith.addi %add3A_976, %add3A_1219 : i32
        %get3A_1221 = arith.constant 3 : i32
        %get3A_1222 = arith.index_cast %get3A_1221 : i32 to index
        %get3A_1223 = arith.index_cast %add3A_1220 : i32 to index
        %get3A_1224 = arith.constant 48 : index
        %get3A_1225 = tpu.vector_load %arg6[%get3A_1222, %get3A_1223, %get3A_1224] {strides = array<i32>} : memref<4x100x128xf32, #tpu.memory_space<vmem>>, vector<1x1x16xf32>,
        %get3A_1226 = vector.shape_cast %get3A_1225 : vector<1x1x16xf32> to vector<16xf32>
        %add3A_1227 = arith.addf %add3A_1155, %get3A_1226 : vector<16xf32>
        %add3A_1228 = arith.constant 3 : i32
        %add3A_1229 = arith.addi %add3A_976, %add3A_1228 : i32
        %get3A_1230 = arith.constant 3 : i32
        %get3A_1231 = arith.index_cast %get3A_1230 : i32 to index
        %get3A_1232 = arith.index_cast %add3A_1229 : i32 to index
        %get3A_1233 = arith.constant 64 : index
        %get3A_1234 = tpu.vector_load %arg6[%get3A_1231, %get3A_1232, %get3A_1233] {strides = array<i32>} : memref<4x100x128xf32, #tpu.memory_space<vmem>>, vector<1x1x16xf32>,
        %get3A_1235 = vector.shape_cast %get3A_1234 : vector<1x1x16xf32> to vector<16xf32>
        %add3A_1236 = arith.addf %add3A_1164, %get3A_1235 : vector<16xf32>
        %add3A_1237 = arith.constant 3 : i32
        %add3A_1238 = arith.addi %add3A_976, %add3A_1237 : i32
        %get3A_1239 = arith.constant 3 : i32
        %get3A_1240 = arith.index_cast %get3A_1239 : i32 to index
        %get3A_1241 = arith.index_cast %add3A_1238 : i32 to index
        %get3A_1242 = arith.constant 80 : index
        %get3A_1243 = tpu.vector_load %arg6[%get3A_1240, %get3A_1241, %get3A_1242] {strides = array<i32>} : memref<4x100x128xf32, #tpu.memory_space<vmem>>, vector<1x1x16xf32>,
        %get3A_1244 = vector.shape_cast %get3A_1243 : vector<1x1x16xf32> to vector<16xf32>
        %add3A_1245 = arith.addf %add3A_1173, %get3A_1244 : vector<16xf32>
        %add3A_1246 = arith.constant 3 : i32
        %add3A_1247 = arith.addi %add3A_976, %add3A_1246 : i32
        %get3A_1248 = arith.constant 3 : i32
        %get3A_1249 = arith.index_cast %get3A_1248 : i32 to index
        %get3A_1250 = arith.index_cast %add3A_1247 : i32 to index
        %get3A_1251 = arith.constant 96 : index
        %get3A_1252 = tpu.vector_load %arg6[%get3A_1249, %get3A_1250, %get3A_1251] {strides = array<i32>} : memref<4x100x128xf32, #tpu.memory_space<vmem>>, vector<1x1x16xf32>,
        %get3A_1253 = vector.shape_cast %get3A_1252 : vector<1x1x16xf32> to vector<16xf32>
        %add3A_1254 = arith.addf %add3A_1182, %get3A_1253 : vector<16xf32>
        %add3A_1255 = arith.constant 3 : i32
        %add3A_1256 = arith.addi %add3A_976, %add3A_1255 : i32
        %get3A_1257 = arith.constant 3 : i32
        %get3A_1258 = arith.index_cast %get3A_1257 : i32 to index
        %get3A_1259 = arith.index_cast %add3A_1256 : i32 to index
        %get3A_1260 = arith.constant 112 : index
        %get3A_1261 = tpu.vector_load %arg6[%get3A_1258, %get3A_1259, %get3A_1260] {strides = array<i32>} : memref<4x100x128xf32, #tpu.memory_space<vmem>>, vector<1x1x16xf32>,
        %get3A_1262 = vector.shape_cast %get3A_1261 : vector<1x1x16xf32> to vector<16xf32>
        %add3A_1263 = arith.addf %add3A_1191, %get3A_1262 : vector<16xf32>
        %add3A_1264 = arith.constant 4 : i32
        %add3A_1265 = arith.addi %add3A_976, %add3A_1264 : i32
        %get3A_1266 = arith.constant 3 : i32
        %get3A_1267 = arith.index_cast %get3A_1266 : i32 to index
        %get3A_1268 = arith.index_cast %add3A_1265 : i32 to index
        %get3A_1269 = arith.constant 0 : index
        %get3A_1270 = tpu.vector_load %arg6[%get3A_1267, %get3A_1268, %get3A_1269] {strides = array<i32>} : memref<4x100x128xf32, #tpu.memory_space<vmem>>, vector<1x1x16xf32>,
        %get3A_1271 = vector.shape_cast %get3A_1270 : vector<1x1x16xf32> to vector<16xf32>
        %add3A_1272 = arith.addf %add3A_1200, %get3A_1271 : vector<16xf32>
        %add3A_1273 = arith.constant 4 : i32
        %add3A_1274 = arith.addi %add3A_976, %add3A_1273 : i32
        %get3A_1275 = arith.constant 3 : i32
        %get3A_1276 = arith.index_cast %get3A_1275 : i32 to index
        %get3A_1277 = arith.index_cast %add3A_1274 : i32 to index
        %get3A_1278 = arith.constant 16 : index
        %get3A_1279 = tpu.vector_load %arg6[%get3A_1276, %get3A_1277, %get3A_1278] {strides = array<i32>} : memref<4x100x128xf32, #tpu.memory_space<vmem>>, vector<1x1x16xf32>,
        %get3A_1280 = vector.shape_cast %get3A_1279 : vector<1x1x16xf32> to vector<16xf32>
        %add3A_1281 = arith.addf %add3A_1209, %get3A_1280 : vector<16xf32>
        %add3A_1282 = arith.constant 4 : i32
        %add3A_1283 = arith.addi %add3A_976, %add3A_1282 : i32
        %get3A_1284 = arith.constant 3 : i32
        %get3A_1285 = arith.index_cast %get3A_1284 : i32 to index
        %get3A_1286 = arith.index_cast %add3A_1283 : i32 to index
        %get3A_1287 = arith.constant 32 : index
        %get3A_1288 = tpu.vector_load %arg6[%get3A_1285, %get3A_1286, %get3A_1287] {strides = array<i32>} : memref<4x100x128xf32, #tpu.memory_space<vmem>>, vector<1x1x16xf32>,
        %get3A_1289 = vector.shape_cast %get3A_1288 : vector<1x1x16xf32> to vector<16xf32>
        %add3A_1290 = arith.addf %add3A_1218, %get3A_1289 : vector<16xf32>
        %add3A_1291 = arith.constant 4 : i32
        %add3A_1292 = arith.addi %add3A_976, %add3A_1291 : i32
        %get3A_1293 = arith.constant 3 : i32
        %get3A_1294 = arith.index_cast %get3A_1293 : i32 to index
        %get3A_1295 = arith.index_cast %add3A_1292 : i32 to index
        %get3A_1296 = arith.constant 48 : index
        %get3A_1297 = tpu.vector_load %arg6[%get3A_1294, %get3A_1295, %get3A_1296] {strides = array<i32>} : memref<4x100x128xf32, #tpu.memory_space<vmem>>, vector<1x1x16xf32>,
        %get3A_1298 = vector.shape_cast %get3A_1297 : vector<1x1x16xf32> to vector<16xf32>
        %add3A_1299 = arith.addf %add3A_1227, %get3A_1298 : vector<16xf32>
        %add3A_1300 = arith.constant 4 : i32
        %add3A_1301 = arith.addi %add3A_976, %add3A_1300 : i32
        %get3A_1302 = arith.constant 3 : i32
        %get3A_1303 = arith.index_cast %get3A_1302 : i32 to index
        %get3A_1304 = arith.index_cast %add3A_1301 : i32 to index
        %get3A_1305 = arith.constant 64 : index
        %get3A_1306 = tpu.vector_load %arg6[%get3A_1303, %get3A_1304, %get3A_1305] {strides = array<i32>} : memref<4x100x128xf32, #tpu.memory_space<vmem>>, vector<1x1x16xf32>,
        %get3A_1307 = vector.shape_cast %get3A_1306 : vector<1x1x16xf32> to vector<16xf32>
        %add3A_1308 = arith.addf %add3A_1236, %get3A_1307 : vector<16xf32>
        %add3A_1309 = arith.constant 4 : i32
        %add3A_1310 = arith.addi %add3A_976, %add3A_1309 : i32
        %get3A_1311 = arith.constant 3 : i32
        %get3A_1312 = arith.index_cast %get3A_1311 : i32 to index
        %get3A_1313 = arith.index_cast %add3A_1310 : i32 to index
        %get3A_1314 = arith.constant 80 : index
        %get3A_1315 = tpu.vector_load %arg6[%get3A_1312, %get3A_1313, %get3A_1314] {strides = array<i32>} : memref<4x100x128xf32, #tpu.memory_space<vmem>>, vector<1x1x16xf32>,
        %get3A_1316 = vector.shape_cast %get3A_1315 : vector<1x1x16xf32> to vector<16xf32>
        %add3A_1317 = arith.addf %add3A_1245, %get3A_1316 : vector<16xf32>
        %add3A_1318 = arith.constant 4 : i32
        %add3A_1319 = arith.addi %add3A_976, %add3A_1318 : i32
        %get3A_1320 = arith.constant 3 : i32
        %get3A_1321 = arith.index_cast %get3A_1320 : i32 to index
        %get3A_1322 = arith.index_cast %add3A_1319 : i32 to index
        %get3A_1323 = arith.constant 96 : index
        %get3A_1324 = tpu.vector_load %arg6[%get3A_1321, %get3A_1322, %get3A_1323] {strides = array<i32>} : memref<4x100x128xf32, #tpu.memory_space<vmem>>, vector<1x1x16xf32>,
        %get3A_1325 = vector.shape_cast %get3A_1324 : vector<1x1x16xf32> to vector<16xf32>
        %add3A_1326 = arith.addf %add3A_1254, %get3A_1325 : vector<16xf32>
        %add3A_1327 = arith.constant 4 : i32
        %add3A_1328 = arith.addi %add3A_976, %add3A_1327 : i32
        %get3A_1329 = arith.constant 3 : i32
        %get3A_1330 = arith.index_cast %get3A_1329 : i32 to index
        %get3A_1331 = arith.index_cast %add3A_1328 : i32 to index
        %get3A_1332 = arith.constant 112 : index
        %get3A_1333 = tpu.vector_load %arg6[%get3A_1330, %get3A_1331, %get3A_1332] {strides = array<i32>} : memref<4x100x128xf32, #tpu.memory_space<vmem>>, vector<1x1x16xf32>,
        %get3A_1334 = vector.shape_cast %get3A_1333 : vector<1x1x16xf32> to vector<16xf32>
        %add3A_1335 = arith.addf %add3A_1263, %get3A_1334 : vector<16xf32>
        scf.yield %add3A_1272, %add3A_1281, %add3A_1290, %add3A_1299, %add3A_1308, %add3A_1317, %add3A_1326, %add3A_1335 : vector<16xf32>, vector<16xf32>, vector<16xf32>, vector<16xf32>, vector<16xf32>, vector<16xf32>, vector<16xf32>, vector<16xf32>
      }
      %scan3A_891 = arith.constant 10 : i32
      %mul3A_892 = arith.constant 2 : i32
      %mul3A_893 = arith.muli %add3A_775, %mul3A_892 : i32
      %add3A_894 = arith.constant 1 : i32
      %add3A_895 = arith.addi %mul3A_893, %add3A_894 : i32
      %swap3A_896 = arith.index_cast %add3A_895 : i32 to index
      %swap3A_897 = arith.constant 0 : index
      %swap3A_898 = tpu.vector_load %arg7[%swap3A_896, %swap3A_897] {strides = array<i32>} : memref<128x128xf32, #tpu.memory_space<vmem>>, vector<1x16xf32>,
      %swap3A_899 = vector.shape_cast %swap3A_898 : vector<1x16xf32> to vector<16xf32>
      %swap3A_900 = vector.shape_cast %scan3A_890#0 : vector<16xf32> to vector<1x16xf32>
      tpu.vector_store %arg7[%swap3A_896, %swap3A_897], %swap3A_900 {strides = array<i32>} : memref<128x128xf32, #tpu.memory_space<vmem>>, vector<1x16xf32>,
      %mul3A_901 = arith.constant 2 : i32
      %mul3A_902 = arith.muli %add3A_775, %mul3A_901 : i32
      %add3A_903 = arith.constant 1 : i32
      %add3A_904 = arith.addi %mul3A_902, %add3A_903 : i32
      %swap3A_905 = arith.index_cast %add3A_904 : i32 to index
      %swap3A_906 = arith.constant 16 : index
      %swap3A_907 = tpu.vector_load %arg7[%swap3A_905, %swap3A_906] {strides = array<i32>} : memref<128x128xf32, #tpu.memory_space<vmem>>, vector<1x16xf32>,
      %swap3A_908 = vector.shape_cast %swap3A_907 : vector<1x16xf32> to vector<16xf32>
      %swap3A_909 = vector.shape_cast %scan3A_890#1 : vector<16xf32> to vector<1x16xf32>
      tpu.vector_store %arg7[%swap3A_905, %swap3A_906], %swap3A_909 {strides = array<i32>} : memref<128x128xf32, #tpu.memory_space<vmem>>, vector<1x16xf32>,
      %mul3A_910 = arith.constant 2 : i32
      %mul3A_911 = arith.muli %add3A_775, %mul3A_910 : i32
      %add3A_912 = arith.constant 1 : i32
      %add3A_913 = arith.addi %mul3A_911, %add3A_912 : i32
      %swap3A_914 = arith.index_cast %add3A_913 : i32 to index
      %swap3A_915 = arith.constant 32 : index
      %swap3A_916 = tpu.vector_load %arg7[%swap3A_914, %swap3A_915] {strides = array<i32>} : memref<128x128xf32, #tpu.memory_space<vmem>>, vector<1x16xf32>,
      %swap3A_917 = vector.shape_cast %swap3A_916 : vector<1x16xf32> to vector<16xf32>
      %swap3A_918 = vector.shape_cast %scan3A_890#2 : vector<16xf32> to vector<1x16xf32>
      tpu.vector_store %arg7[%swap3A_914, %swap3A_915], %swap3A_918 {strides = array<i32>} : memref<128x128xf32, #tpu.memory_space<vmem>>, vector<1x16xf32>,
      %mul3A_919 = arith.constant 2 : i32
      %mul3A_920 = arith.muli %add3A_775, %mul3A_919 : i32
      %add3A_921 = arith.constant 1 : i32
      %add3A_922 = arith.addi %mul3A_920, %add3A_921 : i32
      %swap3A_923 = arith.index_cast %add3A_922 : i32 to index
      %swap3A_924 = arith.constant 48 : index
      %swap3A_925 = tpu.vector_load %arg7[%swap3A_923, %swap3A_924] {strides = array<i32>} : memref<128x128xf32, #tpu.memory_space<vmem>>, vector<1x16xf32>,
      %swap3A_926 = vector.shape_cast %swap3A_925 : vector<1x16xf32> to vector<16xf32>
      %swap3A_927 = vector.shape_cast %scan3A_890#3 : vector<16xf32> to vector<1x16xf32>
      tpu.vector_store %arg7[%swap3A_923, %swap3A_924], %swap3A_927 {strides = array<i32>} : memref<128x128xf32, #tpu.memory_space<vmem>>, vector<1x16xf32>,
      %mul3A_928 = arith.constant 2 : i32
      %mul3A_929 = arith.muli %add3A_775, %mul3A_928 : i32
      %add3A_930 = arith.constant 1 : i32
      %add3A_931 = arith.addi %mul3A_929, %add3A_930 : i32
      %swap3A_932 = arith.index_cast %add3A_931 : i32 to index
      %swap3A_933 = arith.constant 64 : index
      %swap3A_934 = tpu.vector_load %arg7[%swap3A_932, %swap3A_933] {strides = array<i32>} : memref<128x128xf32, #tpu.memory_space<vmem>>, vector<1x16xf32>,
      %swap3A_935 = vector.shape_cast %swap3A_934 : vector<1x16xf32> to vector<16xf32>
      %swap3A_936 = vector.shape_cast %scan3A_890#4 : vector<16xf32> to vector<1x16xf32>
      tpu.vector_store %arg7[%swap3A_932, %swap3A_933], %swap3A_936 {strides = array<i32>} : memref<128x128xf32, #tpu.memory_space<vmem>>, vector<1x16xf32>,
      %mul3A_937 = arith.constant 2 : i32
      %mul3A_938 = arith.muli %add3A_775, %mul3A_937 : i32
      %add3A_939 = arith.constant 1 : i32
      %add3A_940 = arith.addi %mul3A_938, %add3A_939 : i32
      %swap3A_941 = arith.index_cast %add3A_940 : i32 to index
      %swap3A_942 = arith.constant 80 : index
      %swap3A_943 = tpu.vector_load %arg7[%swap3A_941, %swap3A_942] {strides = array<i32>} : memref<128x128xf32, #tpu.memory_space<vmem>>, vector<1x16xf32>,
      %swap3A_944 = vector.shape_cast %swap3A_943 : vector<1x16xf32> to vector<16xf32>
      %swap3A_945 = vector.shape_cast %scan3A_890#5 : vector<16xf32> to vector<1x16xf32>
      tpu.vector_store %arg7[%swap3A_941, %swap3A_942], %swap3A_945 {strides = array<i32>} : memref<128x128xf32, #tpu.memory_space<vmem>>, vector<1x16xf32>,
      %mul3A_946 = arith.constant 2 : i32
      %mul3A_947 = arith.muli %add3A_775, %mul3A_946 : i32
      %add3A_948 = arith.constant 1 : i32
      %add3A_949 = arith.addi %mul3A_947, %add3A_948 : i32
      %swap3A_950 = arith.index_cast %add3A_949 : i32 to index
      %swap3A_951 = arith.constant 96 : index
      %swap3A_952 = tpu.vector_load %arg7[%swap3A_950, %swap3A_951] {strides = array<i32>} : memref<128x128xf32, #tpu.memory_space<vmem>>, vector<1x16xf32>,
      %swap3A_953 = vector.shape_cast %swap3A_952 : vector<1x16xf32> to vector<16xf32>
      %swap3A_954 = vector.shape_cast %scan3A_890#6 : vector<16xf32> to vector<1x16xf32>
      tpu.vector_store %arg7[%swap3A_950, %swap3A_951], %swap3A_954 {strides = array<i32>} : memref<128x128xf32, #tpu.memory_space<vmem>>, vector<1x16xf32>,
      %mul3A_955 = arith.constant 2 : i32
      %mul3A_956 = arith.muli %add3A_775, %mul3A_955 : i32
      %add3A_957 = arith.constant 1 : i32
      %add3A_958 = arith.addi %mul3A_956, %add3A_957 : i32
      %swap3A_959 = arith.index_cast %add3A_958 : i32 to index
      %swap3A_960 = arith.constant 112 : index
      %swap3A_961 = tpu.vector_load %arg7[%swap3A_959, %swap3A_960] {strides = array<i32>} : memref<128x128xf32, #tpu.memory_space<vmem>>, vector<1x16xf32>,
      %swap3A_962 = vector.shape_cast %swap3A_961 : vector<1x16xf32> to vector<16xf32>
      %swap3A_963 = vector.shape_cast %scan3A_890#7 : vector<16xf32> to vector<1x16xf32>
      tpu.vector_store %arg7[%swap3A_959, %swap3A_960], %swap3A_963 {strides = array<i32>} : memref<128x128xf32, #tpu.memory_space<vmem>>, vector<1x16xf32>,
    }
    %scan3A_43 = arith.constant 16 : i32
    %dma_wait3A = arith.constant 0 : i32
    %dma_wait3A_44 = arith.constant 0 : i32
    %dma_wait3A_45 = arith.constant 0 : i32
    %dma_wait3A_46 = arith.constant 0 : i32
    %dma_wait3A_47 = tpu.memref_slice %arg6[%dma_wait3A_44, %dma_wait3A_45, %dma_wait3A_46] : memref<4x100x128xf32, #tpu.memory_space<vmem>> -> memref<1x100x128xf32, #tpu.memory_space<vmem>>
    %dma_wait3A_48 = tpu.memref_squeeze %dma_wait3A_47 : memref<1x100x128xf32, #tpu.memory_space<vmem>> -> memref<100x128xf32, #tpu.memory_space<vmem>>
    %dma_wait3A_49 = arith.constant 0 : i32
    %dma_wait3A_50 = tpu.memref_slice %arg5[%dma_wait3A, %dma_wait3A_49] : memref<64x100xi32, #tpu.memory_space<vmem>> -> memref<1x100xi32, #tpu.memory_space<vmem>>
    %dma_wait3A_51 = tpu.memref_squeeze %dma_wait3A_50 : memref<1x100xi32, #tpu.memory_space<vmem>> -> memref<100xi32, #tpu.memory_space<vmem>>
    %dma_wait3A_52 = arith.constant 0 : i32
    %dma_wait3A_53 = arith.constant 0 : i32
    %dma_wait3A_54 = tpu.memref_slice %arg2[%dma_wait3A_52, %dma_wait3A_53] : memref<100000x128xf32, #tpu.memory_space<hbm>> -> memref<100000x128xf32, #tpu.memory_space<hbm>>
    tpu.wait_indirect_dma semaphore(%arg8 : memref<!tpu.dma_semaphore, #tpu.memory_space<semaphore_mem>>) src(%dma_wait3A_54 : memref<100000x128xf32, #tpu.memory_space<hbm>>) dst(%dma_wait3A_48 : memref<100x128xf32, #tpu.memory_space<vmem>>)
    %dma_wait3A_55 = arith.constant 0 : i32
    %dma_wait3A_56 = arith.constant 1 : i32
    %dma_wait3A_57 = arith.constant 0 : i32
    %dma_wait3A_58 = arith.constant 0 : i32
    %dma_wait3A_59 = tpu.memref_slice %arg6[%dma_wait3A_56, %dma_wait3A_57, %dma_wait3A_58] : memref<4x100x128xf32, #tpu.memory_space<vmem>> -> memref<1x100x128xf32, #tpu.memory_space<vmem>>
    %dma_wait3A_60 = tpu.memref_squeeze %dma_wait3A_59 : memref<1x100x128xf32, #tpu.memory_space<vmem>> -> memref<100x128xf32, #tpu.memory_space<vmem>>
    %dma_wait3A_61 = arith.constant 0 : i32
    %dma_wait3A_62 = tpu.memref_slice %arg5[%dma_wait3A_55, %dma_wait3A_61] : memref<64x100xi32, #tpu.memory_space<vmem>> -> memref<1x100xi32, #tpu.memory_space<vmem>>
    %dma_wait3A_63 = tpu.memref_squeeze %dma_wait3A_62 : memref<1x100xi32, #tpu.memory_space<vmem>> -> memref<100xi32, #tpu.memory_space<vmem>>
    %dma_wait3A_64 = arith.constant 0 : i32
    %dma_wait3A_65 = arith.constant 0 : i32
    %dma_wait3A_66 = tpu.memref_slice %arg2[%dma_wait3A_64, %dma_wait3A_65] : memref<100000x128xf32, #tpu.memory_space<hbm>> -> memref<100000x128xf32, #tpu.memory_space<hbm>>
    tpu.wait_indirect_dma semaphore(%arg9 : memref<!tpu.dma_semaphore, #tpu.memory_space<semaphore_mem>>) src(%dma_wait3A_66 : memref<100000x128xf32, #tpu.memory_space<hbm>>) dst(%dma_wait3A_60 : memref<100x128xf32, #tpu.memory_space<vmem>>)
    %dma_wait3A_67 = arith.constant 0 : i32
    %dma_wait3A_68 = arith.constant 2 : i32
    %dma_wait3A_69 = arith.constant 0 : i32
    %dma_wait3A_70 = arith.constant 0 : i32
    %dma_wait3A_71 = tpu.memref_slice %arg6[%dma_wait3A_68, %dma_wait3A_69, %dma_wait3A_70] : memref<4x100x128xf32, #tpu.memory_space<vmem>> -> memref<1x100x128xf32, #tpu.memory_space<vmem>>
    %dma_wait3A_72 = tpu.memref_squeeze %dma_wait3A_71 : memref<1x100x128xf32, #tpu.memory_space<vmem>> -> memref<100x128xf32, #tpu.memory_space<vmem>>
    %dma_wait3A_73 = arith.constant 0 : i32
    %dma_wait3A_74 = tpu.memref_slice %arg5[%dma_wait3A_67, %dma_wait3A_73] : memref<64x100xi32, #tpu.memory_space<vmem>> -> memref<1x100xi32, #tpu.memory_space<vmem>>
    %dma_wait3A_75 = tpu.memref_squeeze %dma_wait3A_74 : memref<1x100xi32, #tpu.memory_space<vmem>> -> memref<100xi32, #tpu.memory_space<vmem>>
    %dma_wait3A_76 = arith.constant 0 : i32
    %dma_wait3A_77 = arith.constant 0 : i32
    %dma_wait3A_78 = tpu.memref_slice %arg2[%dma_wait3A_76, %dma_wait3A_77] : memref<100000x128xf32, #tpu.memory_space<hbm>> -> memref<100000x128xf32, #tpu.memory_space<hbm>>
    tpu.wait_indirect_dma semaphore(%arg10 : memref<!tpu.dma_semaphore, #tpu.memory_space<semaphore_mem>>) src(%dma_wait3A_78 : memref<100000x128xf32, #tpu.memory_space<hbm>>) dst(%dma_wait3A_72 : memref<100x128xf32, #tpu.memory_space<vmem>>)
    "tpu.region"() ({
      %run_scoped3A = tpu.sem_alloc : memref<!tpu.dma_semaphore, #tpu.memory_space<semaphore_mem>>
      %dma_start3A_79 = arith.constant 0 : i32
      %dma_start3A_80 = tpu.memref_slice %arg4[%mul3A_2, %dma_start3A_79] : memref<4096x128xf32, #tpu.memory_space<hbm>> -> memref<128x128xf32, #tpu.memory_space<hbm>>
      %dma_start3A_81 = arith.constant 0 : i32
      %dma_start3A_82 = tpu.memref_slice %arg4[%mul3A_2, %dma_start3A_81] : memref<4096x128xf32, #tpu.memory_space<hbm>> -> memref<128x128xf32, #tpu.memory_space<hbm>>
      tpu.enqueue_dma source(%arg7 : memref<128x128xf32, #tpu.memory_space<vmem>>) target(%dma_start3A_82 : memref<128x128xf32, #tpu.memory_space<hbm>>) target_semaphore(%run_scoped3A : memref<!tpu.dma_semaphore, #tpu.memory_space<semaphore_mem>>)
      %dma_wait3A_83 = arith.constant 0 : i32
      %dma_wait3A_84 = tpu.memref_slice %arg4[%mul3A_2, %dma_wait3A_83] : memref<4096x128xf32, #tpu.memory_space<hbm>> -> memref<128x128xf32, #tpu.memory_space<hbm>>
      %dma_wait3A_85 = arith.constant 0 : i32
      %dma_wait3A_86 = tpu.memref_slice %arg4[%mul3A_2, %dma_wait3A_85] : memref<4096x128xf32, #tpu.memory_space<hbm>> -> memref<128x128xf32, #tpu.memory_space<hbm>>
      tpu.wait_dma2 semaphore(%run_scoped3A : memref<!tpu.dma_semaphore, #tpu.memory_space<semaphore_mem>>) src(%arg7 : memref<128x128xf32, #tpu.memory_space<vmem>>) dst(%dma_wait3A_86 : memref<128x128xf32, #tpu.memory_space<hbm>>)
      tpu.yield
    }) : () -> ()
    return
  }
}

module attributes {stable_mosaic.version = 14 : i64} {
  func.func @body(%arg0: i32, %arg1: memref<1000x512xbf16, #tpu.memory_space<vmem>>, %arg2: memref<512x128xf32, #tpu.memory_space<vmem>>, %arg3: memref<1000x640xf32, #tpu.memory_space<vmem>>, %arg4: memref<1000x512xf32, #tpu.memory_space<vmem>>) attributes {dimension_semantics = [#tpu.dimension_semantics<arbitrary>], iteration_bounds = array<i64: 8>, scalar_prefetch = 0 : i64, scratch_operands = 0 : i64, tpu.core_type = #tpu.core_type<tc>, window_params = [{transform_indices = @transform_0, window_bounds = array<i64: 1000, 512>}, {transform_indices = @transform_1, window_bounds = array<i64: 512, 128>}, {pipeline_mode = #tpu.pipeline_mode<synchronous>, transform_indices = @transform_2, window_bounds = array<i64: 1000, 640>}, {transform_indices = @transform_3, window_bounds = array<i64: 1000, 512>}]} {
    %get3A = arith.constant 0 : index
    %get3A_0 = arith.constant 0 : index
    %get3A_1 = vector.load %arg2[%get3A, %get3A_0] : memref<512x128xf32, #tpu.memory_space<vmem>>, vector<512x128xf32>
    %convert_element_type3A = arith.truncf %get3A_1 : vector<512x128xf32> to vector<512x128xbf16>
    %get3A_2 = arith.constant 0 : index
    %get3A_3 = arith.constant 512 : index
    %get3A_4 = vector.load %arg3[%get3A_2, %get3A_3] : memref<1000x640xf32, #tpu.memory_space<vmem>>, vector<1000x128xf32>
    %convert_element_type3A_5 = arith.truncf %get3A_4 : vector<1000x128xf32> to vector<1000x128xbf16>
    %dot_general3A = arith.constant dense<0.000000e+00> : vector<1000x512xf32>
    %dot_general3A_6 = tpu.matmul %convert_element_type3A_5, %convert_element_type3A, %dot_general3A {dimension_numbers = #tpu.dot_dimension_numbers<[1], [1], [0], [0], [0, 0, 1, 0], [], []>, transpose_lhs_hint = false} : vector<1000x128xbf16>, vector<512x128xbf16>, vector<1000x512xf32> -> vector<1000x512xf32>
    %get3A_7 = arith.constant 0 : index
    %get3A_8 = arith.constant 0 : index
    %get3A_9 = vector.load %arg1[%get3A_7, %get3A_8] : memref<1000x512xbf16, #tpu.memory_space<vmem>>, vector<1000x512xbf16>
    %convert_element_type3A_10 = arith.extf %get3A_9 : vector<1000x512xbf16> to vector<1000x512xf32>
    %add3A = arith.addf %dot_general3A_6, %convert_element_type3A_10 : vector<1000x512xf32>
    %swap3A = arith.constant 0 : index
    %swap3A_11 = arith.constant 0 : index
    %swap3A_12 = vector.load %arg4[%swap3A, %swap3A_11] : memref<1000x512xf32, #tpu.memory_space<vmem>>, vector<1000x512xf32>
    tpu.vector_store %arg4[%swap3A, %swap3A_11], %add3A {strides = array<i32>} : memref<1000x512xf32, #tpu.memory_space<vmem>>, vector<1000x512xf32>,
    return
  }
  func.func @transform_0(%arg0: i32) -> (i32, i32) {
    %c0_i32 = arith.constant 0 : i32
    %c0_i32_0 = arith.constant 0 : i32
    return %c0_i32, %arg0 : i32, i32
  }
  func.func @transform_1(%arg0: i32) -> (i32, i32) {
    %c0_i32 = arith.constant 0 : i32
    %c0_i32_0 = arith.constant 0 : i32
    return %arg0, %c0_i32 : i32, i32
  }
  func.func @transform_2(%arg0: i32) -> (i32, i32) {
    %c0_i32 = arith.constant 0 : i32
    %c0_i32_0 = arith.constant 0 : i32
    %c0_i32_1 = arith.constant 0 : i32
    return %c0_i32, %c0_i32_0 : i32, i32
  }
  func.func @transform_3(%arg0: i32) -> (i32, i32) {
    %c0_i32 = arith.constant 0 : i32
    %c0_i32_0 = arith.constant 0 : i32
    return %c0_i32, %arg0 : i32, i32
  }
}

module attributes {stable_mosaic.version = 14 : i64} {
  func.func @body(%arg0: i32, %arg1: memref<512x512xf32, #tpu.memory_space<vmem>>, %arg2: memref<1000x640xf32, #tpu.memory_space<vmem>>, %arg3: memref<1000x1xf32, #tpu.memory_space<vmem>>, %arg4: memref<1000x512xbf16, #tpu.memory_space<vmem>>) attributes {dimension_semantics = [#tpu.dimension_semantics<arbitrary>], iteration_bounds = array<i64: 8>, scalar_prefetch = 0 : i64, scratch_operands = 0 : i64, tpu.core_type = #tpu.core_type<tc>, window_params = [{transform_indices = @transform_0, window_bounds = array<i64: 512, 512>}, {pipeline_mode = #tpu.pipeline_mode<synchronous>, transform_indices = @transform_1, window_bounds = array<i64: 1000, 640>}, {pipeline_mode = #tpu.pipeline_mode<synchronous>, transform_indices = @transform_2, window_bounds = array<i64: 1000, 1>}, {transform_indices = @transform_3, window_bounds = array<i64: 1000, 512>}]} {
    %get3A = arith.constant 0 : index
    %get3A_0 = arith.constant 0 : index
    %get3A_1 = vector.load %arg1[%get3A, %get3A_0] : memref<512x512xf32, #tpu.memory_space<vmem>>, vector<512x512xf32>
    %convert_element_type3A = arith.truncf %get3A_1 : vector<512x512xf32> to vector<512x512xbf16>
    %get3A_2 = arith.constant 0 : index
    %get3A_3 = arith.constant 0 : index
    %get3A_4 = vector.load %arg2[%get3A_2, %get3A_3] : memref<1000x640xf32, #tpu.memory_space<vmem>>, vector<1000x512xf32>
    %convert_element_type3A_5 = arith.truncf %get3A_4 : vector<1000x512xf32> to vector<1000x512xbf16>
    %dot_general3A = arith.constant dense<0.000000e+00> : vector<1000x512xf32>
    %dot_general3A_6 = tpu.matmul %convert_element_type3A_5, %convert_element_type3A, %dot_general3A {dimension_numbers = #tpu.dot_dimension_numbers<[1], [1], [0], [0], [0, 0, 1, 0], [], []>, transpose_lhs_hint = false} : vector<1000x512xbf16>, vector<512x512xbf16>, vector<1000x512xf32> -> vector<1000x512xf32>
    %get3A_7 = arith.constant 0 : index
    %get3A_8 = arith.constant 0 : index
    %get3A_9 = vector.load %arg3[%get3A_7, %get3A_8] : memref<1000x1xf32, #tpu.memory_space<vmem>>, vector<1000x1xf32>
    %add3A = vector.broadcast %get3A_9 : vector<1000x1xf32> to vector<1000x512xf32>
    %add3A_10 = arith.addf %dot_general3A_6, %add3A : vector<1000x512xf32>
    %convert_element_type3A_11 = arith.truncf %add3A_10 : vector<1000x512xf32> to vector<1000x512xbf16>
    %swap3A = arith.constant 0 : index
    %swap3A_12 = arith.constant 0 : index
    %swap3A_13 = vector.load %arg4[%swap3A, %swap3A_12] : memref<1000x512xbf16, #tpu.memory_space<vmem>>, vector<1000x512xbf16>
    tpu.vector_store %arg4[%swap3A, %swap3A_12], %convert_element_type3A_11 {strides = array<i32>} : memref<1000x512xbf16, #tpu.memory_space<vmem>>, vector<1000x512xbf16>,
    return
  }
  func.func @transform_0(%arg0: i32) -> (i32, i32) {
    %c0_i32 = arith.constant 0 : i32
    %c0_i32_0 = arith.constant 0 : i32
    return %arg0, %c0_i32 : i32, i32
  }
  func.func @transform_1(%arg0: i32) -> (i32, i32) {
    %c0_i32 = arith.constant 0 : i32
    %c0_i32_0 = arith.constant 0 : i32
    %c0_i32_1 = arith.constant 0 : i32
    return %c0_i32, %c0_i32_0 : i32, i32
  }
  func.func @transform_2(%arg0: i32) -> (i32, i32) {
    %c0_i32 = arith.constant 0 : i32
    %c0_i32_0 = arith.constant 0 : i32
    %c0_i32_1 = arith.constant 0 : i32
    return %c0_i32, %c0_i32_0 : i32, i32
  }
  func.func @transform_3(%arg0: i32) -> (i32, i32) {
    %c0_i32 = arith.constant 0 : i32
    %c0_i32_0 = arith.constant 0 : i32
    return %c0_i32, %arg0 : i32, i32
  }
}

</mosaic_0001>

<sc_bundles>
// kernel: kernel.5.cloned.1.call-start
scs
__scs_entry_jumppad:
0x0: {  	(pc) =	sbr.rel $0x88, $3  }
0x1: {  	(tag) =	ssettag $0x0;
	lr =	simm.s32 $0x1  }
0x2: {  	[smem:$0x3F9C] =	sst lr;
	_ =	strace $0xD0000000  }
0x3: {  	_ = 	snop  }
0x4: {  	_ = 	snop  }
0x5: {  	_ = 	snop  }
0x6: {  	_ = 	snop  }
0x7: {  	_ = 	snop  }
__scs_overlays_trampoline_lowered:
0x8: {  	[smem:$0x3FAB] =	sst s0  }
0x9: {  	[smem:$0x3FAC] =	sst s1  }
0xa: {  	[smem:$0x3FAD] =	sst s2  }
0xb: {  	[smem:$0x3FAE] =	sst s3  }
0xc: {  	[smem:$0x3FAF] =	sst s4  }
0xd: {  	[smem:$0x3FB0] =	sst s5  }
0xe: {  	[smem:$0x3FB1] =	sst s6  }
0xf: {  	[smem:$0x3FB2] =	sst s7  }
0x10: {  	[smem:$0x3FB3] =	sst s8  }
0x11: {  	[smem:$0x3FB4] =	sst s9;
	s0 =	simm.s32 @!p0 $0x0  }
0x12: {  	s1 =	sld [smem:$0x3F9A];
	s0 =	simm.s32 @p0 $0x1  }
0x13: {  	[smem:$0x3FB5] =	sst s0;
	s0 =	simm.s32 @!p1 $0x0  }
0x14: {  	s2 =	sld [smem:$0x3F99];
	s0 =	simm.s32 @p1 $0x1  }
0x15: {  	[smem:$0x3FB6] =	sst s0;
	s0 =	simm.s32 @!p2 $0x0  }
0x16: {  	s3 =	sld [smem:$0x3FDB];
	s0 =	simm.s32 @p2 $0x1  }
0x17: {  	s4 =	simm.s32 $0x1BF5;
	[smem:$0x3FB8] =	sst s0  }
0x18: {  	s0 =	sld [smem:$0x3F9B];
	_ =	swait.ge [sflag:s4], $0x0  }
0x19: {  	s7 =	sld [smem:$0x3F9C]  }
0x1a: {  	s8 =	sadd.s32 $0xFFFFE003, lr  }
0x1b: {  	s9 =	sadd.s32 $0xFFFFFEF7, lr;
	s5 =	simm.s32 $0xFFFFFFFF;
	p2 =	slt.u32 s8, $0xFFFFF086  }
0x1c: {  	p1 =	slt.u32 s9, $0xF7A;
	s5 =	simm.s32 @!p2 $0x0  }
0x1d: {  	s5 =	simm.s32 @p1 $0x1;
	p0 =	seq.s32 s7, s2  }
0x1e: {  	s7 =	smul.u32 @!p0 $0xF7A, s2;
	p2 =	seq.s32 @!p0 s5, $0x0  }
0x1f: {  	s9 =	smul.u32 $0xF7A, s1;
	s8 =	simm.s32 @!p0 $0x1BF5;
	p2 =	por !p2, p0  }
0x20: {  	[sflag:s8] =	ssyncset.s32 @!p0 $0xFFFFF086;
	s6 =	sadd.s32 @!p0 s3, s7;
	s7 =	simm.s32 @!p0 $0x108  }
0x21: {  	s3 =	sadd.s32 s3, s9;
	s6 =	sadd.s32 @!p0 $0x88, s6;
	s7 =	simm.s32 @p2 $0x1082  }
0x22: {  	[simem:s7], [sflag:s8] =	dma.local @!p0 [hbm:s6], $0xF7A  }
0x23: {  	s9 =	sor.u32 $0xD0000000, s2;
	s6 =	simm.s32 $0x108;
	_ =	swait.ge @!p0 [sflag:s8], $0x0  }
0x24: {  	s3 =	sadd.s32 $0x88, s3;
	s6 =	simm.s32 @!p1 $0x1082;
	[sflag:s4] =	ssyncset.s32 $0xFFFFF086  }
0x25: {  	[simem:s6], [sflag:s4] =	dma.local [hbm:s3], $0xF7A  }
0x26: {  	[smem:$0x3F9C] =	sst s1;
	(tag) =	ssettag s2;
	_ =	strace s9  }
0x27: {  	s1 =	sld [smem:$0x3FAC]  }
0x28: {  	s2 =	sld [smem:$0x3FAD]  }
0x29: {  	s4 =	sld [smem:$0x3FAF]  }
0x2a: {  	p0 =	seq.s32 s5, $0x0;
	s5 =	sld [smem:$0x3FB0]  }
0x2b: {  	s6 =	sld [smem:$0x3FB1]  }
0x2c: {  	s7 =	sld [smem:$0x3FB2]  }
0x2d: {  	s3 =	simm.s32 $0x108;
	s8 =	sld [smem:$0x3FB3]  }
0x2e: {  	s3 =	simm.s32 @!p0 $0x1082;
	s9 =	sld [smem:$0x3FB4]  }
0x2f: {  	lr =	sadd.s32 s0, s3;
	s0 =	sld [smem:$0x3FAB]  }
0x30: {  	s3 =	sld [smem:$0x3FAE]  }
0x31: {  	[smem:$0x3FB7] =	sst s10  }
0x32: {  	s10 =	sld [smem:$0x3FB5];
	_ =	sdelay $0x3  }
0x33: {  	p0 =	seq.s32 s10, $0x1;
	s10 =	sld [smem:$0x3FB7];
	_ =	sdelay $0x3  }
0x34: {  	[smem:$0x3FB7] =	sst s10  }
0x35: {  	s10 =	sld [smem:$0x3FB6];
	_ =	sdelay $0x3  }
0x36: {  	p1 =	seq.s32 s10, $0x1;
	s10 =	sld [smem:$0x3FB7];
	_ =	sdelay $0x3  }
0x37: {  	[smem:$0x3FB7] =	sst s10  }
0x38: {  	s10 =	sld [smem:$0x3FB8]  }
0x39: {  	_ = 	snop;
	(pc) =	sbr.ind lr, $3  }
0x3a: {  	_ = 	snop  }
0x3b: {  	_ = 	snop  }
0x3c: {  	p2 =	seq.s32 s10, $0x1;
	s10 =	sld [smem:$0x3FB7]  }
0x3d: {  	_ =	shalt  }
0x3e: {  	_ =	shalt  }
0x3f: {  	_ =	shalt  }
0x40: {  	_ =	shalt  }
0x41: {  	_ =	shalt  }
0x42: {  	_ =	shalt  }
0x43: {  	_ =	shalt  }
0x44: {  	_ =	shalt  }
0x45: {  	_ =	shalt  }
0x46: {  	_ =	shalt  }
0x47: {  	_ =	shalt  }
0x48: {  	_ =	shalt  }
0x49: {  	_ =	shalt  }
0x4a: {  	_ =	shalt  }
0x4b: {  	_ =	shalt  }
0x4c: {  	_ =	shalt  }
0x4d: {  	_ =	shalt  }
0x4e: {  	_ =	shalt  }
0x4f: {  	_ =	shalt  }
0x50: {  	_ =	shalt  }
0x51: {  	_ =	shalt  }
0x52: {  	_ =	shalt  }
0x53: {  	_ =	shalt  }
0x54: {  	_ =	shalt  }
0x55: {  	_ =	shalt  }
0x56: {  	_ =	shalt  }
0x57: {  	_ =	shalt  }
0x58: {  	_ =	shalt  }
0x59: {  	_ =	shalt  }
0x5a: {  	_ =	shalt  }
0x5b: {  	_ =	shalt  }
0x5c: {  	_ =	shalt  }
0x5d: {  	_ =	shalt  }
0x5e: {  	_ =	shalt  }
0x5f: {  	_ =	shalt  }
0x60: {  	_ =	shalt  }
0x61: {  	_ =	shalt  }
0x62: {  	_ =	shalt  }
0x63: {  	_ =	shalt  }
0x64: {  	_ =	shalt  }
0x65: {  	_ =	shalt  }
0x66: {  	_ =	shalt  }
0x67: {  	_ =	shalt  }
0x68: {  	_ =	shalt  }
0x69: {  	_ =	shalt  }
0x6a: {  	_ =	shalt  }
0x6b: {  	_ =	shalt  }
0x6c: {  	_ =	shalt  }
0x6d: {  	_ =	shalt  }
0x6e: {  	_ =	shalt  }
0x6f: {  	_ =	shalt  }
0x70: {  	_ =	shalt  }
0x71: {  	_ =	shalt  }
0x72: {  	_ =	shalt  }
0x73: {  	_ =	shalt  }
0x74: {  	_ =	shalt  }
0x75: {  	_ =	shalt  }
0x76: {  	_ =	shalt  }
0x77: {  	_ =	shalt  }
0x78: {  	_ =	shalt  }
0x79: {  	_ =	shalt  }
0x7a: {  	_ =	shalt  }
0x7b: {  	_ =	shalt  }
0x7c: {  	_ =	shalt  }
0x7d: {  	_ =	shalt  }
0x7e: {  	_ =	shalt  }
0x7f: {  	_ =	shalt  }
0x80: {  	_ =	shalt  }
0x81: {  	_ =	shalt  }
0x82: {  	_ =	shalt  }
0x83: {  	_ =	shalt  }
0x84: {  	_ =	shalt  }
0x85: {  	_ =	shalt  }
0x86: {  	_ =	shalt  }
0x87: {  	_ =	shalt  }
.Lfunc_end0:
.L_simem_size_0:
called_computation_lowered:
.L_overlay_start_0:
0x88: {  	s2 =	sld [smem:$0x3FD9]  }
0x89: {  	s3 =	sld [smem:$0x3FFE];
	_ =	sdelay $0x1  }
0x8a: {  	s1 =	srdreg.scid  }
0x8b: {  	s0 =	sand.u32 $0x1, s1  }
0x8c: {  	s17 =	sshll.u32 s0, $0xA;
	s2 =	sadd.s32 s3, s2  }
0x8d: {  	s2 =	sadd.s32 s2, s17  }
0x8e: {  	[smem:$0x3FC3] =	sst s2  }
0x8f: {  	_ = 	snop  }
0x90: {  	s2 =	sld [smem:$0x3FC7]  }
0x91: {  	s18 =	sld [smem:$0x3FD0];
	(tm) =	ssettm $0x1  }
0x92: {  	s4 =	sld [smem:$0x3FFB];
	_ =	sdelay $0x3  }
0x93: {  	_ =	strace s4  }
0x94: {  	s4 =	sld [smem:$0x3FFC];
	_ =	sdelay $0x3  }
0x95: {  	_ =	strace s4  }
0x96: {  	s4 =	sld [smem:$0x3FFD];
	_ =	sdelay $0x3  }
0x97: {  	_ =	strace s4  }
0x98: {  	_ =	strace $0x8FFFFFFF  }
0x99: {  	s19 =	sld [smem:$0x3FDB];
	_ =	sdelay $0x1  }
0x9a: {  	s5 =	simm.s32 $_scs_section_size  }
0x9b: {  	s6 =	simm.s32 $_size__tile_overlayer_lowered;
	s7 =	simm.s32 $_tile_overlayer_lowered  }
0x9c: {  	s22 =	simm.s32 $0x1BFF;
	s21 =	sshll.u32 s7, $0x1;
	s4 =	sadd.s32 s5, s19  }
0x9d: {  	s8 =	simm.s32 $0x0;
	s20 =	sshll.u32 s6, $0x1;
	s6 =	sadd.s32 s21, s4  }
0x9e: {  	[timem:s8], [sflag:s22] =	dma.local [hbm:s6], s20  }
0x9f: {  	_ =	swait.ge [sflag:s22], s20  }
0xa0: {  	s5 =	ssub.s32 $0x0, s20;
	[sflag:s22] =	ssyncset.done $0x0  }
0xa1: {  	[sflag:s22] =	ssyncadd.s32 s5;
	_ =	sdelay $0x1  }
0xa2: {  	s23 =	simm.s32 $0x1B8B  }
0xa3: {  	_ =	swait.ge [sflag:s23], $0x1  }
0xa4: {  	[sflag:s23] =	ssyncset.done $0x0  }
0xa5: {  	s25 =	simm.s32 $0x1B8E;
	s24 =	sld [smem:$0x3FFE];
	[sflag:s23] =	ssyncadd.s32 $0xFFFFFFFF  }
0xa6: {  	s26 =	simm.s32 $execute0_lowered;
	[smem:$0x3FD2] =	sst s25  }
0xa7: {  	s6 =	sshll.u32 s26, $0x1;
	_ =	strace $0x80000046;
	[dreg:$0x1] =	wrdreg $0xFFFFFFFF  }
0xa8: {  	s28 =	simm.s32 $_size_execute0_lowered;
	s4 =	sadd.s32 s4, s6;
	[dreg:$0x0] =	wrdreg $0x0  }
0xa9: {  	s6 =	sshll.u32 s28, $0x1;
	[dreg:$0x2] =	wrdreg s4  }
0xaa: {  	[dreg:$0x3] =	wrdreg s6  }
0xab: {  	[dreg:$0x4] =	wrdreg $0xC0  }
0xac: {  	_ =	task [dreg:s8], $0x5FFFF  }
0xad: {  	[dreg:$0x1] =	wrdreg $0xFFFFFFFF  }
0xae: {  	[dreg:$0x0] =	wrdreg $0x60  }
0xaf: {  	[dreg:$0x2] =	wrdreg s2  }
0xb0: {  	[dreg:$0x3] =	wrdreg s24  }
0xb1: {  	[dreg:$0x4] =	wrdreg s18  }
0xb2: {  	[dreg:$0x5] =	wrdreg $0x9  }
0xb3: {  	_ =	task.clear_ibuf [dreg:s8], $0x6FFFF;
	_ =	strace $0x90000046  }
0xb4: {  	s29 =	simm.s32 $0x9;
	_ =	strace $0x80000048  }
0xb5: {  	_ =	swait.ge [sflag:s29], $0x1  }
0xb6: {  	[sflag:s29] =	ssyncadd.s32 $0xFFFFFFFF  }
0xb7: {  	_ =	strace $0x90000048  }
0xb8: {  	_ =	sfence  }
0xb9: {  	s30 =	sld [smem:$0x0];
	_ =	sdelay $0x2  }
0xba: {  	s31 =	sshll.u32 s1, $0xD;
	s1 =	sshrl.u32 s1, $0x2  }
0xbb: {  	s3 =	sand.u32 $0x4000, s31;
	s1 =	sadd.s32 s1, s30  }
0xbc: {  	s0 =	sor.u32 s3, s0;
	s1 =	sshll.u32 s1, $0x11  }
0xbd: {  	s0 =	sor.u32 s1, s0  }
0xbe: {  	s0 =	sadd.s32 $0x8F2B, s0  }
0xbf: {  	[sflag:s0] =	ssyncadd.remote.s32 $0x1  }
0xc0: {  	_ =	sfence.sel $0xFFFF  }
0xc1: {  	[dreg:$0x0] =	wrdreg $0xFFFFFFFF;
	(pc) =	sbr.abs _section_cstart, $3  }
0xc2: {  	[dreg:$0x1] =	wrdreg $0xFFFFFFFF  }
0xc3: {  	_ =	task.clear_ibuf [dreg:s8], $0x2FFFF;
	_ =	strace $0x9FFFFFFF  }
0xc4: {  	(tm) =	ssettm $0x7FFFFFFF  }
0xc5: {  	_ =	shalt  }
tec
execute0_lowered:
.L_overlay_start_1:
0x0: {  	(tag) =	ssettag $0x1  }
0x1: {  	s1 =	rddreg [dreg:$0x0]  }
0x2: {  	s4 =	rddreg [dreg:$0x1]  }
0x3: {  	s5 =	rddreg [dreg:$0x2]  }
0x4: {  	s0 =	rddreg [dreg:$0x3];
	s6 =	srdreg.scid  }
0x5: {  	s2 =	stileid.u32;
	s3 =	simm.s32 $0x0;
	s9 =	simm.s32 $0x2000  }
0x6: {  	s10 =	simm.s32 $0x80;
	s11 =	simm.s32 $0x5400;
	s12 =	simm.s32 $0x100  }
0x7: {  	s13 =	simm.s32 $0x8800;
	s14 =	simm.s32 $0xBC00;
	s15 =	simm.s32 $0x1  }
0x8: {  	s16 =	simm.s32 $0x2;
	s17 =	simm.s32 $0x3;
	s18 =	simm.s32 $0x4  }
0x9: {  	s19 =	simm.s32 $0xF000;
	s6 =	sand.u32 $0x1, s6;
	s7 =	sshll.u32 s2, $0x1  }
0xa: {  	s20 =	simm.s32 $0x0;
	[smem:$0x7FF] =	sst s3;
	s7 =	sor.u32 s6, s7  }
0xb: {  	_ =	strace $0x80000047;
	s6 =	ssub.s32 $0x2, s6;
	s8 =	sshll.u32 s7, $0xA  }
0xc: {  	s31 =	sshrl.u32 s6, $0x1;
	s7 =	sshll.u32 s7, $0xB;
	s4 =	sadd.s32 s8, s4  }
0xd: {  	s6 =	ssub.s32 s6, s31;
	s5 =	sadd.s32 s5, s7;
	s7 =	simm.s32 $0x5  }
0xe: {  	s8 =	simm.s32 $0x64;
	s4 =	sadd.s32 $0x1200, s4;
	s6 =	smax.u32 s6, $0x1  }
.LBB2_1:
0xf: {  	[tilespmem:s3], [sflag:$0x5] =	stream.linear.gather [hbm4b:s4+s3], $0x2000, $0x38;
	[tilespmem:$0x13000] =	vst v63  }
0x10: {  	_ =	swait.ge [sflag:s7], $0x2000  }
0x11: {  	[sflag:s7] =	ssyncset.done $0x0  }
0x12: {  	[sflag:s7] =	ssyncadd.s32 $0xFFFFE000  }
0x13: {  	[tilespmem:s9], [sflag:$0x1] =	stream.indirect.gather [hbm4b:s1+s8], $0x80, s3, s8, $0xb8;
	[tilespmem:$0x13000] =	vst v63  }
0x14: {  	_ = 	snop  }
0x15: {  	[tilespmem:s11], [sflag:$0x2] =	stream.indirect.gather [hbm4b:s1+s8], $0x80, s10, s8, $0xb8;
	[tilespmem:$0x13000] =	vst v63  }
0x16: {  	s21 =	simm.s32 $0x0  }
0x17: {  	[tilespmem:s13], [sflag:$0x3] =	stream.indirect.gather [hbm4b:s1+s8], $0x80, s12, s8, $0xb8;
	[tilespmem:$0x13000] =	vst v63  }
.LBB2_2:
0x18: {  	s22 =	sshllo.u32 s21, $0x2  }
0x19: {  	s23 =	sshll.u32 s22, $0x7  }
0x1a: {  	s23 =	sand.u32 $0x3FFFFF80, s23  }
0x1b: {  	[tilespmem:s14], [sflag:$0x4] =	stream.indirect.gather [hbm4b:s1+s8], $0x80, s23, s8, $0xb8;
	[tilespmem:$0x13000] =	vst v63  }
0x1c: {  	_ =	swait.ge [sflag:s15], $0x3200  }
0x1d: {  	[sflag:s15] =	ssyncset.done $0x0  }
0x1e: {  	s24 =	simm.s32 $0x0;
	[sflag:s15] =	ssyncadd.s32 $0xFFFFCE00  }
0x1f: {  	v4 =	vld [tilespmem:s24+$0x2200]  }
0x20: {  	v5 =	vld [tilespmem:s24+$0x2210]  }
0x21: {  	v6 =	vld [tilespmem:s24+$0x2220]  }
0x22: {  	v7 =	vld [tilespmem:s24+$0x2230]  }
0x23: {  	v0 =	vld [tilespmem:s24+$0x2240]  }
0x24: {  	v1 =	vld [tilespmem:s24+$0x2250]  }
0x25: {  	v10 =	vld [tilespmem:s24+$0x2180]  }
0x26: {  	v12 =	vld [tilespmem:s24+$0x2190]  }
0x27: {  	v9 =	vld [tilespmem:s24+$0x21A0]  }
0x28: {  	v11 =	vld [tilespmem:s24+$0x21B0]  }
0x29: {  	v3 =	vld [tilespmem:s24+$0x21C0]  }
0x2a: {  	v2 =	vld [tilespmem:s24+$0x21D0]  }
0x2b: {  	v13 =	vld [tilespmem:s24+$0x2100]  }
0x2c: {  	v15 =	vld [tilespmem:s24+$0x2110]  }
0x2d: {  	v16 =	vld [tilespmem:s24+$0x2120]  }
0x2e: {  	v19 =	vld [tilespmem:s24+$0x2080]  }
0x2f: {  	v20 =	vld [tilespmem:s24+$0x2090]  }
0x30: {  	v17 =	vld [tilespmem:s24+$0x2000]  }
0x31: {  	v18 =	vld [tilespmem:s24+$0x2010]  }
0x32: {  	v21 =	vld [tilespmem:s24+$0x2020]  }
0x33: {  	v22 =	vld [tilespmem:s24+$0x2030]  }
0x34: {  	v23 =	vld [tilespmem:s24+$0x20A0]  }
0x35: {  	v24 =	vld [tilespmem:s24+$0x20B0]  }
0x36: {  	v8 =	vimm.f32 $0.0e+00;
	v26 =	vld [tilespmem:s24+$0x2130]  }
0x37: {  	v14 =	vld [tilespmem:s24+$0x2140];
	v25 =	vadd.f32 v17, v8;
	v27 =	vadd.f32 v18, v8  }
0x38: {  	v17 =	vld [tilespmem:s24+$0x2150];
	v21 =	vadd.f32 v21, v8;
	v22 =	vadd.f32 v22, v8  }
0x39: {  	v18 =	vld [tilespmem:s24+$0x20C0];
	v25 =	vadd.f32 v19, v25;
	v27 =	vadd.f32 v20, v27  }
0x3a: {  	v19 =	vld [tilespmem:s24+$0x20D0];
	v28 =	vadd.f32 v23, v21;
	v22 =	vadd.f32 v24, v22  }
0x3b: {  	v20 =	vld [tilespmem:s24+$0x2040];
	v23 =	vadd.f32 v13, v25;
	v24 =	vadd.f32 v15, v27  }
0x3c: {  	v21 =	vld [tilespmem:s24+$0x2050];
	v25 =	vadd.f32 v16, v28;
	v26 =	vadd.f32 v26, v22  }
0x3d: {  	s25 =	simm.s32 $0xA00;
	s23 =	sshll.u32 s21, $0x2;
	v22 =	vld [tilespmem:s24+$0x2060];
	v16 =	vimm.f32 $0.0e+00;
	v15 =	vimm.f32 $0.0e+00;
	v13 =	vimm.f32 $0.0e+00  }
.LBB2_3:
0x3e: {  	p0 =	sne.s32 s25, $0x5A00;
	v27 =	vld [tilespmem:s24+$0x2070];
	v10 =	vadd.f32 v10, v23;
	v12 =	vadd.f32 v12, v24  }
0x3f: {  	v23 =	vld [tilespmem:s24+$0x20E0];
	v9 =	vadd.f32 v9, v25;
	v11 =	vadd.f32 v11, v26  }
0x40: {  	v24 =	vld [tilespmem:s24+$0x20F0];
	v25 =	vadd.f32 v4, v10;
	v26 =	vadd.f32 v5, v12  }
0x41: {  	v5 =	vld [tilespmem:s24+$0x2160];
	v28 =	vadd.f32 v6, v9;
	v29 =	vadd.f32 v7, v11  }
0x42: {  	v4 =	vadd.f32 v20, v8;
	v6 =	vadd.f32 v21, v16;
	v7 =	vld [tilespmem:s24+$0x2170]  }
0x43: {  	v8 =	vadd.f32 v22, v15;
	v9 =	vadd.f32 v27, v13;
	v10 =	vld [tilespmem:s24+$0x21E0]  }
0x44: {  	v4 =	vadd.f32 v18, v4;
	v6 =	vadd.f32 v19, v6;
	v11 =	vld [tilespmem:s24+$0x21F0]  }
0x45: {  	v8 =	vadd.f32 v23, v8;
	v9 =	vadd.f32 v24, v9;
	v12 =	vld [tilespmem:s24+$0x2260]  }
0x46: {  	v13 =	vadd.f32 v14, v4;
	v6 =	vadd.f32 v17, v6;
	v14 =	vld [tilespmem:s24+$0x2270];
	s24 =	sshra.s32 s25, $0x2  }
0x47: {  	v8 =	vadd.f32 v5, v8;
	v4 =	vld [tilespmem:s24+$0x2200];
	v7 =	vadd.f32 v7, v9  }
0x48: {  	v3 =	vadd.f32 v3, v13;
	v2 =	vadd.f32 v2, v6;
	v5 =	vld [tilespmem:s24+$0x2210]  }
0x49: {  	v9 =	vadd.f32 v10, v8;
	v6 =	vld [tilespmem:s24+$0x2220];
	v10 =	vadd.f32 v11, v7  }
0x4a: {  	v8 =	vadd.f32 v0, v3;
	v16 =	vadd.f32 v1, v2;
	v7 =	vld [tilespmem:s24+$0x2230]  }
0x4b: {  	v15 =	vadd.f32 v12, v9;
	v0 =	vld [tilespmem:s24+$0x2240];
	v13 =	vadd.f32 v14, v10  }
0x4c: {  	v1 =	vld [tilespmem:s24+$0x2250]  }
0x4d: {  	v10 =	vld [tilespmem:s24+$0x2180]  }
0x4e: {  	v12 =	vld [tilespmem:s24+$0x2190]  }
0x4f: {  	v9 =	vld [tilespmem:s24+$0x21A0]  }
0x50: {  	v11 =	vld [tilespmem:s24+$0x21B0]  }
0x51: {  	v3 =	vld [tilespmem:s24+$0x21C0]  }
0x52: {  	v2 =	vld [tilespmem:s24+$0x21D0]  }
0x53: {  	v22 =	vld [tilespmem:s24+$0x2100]  }
0x54: {  	v24 =	vld [tilespmem:s24+$0x2110]  }
0x55: {  	v27 =	vld [tilespmem:s24+$0x2120]  }
0x56: {  	v30 =	vld [tilespmem:s24+$0x2130]  }
0x57: {  	v19 =	vld [tilespmem:s24+$0x2080]  }
0x58: {  	v20 =	vld [tilespmem:s24+$0x2090]  }
0x59: {  	v17 =	vld [tilespmem:s24+$0x2000]  }
0x5a: {  	v18 =	vld [tilespmem:s24+$0x2010]  }
0x5b: {  	v21 =	vld [tilespmem:s24+$0x2020]  }
0x5c: {  	v23 =	vld [tilespmem:s24+$0x2030]  }
0x5d: {  	v31 =	vld [tilespmem:s24+$0x20A0]  }
0x5e: {  	v32 =	vld [tilespmem:s24+$0x20B0]  }
0x5f: {  	v14 =	vld [tilespmem:s24+$0x2140]  }
0x60: {  	v25 =	vadd.f32 v17, v25;
	v26 =	vadd.f32 v18, v26;
	v17 =	vld [tilespmem:s24+$0x2150]  }
.Ltmp0:
0x61: {  	v21 =	vadd.f32 v21, v28;
	v23 =	vadd.f32 v23, v29;
	v18 =	vld [tilespmem:s24+$0x20C0];
	(pc) =	sbr.rel @p0 .LBB2_3-.Ltmp0, $4  }
0x62: {  	v25 =	vadd.f32 v19, v25;
	v26 =	vadd.f32 v20, v26;
	v19 =	vld [tilespmem:s24+$0x20D0]  }
0x63: {  	v28 =	vadd.f32 v31, v21;
	v20 =	vld [tilespmem:s24+$0x2040];
	v29 =	vadd.f32 v32, v23  }
0x64: {  	v23 =	vadd.f32 v22, v25;
	v24 =	vadd.f32 v24, v26;
	v21 =	vld [tilespmem:s24+$0x2050]  }
0x65: {  	s25 =	sadd.s32 $0xA00, s25;
	v25 =	vadd.f32 v27, v28;
	v22 =	vld [tilespmem:s24+$0x2060];
	v26 =	vadd.f32 v30, v29  }
0x66: {  	v27 =	vld [tilespmem:s24+$0x2070];
	v10 =	vadd.f32 v10, v23;
	v12 =	vadd.f32 v12, v24  }
0x67: {  	v23 =	vld [tilespmem:s24+$0x20E0];
	v9 =	vadd.f32 v9, v25;
	v11 =	vadd.f32 v11, v26  }
0x68: {  	v24 =	vld [tilespmem:s24+$0x20F0];
	v4 =	vadd.f32 v4, v10;
	v5 =	vadd.f32 v5, v12  }
0x69: {  	v10 =	vld [tilespmem:s24+$0x2160];
	v8 =	vadd.f32 v20, v8;
	v6 =	vadd.f32 v6, v9  }
0x6a: {  	v7 =	vadd.f32 v7, v11;
	v9 =	vadd.f32 v21, v16;
	v11 =	vld [tilespmem:s24+$0x2170]  }
0x6b: {  	v16 =	vld [tilespmem:s24+$0x21F0];
	v12 =	vadd.f32 v22, v15;
	v8 =	vadd.f32 v18, v8  }
0x6c: {  	v15 =	vld [tilespmem:s24+$0x21E0];
	v13 =	vadd.f32 v27, v13;
	v9 =	vadd.f32 v19, v9  }
0x6d: {  	s25 =	sshll.u32 s21, $0xC;
	v18 =	vld [tilespmem:s24+$0x2260];
	v12 =	vadd.f32 v23, v12;
	v8 =	vadd.f32 v14, v8  }
0x6e: {  	v14 =	vld [tilespmem:s24+$0x2270];
	s24 =	sshra.s32 s25, $0x2;
	v13 =	vadd.f32 v24, v13;
	v9 =	vadd.f32 v17, v9  }
0x6f: {  	[tilespmem:s24+$0xF000] =	vst v4;
	v10 =	vadd.f32 v10, v12;
	v3 =	vadd.f32 v3, v8  }
0x70: {  	[tilespmem:s24+$0xF010] =	vst v5;
	v4 =	vadd.f32 v11, v13;
	v2 =	vadd.f32 v2, v9  }
0x71: {  	[tilespmem:s24+$0xF020] =	vst v6;
	v5 =	vadd.f32 v15, v10;
	v0 =	vadd.f32 v0, v3  }
0x72: {  	[tilespmem:s24+$0xF030] =	vst v7;
	v3 =	vadd.f32 v16, v4;
	v1 =	vadd.f32 v1, v2  }
0x73: {  	v2 =	vadd.f32 v18, v5;
	[tilespmem:s24+$0xF040] =	vst v0  }
0x74: {  	v0 =	vadd.f32 v14, v3;
	[tilespmem:s24+$0xF050] =	vst v1  }
0x75: {  	[tilespmem:s24+$0xF060] =	vst v2  }
0x76: {  	s25 =	simm.s32 $0x0;
	[tilespmem:s24+$0xF070] =	vst v0  }
0x77: {  	v4 =	vld [tilespmem:s25+$0x3B00]  }
0x78: {  	v5 =	vld [tilespmem:s25+$0x3B10]  }
0x79: {  	v6 =	vld [tilespmem:s25+$0x3B20]  }
0x7a: {  	v7 =	vld [tilespmem:s25+$0x3B30]  }
0x7b: {  	v0 =	vld [tilespmem:s25+$0x3B40]  }
0x7c: {  	v1 =	vld [tilespmem:s25+$0x3B50]  }
0x7d: {  	v10 =	vld [tilespmem:s25+$0x3A80]  }
0x7e: {  	v13 =	vld [tilespmem:s25+$0x3A90]  }
0x7f: {  	v9 =	vld [tilespmem:s25+$0x3AA0]  }
0x80: {  	v11 =	vld [tilespmem:s25+$0x3AB0]  }
0x81: {  	v3 =	vld [tilespmem:s25+$0x3AC0]  }
0x82: {  	v2 =	vld [tilespmem:s25+$0x3AD0]  }
0x83: {  	v12 =	vld [tilespmem:s25+$0x3A00]  }
0x84: {  	v14 =	vld [tilespmem:s25+$0x3A10]  }
0x85: {  	v16 =	vld [tilespmem:s25+$0x3A20]  }
0x86: {  	v19 =	vld [tilespmem:s25+$0x3980]  }
0x87: {  	v20 =	vld [tilespmem:s25+$0x3990]  }
0x88: {  	v17 =	vld [tilespmem:s25+$0x3900]  }
0x89: {  	v18 =	vld [tilespmem:s25+$0x3910]  }
0x8a: {  	v21 =	vld [tilespmem:s25+$0x3920]  }
0x8b: {  	v22 =	vld [tilespmem:s25+$0x3930]  }
0x8c: {  	v23 =	vld [tilespmem:s25+$0x39A0]  }
0x8d: {  	v24 =	vld [tilespmem:s25+$0x39B0]  }
0x8e: {  	v8 =	vimm.f32 $0.0e+00;
	v26 =	vld [tilespmem:s25+$0x3A30]  }
0x8f: {  	v15 =	vld [tilespmem:s25+$0x3A40];
	v25 =	vadd.f32 v17, v8;
	v27 =	vadd.f32 v18, v8  }
0x90: {  	v17 =	vld [tilespmem:s25+$0x3A50];
	v21 =	vadd.f32 v21, v8;
	v22 =	vadd.f32 v22, v8  }
0x91: {  	v18 =	vld [tilespmem:s25+$0x39C0];
	v25 =	vadd.f32 v19, v25;
	v27 =	vadd.f32 v20, v27  }
0x92: {  	v19 =	vld [tilespmem:s25+$0x39D0];
	v28 =	vadd.f32 v23, v21;
	v22 =	vadd.f32 v24, v22  }
0x93: {  	v20 =	vld [tilespmem:s25+$0x3940];
	v23 =	vadd.f32 v12, v25;
	v24 =	vadd.f32 v14, v27  }
0x94: {  	v21 =	vld [tilespmem:s25+$0x3950];
	v25 =	vadd.f32 v16, v28;
	v26 =	vadd.f32 v26, v22  }
0x95: {  	s26 =	simm.s32 $0xA00;
	v22 =	vld [tilespmem:s25+$0x3960];
	v16 =	vimm.f32 $0.0e+00;
	v14 =	vimm.f32 $0.0e+00;
	v12 =	vimm.f32 $0.0e+00  }
.LBB2_5:
0x96: {  	p0 =	sne.s32 s26, $0x5A00;
	v27 =	vld [tilespmem:s25+$0x3970];
	v10 =	vadd.f32 v10, v23;
	v13 =	vadd.f32 v13, v24  }
0x97: {  	v23 =	vld [tilespmem:s25+$0x39E0];
	v9 =	vadd.f32 v9, v25;
	v11 =	vadd.f32 v11, v26  }
0x98: {  	v24 =	vld [tilespmem:s25+$0x39F0];
	v25 =	vadd.f32 v4, v10;
	v26 =	vadd.f32 v5, v13  }
0x99: {  	v5 =	vld [tilespmem:s25+$0x3A60];
	v28 =	vadd.f32 v6, v9;
	v29 =	vadd.f32 v7, v11  }
0x9a: {  	v4 =	vadd.f32 v20, v8;
	v6 =	vadd.f32 v21, v16;
	v7 =	vld [tilespmem:s25+$0x3A70]  }
0x9b: {  	v8 =	vadd.f32 v22, v14;
	v9 =	vadd.f32 v27, v12;
	v10 =	vld [tilespmem:s25+$0x3AE0]  }
0x9c: {  	v4 =	vadd.f32 v18, v4;
	v6 =	vadd.f32 v19, v6;
	v11 =	vld [tilespmem:s25+$0x3AF0]  }
0x9d: {  	v8 =	vadd.f32 v23, v8;
	v9 =	vadd.f32 v24, v9;
	v12 =	vld [tilespmem:s25+$0x3B60]  }
0x9e: {  	v13 =	vadd.f32 v15, v4;
	v6 =	vadd.f32 v17, v6;
	v15 =	vld [tilespmem:s25+$0x3B70];
	s25 =	sshra.s32 s26, $0x2  }
0x9f: {  	v8 =	vadd.f32 v5, v8;
	v4 =	vld [tilespmem:s25+$0x3B00];
	v7 =	vadd.f32 v7, v9  }
0xa0: {  	v3 =	vadd.f32 v3, v13;
	v2 =	vadd.f32 v2, v6;
	v5 =	vld [tilespmem:s25+$0x3B10]  }
0xa1: {  	v9 =	vadd.f32 v10, v8;
	v6 =	vld [tilespmem:s25+$0x3B20];
	v10 =	vadd.f32 v11, v7  }
0xa2: {  	v8 =	vadd.f32 v0, v3;
	v16 =	vadd.f32 v1, v2;
	v7 =	vld [tilespmem:s25+$0x3B30]  }
0xa3: {  	v14 =	vadd.f32 v12, v9;
	v0 =	vld [tilespmem:s25+$0x3B40];
	v12 =	vadd.f32 v15, v10  }
0xa4: {  	v1 =	vld [tilespmem:s25+$0x3B50]  }
0xa5: {  	v10 =	vld [tilespmem:s25+$0x3A80]  }
0xa6: {  	v13 =	vld [tilespmem:s25+$0x3A90]  }
0xa7: {  	v9 =	vld [tilespmem:s25+$0x3AA0]  }
0xa8: {  	v11 =	vld [tilespmem:s25+$0x3AB0]  }
0xa9: {  	v3 =	vld [tilespmem:s25+$0x3AC0]  }
0xaa: {  	v2 =	vld [tilespmem:s25+$0x3AD0]  }
0xab: {  	v22 =	vld [tilespmem:s25+$0x3A00]  }
0xac: {  	v24 =	vld [tilespmem:s25+$0x3A10]  }
0xad: {  	v27 =	vld [tilespmem:s25+$0x3A20]  }
0xae: {  	v30 =	vld [tilespmem:s25+$0x3A30]  }
0xaf: {  	v19 =	vld [tilespmem:s25+$0x3980]  }
0xb0: {  	v20 =	vld [tilespmem:s25+$0x3990]  }
0xb1: {  	v17 =	vld [tilespmem:s25+$0x3900]  }
0xb2: {  	v18 =	vld [tilespmem:s25+$0x3910]  }
0xb3: {  	v21 =	vld [tilespmem:s25+$0x3920]  }
0xb4: {  	v23 =	vld [tilespmem:s25+$0x3930]  }
0xb5: {  	v31 =	vld [tilespmem:s25+$0x39A0]  }
0xb6: {  	v32 =	vld [tilespmem:s25+$0x39B0]  }
0xb7: {  	v15 =	vld [tilespmem:s25+$0x3A40]  }
0xb8: {  	v25 =	vadd.f32 v17, v25;
	v26 =	vadd.f32 v18, v26;
	v17 =	vld [tilespmem:s25+$0x3A50]  }
.Ltmp1:
0xb9: {  	v21 =	vadd.f32 v21, v28;
	v23 =	vadd.f32 v23, v29;
	v18 =	vld [tilespmem:s25+$0x39C0];
	(pc) =	sbr.rel @p0 .LBB2_5-.Ltmp1, $4  }
0xba: {  	v25 =	vadd.f32 v19, v25;
	v26 =	vadd.f32 v20, v26;
	v19 =	vld [tilespmem:s25+$0x39D0]  }
0xbb: {  	v28 =	vadd.f32 v31, v21;
	v20 =	vld [tilespmem:s25+$0x3940];
	v29 =	vadd.f32 v32, v23  }
0xbc: {  	v23 =	vadd.f32 v22, v25;
	v24 =	vadd.f32 v24, v26;
	v21 =	vld [tilespmem:s25+$0x3950]  }
0xbd: {  	s26 =	sadd.s32 $0xA00, s26;
	v25 =	vadd.f32 v27, v28;
	v22 =	vld [tilespmem:s25+$0x3960];
	v26 =	vadd.f32 v30, v29  }
0xbe: {  	v10 =	vadd.f32 v10, v23;
	v13 =	vadd.f32 v13, v24  }
0xbf: {  	v27 =	vld [tilespmem:s25+$0x3970];
	v9 =	vadd.f32 v9, v25;
	v11 =	vadd.f32 v11, v26  }
0xc0: {  	v23 =	vld [tilespmem:s25+$0x39E0];
	v4 =	vadd.f32 v4, v10;
	v5 =	vadd.f32 v5, v13  }
0xc1: {  	v24 =	vld [tilespmem:s25+$0x39F0];
	v8 =	vadd.f32 v20, v8;
	v6 =	vadd.f32 v6, v9  }
0xc2: {  	v10 =	vld [tilespmem:s25+$0x3A60];
	v7 =	vadd.f32 v7, v11;
	v9 =	vadd.f32 v21, v16  }
0xc3: {  	v11 =	vld [tilespmem:s25+$0x3A70];
	v13 =	vadd.f32 v22, v14;
	v8 =	vadd.f32 v18, v8  }
0xc4: {  	v14 =	vld [tilespmem:s25+$0x3AE0];
	v12 =	vadd.f32 v27, v12;
	v9 =	vadd.f32 v19, v9  }
0xc5: {  	v16 =	vld [tilespmem:s25+$0x3AF0];
	v13 =	vadd.f32 v23, v13;
	v8 =	vadd.f32 v15, v8  }
0xc6: {  	v18 =	vld [tilespmem:s25+$0x3B60];
	v12 =	vadd.f32 v24, v12;
	v9 =	vadd.f32 v17, v9  }
0xc7: {  	v15 =	vld [tilespmem:s25+$0x3B70];
	[tilespmem:s24+$0xF080] =	vst v4;
	v10 =	vadd.f32 v10, v13;
	v3 =	vadd.f32 v3, v8  }
0xc8: {  	[tilespmem:s24+$0xF090] =	vst v5;
	v4 =	vadd.f32 v11, v12;
	v2 =	vadd.f32 v2, v9  }
0xc9: {  	[tilespmem:s24+$0xF0A0] =	vst v6;
	v5 =	vadd.f32 v14, v10;
	v0 =	vadd.f32 v0, v3  }
0xca: {  	[tilespmem:s24+$0xF0B0] =	vst v7;
	v3 =	vadd.f32 v16, v4;
	v1 =	vadd.f32 v1, v2  }
0xcb: {  	v2 =	vadd.f32 v18, v5;
	[tilespmem:s24+$0xF0C0] =	vst v0  }
0xcc: {  	s31 =	smin.u32 s23, $0x3B;
	v0 =	vadd.f32 v15, v3;
	[tilespmem:s24+$0xF0D0] =	vst v1  }
0xcd: {  	s25 =	sshll.u32 s31, $0x7;
	[tilespmem:s24+$0xF0E0] =	vst v2  }
0xce: {  	s25 =	sadd.s32 $0x200, s25;
	[tilespmem:s24+$0xF0F0] =	vst v0  }
0xcf: {  	[tilespmem:s9], [sflag:$0x1] =	stream.indirect.gather [hbm4b:s1+s8], $0x80, s25, s8, $0xb8;
	[tilespmem:$0x13000] =	vst v63  }
0xd0: {  	_ =	swait.ge [sflag:s16], $0x3200  }
0xd1: {  	[sflag:s16] =	ssyncset.done $0x0  }
0xd2: {  	s25 =	simm.s32 $0x0;
	[sflag:s16] =	ssyncadd.s32 $0xFFFFCE00  }
0xd3: {  	v4 =	vld [tilespmem:s25+$0x5600]  }
0xd4: {  	v5 =	vld [tilespmem:s25+$0x5610]  }
0xd5: {  	v6 =	vld [tilespmem:s25+$0x5620]  }
0xd6: {  	v7 =	vld [tilespmem:s25+$0x5630]  }
0xd7: {  	v0 =	vld [tilespmem:s25+$0x5640]  }
0xd8: {  	v1 =	vld [tilespmem:s25+$0x5650]  }
0xd9: {  	v10 =	vld [tilespmem:s25+$0x5580]  }
0xda: {  	v13 =	vld [tilespmem:s25+$0x5590]  }
0xdb: {  	v9 =	vld [tilespmem:s25+$0x55A0]  }
0xdc: {  	v11 =	vld [tilespmem:s25+$0x55B0]  }
0xdd: {  	v3 =	vld [tilespmem:s25+$0x55C0]  }
0xde: {  	v2 =	vld [tilespmem:s25+$0x55D0]  }
0xdf: {  	v12 =	vld [tilespmem:s25+$0x5500]  }
0xe0: {  	v14 =	vld [tilespmem:s25+$0x5510]  }
0xe1: {  	v16 =	vld [tilespmem:s25+$0x5520]  }
0xe2: {  	v19 =	vld [tilespmem:s25+$0x5480]  }
0xe3: {  	v20 =	vld [tilespmem:s25+$0x5490]  }
0xe4: {  	v17 =	vld [tilespmem:s25+$0x5400]  }
0xe5: {  	v18 =	vld [tilespmem:s25+$0x5410]  }
0xe6: {  	v21 =	vld [tilespmem:s25+$0x5420]  }
0xe7: {  	v22 =	vld [tilespmem:s25+$0x5430]  }
0xe8: {  	v23 =	vld [tilespmem:s25+$0x54A0]  }
0xe9: {  	v24 =	vld [tilespmem:s25+$0x54B0]  }
0xea: {  	v8 =	vimm.f32 $0.0e+00;
	v26 =	vld [tilespmem:s25+$0x5530]  }
0xeb: {  	v15 =	vld [tilespmem:s25+$0x5540];
	v25 =	vadd.f32 v17, v8;
	v27 =	vadd.f32 v18, v8  }
0xec: {  	v17 =	vld [tilespmem:s25+$0x5550];
	v21 =	vadd.f32 v21, v8;
	v22 =	vadd.f32 v22, v8  }
0xed: {  	v18 =	vld [tilespmem:s25+$0x54C0];
	v25 =	vadd.f32 v19, v25;
	v27 =	vadd.f32 v20, v27  }
0xee: {  	v19 =	vld [tilespmem:s25+$0x54D0];
	v28 =	vadd.f32 v23, v21;
	v22 =	vadd.f32 v24, v22  }
0xef: {  	v20 =	vld [tilespmem:s25+$0x5440];
	v23 =	vadd.f32 v12, v25;
	v24 =	vadd.f32 v14, v27  }
0xf0: {  	v21 =	vld [tilespmem:s25+$0x5450];
	v25 =	vadd.f32 v16, v28;
	v26 =	vadd.f32 v26, v22  }
0xf1: {  	s26 =	simm.s32 $0xA00;
	v22 =	vld [tilespmem:s25+$0x5460];
	v16 =	vimm.f32 $0.0e+00;
	v14 =	vimm.f32 $0.0e+00;
	v12 =	vimm.f32 $0.0e+00  }
.LBB2_7:
0xf2: {  	p0 =	sne.s32 s26, $0x5A00;
	v27 =	vld [tilespmem:s25+$0x5470];
	v10 =	vadd.f32 v10, v23;
	v13 =	vadd.f32 v13, v24  }
0xf3: {  	v23 =	vld [tilespmem:s25+$0x54E0];
	v9 =	vadd.f32 v9, v25;
	v11 =	vadd.f32 v11, v26  }
0xf4: {  	v24 =	vld [tilespmem:s25+$0x54F0];
	v25 =	vadd.f32 v4, v10;
	v26 =	vadd.f32 v5, v13  }
0xf5: {  	v5 =	vld [tilespmem:s25+$0x5560];
	v28 =	vadd.f32 v6, v9;
	v29 =	vadd.f32 v7, v11  }
0xf6: {  	v4 =	vadd.f32 v20, v8;
	v6 =	vadd.f32 v21, v16;
	v7 =	vld [tilespmem:s25+$0x5570]  }
0xf7: {  	v8 =	vadd.f32 v22, v14;
	v9 =	vadd.f32 v27, v12;
	v10 =	vld [tilespmem:s25+$0x55E0]  }
0xf8: {  	v4 =	vadd.f32 v18, v4;
	v6 =	vadd.f32 v19, v6;
	v11 =	vld [tilespmem:s25+$0x55F0]  }
0xf9: {  	v8 =	vadd.f32 v23, v8;
	v9 =	vadd.f32 v24, v9;
	v12 =	vld [tilespmem:s25+$0x5660]  }
0xfa: {  	v13 =	vadd.f32 v15, v4;
	v6 =	vadd.f32 v17, v6;
	v15 =	vld [tilespmem:s25+$0x5670];
	s25 =	sshra.s32 s26, $0x2  }
0xfb: {  	v8 =	vadd.f32 v5, v8;
	v4 =	vld [tilespmem:s25+$0x5600];
	v7 =	vadd.f32 v7, v9  }
0xfc: {  	v3 =	vadd.f32 v3, v13;
	v2 =	vadd.f32 v2, v6;
	v5 =	vld [tilespmem:s25+$0x5610]  }
0xfd: {  	v9 =	vadd.f32 v10, v8;
	v6 =	vld [tilespmem:s25+$0x5620];
	v10 =	vadd.f32 v11, v7  }
0xfe: {  	v8 =	vadd.f32 v0, v3;
	v16 =	vadd.f32 v1, v2;
	v7 =	vld [tilespmem:s25+$0x5630]  }
0xff: {  	v14 =	vadd.f32 v12, v9;
	v0 =	vld [tilespmem:s25+$0x5640];
	v12 =	vadd.f32 v15, v10  }
0x100: {  	v1 =	vld [tilespmem:s25+$0x5650]  }
0x101: {  	v10 =	vld [tilespmem:s25+$0x5580]  }
0x102: {  	v13 =	vld [tilespmem:s25+$0x5590]  }
0x103: {  	v9 =	vld [tilespmem:s25+$0x55A0]  }
0x104: {  	v11 =	vld [tilespmem:s25+$0x55B0]  }
0x105: {  	v3 =	vld [tilespmem:s25+$0x55C0]  }
0x106: {  	v2 =	vld [tilespmem:s25+$0x55D0]  }
0x107: {  	v22 =	vld [tilespmem:s25+$0x5500]  }
0x108: {  	v24 =	vld [tilespmem:s25+$0x5510]  }
0x109: {  	v27 =	vld [tilespmem:s25+$0x5520]  }
0x10a: {  	v30 =	vld [tilespmem:s25+$0x5530]  }
0x10b: {  	v19 =	vld [tilespmem:s25+$0x5480]  }
0x10c: {  	v20 =	vld [tilespmem:s25+$0x5490]  }
0x10d: {  	v17 =	vld [tilespmem:s25+$0x5400]  }
0x10e: {  	v18 =	vld [tilespmem:s25+$0x5410]  }
0x10f: {  	v21 =	vld [tilespmem:s25+$0x5420]  }
0x110: {  	v23 =	vld [tilespmem:s25+$0x5430]  }
0x111: {  	v31 =	vld [tilespmem:s25+$0x54A0]  }
0x112: {  	v32 =	vld [tilespmem:s25+$0x54B0]  }
0x113: {  	v15 =	vld [tilespmem:s25+$0x5540]  }
0x114: {  	v25 =	vadd.f32 v17, v25;
	v26 =	vadd.f32 v18, v26;
	v17 =	vld [tilespmem:s25+$0x5550]  }
.Ltmp2:
0x115: {  	v21 =	vadd.f32 v21, v28;
	v23 =	vadd.f32 v23, v29;
	v18 =	vld [tilespmem:s25+$0x54C0];
	(pc) =	sbr.rel @p0 .LBB2_7-.Ltmp2, $4  }
0x116: {  	v25 =	vadd.f32 v19, v25;
	v26 =	vadd.f32 v20, v26;
	v19 =	vld [tilespmem:s25+$0x54D0]  }
0x117: {  	v28 =	vadd.f32 v31, v21;
	v20 =	vld [tilespmem:s25+$0x5440];
	v29 =	vadd.f32 v32, v23  }
0x118: {  	v23 =	vadd.f32 v22, v25;
	v24 =	vadd.f32 v24, v26;
	v21 =	vld [tilespmem:s25+$0x5450]  }
0x119: {  	s26 =	sadd.s32 $0xA00, s26;
	v25 =	vadd.f32 v27, v28;
	v22 =	vld [tilespmem:s25+$0x5460];
	v26 =	vadd.f32 v30, v29  }
0x11a: {  	v10 =	vadd.f32 v10, v23;
	v13 =	vadd.f32 v13, v24  }
0x11b: {  	v27 =	vld [tilespmem:s25+$0x5470];
	v9 =	vadd.f32 v9, v25;
	v11 =	vadd.f32 v11, v26  }
0x11c: {  	v23 =	vld [tilespmem:s25+$0x54E0];
	v4 =	vadd.f32 v4, v10;
	v5 =	vadd.f32 v5, v13  }
0x11d: {  	v24 =	vld [tilespmem:s25+$0x54F0];
	v8 =	vadd.f32 v20, v8;
	v6 =	vadd.f32 v6, v9  }
0x11e: {  	v10 =	vld [tilespmem:s25+$0x5560];
	v7 =	vadd.f32 v7, v11;
	v9 =	vadd.f32 v21, v16  }
0x11f: {  	v11 =	vld [tilespmem:s25+$0x5570];
	v13 =	vadd.f32 v22, v14;
	v8 =	vadd.f32 v18, v8  }
0x120: {  	v14 =	vld [tilespmem:s25+$0x55E0];
	v12 =	vadd.f32 v27, v12;
	v9 =	vadd.f32 v19, v9  }
0x121: {  	v16 =	vld [tilespmem:s25+$0x55F0];
	v13 =	vadd.f32 v23, v13;
	v8 =	vadd.f32 v15, v8  }
0x122: {  	v18 =	vld [tilespmem:s25+$0x5660];
	v12 =	vadd.f32 v24, v12;
	v9 =	vadd.f32 v17, v9  }
0x123: {  	v15 =	vld [tilespmem:s25+$0x5670];
	[tilespmem:s24+$0xF100] =	vst v4;
	v10 =	vadd.f32 v10, v13;
	v3 =	vadd.f32 v3, v8  }
0x124: {  	[tilespmem:s24+$0xF110] =	vst v5;
	v4 =	vadd.f32 v11, v12;
	v2 =	vadd.f32 v2, v9  }
0x125: {  	[tilespmem:s24+$0xF120] =	vst v6;
	v5 =	vadd.f32 v14, v10;
	v0 =	vadd.f32 v0, v3  }
0x126: {  	[tilespmem:s24+$0xF130] =	vst v7;
	v3 =	vadd.f32 v16, v4;
	v1 =	vadd.f32 v1, v2  }
0x127: {  	v2 =	vadd.f32 v18, v5;
	[tilespmem:s24+$0xF140] =	vst v0  }
0x128: {  	v0 =	vadd.f32 v15, v3;
	[tilespmem:s24+$0xF150] =	vst v1  }
0x129: {  	[tilespmem:s24+$0xF160] =	vst v2  }
0x12a: {  	s25 =	simm.s32 $0x0;
	[tilespmem:s24+$0xF170] =	vst v0  }
0x12b: {  	v4 =	vld [tilespmem:s25+$0x6F00]  }
0x12c: {  	v5 =	vld [tilespmem:s25+$0x6F10]  }
0x12d: {  	v6 =	vld [tilespmem:s25+$0x6F20]  }
0x12e: {  	v7 =	vld [tilespmem:s25+$0x6F30]  }
0x12f: {  	v0 =	vld [tilespmem:s25+$0x6F40]  }
0x130: {  	v1 =	vld [tilespmem:s25+$0x6F50]  }
0x131: {  	v10 =	vld [tilespmem:s25+$0x6E80]  }
0x132: {  	v13 =	vld [tilespmem:s25+$0x6E90]  }
0x133: {  	v9 =	vld [tilespmem:s25+$0x6EA0]  }
0x134: {  	v11 =	vld [tilespmem:s25+$0x6EB0]  }
0x135: {  	v3 =	vld [tilespmem:s25+$0x6EC0]  }
0x136: {  	v2 =	vld [tilespmem:s25+$0x6ED0]  }
0x137: {  	v12 =	vld [tilespmem:s25+$0x6E00]  }
0x138: {  	v14 =	vld [tilespmem:s25+$0x6E10]  }
0x139: {  	v16 =	vld [tilespmem:s25+$0x6E20]  }
0x13a: {  	v19 =	vld [tilespmem:s25+$0x6D80]  }
0x13b: {  	v20 =	vld [tilespmem:s25+$0x6D90]  }
0x13c: {  	v17 =	vld [tilespmem:s25+$0x6D00]  }
0x13d: {  	v18 =	vld [tilespmem:s25+$0x6D10]  }
0x13e: {  	v21 =	vld [tilespmem:s25+$0x6D20]  }
0x13f: {  	v22 =	vld [tilespmem:s25+$0x6D30]  }
0x140: {  	v23 =	vld [tilespmem:s25+$0x6DA0]  }
0x141: {  	v24 =	vld [tilespmem:s25+$0x6DB0]  }
0x142: {  	v8 =	vimm.f32 $0.0e+00;
	v26 =	vld [tilespmem:s25+$0x6E30]  }
0x143: {  	v15 =	vld [tilespmem:s25+$0x6E40];
	v25 =	vadd.f32 v17, v8;
	v27 =	vadd.f32 v18, v8  }
0x144: {  	v17 =	vld [tilespmem:s25+$0x6E50];
	v21 =	vadd.f32 v21, v8;
	v22 =	vadd.f32 v22, v8  }
0x145: {  	v18 =	vld [tilespmem:s25+$0x6DC0];
	v25 =	vadd.f32 v19, v25;
	v27 =	vadd.f32 v20, v27  }
0x146: {  	v19 =	vld [tilespmem:s25+$0x6DD0];
	v28 =	vadd.f32 v23, v21;
	v22 =	vadd.f32 v24, v22  }
0x147: {  	v20 =	vld [tilespmem:s25+$0x6D40];
	v23 =	vadd.f32 v12, v25;
	v24 =	vadd.f32 v14, v27  }
0x148: {  	v21 =	vld [tilespmem:s25+$0x6D50];
	v25 =	vadd.f32 v16, v28;
	v26 =	vadd.f32 v26, v22  }
0x149: {  	s26 =	simm.s32 $0xA00;
	v22 =	vld [tilespmem:s25+$0x6D60];
	v16 =	vimm.f32 $0.0e+00;
	v14 =	vimm.f32 $0.0e+00;
	v12 =	vimm.f32 $0.0e+00  }
.LBB2_9:
0x14a: {  	p0 =	sne.s32 s26, $0x5A00;
	v27 =	vld [tilespmem:s25+$0x6D70];
	v10 =	vadd.f32 v10, v23;
	v13 =	vadd.f32 v13, v24  }
0x14b: {  	v23 =	vld [tilespmem:s25+$0x6DE0];
	v9 =	vadd.f32 v9, v25;
	v11 =	vadd.f32 v11, v26  }
0x14c: {  	v24 =	vld [tilespmem:s25+$0x6DF0];
	v25 =	vadd.f32 v4, v10;
	v26 =	vadd.f32 v5, v13  }
0x14d: {  	v5 =	vld [tilespmem:s25+$0x6E60];
	v28 =	vadd.f32 v6, v9;
	v29 =	vadd.f32 v7, v11  }
0x14e: {  	v4 =	vadd.f32 v20, v8;
	v6 =	vadd.f32 v21, v16;
	v7 =	vld [tilespmem:s25+$0x6E70]  }
0x14f: {  	v8 =	vadd.f32 v22, v14;
	v9 =	vadd.f32 v27, v12;
	v10 =	vld [tilespmem:s25+$0x6EE0]  }
0x150: {  	v4 =	vadd.f32 v18, v4;
	v6 =	vadd.f32 v19, v6;
	v11 =	vld [tilespmem:s25+$0x6EF0]  }
0x151: {  	v8 =	vadd.f32 v23, v8;
	v9 =	vadd.f32 v24, v9;
	v12 =	vld [tilespmem:s25+$0x6F60]  }
0x152: {  	v13 =	vadd.f32 v15, v4;
	v6 =	vadd.f32 v17, v6;
	v15 =	vld [tilespmem:s25+$0x6F70];
	s25 =	sshra.s32 s26, $0x2  }
0x153: {  	v8 =	vadd.f32 v5, v8;
	v4 =	vld [tilespmem:s25+$0x6F00];
	v7 =	vadd.f32 v7, v9  }
0x154: {  	v3 =	vadd.f32 v3, v13;
	v2 =	vadd.f32 v2, v6;
	v5 =	vld [tilespmem:s25+$0x6F10]  }
0x155: {  	v9 =	vadd.f32 v10, v8;
	v6 =	vld [tilespmem:s25+$0x6F20];
	v10 =	vadd.f32 v11, v7  }
0x156: {  	v8 =	vadd.f32 v0, v3;
	v16 =	vadd.f32 v1, v2;
	v7 =	vld [tilespmem:s25+$0x6F30]  }
0x157: {  	v14 =	vadd.f32 v12, v9;
	v0 =	vld [tilespmem:s25+$0x6F40];
	v12 =	vadd.f32 v15, v10  }
0x158: {  	v1 =	vld [tilespmem:s25+$0x6F50]  }
0x159: {  	v10 =	vld [tilespmem:s25+$0x6E80]  }
0x15a: {  	v13 =	vld [tilespmem:s25+$0x6E90]  }
0x15b: {  	v9 =	vld [tilespmem:s25+$0x6EA0]  }
0x15c: {  	v11 =	vld [tilespmem:s25+$0x6EB0]  }
0x15d: {  	v3 =	vld [tilespmem:s25+$0x6EC0]  }
0x15e: {  	v2 =	vld [tilespmem:s25+$0x6ED0]  }
0x15f: {  	v22 =	vld [tilespmem:s25+$0x6E00]  }
0x160: {  	v24 =	vld [tilespmem:s25+$0x6E10]  }
0x161: {  	v27 =	vld [tilespmem:s25+$0x6E20]  }
0x162: {  	v30 =	vld [tilespmem:s25+$0x6E30]  }
0x163: {  	v19 =	vld [tilespmem:s25+$0x6D80]  }
0x164: {  	v20 =	vld [tilespmem:s25+$0x6D90]  }
0x165: {  	v17 =	vld [tilespmem:s25+$0x6D00]  }
0x166: {  	v18 =	vld [tilespmem:s25+$0x6D10]  }
0x167: {  	v21 =	vld [tilespmem:s25+$0x6D20]  }
0x168: {  	v23 =	vld [tilespmem:s25+$0x6D30]  }
0x169: {  	v31 =	vld [tilespmem:s25+$0x6DA0]  }
0x16a: {  	v32 =	vld [tilespmem:s25+$0x6DB0]  }
0x16b: {  	v15 =	vld [tilespmem:s25+$0x6E40]  }
0x16c: {  	v25 =	vadd.f32 v17, v25;
	v26 =	vadd.f32 v18, v26;
	v17 =	vld [tilespmem:s25+$0x6E50]  }
.Ltmp3:
0x16d: {  	v21 =	vadd.f32 v21, v28;
	v23 =	vadd.f32 v23, v29;
	v18 =	vld [tilespmem:s25+$0x6DC0];
	(pc) =	sbr.rel @p0 .LBB2_9-.Ltmp3, $4  }
0x16e: {  	v25 =	vadd.f32 v19, v25;
	v26 =	vadd.f32 v20, v26;
	v19 =	vld [tilespmem:s25+$0x6DD0]  }
0x16f: {  	v28 =	vadd.f32 v31, v21;
	v20 =	vld [tilespmem:s25+$0x6D40];
	v29 =	vadd.f32 v32, v23  }
0x170: {  	v23 =	vadd.f32 v22, v25;
	v24 =	vadd.f32 v24, v26;
	v21 =	vld [tilespmem:s25+$0x6D50]  }
0x171: {  	s26 =	sadd.s32 $0xA00, s26;
	v25 =	vadd.f32 v27, v28;
	v22 =	vld [tilespmem:s25+$0x6D60];
	v26 =	vadd.f32 v30, v29  }
0x172: {  	v10 =	vadd.f32 v10, v23;
	v13 =	vadd.f32 v13, v24  }
0x173: {  	v27 =	vld [tilespmem:s25+$0x6D70];
	v9 =	vadd.f32 v9, v25;
	v11 =	vadd.f32 v11, v26  }
0x174: {  	v23 =	vld [tilespmem:s25+$0x6DE0];
	v4 =	vadd.f32 v4, v10;
	v5 =	vadd.f32 v5, v13  }
0x175: {  	v24 =	vld [tilespmem:s25+$0x6DF0];
	v8 =	vadd.f32 v20, v8;
	v6 =	vadd.f32 v6, v9  }
0x176: {  	v10 =	vld [tilespmem:s25+$0x6E60];
	v7 =	vadd.f32 v7, v11;
	v9 =	vadd.f32 v21, v16  }
0x177: {  	v11 =	vld [tilespmem:s25+$0x6E70];
	v13 =	vadd.f32 v22, v14;
	v8 =	vadd.f32 v18, v8  }
0x178: {  	v14 =	vld [tilespmem:s25+$0x6EE0];
	v12 =	vadd.f32 v27, v12;
	v9 =	vadd.f32 v19, v9  }
0x179: {  	v16 =	vld [tilespmem:s25+$0x6EF0];
	v13 =	vadd.f32 v23, v13;
	v8 =	vadd.f32 v15, v8  }
0x17a: {  	v18 =	vld [tilespmem:s25+$0x6F60];
	v12 =	vadd.f32 v24, v12;
	v9 =	vadd.f32 v17, v9  }
0x17b: {  	v15 =	vld [tilespmem:s25+$0x6F70];
	[tilespmem:s24+$0xF180] =	vst v4;
	v10 =	vadd.f32 v10, v13;
	v3 =	vadd.f32 v3, v8  }
0x17c: {  	[tilespmem:s24+$0xF190] =	vst v5;
	v4 =	vadd.f32 v11, v12;
	v2 =	vadd.f32 v2, v9  }
0x17d: {  	[tilespmem:s24+$0xF1A0] =	vst v6;
	v5 =	vadd.f32 v14, v10;
	v0 =	vadd.f32 v0, v3  }
0x17e: {  	[tilespmem:s24+$0xF1B0] =	vst v7;
	v3 =	vadd.f32 v16, v4;
	v1 =	vadd.f32 v1, v2  }
0x17f: {  	v2 =	vadd.f32 v18, v5;
	[tilespmem:s24+$0xF1C0] =	vst v0  }
0x180: {  	s31 =	smin.u32 s23, $0x3A;
	v0 =	vadd.f32 v15, v3;
	[tilespmem:s24+$0xF1D0] =	vst v1  }
0x181: {  	s25 =	sshll.u32 s31, $0x7;
	[tilespmem:s24+$0xF1E0] =	vst v2  }
0x182: {  	s25 =	sadd.s32 $0x280, s25;
	[tilespmem:s24+$0xF1F0] =	vst v0  }
0x183: {  	[tilespmem:s11], [sflag:$0x2] =	stream.indirect.gather [hbm4b:s1+s8], $0x80, s25, s8, $0xb8;
	[tilespmem:$0x13000] =	vst v63  }
0x184: {  	_ =	swait.ge [sflag:s17], $0x3200  }
0x185: {  	[sflag:s17] =	ssyncset.done $0x0  }
0x186: {  	s25 =	simm.s32 $0x0;
	[sflag:s17] =	ssyncadd.s32 $0xFFFFCE00  }
0x187: {  	v4 =	vld [tilespmem:s25+$0x8A00]  }
0x188: {  	v5 =	vld [tilespmem:s25+$0x8A10]  }
0x189: {  	v6 =	vld [tilespmem:s25+$0x8A20]  }
0x18a: {  	v7 =	vld [tilespmem:s25+$0x8A30]  }
0x18b: {  	v0 =	vld [tilespmem:s25+$0x8A40]  }
0x18c: {  	v1 =	vld [tilespmem:s25+$0x8A50]  }
0x18d: {  	v10 =	vld [tilespmem:s25+$0x8980]  }
0x18e: {  	v13 =	vld [tilespmem:s25+$0x8990]  }
0x18f: {  	v9 =	vld [tilespmem:s25+$0x89A0]  }
0x190: {  	v11 =	vld [tilespmem:s25+$0x89B0]  }
0x191: {  	v3 =	vld [tilespmem:s25+$0x89C0]  }
0x192: {  	v2 =	vld [tilespmem:s25+$0x89D0]  }
0x193: {  	v12 =	vld [tilespmem:s25+$0x8900]  }
0x194: {  	v14 =	vld [tilespmem:s25+$0x8910]  }
0x195: {  	v16 =	vld [tilespmem:s25+$0x8920]  }
0x196: {  	v19 =	vld [tilespmem:s25+$0x8880]  }
0x197: {  	v20 =	vld [tilespmem:s25+$0x8890]  }
0x198: {  	v17 =	vld [tilespmem:s25+$0x8800]  }
0x199: {  	v18 =	vld [tilespmem:s25+$0x8810]  }
0x19a: {  	v21 =	vld [tilespmem:s25+$0x8820]  }
0x19b: {  	v22 =	vld [tilespmem:s25+$0x8830]  }
0x19c: {  	v23 =	vld [tilespmem:s25+$0x88A0]  }
0x19d: {  	v24 =	vld [tilespmem:s25+$0x88B0]  }
0x19e: {  	v8 =	vimm.f32 $0.0e+00;
	v26 =	vld [tilespmem:s25+$0x8930]  }
0x19f: {  	v15 =	vld [tilespmem:s25+$0x8940];
	v25 =	vadd.f32 v17, v8;
	v27 =	vadd.f32 v18, v8  }
0x1a0: {  	v17 =	vld [tilespmem:s25+$0x8950];
	v21 =	vadd.f32 v21, v8;
	v22 =	vadd.f32 v22, v8  }
0x1a1: {  	v18 =	vld [tilespmem:s25+$0x88C0];
	v25 =	vadd.f32 v19, v25;
	v27 =	vadd.f32 v20, v27  }
0x1a2: {  	v19 =	vld [tilespmem:s25+$0x88D0];
	v28 =	vadd.f32 v23, v21;
	v22 =	vadd.f32 v24, v22  }
0x1a3: {  	v20 =	vld [tilespmem:s25+$0x8840];
	v23 =	vadd.f32 v12, v25;
	v24 =	vadd.f32 v14, v27  }
0x1a4: {  	v21 =	vld [tilespmem:s25+$0x8850];
	v25 =	vadd.f32 v16, v28;
	v26 =	vadd.f32 v26, v22  }
0x1a5: {  	s26 =	simm.s32 $0xA00;
	v22 =	vld [tilespmem:s25+$0x8860];
	v16 =	vimm.f32 $0.0e+00;
	v14 =	vimm.f32 $0.0e+00;
	v12 =	vimm.f32 $0.0e+00  }
.LBB2_11:
0x1a6: {  	p0 =	sne.s32 s26, $0x5A00;
	v27 =	vld [tilespmem:s25+$0x8870];
	v10 =	vadd.f32 v10, v23;
	v13 =	vadd.f32 v13, v24  }
0x1a7: {  	v23 =	vld [tilespmem:s25+$0x88E0];
	v9 =	vadd.f32 v9, v25;
	v11 =	vadd.f32 v11, v26  }
0x1a8: {  	v24 =	vld [tilespmem:s25+$0x88F0];
	v25 =	vadd.f32 v4, v10;
	v26 =	vadd.f32 v5, v13  }
0x1a9: {  	v5 =	vld [tilespmem:s25+$0x8960];
	v28 =	vadd.f32 v6, v9;
	v29 =	vadd.f32 v7, v11  }
0x1aa: {  	v4 =	vadd.f32 v20, v8;
	v6 =	vadd.f32 v21, v16;
	v7 =	vld [tilespmem:s25+$0x8970]  }
0x1ab: {  	v8 =	vadd.f32 v22, v14;
	v9 =	vadd.f32 v27, v12;
	v10 =	vld [tilespmem:s25+$0x89E0]  }
0x1ac: {  	v4 =	vadd.f32 v18, v4;
	v6 =	vadd.f32 v19, v6;
	v11 =	vld [tilespmem:s25+$0x89F0]  }
0x1ad: {  	v8 =	vadd.f32 v23, v8;
	v9 =	vadd.f32 v24, v9;
	v12 =	vld [tilespmem:s25+$0x8A60]  }
0x1ae: {  	v13 =	vadd.f32 v15, v4;
	v6 =	vadd.f32 v17, v6;
	v15 =	vld [tilespmem:s25+$0x8A70];
	s25 =	sshra.s32 s26, $0x2  }
0x1af: {  	v8 =	vadd.f32 v5, v8;
	v4 =	vld [tilespmem:s25+$0x8A00];
	v7 =	vadd.f32 v7, v9  }
0x1b0: {  	v3 =	vadd.f32 v3, v13;
	v2 =	vadd.f32 v2, v6;
	v5 =	vld [tilespmem:s25+$0x8A10]  }
0x1b1: {  	v9 =	vadd.f32 v10, v8;
	v6 =	vld [tilespmem:s25+$0x8A20];
	v10 =	vadd.f32 v11, v7  }
0x1b2: {  	v8 =	vadd.f32 v0, v3;
	v16 =	vadd.f32 v1, v2;
	v7 =	vld [tilespmem:s25+$0x8A30]  }
0x1b3: {  	v14 =	vadd.f32 v12, v9;
	v0 =	vld [tilespmem:s25+$0x8A40];
	v12 =	vadd.f32 v15, v10  }
0x1b4: {  	v1 =	vld [tilespmem:s25+$0x8A50]  }
0x1b5: {  	v10 =	vld [tilespmem:s25+$0x8980]  }
0x1b6: {  	v13 =	vld [tilespmem:s25+$0x8990]  }
0x1b7: {  	v9 =	vld [tilespmem:s25+$0x89A0]  }
0x1b8: {  	v11 =	vld [tilespmem:s25+$0x89B0]  }
0x1b9: {  	v3 =	vld [tilespmem:s25+$0x89C0]  }
0x1ba: {  	v2 =	vld [tilespmem:s25+$0x89D0]  }
0x1bb: {  	v22 =	vld [tilespmem:s25+$0x8900]  }
0x1bc: {  	v24 =	vld [tilespmem:s25+$0x8910]  }
0x1bd: {  	v27 =	vld [tilespmem:s25+$0x8920]  }
0x1be: {  	v30 =	vld [tilespmem:s25+$0x8930]  }
0x1bf: {  	v19 =	vld [tilespmem:s25+$0x8880]  }
0x1c0: {  	v20 =	vld [tilespmem:s25+$0x8890]  }
0x1c1: {  	v17 =	vld [tilespmem:s25+$0x8800]  }
0x1c2: {  	v18 =	vld [tilespmem:s25+$0x8810]  }
0x1c3: {  	v21 =	vld [tilespmem:s25+$0x8820]  }
0x1c4: {  	v23 =	vld [tilespmem:s25+$0x8830]  }
0x1c5: {  	v31 =	vld [tilespmem:s25+$0x88A0]  }
0x1c6: {  	v32 =	vld [tilespmem:s25+$0x88B0]  }
0x1c7: {  	v15 =	vld [tilespmem:s25+$0x8940]  }
0x1c8: {  	v25 =	vadd.f32 v17, v25;
	v26 =	vadd.f32 v18, v26;
	v17 =	vld [tilespmem:s25+$0x8950]  }
.Ltmp4:
0x1c9: {  	v21 =	vadd.f32 v21, v28;
	v23 =	vadd.f32 v23, v29;
	v18 =	vld [tilespmem:s25+$0x88C0];
	(pc) =	sbr.rel @p0 .LBB2_11-.Ltmp4, $4  }
0x1ca: {  	v25 =	vadd.f32 v19, v25;
	v26 =	vadd.f32 v20, v26;
	v19 =	vld [tilespmem:s25+$0x88D0]  }
0x1cb: {  	v28 =	vadd.f32 v31, v21;
	v20 =	vld [tilespmem:s25+$0x8840];
	v29 =	vadd.f32 v32, v23  }
0x1cc: {  	v23 =	vadd.f32 v22, v25;
	v24 =	vadd.f32 v24, v26;
	v21 =	vld [tilespmem:s25+$0x8850]  }
0x1cd: {  	s26 =	sadd.s32 $0xA00, s26;
	v25 =	vadd.f32 v27, v28;
	v22 =	vld [tilespmem:s25+$0x8860];
	v26 =	vadd.f32 v30, v29  }
0x1ce: {  	v10 =	vadd.f32 v10, v23;
	v13 =	vadd.f32 v13, v24  }
0x1cf: {  	v27 =	vld [tilespmem:s25+$0x8870];
	v9 =	vadd.f32 v9, v25;
	v11 =	vadd.f32 v11, v26  }
0x1d0: {  	v23 =	vld [tilespmem:s25+$0x88E0];
	v4 =	vadd.f32 v4, v10;
	v5 =	vadd.f32 v5, v13  }
0x1d1: {  	v24 =	vld [tilespmem:s25+$0x88F0];
	v8 =	vadd.f32 v20, v8;
	v6 =	vadd.f32 v6, v9  }
0x1d2: {  	v10 =	vld [tilespmem:s25+$0x8960];
	v7 =	vadd.f32 v7, v11;
	v9 =	vadd.f32 v21, v16  }
0x1d3: {  	v11 =	vld [tilespmem:s25+$0x8970];
	v13 =	vadd.f32 v22, v14;
	v8 =	vadd.f32 v18, v8  }
0x1d4: {  	v14 =	vld [tilespmem:s25+$0x89E0];
	v12 =	vadd.f32 v27, v12;
	v9 =	vadd.f32 v19, v9  }
0x1d5: {  	v16 =	vld [tilespmem:s25+$0x89F0];
	v13 =	vadd.f32 v23, v13;
	v8 =	vadd.f32 v15, v8  }
0x1d6: {  	v18 =	vld [tilespmem:s25+$0x8A60];
	v12 =	vadd.f32 v24, v12;
	v9 =	vadd.f32 v17, v9  }
0x1d7: {  	v15 =	vld [tilespmem:s25+$0x8A70];
	[tilespmem:s24+$0xF200] =	vst v4;
	v10 =	vadd.f32 v10, v13;
	v3 =	vadd.f32 v3, v8  }
0x1d8: {  	[tilespmem:s24+$0xF210] =	vst v5;
	v4 =	vadd.f32 v11, v12;
	v2 =	vadd.f32 v2, v9  }
0x1d9: {  	[tilespmem:s24+$0xF220] =	vst v6;
	v5 =	vadd.f32 v14, v10;
	v0 =	vadd.f32 v0, v3  }
0x1da: {  	[tilespmem:s24+$0xF230] =	vst v7;
	v3 =	vadd.f32 v16, v4;
	v1 =	vadd.f32 v1, v2  }
0x1db: {  	v2 =	vadd.f32 v18, v5;
	[tilespmem:s24+$0xF240] =	vst v0  }
0x1dc: {  	v0 =	vadd.f32 v15, v3;
	[tilespmem:s24+$0xF250] =	vst v1  }
0x1dd: {  	[tilespmem:s24+$0xF260] =	vst v2  }
0x1de: {  	s25 =	simm.s32 $0x0;
	[tilespmem:s24+$0xF270] =	vst v0  }
0x1df: {  	v4 =	vld [tilespmem:s25+$0xA300]  }
0x1e0: {  	v5 =	vld [tilespmem:s25+$0xA310]  }
0x1e1: {  	v6 =	vld [tilespmem:s25+$0xA320]  }
0x1e2: {  	v7 =	vld [tilespmem:s25+$0xA330]  }
0x1e3: {  	v0 =	vld [tilespmem:s25+$0xA340]  }
0x1e4: {  	v1 =	vld [tilespmem:s25+$0xA350]  }
0x1e5: {  	v10 =	vld [tilespmem:s25+$0xA280]  }
0x1e6: {  	v13 =	vld [tilespmem:s25+$0xA290]  }
0x1e7: {  	v9 =	vld [tilespmem:s25+$0xA2A0]  }
0x1e8: {  	v11 =	vld [tilespmem:s25+$0xA2B0]  }
0x1e9: {  	v3 =	vld [tilespmem:s25+$0xA2C0]  }
0x1ea: {  	v2 =	vld [tilespmem:s25+$0xA2D0]  }
0x1eb: {  	v12 =	vld [tilespmem:s25+$0xA200]  }
0x1ec: {  	v14 =	vld [tilespmem:s25+$0xA210]  }
0x1ed: {  	v16 =	vld [tilespmem:s25+$0xA220]  }
0x1ee: {  	v19 =	vld [tilespmem:s25+$0xA180]  }
0x1ef: {  	v20 =	vld [tilespmem:s25+$0xA190]  }
0x1f0: {  	v17 =	vld [tilespmem:s25+$0xA100]  }
0x1f1: {  	v18 =	vld [tilespmem:s25+$0xA110]  }
0x1f2: {  	v21 =	vld [tilespmem:s25+$0xA120]  }
0x1f3: {  	v22 =	vld [tilespmem:s25+$0xA130]  }
0x1f4: {  	v23 =	vld [tilespmem:s25+$0xA1A0]  }
0x1f5: {  	v24 =	vld [tilespmem:s25+$0xA1B0]  }
0x1f6: {  	v8 =	vimm.f32 $0.0e+00;
	v26 =	vld [tilespmem:s25+$0xA230]  }
0x1f7: {  	v15 =	vld [tilespmem:s25+$0xA240];
	v25 =	vadd.f32 v17, v8;
	v27 =	vadd.f32 v18, v8  }
0x1f8: {  	v17 =	vld [tilespmem:s25+$0xA250];
	v21 =	vadd.f32 v21, v8;
	v22 =	vadd.f32 v22, v8  }
0x1f9: {  	v18 =	vld [tilespmem:s25+$0xA1C0];
	v25 =	vadd.f32 v19, v25;
	v27 =	vadd.f32 v20, v27  }
0x1fa: {  	v19 =	vld [tilespmem:s25+$0xA1D0];
	v28 =	vadd.f32 v23, v21;
	v22 =	vadd.f32 v24, v22  }
0x1fb: {  	v20 =	vld [tilespmem:s25+$0xA140];
	v23 =	vadd.f32 v12, v25;
	v24 =	vadd.f32 v14, v27  }
0x1fc: {  	v21 =	vld [tilespmem:s25+$0xA150];
	v25 =	vadd.f32 v16, v28;
	v26 =	vadd.f32 v26, v22  }
0x1fd: {  	s26 =	simm.s32 $0xA00;
	v22 =	vld [tilespmem:s25+$0xA160];
	v16 =	vimm.f32 $0.0e+00;
	v14 =	vimm.f32 $0.0e+00;
	v12 =	vimm.f32 $0.0e+00  }
.LBB2_13:
0x1fe: {  	p0 =	sne.s32 s26, $0x5A00;
	v27 =	vld [tilespmem:s25+$0xA170];
	v10 =	vadd.f32 v10, v23;
	v13 =	vadd.f32 v13, v24  }
0x1ff: {  	v23 =	vld [tilespmem:s25+$0xA1E0];
	v9 =	vadd.f32 v9, v25;
	v11 =	vadd.f32 v11, v26  }
0x200: {  	v24 =	vld [tilespmem:s25+$0xA1F0];
	v25 =	vadd.f32 v4, v10;
	v26 =	vadd.f32 v5, v13  }
0x201: {  	v5 =	vld [tilespmem:s25+$0xA260];
	v28 =	vadd.f32 v6, v9;
	v29 =	vadd.f32 v7, v11  }
0x202: {  	v4 =	vadd.f32 v20, v8;
	v6 =	vadd.f32 v21, v16;
	v7 =	vld [tilespmem:s25+$0xA270]  }
0x203: {  	v8 =	vadd.f32 v22, v14;
	v9 =	vadd.f32 v27, v12;
	v10 =	vld [tilespmem:s25+$0xA2E0]  }
0x204: {  	v4 =	vadd.f32 v18, v4;
	v6 =	vadd.f32 v19, v6;
	v11 =	vld [tilespmem:s25+$0xA2F0]  }
0x205: {  	v8 =	vadd.f32 v23, v8;
	v9 =	vadd.f32 v24, v9;
	v12 =	vld [tilespmem:s25+$0xA360]  }
0x206: {  	v13 =	vadd.f32 v15, v4;
	v6 =	vadd.f32 v17, v6;
	v15 =	vld [tilespmem:s25+$0xA370];
	s25 =	sshra.s32 s26, $0x2  }
0x207: {  	v8 =	vadd.f32 v5, v8;
	v4 =	vld [tilespmem:s25+$0xA300];
	v7 =	vadd.f32 v7, v9  }
0x208: {  	v3 =	vadd.f32 v3, v13;
	v2 =	vadd.f32 v2, v6;
	v5 =	vld [tilespmem:s25+$0xA310]  }
0x209: {  	v9 =	vadd.f32 v10, v8;
	v6 =	vld [tilespmem:s25+$0xA320];
	v10 =	vadd.f32 v11, v7  }
0x20a: {  	v8 =	vadd.f32 v0, v3;
	v16 =	vadd.f32 v1, v2;
	v7 =	vld [tilespmem:s25+$0xA330]  }
0x20b: {  	v14 =	vadd.f32 v12, v9;
	v0 =	vld [tilespmem:s25+$0xA340];
	v12 =	vadd.f32 v15, v10  }
0x20c: {  	v1 =	vld [tilespmem:s25+$0xA350]  }
0x20d: {  	v10 =	vld [tilespmem:s25+$0xA280]  }
0x20e: {  	v13 =	vld [tilespmem:s25+$0xA290]  }
0x20f: {  	v9 =	vld [tilespmem:s25+$0xA2A0]  }
0x210: {  	v11 =	vld [tilespmem:s25+$0xA2B0]  }
0x211: {  	v3 =	vld [tilespmem:s25+$0xA2C0]  }
0x212: {  	v2 =	vld [tilespmem:s25+$0xA2D0]  }
0x213: {  	v22 =	vld [tilespmem:s25+$0xA200]  }
0x214: {  	v24 =	vld [tilespmem:s25+$0xA210]  }
0x215: {  	v27 =	vld [tilespmem:s25+$0xA220]  }
0x216: {  	v30 =	vld [tilespmem:s25+$0xA230]  }
0x217: {  	v19 =	vld [tilespmem:s25+$0xA180]  }
0x218: {  	v20 =	vld [tilespmem:s25+$0xA190]  }
0x219: {  	v17 =	vld [tilespmem:s25+$0xA100]  }
0x21a: {  	v18 =	vld [tilespmem:s25+$0xA110]  }
0x21b: {  	v21 =	vld [tilespmem:s25+$0xA120]  }
0x21c: {  	v23 =	vld [tilespmem:s25+$0xA130]  }
0x21d: {  	v31 =	vld [tilespmem:s25+$0xA1A0]  }
0x21e: {  	v32 =	vld [tilespmem:s25+$0xA1B0]  }
0x21f: {  	v15 =	vld [tilespmem:s25+$0xA240]  }
0x220: {  	v25 =	vadd.f32 v17, v25;
	v26 =	vadd.f32 v18, v26;
	v17 =	vld [tilespmem:s25+$0xA250]  }
.Ltmp5:
0x221: {  	v21 =	vadd.f32 v21, v28;
	v23 =	vadd.f32 v23, v29;
	v18 =	vld [tilespmem:s25+$0xA1C0];
	(pc) =	sbr.rel @p0 .LBB2_13-.Ltmp5, $4  }
0x222: {  	v25 =	vadd.f32 v19, v25;
	v26 =	vadd.f32 v20, v26;
	v19 =	vld [tilespmem:s25+$0xA1D0]  }
0x223: {  	v28 =	vadd.f32 v31, v21;
	v20 =	vld [tilespmem:s25+$0xA140];
	v29 =	vadd.f32 v32, v23  }
0x224: {  	v23 =	vadd.f32 v22, v25;
	v24 =	vadd.f32 v24, v26;
	v21 =	vld [tilespmem:s25+$0xA150]  }
0x225: {  	s26 =	sadd.s32 $0xA00, s26;
	v25 =	vadd.f32 v27, v28;
	v22 =	vld [tilespmem:s25+$0xA160];
	v26 =	vadd.f32 v30, v29  }
0x226: {  	v10 =	vadd.f32 v10, v23;
	v13 =	vadd.f32 v13, v24  }
0x227: {  	v27 =	vld [tilespmem:s25+$0xA170];
	v9 =	vadd.f32 v9, v25;
	v11 =	vadd.f32 v11, v26  }
0x228: {  	v23 =	vld [tilespmem:s25+$0xA1E0];
	v4 =	vadd.f32 v4, v10;
	v5 =	vadd.f32 v5, v13  }
0x229: {  	v24 =	vld [tilespmem:s25+$0xA1F0];
	v8 =	vadd.f32 v20, v8;
	v6 =	vadd.f32 v6, v9  }
0x22a: {  	v10 =	vld [tilespmem:s25+$0xA260];
	v7 =	vadd.f32 v7, v11;
	v9 =	vadd.f32 v21, v16  }
0x22b: {  	v11 =	vld [tilespmem:s25+$0xA270];
	v13 =	vadd.f32 v22, v14;
	v8 =	vadd.f32 v18, v8  }
0x22c: {  	v14 =	vld [tilespmem:s25+$0xA2E0];
	v12 =	vadd.f32 v27, v12;
	v9 =	vadd.f32 v19, v9  }
0x22d: {  	v16 =	vld [tilespmem:s25+$0xA2F0];
	v13 =	vadd.f32 v23, v13;
	v8 =	vadd.f32 v15, v8  }
0x22e: {  	v18 =	vld [tilespmem:s25+$0xA360];
	v12 =	vadd.f32 v24, v12;
	v9 =	vadd.f32 v17, v9  }
0x22f: {  	v15 =	vld [tilespmem:s25+$0xA370];
	[tilespmem:s24+$0xF280] =	vst v4;
	v10 =	vadd.f32 v10, v13;
	v3 =	vadd.f32 v3, v8  }
0x230: {  	[tilespmem:s24+$0xF290] =	vst v5;
	v4 =	vadd.f32 v11, v12;
	v2 =	vadd.f32 v2, v9  }
0x231: {  	[tilespmem:s24+$0xF2A0] =	vst v6;
	v5 =	vadd.f32 v14, v10;
	v0 =	vadd.f32 v0, v3  }
0x232: {  	[tilespmem:s24+$0xF2B0] =	vst v7;
	v3 =	vadd.f32 v16, v4;
	v1 =	vadd.f32 v1, v2  }
0x233: {  	v2 =	vadd.f32 v18, v5;
	[tilespmem:s24+$0xF2C0] =	vst v0  }
0x234: {  	s23 =	smin.u32 s23, $0x39;
	v0 =	vadd.f32 v15, v3;
	[tilespmem:s24+$0xF2D0] =	vst v1  }
0x235: {  	s23 =	sshll.u32 s23, $0x7;
	[tilespmem:s24+$0xF2E0] =	vst v2  }
0x236: {  	s23 =	sadd.s32 $0x300, s23;
	[tilespmem:s24+$0xF2F0] =	vst v0  }
0x237: {  	[tilespmem:s13], [sflag:$0x3] =	stream.indirect.gather [hbm4b:s1+s8], $0x80, s23, s8, $0xb8;
	[tilespmem:$0x13000] =	vst v63  }
0x238: {  	_ =	swait.ge [sflag:s18], $0x3200  }
0x239: {  	[sflag:s18] =	ssyncset.done $0x0  }
0x23a: {  	s23 =	simm.s32 $0x0;
	[sflag:s18] =	ssyncadd.s32 $0xFFFFCE00  }
0x23b: {  	v4 =	vld [tilespmem:s23+$0xBE00]  }
0x23c: {  	v5 =	vld [tilespmem:s23+$0xBE10]  }
0x23d: {  	v6 =	vld [tilespmem:s23+$0xBE20]  }
0x23e: {  	v7 =	vld [tilespmem:s23+$0xBE30]  }
0x23f: {  	v0 =	vld [tilespmem:s23+$0xBE40]  }
0x240: {  	v1 =	vld [tilespmem:s23+$0xBE50]  }
0x241: {  	v10 =	vld [tilespmem:s23+$0xBD80]  }
0x242: {  	v13 =	vld [tilespmem:s23+$0xBD90]  }
0x243: {  	v9 =	vld [tilespmem:s23+$0xBDA0]  }
0x244: {  	v11 =	vld [tilespmem:s23+$0xBDB0]  }
0x245: {  	v3 =	vld [tilespmem:s23+$0xBDC0]  }
0x246: {  	v2 =	vld [tilespmem:s23+$0xBDD0]  }
0x247: {  	v12 =	vld [tilespmem:s23+$0xBD00]  }
0x248: {  	v14 =	vld [tilespmem:s23+$0xBD10]  }
0x249: {  	v16 =	vld [tilespmem:s23+$0xBD20]  }
0x24a: {  	v19 =	vld [tilespmem:s23+$0xBC80]  }
0x24b: {  	v20 =	vld [tilespmem:s23+$0xBC90]  }
0x24c: {  	v17 =	vld [tilespmem:s23+$0xBC00]  }
0x24d: {  	v18 =	vld [tilespmem:s23+$0xBC10]  }
0x24e: {  	v21 =	vld [tilespmem:s23+$0xBC20]  }
0x24f: {  	v22 =	vld [tilespmem:s23+$0xBC30]  }
0x250: {  	v23 =	vld [tilespmem:s23+$0xBCA0]  }
0x251: {  	v24 =	vld [tilespmem:s23+$0xBCB0]  }
0x252: {  	v8 =	vimm.f32 $0.0e+00;
	v26 =	vld [tilespmem:s23+$0xBD30]  }
0x253: {  	v15 =	vld [tilespmem:s23+$0xBD40];
	v25 =	vadd.f32 v17, v8;
	v27 =	vadd.f32 v18, v8  }
0x254: {  	v17 =	vld [tilespmem:s23+$0xBD50];
	v21 =	vadd.f32 v21, v8;
	v22 =	vadd.f32 v22, v8  }
0x255: {  	v18 =	vld [tilespmem:s23+$0xBCC0];
	v25 =	vadd.f32 v19, v25;
	v27 =	vadd.f32 v20, v27  }
0x256: {  	v19 =	vld [tilespmem:s23+$0xBCD0];
	v28 =	vadd.f32 v23, v21;
	v22 =	vadd.f32 v24, v22  }
0x257: {  	v20 =	vld [tilespmem:s23+$0xBC40];
	v23 =	vadd.f32 v12, v25;
	v24 =	vadd.f32 v14, v27  }
0x258: {  	v21 =	vld [tilespmem:s23+$0xBC50];
	v25 =	vadd.f32 v16, v28;
	v26 =	vadd.f32 v26, v22  }
0x259: {  	s24 =	simm.s32 $0xA00;
	v22 =	vld [tilespmem:s23+$0xBC60];
	v16 =	vimm.f32 $0.0e+00;
	v14 =	vimm.f32 $0.0e+00;
	v12 =	vimm.f32 $0.0e+00  }
.LBB2_15:
0x25a: {  	p0 =	sne.s32 s24, $0x5A00;
	v27 =	vld [tilespmem:s23+$0xBC70];
	v10 =	vadd.f32 v10, v23;
	v13 =	vadd.f32 v13, v24  }
0x25b: {  	v23 =	vld [tilespmem:s23+$0xBCE0];
	v9 =	vadd.f32 v9, v25;
	v11 =	vadd.f32 v11, v26  }
0x25c: {  	v24 =	vld [tilespmem:s23+$0xBCF0];
	v25 =	vadd.f32 v4, v10;
	v26 =	vadd.f32 v5, v13  }
0x25d: {  	v5 =	vld [tilespmem:s23+$0xBD60];
	v28 =	vadd.f32 v6, v9;
	v29 =	vadd.f32 v7, v11  }
0x25e: {  	v4 =	vadd.f32 v20, v8;
	v6 =	vadd.f32 v21, v16;
	v7 =	vld [tilespmem:s23+$0xBD70]  }
0x25f: {  	v8 =	vadd.f32 v22, v14;
	v9 =	vadd.f32 v27, v12;
	v10 =	vld [tilespmem:s23+$0xBDE0]  }
0x260: {  	v4 =	vadd.f32 v18, v4;
	v6 =	vadd.f32 v19, v6;
	v11 =	vld [tilespmem:s23+$0xBDF0]  }
0x261: {  	v8 =	vadd.f32 v23, v8;
	v9 =	vadd.f32 v24, v9;
	v12 =	vld [tilespmem:s23+$0xBE60]  }
0x262: {  	v13 =	vadd.f32 v15, v4;
	v6 =	vadd.f32 v17, v6;
	v15 =	vld [tilespmem:s23+$0xBE70];
	s23 =	sshra.s32 s24, $0x2  }
0x263: {  	v8 =	vadd.f32 v5, v8;
	v4 =	vld [tilespmem:s23+$0xBE00];
	v7 =	vadd.f32 v7, v9  }
0x264: {  	v3 =	vadd.f32 v3, v13;
	v2 =	vadd.f32 v2, v6;
	v5 =	vld [tilespmem:s23+$0xBE10]  }
0x265: {  	v9 =	vadd.f32 v10, v8;
	v6 =	vld [tilespmem:s23+$0xBE20];
	v10 =	vadd.f32 v11, v7  }
0x266: {  	v8 =	vadd.f32 v0, v3;
	v16 =	vadd.f32 v1, v2;
	v7 =	vld [tilespmem:s23+$0xBE30]  }
0x267: {  	v14 =	vadd.f32 v12, v9;
	v0 =	vld [tilespmem:s23+$0xBE40];
	v12 =	vadd.f32 v15, v10  }
0x268: {  	v1 =	vld [tilespmem:s23+$0xBE50]  }
0x269: {  	v10 =	vld [tilespmem:s23+$0xBD80]  }
0x26a: {  	v13 =	vld [tilespmem:s23+$0xBD90]  }
0x26b: {  	v9 =	vld [tilespmem:s23+$0xBDA0]  }
0x26c: {  	v11 =	vld [tilespmem:s23+$0xBDB0]  }
0x26d: {  	v3 =	vld [tilespmem:s23+$0xBDC0]  }
0x26e: {  	v2 =	vld [tilespmem:s23+$0xBDD0]  }
0x26f: {  	v22 =	vld [tilespmem:s23+$0xBD00]  }
0x270: {  	v24 =	vld [tilespmem:s23+$0xBD10]  }
0x271: {  	v27 =	vld [tilespmem:s23+$0xBD20]  }
0x272: {  	v30 =	vld [tilespmem:s23+$0xBD30]  }
0x273: {  	v19 =	vld [tilespmem:s23+$0xBC80]  }
0x274: {  	v20 =	vld [tilespmem:s23+$0xBC90]  }
0x275: {  	v17 =	vld [tilespmem:s23+$0xBC00]  }
0x276: {  	v18 =	vld [tilespmem:s23+$0xBC10]  }
0x277: {  	v21 =	vld [tilespmem:s23+$0xBC20]  }
0x278: {  	v23 =	vld [tilespmem:s23+$0xBC30]  }
0x279: {  	v31 =	vld [tilespmem:s23+$0xBCA0]  }
0x27a: {  	v32 =	vld [tilespmem:s23+$0xBCB0]  }
0x27b: {  	v15 =	vld [tilespmem:s23+$0xBD40]  }
0x27c: {  	v25 =	vadd.f32 v17, v25;
	v26 =	vadd.f32 v18, v26;
	v17 =	vld [tilespmem:s23+$0xBD50]  }
.Ltmp6:
0x27d: {  	v21 =	vadd.f32 v21, v28;
	v23 =	vadd.f32 v23, v29;
	v18 =	vld [tilespmem:s23+$0xBCC0];
	(pc) =	sbr.rel @p0 .LBB2_15-.Ltmp6, $4  }
0x27e: {  	v25 =	vadd.f32 v19, v25;
	v26 =	vadd.f32 v20, v26;
	v19 =	vld [tilespmem:s23+$0xBCD0]  }
0x27f: {  	v28 =	vadd.f32 v31, v21;
	v20 =	vld [tilespmem:s23+$0xBC40];
	v29 =	vadd.f32 v32, v23  }
0x280: {  	v23 =	vadd.f32 v22, v25;
	v24 =	vadd.f32 v24, v26;
	v21 =	vld [tilespmem:s23+$0xBC50]  }
0x281: {  	s24 =	sadd.s32 $0xA00, s24;
	v25 =	vadd.f32 v27, v28;
	v22 =	vld [tilespmem:s23+$0xBC60];
	v26 =	vadd.f32 v30, v29  }
0x282: {  	v10 =	vadd.f32 v10, v23;
	v13 =	vadd.f32 v13, v24  }
0x283: {  	v27 =	vld [tilespmem:s23+$0xBC70];
	v9 =	vadd.f32 v9, v25;
	v11 =	vadd.f32 v11, v26  }
0x284: {  	v23 =	vld [tilespmem:s23+$0xBCE0];
	v4 =	vadd.f32 v4, v10;
	v5 =	vadd.f32 v5, v13  }
0x285: {  	v24 =	vld [tilespmem:s23+$0xBCF0];
	v8 =	vadd.f32 v20, v8;
	v6 =	vadd.f32 v6, v9  }
0x286: {  	v10 =	vld [tilespmem:s23+$0xBD60];
	v7 =	vadd.f32 v7, v11;
	v9 =	vadd.f32 v21, v16  }
0x287: {  	v11 =	vld [tilespmem:s23+$0xBD70];
	v13 =	vadd.f32 v22, v14;
	v8 =	vadd.f32 v18, v8  }
0x288: {  	v14 =	vld [tilespmem:s23+$0xBDE0];
	v12 =	vadd.f32 v27, v12;
	v9 =	vadd.f32 v19, v9  }
0x289: {  	s22 =	sshll.u32 s22, $0x8;
	v16 =	vld [tilespmem:s23+$0xBDF0];
	v13 =	vadd.f32 v23, v13;
	v8 =	vadd.f32 v15, v8  }
0x28a: {  	s22 =	sand.u32 $0x3FFFFF00, s22;
	v18 =	vld [tilespmem:s23+$0xBE60];
	v12 =	vadd.f32 v24, v12;
	v9 =	vadd.f32 v17, v9  }
0x28b: {  	v15 =	vld [tilespmem:s23+$0xBE70];
	[tilespmem:s22+$0xF000] =	vst v4;
	v10 =	vadd.f32 v10, v13;
	v3 =	vadd.f32 v3, v8  }
0x28c: {  	[tilespmem:s22+$0xF010] =	vst v5;
	v4 =	vadd.f32 v11, v12;
	v2 =	vadd.f32 v2, v9  }
0x28d: {  	[tilespmem:s22+$0xF020] =	vst v6;
	v5 =	vadd.f32 v14, v10;
	v0 =	vadd.f32 v0, v3  }
0x28e: {  	[tilespmem:s22+$0xF030] =	vst v7;
	v3 =	vadd.f32 v16, v4;
	v1 =	vadd.f32 v1, v2  }
0x28f: {  	v2 =	vadd.f32 v18, v5;
	[tilespmem:s22+$0xF040] =	vst v0  }
0x290: {  	v0 =	vadd.f32 v15, v3;
	[tilespmem:s22+$0xF050] =	vst v1  }
0x291: {  	[tilespmem:s22+$0xF060] =	vst v2  }
0x292: {  	s23 =	simm.s32 $0x0;
	[tilespmem:s22+$0xF070] =	vst v0  }
0x293: {  	v4 =	vld [tilespmem:s23+$0xD700]  }
0x294: {  	v5 =	vld [tilespmem:s23+$0xD710]  }
0x295: {  	v6 =	vld [tilespmem:s23+$0xD720]  }
0x296: {  	v7 =	vld [tilespmem:s23+$0xD730]  }
0x297: {  	v0 =	vld [tilespmem:s23+$0xD740]  }
0x298: {  	v1 =	vld [tilespmem:s23+$0xD750]  }
0x299: {  	v10 =	vld [tilespmem:s23+$0xD680]  }
0x29a: {  	v13 =	vld [tilespmem:s23+$0xD690]  }
0x29b: {  	v9 =	vld [tilespmem:s23+$0xD6A0]  }
0x29c: {  	v11 =	vld [tilespmem:s23+$0xD6B0]  }
0x29d: {  	v3 =	vld [tilespmem:s23+$0xD6C0]  }
0x29e: {  	v2 =	vld [tilespmem:s23+$0xD6D0]  }
0x29f: {  	v12 =	vld [tilespmem:s23+$0xD600]  }
0x2a0: {  	v14 =	vld [tilespmem:s23+$0xD610]  }
0x2a1: {  	v16 =	vld [tilespmem:s23+$0xD620]  }
0x2a2: {  	v19 =	vld [tilespmem:s23+$0xD580]  }
0x2a3: {  	v20 =	vld [tilespmem:s23+$0xD590]  }
0x2a4: {  	v17 =	vld [tilespmem:s23+$0xD500]  }
0x2a5: {  	v18 =	vld [tilespmem:s23+$0xD510]  }
0x2a6: {  	v21 =	vld [tilespmem:s23+$0xD520]  }
0x2a7: {  	v22 =	vld [tilespmem:s23+$0xD530]  }
0x2a8: {  	v23 =	vld [tilespmem:s23+$0xD5A0]  }
0x2a9: {  	v24 =	vld [tilespmem:s23+$0xD5B0]  }
0x2aa: {  	v8 =	vimm.f32 $0.0e+00;
	v26 =	vld [tilespmem:s23+$0xD630]  }
0x2ab: {  	v15 =	vld [tilespmem:s23+$0xD640];
	v25 =	vadd.f32 v17, v8;
	v27 =	vadd.f32 v18, v8  }
0x2ac: {  	v17 =	vld [tilespmem:s23+$0xD650];
	v21 =	vadd.f32 v21, v8;
	v22 =	vadd.f32 v22, v8  }
0x2ad: {  	v18 =	vld [tilespmem:s23+$0xD5C0];
	v25 =	vadd.f32 v19, v25;
	v27 =	vadd.f32 v20, v27  }
0x2ae: {  	v19 =	vld [tilespmem:s23+$0xD5D0];
	v28 =	vadd.f32 v23, v21;
	v22 =	vadd.f32 v24, v22  }
0x2af: {  	v20 =	vld [tilespmem:s23+$0xD540];
	v23 =	vadd.f32 v12, v25;
	v24 =	vadd.f32 v14, v27  }
0x2b0: {  	v21 =	vld [tilespmem:s23+$0xD550];
	v25 =	vadd.f32 v16, v28;
	v26 =	vadd.f32 v26, v22  }
0x2b1: {  	s24 =	simm.s32 $0xA00;
	v22 =	vld [tilespmem:s23+$0xD560];
	v16 =	vimm.f32 $0.0e+00;
	v14 =	vimm.f32 $0.0e+00;
	v12 =	vimm.f32 $0.0e+00  }
.LBB2_17:
0x2b2: {  	p0 =	sne.s32 s24, $0x5A00;
	v27 =	vld [tilespmem:s23+$0xD570];
	v10 =	vadd.f32 v10, v23;
	v13 =	vadd.f32 v13, v24  }
0x2b3: {  	v23 =	vld [tilespmem:s23+$0xD5E0];
	v9 =	vadd.f32 v9, v25;
	v11 =	vadd.f32 v11, v26  }
0x2b4: {  	v24 =	vld [tilespmem:s23+$0xD5F0];
	v25 =	vadd.f32 v4, v10;
	v26 =	vadd.f32 v5, v13  }
0x2b5: {  	v5 =	vld [tilespmem:s23+$0xD660];
	v28 =	vadd.f32 v6, v9;
	v29 =	vadd.f32 v7, v11  }
0x2b6: {  	v4 =	vadd.f32 v20, v8;
	v6 =	vadd.f32 v21, v16;
	v7 =	vld [tilespmem:s23+$0xD670]  }
0x2b7: {  	v8 =	vadd.f32 v22, v14;
	v9 =	vadd.f32 v27, v12;
	v10 =	vld [tilespmem:s23+$0xD6E0]  }
0x2b8: {  	v4 =	vadd.f32 v18, v4;
	v6 =	vadd.f32 v19, v6;
	v11 =	vld [tilespmem:s23+$0xD6F0]  }
0x2b9: {  	v8 =	vadd.f32 v23, v8;
	v9 =	vadd.f32 v24, v9;
	v12 =	vld [tilespmem:s23+$0xD760]  }
0x2ba: {  	v13 =	vadd.f32 v15, v4;
	v6 =	vadd.f32 v17, v6;
	v15 =	vld [tilespmem:s23+$0xD770];
	s23 =	sshra.s32 s24, $0x2  }
0x2bb: {  	v8 =	vadd.f32 v5, v8;
	v4 =	vld [tilespmem:s23+$0xD700];
	v7 =	vadd.f32 v7, v9  }
0x2bc: {  	v3 =	vadd.f32 v3, v13;
	v2 =	vadd.f32 v2, v6;
	v5 =	vld [tilespmem:s23+$0xD710]  }
0x2bd: {  	v9 =	vadd.f32 v10, v8;
	v6 =	vld [tilespmem:s23+$0xD720];
	v10 =	vadd.f32 v11, v7  }
0x2be: {  	v8 =	vadd.f32 v0, v3;
	v16 =	vadd.f32 v1, v2;
	v7 =	vld [tilespmem:s23+$0xD730]  }
0x2bf: {  	v14 =	vadd.f32 v12, v9;
	v0 =	vld [tilespmem:s23+$0xD740];
	v12 =	vadd.f32 v15, v10  }
0x2c0: {  	v1 =	vld [tilespmem:s23+$0xD750]  }
0x2c1: {  	v10 =	vld [tilespmem:s23+$0xD680]  }
0x2c2: {  	v13 =	vld [tilespmem:s23+$0xD690]  }
0x2c3: {  	v9 =	vld [tilespmem:s23+$0xD6A0]  }
0x2c4: {  	v11 =	vld [tilespmem:s23+$0xD6B0]  }
0x2c5: {  	v3 =	vld [tilespmem:s23+$0xD6C0]  }
0x2c6: {  	v2 =	vld [tilespmem:s23+$0xD6D0]  }
0x2c7: {  	v22 =	vld [tilespmem:s23+$0xD600]  }
0x2c8: {  	v24 =	vld [tilespmem:s23+$0xD610]  }
0x2c9: {  	v27 =	vld [tilespmem:s23+$0xD620]  }
0x2ca: {  	v30 =	vld [tilespmem:s23+$0xD630]  }
0x2cb: {  	v19 =	vld [tilespmem:s23+$0xD580]  }
0x2cc: {  	v20 =	vld [tilespmem:s23+$0xD590]  }
0x2cd: {  	v17 =	vld [tilespmem:s23+$0xD500]  }
0x2ce: {  	v18 =	vld [tilespmem:s23+$0xD510]  }
0x2cf: {  	v21 =	vld [tilespmem:s23+$0xD520]  }
0x2d0: {  	v23 =	vld [tilespmem:s23+$0xD530]  }
0x2d1: {  	v31 =	vld [tilespmem:s23+$0xD5A0]  }
0x2d2: {  	v32 =	vld [tilespmem:s23+$0xD5B0]  }
0x2d3: {  	v15 =	vld [tilespmem:s23+$0xD640]  }
0x2d4: {  	v25 =	vadd.f32 v17, v25;
	v26 =	vadd.f32 v18, v26;
	v17 =	vld [tilespmem:s23+$0xD650]  }
.Ltmp7:
0x2d5: {  	v21 =	vadd.f32 v21, v28;
	v23 =	vadd.f32 v23, v29;
	v18 =	vld [tilespmem:s23+$0xD5C0];
	(pc) =	sbr.rel @p0 .LBB2_17-.Ltmp7, $4  }
0x2d6: {  	v25 =	vadd.f32 v19, v25;
	v26 =	vadd.f32 v20, v26;
	v19 =	vld [tilespmem:s23+$0xD5D0]  }
0x2d7: {  	v28 =	vadd.f32 v31, v21;
	v20 =	vld [tilespmem:s23+$0xD540];
	v29 =	vadd.f32 v32, v23  }
0x2d8: {  	v23 =	vadd.f32 v22, v25;
	v24 =	vadd.f32 v24, v26;
	v21 =	vld [tilespmem:s23+$0xD550]  }
0x2d9: {  	s24 =	sadd.s32 $0xA00, s24;
	v25 =	vadd.f32 v27, v28;
	v22 =	vld [tilespmem:s23+$0xD560];
	v26 =	vadd.f32 v30, v29  }
0x2da: {  	v10 =	vadd.f32 v10, v23;
	v13 =	vadd.f32 v13, v24  }
0x2db: {  	v27 =	vld [tilespmem:s23+$0xD570];
	v9 =	vadd.f32 v9, v25;
	v11 =	vadd.f32 v11, v26  }
0x2dc: {  	v49 =	vld [tilespmem:s23+$0xD5E0];
	v4 =	vadd.f32 v4, v10;
	v5 =	vadd.f32 v5, v13  }
0x2dd: {  	v50 =	vld [tilespmem:s23+$0xD5F0];
	v8 =	vadd.f32 v20, v8;
	v6 =	vadd.f32 v6, v9  }
0x2de: {  	v51 =	vld [tilespmem:s23+$0xD660];
	v7 =	vadd.f32 v7, v11;
	v52 =	vadd.f32 v21, v16  }
0x2df: {  	v53 =	vld [tilespmem:s23+$0xD670];
	v54 =	vadd.f32 v22, v14;
	v8 =	vadd.f32 v18, v8  }
0x2e0: {  	v55 =	vld [tilespmem:s23+$0xD6E0];
	v12 =	vadd.f32 v27, v12;
	v9 =	vadd.f32 v19, v52  }
0x2e1: {  	v56 =	vld [tilespmem:s23+$0xD6F0];
	v13 =	vadd.f32 v49, v54;
	v8 =	vadd.f32 v15, v8  }
0x2e2: {  	v57 =	vld [tilespmem:s23+$0xD760];
	v12 =	vadd.f32 v50, v12;
	v9 =	vadd.f32 v17, v9  }
0x2e3: {  	v58 =	vld [tilespmem:s23+$0xD770];
	[tilespmem:s22+$0xF080] =	vst v4;
	v10 =	vadd.f32 v51, v13;
	v3 =	vadd.f32 v3, v8  }
0x2e4: {  	s21 =	sadd.s32 $0x1, s21;
	[tilespmem:s22+$0xF090] =	vst v5;
	v59 =	vadd.f32 v53, v12;
	v2 =	vadd.f32 v2, v9  }
0x2e5: {  	p0 =	sne.s32 s21, $0x10;
	[tilespmem:s22+$0xF0A0] =	vst v6;
	v60 =	vadd.f32 v55, v10;
	v0 =	vadd.f32 v0, v3  }
.Ltmp8:
0x2e6: {  	[tilespmem:s22+$0xF0B0] =	vst v7;
	v61 =	vadd.f32 v56, v59;
	v1 =	vadd.f32 v1, v2;
	(pc) =	sbr.rel @p0 .LBB2_2-.Ltmp8, $4  }
0x2e7: {  	v62 =	vadd.f32 v57, v60;
	[tilespmem:s22+$0xF0C0] =	vst v0  }
0x2e8: {  	v63 =	vadd.f32 v58, v61;
	[tilespmem:s22+$0xF0D0] =	vst v1  }
0x2e9: {  	[tilespmem:s22+$0xF0E0] =	vst v62  }
0x2ea: {  	[tilespmem:s22+$0xF0F0] =	vst v63  }
0x2eb: {  	_ =	swait.ge [sflag:s15], $0x3200  }
0x2ec: {  	[sflag:s15] =	ssyncset.done $0x0  }
0x2ed: {  	[sflag:s15] =	ssyncadd.s32 $0xFFFFCE00  }
0x2ee: {  	_ =	swait.ge [sflag:s16], $0x3200  }
0x2ef: {  	[sflag:s16] =	ssyncset.done $0x0  }
0x2f0: {  	[sflag:s16] =	ssyncadd.s32 $0xFFFFCE00  }
0x2f1: {  	s20 =	sadd.s32 $0x1, s20;
	_ =	swait.ge [sflag:s17], $0x3200  }
0x2f2: {  	p0 =	sne.s32 s20, s6;
	[sflag:s17] =	ssyncset.done $0x0  }
.Ltmp9:
0x2f3: {  	[sflag:s17] =	ssyncadd.s32 $0xFFFFCE00;
	(pc) =	sbr.rel @p0 .LBB2_1-.Ltmp9, $4  }
0x2f4: {  	[hbm4b:s5+s3] =	stream.linear.scatter [tilespmem:s19], [sflag:$0x5], $0x4000, $0x38;
	[tilespmem:$0x13000] =	vst v63  }
0x2f5: {  	_ =	swait.ge [sflag:s7], $0x4000  }
0x2f6: {  	[sflag:s7] =	ssyncset.done $0x0  }
0x2f7: {  	[sflag:s7] =	ssyncadd.s32 $0xFFFFC000  }
0x2f8: {  	_ =	sfence.sel $0x180000  }
0x2f9: {  	[bflag:$0x0] =	sbarrier.arrive $0xFFFF  }
0x2fa: {  	p0 =	sne.s32 s2, $0x0;
	_ =	strace $0x90000047  }
0x2fb: {  	s0 =	sadd.s32 @!p0 $0x100000, s0;
	[bflag:$0x2] =	sbarrier.arrive $0xFFFF  }
0x2fc: {  	[sflag:s0] =	ssyncadd.tile.s32 @!p0 $0x1;
	_ =	shalt  }
.Lfunc_end2:
_tile_overlayer_lowered:
.L_overlay_start_2:
0x2fd: {  	(tag) =	ssettag $0x2  }
0x2fe: {  	s0 =	rddreg [dreg:$0x0];
	s2 =	stileid.u32  }
0x2ff: {  	s1 =	rddreg [dreg:$0x1];
	p0 =	sne.s32 s2, $0x0  }
0x300: {  	s3 =	rddreg [dreg:$0x2];
	[bflag:$0x3] =	sbarrier.arrive $0xFFFF;
	s2 =	simm.s32 @!p0 $0x1C05  }
0x301: {  	[timem:s3], [sflag:s2] =	dma.local @!p0 [hbm:s0], s1  }
0x302: {  	s0 =	simm.s32 @!p0 $0x5  }
0x303: {  	_ =	swait.ge @!p0 [sflag:s0], s1  }
0x304: {  	s1 =	ssub.s32 @!p0 $0x0, s1;
	[sflag:s0] =	ssyncset.done @!p0 $0x0  }
0x305: {  	[sflag:s0] =	ssyncadd.s32 @!p0 s1  }
0x306: {  	[bflag:$0x3] =	sbarrier.arrive $0xFFFF  }
0x307: {  	_ =	shalt  }

</sc_bundles>
